<compile_context>
chip_gen: v7x
topology: tpu7x:2x2x1
jax: 0.10.2.dev20260603
libtpu: 0.0.44.dev20260713+nightly
codegen_flags: <defaults>
</compile_context>

<pallas_src>
import functools

import jax
import jax.numpy as jnp
from jax import lax
from jax.experimental import pallas as pl
from jax.experimental.pallas import tpu as pltpu
from jax.experimental.pallas import tpu_sc as plsc

N_SRC = 6_400_000
N_DST = 100_000
NC = 2
NS = 16
NW = NC * NS
DPW = 3200
NDP = NW * DPW
ACC = DPW + 16
W = 8192
VPW = W // 16
UR = 8
H = 16
SLOT = H + W + 16
NEG = float("-inf")


SSTRIDES = (400000, 25000, 1563, 98, 7, 1)


def _sc_body(x_hbm, idx_hbm, inp_hbm, ym_hbm, ys_hbm,
             idxb, valb, accm, accs, inpb, pbuf, gbuf, semi, semv, semp):
  wid = lax.axis_index("c") * NS + lax.axis_index("s")
  dstbase = wid * DPW

  iota = lax.iota(jnp.int32, 16)
  t1v = jnp.broadcast_to(dstbase, (16,))
  t2v = jnp.broadcast_to(dstbase + DPW, (16,))
  nv = jnp.broadcast_to(N_SRC, (16,))
  s_lo = jnp.int32(0)
  s_hi = jnp.int32(0)
  for s in SSTRIDES:
    pc = (iota + 1) * s - 1
    pv1 = jnp.broadcast_to(s_lo, (16,)) + pc
    pv2 = jnp.broadcast_to(s_hi, (16,)) + pc
    pbuf[pl.ds(0, 16)] = jnp.minimum(pv1, N_SRC - 1)
    pbuf[pl.ds(16, 16)] = jnp.minimum(pv2, N_SRC - 1)
    pltpu.async_copy(idx_hbm.at[pbuf], gbuf, semp).wait()
    g1 = gbuf[pl.ds(0, 16)]
    g2 = gbuf[pl.ds(16, 16)]
    k1 = plsc.all_reduce_population_count((pv1 < nv) & (g1 < t1v))
    k2 = plsc.all_reduce_population_count((pv2 < nv) & (g2 < t2v))
    s_lo = s_lo + k1[0] * s
    s_hi = s_hi + k2[0] * s

  a0 = (s_lo // 8) * 8
  nwin = lax.max((s_hi - a0 + W - 1) // W, 0)

  shl1 = jnp.minimum(iota + 1, 15)
  li15 = jnp.full((16,), 15, jnp.int32)
  sh = {d: jnp.maximum(iota - d, 0) for d in (1, 2, 4, 8)}
  l15 = iota == 15
  nl15 = iota != 15
  zerov = jnp.zeros((16,), jnp.float32)
  nbasev = jnp.broadcast_to(-dstbase, (16,))
  negv = jnp.full((16,), NEG, jnp.float32)
  padv = jnp.full((16,), DPW, jnp.int32)
  sentv = jnp.full((16,), -1, jnp.int32)

  idxb[pl.ds(0, 16)] = sentv
  idxb[pl.ds(SLOT, 16)] = sentv

  def initb(k, c):
    accm[pl.ds(k * 16, 16)] = negv
    accs[pl.ds(k * 16, 16)] = zerov
    return c

  lax.fori_loop(0, ACC // 16, initb, 0)

  def dma_pair(k):
    par = lax.rem(k, 2)
    b = pl.multiple_of(jnp.minimum(a0 + k * W, N_SRC - W), 8)
    io = pl.multiple_of(par * SLOT + H, 8)
    vo = pl.multiple_of(par * W, 8)
    ci = pltpu.make_async_copy(idx_hbm.at[pl.ds(b, W)],
                               idxb.at[pl.ds(io, W)], semi.at[par])
    cv = pltpu.make_async_copy(x_hbm.at[pl.ds(b, W)],
                               valb.at[pl.ds(vo, W)], semv.at[par])
    return ci, cv

  @pl.when(nwin > 0)
  def _prime():
    ci, cv = dma_pair(0)
    ci.start()
    cv.start()

  def window(m, c):
    par = lax.rem(m, 2)
    ci, cv = dma_pair(m)
    ci.wait()
    cv.wait()

    @pl.when(m + 1 < nwin)
    def _next():
      ci2, cv2 = dma_pair(m + 1)
      ci2.start()
      cv2.start()

    braw = a0 + m * W
    ibase = par * SLOT + H
    vbase = par * W
    interior = (s_lo <= braw) & (braw + W <= s_hi) & (braw <= N_SRC - W)

    def fast(_):
      def fstep(i, c2):
        os = [ibase + i * (UR * 16) + u * 16 for u in range(UR)]
        vos = [vbase + i * (UR * 16) + u * 16 for u in range(UR)]
        ivs = [idxb[pl.ds(o, 16)] for o in os]
        vvs = [valb[pl.ds(vo, 16)] for vo in vos]
        ridxs = [ivs[u] + nbasev for u in range(UR)]
        ip1rs = [jnp.take_along_axis(ridxs[u], shl1, axis=0)
                 for u in range(UR)]
        mbs = [ridxs[u] != ip1rs[u] for u in range(UR)]
        m1s = [mbs[u] | l15 for u in range(UR)]
        cms = list(vvs)
        for d in (1, 2, 4, 8):
          for u in range(UR):
            sidx = idxb[pl.ds(os[u] - d, 16)]
            cd = ivs[u] == sidx
            sv = jnp.take_along_axis(cms[u], sh[d], axis=0)
            cms[u] = jnp.where(cd, jnp.maximum(cms[u], sv), cms[u])
        for u in range(1, UR):
          carry = jnp.take_along_axis(cms[u - 1], li15, axis=0)
          lastid = jnp.take_along_axis(ivs[u - 1], li15, axis=0)
          eq = ivs[u] == lastid
          cms[u] = jnp.where(eq, jnp.maximum(cms[u], carry), cms[u])
        css = [plsc.cumsum(vvs[u]) for u in range(UR)]
        curs = [plsc.load_gather(accm, [ridxs[u]]) for u in range(UR)]
        nms = [jnp.maximum(curs[u], cms[u]) for u in range(UR)]
        for u in range(UR):
          plsc.store_scatter(accm, [ridxs[u]], nms[u], mask=m1s[u])
        for u in range(UR):
          plsc.addupdate_scatter(accs, [ridxs[u]], css[u], mask=m1s[u])
          plsc.addupdate_scatter(accs, [ip1rs[u]], -css[u], mask=mbs[u])
        return c2

      lax.fori_loop(0, VPW // UR, fstep, 0)
      return 0

    def slow(_):
      b = jnp.minimum(braw, N_SRC - W)
      lo = jnp.maximum(s_lo, braw)
      lo_v = jnp.broadcast_to(lo, (16,))
      hi_v = jnp.broadcast_to(s_hi, (16,))
      bpos0 = jnp.broadcast_to(b, (16,)) + iota

      def vstep(i, c2):
        posv = bpos0 + jnp.broadcast_to(i * 16, (16,))
        valid = (posv >= lo_v) & (posv < hi_v)
        iv = idxb[pl.ds(ibase + i * 16, 16)]
        vv = valb[pl.ds(vbase + i * 16, 16)]
        ridx = jnp.where(valid, iv - dstbase, padv)
        vs = jnp.where(valid, vv, zerov)
        vm = jnp.where(valid, vv, negv)
        ip1 = jnp.take_along_axis(ridx, shl1, axis=0)
        mb = ridx != ip1
        m1 = mb | l15
        cm = vm
        for d in (1, 2, 4, 8):
          sidx = jnp.take_along_axis(ridx, sh[d], axis=0)
          cd = ridx == sidx
          sv = jnp.take_along_axis(cm, sh[d], axis=0)
          cm = jnp.where(cd, jnp.maximum(cm, sv), cm)
        cs = plsc.cumsum(vs)
        cur = plsc.load_gather(accm, [ridx])
        nm = jnp.maximum(cur, cm)
        plsc.store_scatter(accm, [ridx], nm, mask=m1)
        plsc.addupdate_scatter(accs, [ridx], cs, mask=m1)
        plsc.addupdate_scatter(accs, [ip1], -cs, mask=mb)
        return c2

      lax.fori_loop(0, VPW, vstep, 0)
      return 0

    lax.cond(interior, fast, slow, 0)
    return c

  lax.fori_loop(0, nwin, window, 0)

  tail = N_DST - (NW - 1) * DPW

  @pl.when(wid < NW - 1)
  def _load_inp():
    pltpu.sync_copy(inp_hbm.at[pl.ds(dstbase, DPW)], inpb)

  @pl.when(wid == NW - 1)
  def _load_inp_tail():
    pltpu.sync_copy(inp_hbm.at[pl.ds((NW - 1) * DPW, tail)],
                    inpb.at[pl.ds(0, tail)])

  def outb(k, c):
    s = pl.ds(k * 16, 16)
    iv = inpb[s]
    accm[s] = jnp.maximum(accm[s], iv)
    accs[s] = accs[s] + iv
    return c

  lax.fori_loop(0, DPW // 16, outb, 0)

  @pl.when(wid < NW - 1)
  def _store():
    pltpu.sync_copy(accm.at[pl.ds(0, DPW)], ym_hbm.at[pl.ds(dstbase, DPW)])
    pltpu.sync_copy(accs.at[pl.ds(0, DPW)], ys_hbm.at[pl.ds(dstbase, DPW)])

  @pl.when(wid == NW - 1)
  def _store_tail():
    pltpu.sync_copy(accm.at[pl.ds(0, tail)],
                    ym_hbm.at[pl.ds((NW - 1) * DPW, tail)])
    pltpu.sync_copy(accs.at[pl.ds(0, tail)],
                    ys_hbm.at[pl.ds((NW - 1) * DPW, tail)])


@jax.jit
def kernel(x, index, input):
  idx = index.astype(jnp.int32)

  mesh = plsc.VectorSubcoreMesh(core_axis_name="c", subcore_axis_name="s")
  run = pl.kernel(
      _sc_body,
      out_type=(
          jax.ShapeDtypeStruct((N_DST,), jnp.float32),
          jax.ShapeDtypeStruct((N_DST,), jnp.float32),
      ),
      mesh=mesh,
      scratch_types=[
          pltpu.VMEM((2 * SLOT,), jnp.int32),
          pltpu.VMEM((2 * W,), jnp.float32),
          pltpu.VMEM((ACC,), jnp.float32),
          pltpu.VMEM((ACC,), jnp.float32),
          pltpu.VMEM((DPW,), jnp.float32),
          pltpu.VMEM((32,), jnp.int32),
          pltpu.VMEM((32,), jnp.int32),
          pltpu.SemaphoreType.DMA((2,)),
          pltpu.SemaphoreType.DMA((2,)),
          pltpu.SemaphoreType.DMA,
      ],
      compiler_params=pltpu.CompilerParams(needs_layout_passes=False),
  )
  return run(x, idx, input)

# --- scband reference (transcript-rebuilt; emitter-appended) ---
"""Pipeline reference for scband-model-11879879544092 (READ-ONLY COPY).

The authoritative reference and input builder live on the scoring server;
editing this copy changes nothing except your own understanding.
"""

import jax, jax.numpy as jnp
import numpy as np

N_SRC = 6400000
N_DST = 100000

def setup_inputs(seed: int = 0) -> dict:
    key = jax.random.key(seed)
    k1, k2, k3 = jax.random.split(key, 3)
    x = jax.random.normal(k1, (N_SRC,), dtype=jnp.float32)
    index = jnp.sort(jax.random.randint(k2, (N_SRC,), 0, N_DST, dtype=jnp.int64))
    inp = jax.random.normal(k3, (N_DST,), dtype=jnp.float32)
    return {"x": x, "index": index, "input": inp}

def reference(x, index, input):
    # torch scatter_reduce(0, index, x, reduce='amax') with default include_self=True
    y_max = input.at[index].max(x)
    # torch scatter_reduce(0, index, x, reduce='sum') with default include_self=True
    y_sum = input.at[index].add(x)
    return (y_max, y_sum)

if __name__ == "__main__":
    import jax
    _d = setup_inputs()
    print(jax.jit(kernel)(*tuple(_d.values())))

</pallas_src>

<mosaic_0001>
#map = affine_map<(d0, d1) -> (0)>
module attributes {stable_mosaic.version = 14 : i64} {
  func.func @_sc_body(%arg0: i32, %arg1: i32, %arg2: memref<6400000xf32, #tpu.memory_space<hbm>>, %arg3: memref<6400000xi32, #tpu.memory_space<hbm>>, %arg4: memref<100000xf32, #tpu.memory_space<hbm>>, %arg5: memref<100000xf32, #tpu.memory_space<hbm>>, %arg6: memref<100000xf32, #tpu.memory_space<hbm>>, %arg7: memref<16448xi32, #tpu.memory_space<vmem>>, %arg8: memref<16384xf32, #tpu.memory_space<vmem>>, %arg9: memref<3216xf32, #tpu.memory_space<vmem>>, %arg10: memref<3216xf32, #tpu.memory_space<vmem>>, %arg11: memref<3200xf32, #tpu.memory_space<vmem>>, %arg12: memref<32xi32, #tpu.memory_space<vmem>>, %arg13: memref<32xi32, #tpu.memory_space<vmem>>, %arg14: memref<2x!tpu.dma_semaphore, #tpu.memory_space<semaphore_mem>>, %arg15: memref<2x!tpu.dma_semaphore, #tpu.memory_space<semaphore_mem>>, %arg16: memref<!tpu.dma_semaphore, #tpu.memory_space<semaphore_mem>>) attributes {dimension_semantics = [#tpu.dimension_semantics<core_parallel>, #tpu.dimension_semantics<subcore_parallel>], iteration_bounds = array<i64: 2, 16>, scalar_prefetch = 0 : i64, scratch_operands = 10 : i64, tpu.core_type = #tpu.core_type<sc_vector_subcore>, window_params = [{transform_indices = #map}, {transform_indices = #map}, {transform_indices = #map}, {transform_indices = #map}, {transform_indices = #map}]} {
    %mul3A = arith.constant 16 : i32
    %mul3A_0 = arith.muli %arg0, %mul3A : i32
    %add3A = arith.addi %mul3A_0, %arg1 : i32
    %mul3A_1 = arith.constant 3200 : i32
    %mul3A_2 = arith.muli %add3A, %mul3A_1 : i32
    %iota3A = tpu.iota {dimensions = array<i32: 0>} : vector<16xi32>
    %broadcast_in_dim3A = vector.broadcast %mul3A_2 : i32 to vector<16xi32>
    %add3A_3 = arith.constant 3200 : i32
    %add3A_4 = arith.addi %mul3A_2, %add3A_3 : i32
    %broadcast_in_dim3A_5 = vector.broadcast %add3A_4 : i32 to vector<16xi32>
    %broadcast_in_dim3A_6 = arith.constant 6400000 : i32
    %broadcast_in_dim3A_7 = vector.broadcast %broadcast_in_dim3A_6 : i32 to vector<16xi32>
    %add3A_8 = arith.constant 1 : i32
    %add3A_9 = vector.broadcast %add3A_8 : i32 to vector<16xi32>
    %add3A_10 = arith.addi %iota3A, %add3A_9 : vector<16xi32>
    %mul3A_11 = arith.constant 400000 : i32
    %mul3A_12 = vector.broadcast %mul3A_11 : i32 to vector<16xi32>
    %mul3A_13 = arith.muli %add3A_10, %mul3A_12 : vector<16xi32>
    %sub3A = arith.constant 1 : i32
    %sub3A_14 = vector.broadcast %sub3A : i32 to vector<16xi32>
    %sub3A_15 = arith.subi %mul3A_13, %sub3A_14 : vector<16xi32>
    %broadcast_in_dim3A_16 = arith.constant 0 : i32
    %broadcast_in_dim3A_17 = vector.broadcast %broadcast_in_dim3A_16 : i32 to vector<16xi32>
    %add3A_18 = arith.addi %broadcast_in_dim3A_17, %sub3A_15 : vector<16xi32>
    %broadcast_in_dim3A_19 = arith.constant 0 : i32
    %broadcast_in_dim3A_20 = vector.broadcast %broadcast_in_dim3A_19 : i32 to vector<16xi32>
    %add3A_21 = arith.addi %broadcast_in_dim3A_20, %sub3A_15 : vector<16xi32>
    %min3A = arith.constant 6399999 : i32
    %min3A_22 = vector.broadcast %min3A : i32 to vector<16xi32>
    %min3A_23 = arith.minsi %add3A_18, %min3A_22 : vector<16xi32>
    %swap3A = arith.constant 0 : index
    %swap3A_24 = tpu.vector_load %arg12[%swap3A] {strides = array<i32>} : memref<32xi32, #tpu.memory_space<vmem>>, vector<16xi32>,
    tpu.vector_store %arg12[%swap3A], %min3A_23 {strides = array<i32>} : memref<32xi32, #tpu.memory_space<vmem>>, vector<16xi32>,
    %min3A_25 = arith.constant 6399999 : i32
    %min3A_26 = vector.broadcast %min3A_25 : i32 to vector<16xi32>
    %min3A_27 = arith.minsi %add3A_21, %min3A_26 : vector<16xi32>
    %swap3A_28 = arith.constant 16 : index
    %swap3A_29 = tpu.vector_load %arg12[%swap3A_28] {strides = array<i32>} : memref<32xi32, #tpu.memory_space<vmem>>, vector<16xi32>,
    tpu.vector_store %arg12[%swap3A_28], %min3A_27 {strides = array<i32>} : memref<32xi32, #tpu.memory_space<vmem>>, vector<16xi32>,
    %dma_start3A = arith.constant 0 : i32
    %dma_start3A_30 = tpu.memref_slice %arg3[%dma_start3A] : memref<6400000xi32, #tpu.memory_space<hbm>> -> memref<6400000xi32, #tpu.memory_space<hbm>>
    tpu.enqueue_indirect_dma source(%dma_start3A_30 : memref<6400000xi32, #tpu.memory_space<hbm>>) target(%arg13 : memref<32xi32, #tpu.memory_space<vmem>>) offsets(%arg12 : memref<32xi32, #tpu.memory_space<vmem>>) semaphore(%arg16 : memref<!tpu.dma_semaphore, #tpu.memory_space<semaphore_mem>>)
    %dma_wait3A = arith.constant 0 : i32
    %dma_wait3A_31 = tpu.memref_slice %arg3[%dma_wait3A] : memref<6400000xi32, #tpu.memory_space<hbm>> -> memref<6400000xi32, #tpu.memory_space<hbm>>
    tpu.wait_indirect_dma semaphore(%arg16 : memref<!tpu.dma_semaphore, #tpu.memory_space<semaphore_mem>>) src(%dma_wait3A_31 : memref<6400000xi32, #tpu.memory_space<hbm>>) dst(%arg13 : memref<32xi32, #tpu.memory_space<vmem>>)
    %get3A = arith.constant 0 : index
    %get3A_32 = tpu.vector_load %arg13[%get3A] {strides = array<i32>} : memref<32xi32, #tpu.memory_space<vmem>>, vector<16xi32>,
    %get3A_33 = arith.constant 16 : index
    %get3A_34 = tpu.vector_load %arg13[%get3A_33] {strides = array<i32>} : memref<32xi32, #tpu.memory_space<vmem>>, vector<16xi32>,
    %lt3A = arith.cmpi slt, %add3A_18, %broadcast_in_dim3A_7 : vector<16xi32>
    %lt3A_35 = arith.cmpi slt, %get3A_32, %broadcast_in_dim3A : vector<16xi32>
    %and3A = arith.andi %lt3A, %lt3A_35 : vector<16xi1>
    %all_reduce_population_count3A = tpu.all_reduce %and3A {dim = 0 : i64, kind = #tpu.reduction_kind<sum>} : vector<16xi1> -> vector<16xi32>
    %lt3A_36 = arith.cmpi slt, %add3A_21, %broadcast_in_dim3A_7 : vector<16xi32>
    %lt3A_37 = arith.cmpi slt, %get3A_34, %broadcast_in_dim3A_5 : vector<16xi32>
    %and3A_38 = arith.andi %lt3A_36, %lt3A_37 : vector<16xi1>
    %all_reduce_population_count3A_39 = tpu.all_reduce %and3A_38 {dim = 0 : i64, kind = #tpu.reduction_kind<sum>} : vector<16xi1> -> vector<16xi32>
    %slice3A = vector.extract_strided_slice %all_reduce_population_count3A {offsets = [0], sizes = [1], strides = [1]} : vector<16xi32> to vector<1xi32>
    %squeeze3A = vector.extract %slice3A[0] : i32 from vector<1xi32>
    %mul3A_40 = arith.constant 400000 : i32
    %mul3A_41 = arith.muli %squeeze3A, %mul3A_40 : i32
    %add3A_42 = arith.constant 0 : i32
    %add3A_43 = arith.addi %add3A_42, %mul3A_41 : i32
    %slice3A_44 = vector.extract_strided_slice %all_reduce_population_count3A_39 {offsets = [0], sizes = [1], strides = [1]} : vector<16xi32> to vector<1xi32>
    %squeeze3A_45 = vector.extract %slice3A_44[0] : i32 from vector<1xi32>
    %mul3A_46 = arith.constant 400000 : i32
    %mul3A_47 = arith.muli %squeeze3A_45, %mul3A_46 : i32
    %add3A_48 = arith.constant 0 : i32
    %add3A_49 = arith.addi %add3A_48, %mul3A_47 : i32
    %add3A_50 = arith.constant 1 : i32
    %add3A_51 = vector.broadcast %add3A_50 : i32 to vector<16xi32>
    %add3A_52 = arith.addi %iota3A, %add3A_51 : vector<16xi32>
    %mul3A_53 = arith.constant 25000 : i32
    %mul3A_54 = vector.broadcast %mul3A_53 : i32 to vector<16xi32>
    %mul3A_55 = arith.muli %add3A_52, %mul3A_54 : vector<16xi32>
    %sub3A_56 = arith.constant 1 : i32
    %sub3A_57 = vector.broadcast %sub3A_56 : i32 to vector<16xi32>
    %sub3A_58 = arith.subi %mul3A_55, %sub3A_57 : vector<16xi32>
    %broadcast_in_dim3A_59 = vector.broadcast %add3A_43 : i32 to vector<16xi32>
    %add3A_60 = arith.addi %broadcast_in_dim3A_59, %sub3A_58 : vector<16xi32>
    %broadcast_in_dim3A_61 = vector.broadcast %add3A_49 : i32 to vector<16xi32>
    %add3A_62 = arith.addi %broadcast_in_dim3A_61, %sub3A_58 : vector<16xi32>
    %min3A_63 = arith.constant 6399999 : i32
    %min3A_64 = vector.broadcast %min3A_63 : i32 to vector<16xi32>
    %min3A_65 = arith.minsi %add3A_60, %min3A_64 : vector<16xi32>
    %swap3A_66 = arith.constant 0 : index
    %swap3A_67 = tpu.vector_load %arg12[%swap3A_66] {strides = array<i32>} : memref<32xi32, #tpu.memory_space<vmem>>, vector<16xi32>,
    tpu.vector_store %arg12[%swap3A_66], %min3A_65 {strides = array<i32>} : memref<32xi32, #tpu.memory_space<vmem>>, vector<16xi32>,
    %min3A_68 = arith.constant 6399999 : i32
    %min3A_69 = vector.broadcast %min3A_68 : i32 to vector<16xi32>
    %min3A_70 = arith.minsi %add3A_62, %min3A_69 : vector<16xi32>
    %swap3A_71 = arith.constant 16 : index
    %swap3A_72 = tpu.vector_load %arg12[%swap3A_71] {strides = array<i32>} : memref<32xi32, #tpu.memory_space<vmem>>, vector<16xi32>,
    tpu.vector_store %arg12[%swap3A_71], %min3A_70 {strides = array<i32>} : memref<32xi32, #tpu.memory_space<vmem>>, vector<16xi32>,
    %dma_start3A_73 = arith.constant 0 : i32
    %dma_start3A_74 = tpu.memref_slice %arg3[%dma_start3A_73] : memref<6400000xi32, #tpu.memory_space<hbm>> -> memref<6400000xi32, #tpu.memory_space<hbm>>
    tpu.enqueue_indirect_dma source(%dma_start3A_74 : memref<6400000xi32, #tpu.memory_space<hbm>>) target(%arg13 : memref<32xi32, #tpu.memory_space<vmem>>) offsets(%arg12 : memref<32xi32, #tpu.memory_space<vmem>>) semaphore(%arg16 : memref<!tpu.dma_semaphore, #tpu.memory_space<semaphore_mem>>)
    %dma_wait3A_75 = arith.constant 0 : i32
    %dma_wait3A_76 = tpu.memref_slice %arg3[%dma_wait3A_75] : memref<6400000xi32, #tpu.memory_space<hbm>> -> memref<6400000xi32, #tpu.memory_space<hbm>>
    tpu.wait_indirect_dma semaphore(%arg16 : memref<!tpu.dma_semaphore, #tpu.memory_space<semaphore_mem>>) src(%dma_wait3A_76 : memref<6400000xi32, #tpu.memory_space<hbm>>) dst(%arg13 : memref<32xi32, #tpu.memory_space<vmem>>)
    %get3A_77 = arith.constant 0 : index
    %get3A_78 = tpu.vector_load %arg13[%get3A_77] {strides = array<i32>} : memref<32xi32, #tpu.memory_space<vmem>>, vector<16xi32>,
    %get3A_79 = arith.constant 16 : index
    %get3A_80 = tpu.vector_load %arg13[%get3A_79] {strides = array<i32>} : memref<32xi32, #tpu.memory_space<vmem>>, vector<16xi32>,
    %lt3A_81 = arith.cmpi slt, %add3A_60, %broadcast_in_dim3A_7 : vector<16xi32>
    %lt3A_82 = arith.cmpi slt, %get3A_78, %broadcast_in_dim3A : vector<16xi32>
    %and3A_83 = arith.andi %lt3A_81, %lt3A_82 : vector<16xi1>
    %all_reduce_population_count3A_84 = tpu.all_reduce %and3A_83 {dim = 0 : i64, kind = #tpu.reduction_kind<sum>} : vector<16xi1> -> vector<16xi32>
    %lt3A_85 = arith.cmpi slt, %add3A_62, %broadcast_in_dim3A_7 : vector<16xi32>
    %lt3A_86 = arith.cmpi slt, %get3A_80, %broadcast_in_dim3A_5 : vector<16xi32>
    %and3A_87 = arith.andi %lt3A_85, %lt3A_86 : vector<16xi1>
    %all_reduce_population_count3A_88 = tpu.all_reduce %and3A_87 {dim = 0 : i64, kind = #tpu.reduction_kind<sum>} : vector<16xi1> -> vector<16xi32>
    %slice3A_89 = vector.extract_strided_slice %all_reduce_population_count3A_84 {offsets = [0], sizes = [1], strides = [1]} : vector<16xi32> to vector<1xi32>
    %squeeze3A_90 = vector.extract %slice3A_89[0] : i32 from vector<1xi32>
    %mul3A_91 = arith.constant 25000 : i32
    %mul3A_92 = arith.muli %squeeze3A_90, %mul3A_91 : i32
    %add3A_93 = arith.addi %add3A_43, %mul3A_92 : i32
    %slice3A_94 = vector.extract_strided_slice %all_reduce_population_count3A_88 {offsets = [0], sizes = [1], strides = [1]} : vector<16xi32> to vector<1xi32>
    %squeeze3A_95 = vector.extract %slice3A_94[0] : i32 from vector<1xi32>
    %mul3A_96 = arith.constant 25000 : i32
    %mul3A_97 = arith.muli %squeeze3A_95, %mul3A_96 : i32
    %add3A_98 = arith.addi %add3A_49, %mul3A_97 : i32
    %add3A_99 = arith.constant 1 : i32
    %add3A_100 = vector.broadcast %add3A_99 : i32 to vector<16xi32>
    %add3A_101 = arith.addi %iota3A, %add3A_100 : vector<16xi32>
    %mul3A_102 = arith.constant 1563 : i32
    %mul3A_103 = vector.broadcast %mul3A_102 : i32 to vector<16xi32>
    %mul3A_104 = arith.muli %add3A_101, %mul3A_103 : vector<16xi32>
    %sub3A_105 = arith.constant 1 : i32
    %sub3A_106 = vector.broadcast %sub3A_105 : i32 to vector<16xi32>
    %sub3A_107 = arith.subi %mul3A_104, %sub3A_106 : vector<16xi32>
    %broadcast_in_dim3A_108 = vector.broadcast %add3A_93 : i32 to vector<16xi32>
    %add3A_109 = arith.addi %broadcast_in_dim3A_108, %sub3A_107 : vector<16xi32>
    %broadcast_in_dim3A_110 = vector.broadcast %add3A_98 : i32 to vector<16xi32>
    %add3A_111 = arith.addi %broadcast_in_dim3A_110, %sub3A_107 : vector<16xi32>
    %min3A_112 = arith.constant 6399999 : i32
    %min3A_113 = vector.broadcast %min3A_112 : i32 to vector<16xi32>
    %min3A_114 = arith.minsi %add3A_109, %min3A_113 : vector<16xi32>
    %swap3A_115 = arith.constant 0 : index
    %swap3A_116 = tpu.vector_load %arg12[%swap3A_115] {strides = array<i32>} : memref<32xi32, #tpu.memory_space<vmem>>, vector<16xi32>,
    tpu.vector_store %arg12[%swap3A_115], %min3A_114 {strides = array<i32>} : memref<32xi32, #tpu.memory_space<vmem>>, vector<16xi32>,
    %min3A_117 = arith.constant 6399999 : i32
    %min3A_118 = vector.broadcast %min3A_117 : i32 to vector<16xi32>
    %min3A_119 = arith.minsi %add3A_111, %min3A_118 : vector<16xi32>
    %swap3A_120 = arith.constant 16 : index
    %swap3A_121 = tpu.vector_load %arg12[%swap3A_120] {strides = array<i32>} : memref<32xi32, #tpu.memory_space<vmem>>, vector<16xi32>,
    tpu.vector_store %arg12[%swap3A_120], %min3A_119 {strides = array<i32>} : memref<32xi32, #tpu.memory_space<vmem>>, vector<16xi32>,
    %dma_start3A_122 = arith.constant 0 : i32
    %dma_start3A_123 = tpu.memref_slice %arg3[%dma_start3A_122] : memref<6400000xi32, #tpu.memory_space<hbm>> -> memref<6400000xi32, #tpu.memory_space<hbm>>
    tpu.enqueue_indirect_dma source(%dma_start3A_123 : memref<6400000xi32, #tpu.memory_space<hbm>>) target(%arg13 : memref<32xi32, #tpu.memory_space<vmem>>) offsets(%arg12 : memref<32xi32, #tpu.memory_space<vmem>>) semaphore(%arg16 : memref<!tpu.dma_semaphore, #tpu.memory_space<semaphore_mem>>)
    %dma_wait3A_124 = arith.constant 0 : i32
    %dma_wait3A_125 = tpu.memref_slice %arg3[%dma_wait3A_124] : memref<6400000xi32, #tpu.memory_space<hbm>> -> memref<6400000xi32, #tpu.memory_space<hbm>>
    tpu.wait_indirect_dma semaphore(%arg16 : memref<!tpu.dma_semaphore, #tpu.memory_space<semaphore_mem>>) src(%dma_wait3A_125 : memref<6400000xi32, #tpu.memory_space<hbm>>) dst(%arg13 : memref<32xi32, #tpu.memory_space<vmem>>)
    %get3A_126 = arith.constant 0 : index
    %get3A_127 = tpu.vector_load %arg13[%get3A_126] {strides = array<i32>} : memref<32xi32, #tpu.memory_space<vmem>>, vector<16xi32>,
    %get3A_128 = arith.constant 16 : index
    %get3A_129 = tpu.vector_load %arg13[%get3A_128] {strides = array<i32>} : memref<32xi32, #tpu.memory_space<vmem>>, vector<16xi32>,
    %lt3A_130 = arith.cmpi slt, %add3A_109, %broadcast_in_dim3A_7 : vector<16xi32>
    %lt3A_131 = arith.cmpi slt, %get3A_127, %broadcast_in_dim3A : vector<16xi32>
    %and3A_132 = arith.andi %lt3A_130, %lt3A_131 : vector<16xi1>
    %all_reduce_population_count3A_133 = tpu.all_reduce %and3A_132 {dim = 0 : i64, kind = #tpu.reduction_kind<sum>} : vector<16xi1> -> vector<16xi32>
    %lt3A_134 = arith.cmpi slt, %add3A_111, %broadcast_in_dim3A_7 : vector<16xi32>
    %lt3A_135 = arith.cmpi slt, %get3A_129, %broadcast_in_dim3A_5 : vector<16xi32>
    %and3A_136 = arith.andi %lt3A_134, %lt3A_135 : vector<16xi1>
    %all_reduce_population_count3A_137 = tpu.all_reduce %and3A_136 {dim = 0 : i64, kind = #tpu.reduction_kind<sum>} : vector<16xi1> -> vector<16xi32>
    %slice3A_138 = vector.extract_strided_slice %all_reduce_population_count3A_133 {offsets = [0], sizes = [1], strides = [1]} : vector<16xi32> to vector<1xi32>
    %squeeze3A_139 = vector.extract %slice3A_138[0] : i32 from vector<1xi32>
    %mul3A_140 = arith.constant 1563 : i32
    %mul3A_141 = arith.muli %squeeze3A_139, %mul3A_140 : i32
    %add3A_142 = arith.addi %add3A_93, %mul3A_141 : i32
    %slice3A_143 = vector.extract_strided_slice %all_reduce_population_count3A_137 {offsets = [0], sizes = [1], strides = [1]} : vector<16xi32> to vector<1xi32>
    %squeeze3A_144 = vector.extract %slice3A_143[0] : i32 from vector<1xi32>
    %mul3A_145 = arith.constant 1563 : i32
    %mul3A_146 = arith.muli %squeeze3A_144, %mul3A_145 : i32
    %add3A_147 = arith.addi %add3A_98, %mul3A_146 : i32
    %add3A_148 = arith.constant 1 : i32
    %add3A_149 = vector.broadcast %add3A_148 : i32 to vector<16xi32>
    %add3A_150 = arith.addi %iota3A, %add3A_149 : vector<16xi32>
    %mul3A_151 = arith.constant 98 : i32
    %mul3A_152 = vector.broadcast %mul3A_151 : i32 to vector<16xi32>
    %mul3A_153 = arith.muli %add3A_150, %mul3A_152 : vector<16xi32>
    %sub3A_154 = arith.constant 1 : i32
    %sub3A_155 = vector.broadcast %sub3A_154 : i32 to vector<16xi32>
    %sub3A_156 = arith.subi %mul3A_153, %sub3A_155 : vector<16xi32>
    %broadcast_in_dim3A_157 = vector.broadcast %add3A_142 : i32 to vector<16xi32>
    %add3A_158 = arith.addi %broadcast_in_dim3A_157, %sub3A_156 : vector<16xi32>
    %broadcast_in_dim3A_159 = vector.broadcast %add3A_147 : i32 to vector<16xi32>
    %add3A_160 = arith.addi %broadcast_in_dim3A_159, %sub3A_156 : vector<16xi32>
    %min3A_161 = arith.constant 6399999 : i32
    %min3A_162 = vector.broadcast %min3A_161 : i32 to vector<16xi32>
    %min3A_163 = arith.minsi %add3A_158, %min3A_162 : vector<16xi32>
    %swap3A_164 = arith.constant 0 : index
    %swap3A_165 = tpu.vector_load %arg12[%swap3A_164] {strides = array<i32>} : memref<32xi32, #tpu.memory_space<vmem>>, vector<16xi32>,
    tpu.vector_store %arg12[%swap3A_164], %min3A_163 {strides = array<i32>} : memref<32xi32, #tpu.memory_space<vmem>>, vector<16xi32>,
    %min3A_166 = arith.constant 6399999 : i32
    %min3A_167 = vector.broadcast %min3A_166 : i32 to vector<16xi32>
    %min3A_168 = arith.minsi %add3A_160, %min3A_167 : vector<16xi32>
    %swap3A_169 = arith.constant 16 : index
    %swap3A_170 = tpu.vector_load %arg12[%swap3A_169] {strides = array<i32>} : memref<32xi32, #tpu.memory_space<vmem>>, vector<16xi32>,
    tpu.vector_store %arg12[%swap3A_169], %min3A_168 {strides = array<i32>} : memref<32xi32, #tpu.memory_space<vmem>>, vector<16xi32>,
    %dma_start3A_171 = arith.constant 0 : i32
    %dma_start3A_172 = tpu.memref_slice %arg3[%dma_start3A_171] : memref<6400000xi32, #tpu.memory_space<hbm>> -> memref<6400000xi32, #tpu.memory_space<hbm>>
    tpu.enqueue_indirect_dma source(%dma_start3A_172 : memref<6400000xi32, #tpu.memory_space<hbm>>) target(%arg13 : memref<32xi32, #tpu.memory_space<vmem>>) offsets(%arg12 : memref<32xi32, #tpu.memory_space<vmem>>) semaphore(%arg16 : memref<!tpu.dma_semaphore, #tpu.memory_space<semaphore_mem>>)
    %dma_wait3A_173 = arith.constant 0 : i32
    %dma_wait3A_174 = tpu.memref_slice %arg3[%dma_wait3A_173] : memref<6400000xi32, #tpu.memory_space<hbm>> -> memref<6400000xi32, #tpu.memory_space<hbm>>
    tpu.wait_indirect_dma semaphore(%arg16 : memref<!tpu.dma_semaphore, #tpu.memory_space<semaphore_mem>>) src(%dma_wait3A_174 : memref<6400000xi32, #tpu.memory_space<hbm>>) dst(%arg13 : memref<32xi32, #tpu.memory_space<vmem>>)
    %get3A_175 = arith.constant 0 : index
    %get3A_176 = tpu.vector_load %arg13[%get3A_175] {strides = array<i32>} : memref<32xi32, #tpu.memory_space<vmem>>, vector<16xi32>,
    %get3A_177 = arith.constant 16 : index
    %get3A_178 = tpu.vector_load %arg13[%get3A_177] {strides = array<i32>} : memref<32xi32, #tpu.memory_space<vmem>>, vector<16xi32>,
    %lt3A_179 = arith.cmpi slt, %add3A_158, %broadcast_in_dim3A_7 : vector<16xi32>
    %lt3A_180 = arith.cmpi slt, %get3A_176, %broadcast_in_dim3A : vector<16xi32>
    %and3A_181 = arith.andi %lt3A_179, %lt3A_180 : vector<16xi1>
    %all_reduce_population_count3A_182 = tpu.all_reduce %and3A_181 {dim = 0 : i64, kind = #tpu.reduction_kind<sum>} : vector<16xi1> -> vector<16xi32>
    %lt3A_183 = arith.cmpi slt, %add3A_160, %broadcast_in_dim3A_7 : vector<16xi32>
    %lt3A_184 = arith.cmpi slt, %get3A_178, %broadcast_in_dim3A_5 : vector<16xi32>
    %and3A_185 = arith.andi %lt3A_183, %lt3A_184 : vector<16xi1>
    %all_reduce_population_count3A_186 = tpu.all_reduce %and3A_185 {dim = 0 : i64, kind = #tpu.reduction_kind<sum>} : vector<16xi1> -> vector<16xi32>
    %slice3A_187 = vector.extract_strided_slice %all_reduce_population_count3A_182 {offsets = [0], sizes = [1], strides = [1]} : vector<16xi32> to vector<1xi32>
    %squeeze3A_188 = vector.extract %slice3A_187[0] : i32 from vector<1xi32>
    %mul3A_189 = arith.constant 98 : i32
    %mul3A_190 = arith.muli %squeeze3A_188, %mul3A_189 : i32
    %add3A_191 = arith.addi %add3A_142, %mul3A_190 : i32
    %slice3A_192 = vector.extract_strided_slice %all_reduce_population_count3A_186 {offsets = [0], sizes = [1], strides = [1]} : vector<16xi32> to vector<1xi32>
    %squeeze3A_193 = vector.extract %slice3A_192[0] : i32 from vector<1xi32>
    %mul3A_194 = arith.constant 98 : i32
    %mul3A_195 = arith.muli %squeeze3A_193, %mul3A_194 : i32
    %add3A_196 = arith.addi %add3A_147, %mul3A_195 : i32
    %add3A_197 = arith.constant 1 : i32
    %add3A_198 = vector.broadcast %add3A_197 : i32 to vector<16xi32>
    %add3A_199 = arith.addi %iota3A, %add3A_198 : vector<16xi32>
    %mul3A_200 = arith.constant 7 : i32
    %mul3A_201 = vector.broadcast %mul3A_200 : i32 to vector<16xi32>
    %mul3A_202 = arith.muli %add3A_199, %mul3A_201 : vector<16xi32>
    %sub3A_203 = arith.constant 1 : i32
    %sub3A_204 = vector.broadcast %sub3A_203 : i32 to vector<16xi32>
    %sub3A_205 = arith.subi %mul3A_202, %sub3A_204 : vector<16xi32>
    %broadcast_in_dim3A_206 = vector.broadcast %add3A_191 : i32 to vector<16xi32>
    %add3A_207 = arith.addi %broadcast_in_dim3A_206, %sub3A_205 : vector<16xi32>
    %broadcast_in_dim3A_208 = vector.broadcast %add3A_196 : i32 to vector<16xi32>
    %add3A_209 = arith.addi %broadcast_in_dim3A_208, %sub3A_205 : vector<16xi32>
    %min3A_210 = arith.constant 6399999 : i32
    %min3A_211 = vector.broadcast %min3A_210 : i32 to vector<16xi32>
    %min3A_212 = arith.minsi %add3A_207, %min3A_211 : vector<16xi32>
    %swap3A_213 = arith.constant 0 : index
    %swap3A_214 = tpu.vector_load %arg12[%swap3A_213] {strides = array<i32>} : memref<32xi32, #tpu.memory_space<vmem>>, vector<16xi32>,
    tpu.vector_store %arg12[%swap3A_213], %min3A_212 {strides = array<i32>} : memref<32xi32, #tpu.memory_space<vmem>>, vector<16xi32>,
    %min3A_215 = arith.constant 6399999 : i32
    %min3A_216 = vector.broadcast %min3A_215 : i32 to vector<16xi32>
    %min3A_217 = arith.minsi %add3A_209, %min3A_216 : vector<16xi32>
    %swap3A_218 = arith.constant 16 : index
    %swap3A_219 = tpu.vector_load %arg12[%swap3A_218] {strides = array<i32>} : memref<32xi32, #tpu.memory_space<vmem>>, vector<16xi32>,
    tpu.vector_store %arg12[%swap3A_218], %min3A_217 {strides = array<i32>} : memref<32xi32, #tpu.memory_space<vmem>>, vector<16xi32>,
    %dma_start3A_220 = arith.constant 0 : i32
    %dma_start3A_221 = tpu.memref_slice %arg3[%dma_start3A_220] : memref<6400000xi32, #tpu.memory_space<hbm>> -> memref<6400000xi32, #tpu.memory_space<hbm>>
    tpu.enqueue_indirect_dma source(%dma_start3A_221 : memref<6400000xi32, #tpu.memory_space<hbm>>) target(%arg13 : memref<32xi32, #tpu.memory_space<vmem>>) offsets(%arg12 : memref<32xi32, #tpu.memory_space<vmem>>) semaphore(%arg16 : memref<!tpu.dma_semaphore, #tpu.memory_space<semaphore_mem>>)
    %dma_wait3A_222 = arith.constant 0 : i32
    %dma_wait3A_223 = tpu.memref_slice %arg3[%dma_wait3A_222] : memref<6400000xi32, #tpu.memory_space<hbm>> -> memref<6400000xi32, #tpu.memory_space<hbm>>
    tpu.wait_indirect_dma semaphore(%arg16 : memref<!tpu.dma_semaphore, #tpu.memory_space<semaphore_mem>>) src(%dma_wait3A_223 : memref<6400000xi32, #tpu.memory_space<hbm>>) dst(%arg13 : memref<32xi32, #tpu.memory_space<vmem>>)
    %get3A_224 = arith.constant 0 : index
    %get3A_225 = tpu.vector_load %arg13[%get3A_224] {strides = array<i32>} : memref<32xi32, #tpu.memory_space<vmem>>, vector<16xi32>,
    %get3A_226 = arith.constant 16 : index
    %get3A_227 = tpu.vector_load %arg13[%get3A_226] {strides = array<i32>} : memref<32xi32, #tpu.memory_space<vmem>>, vector<16xi32>,
    %lt3A_228 = arith.cmpi slt, %add3A_207, %broadcast_in_dim3A_7 : vector<16xi32>
    %lt3A_229 = arith.cmpi slt, %get3A_225, %broadcast_in_dim3A : vector<16xi32>
    %and3A_230 = arith.andi %lt3A_228, %lt3A_229 : vector<16xi1>
    %all_reduce_population_count3A_231 = tpu.all_reduce %and3A_230 {dim = 0 : i64, kind = #tpu.reduction_kind<sum>} : vector<16xi1> -> vector<16xi32>
    %lt3A_232 = arith.cmpi slt, %add3A_209, %broadcast_in_dim3A_7 : vector<16xi32>
    %lt3A_233 = arith.cmpi slt, %get3A_227, %broadcast_in_dim3A_5 : vector<16xi32>
    %and3A_234 = arith.andi %lt3A_232, %lt3A_233 : vector<16xi1>
    %all_reduce_population_count3A_235 = tpu.all_reduce %and3A_234 {dim = 0 : i64, kind = #tpu.reduction_kind<sum>} : vector<16xi1> -> vector<16xi32>
    %slice3A_236 = vector.extract_strided_slice %all_reduce_population_count3A_231 {offsets = [0], sizes = [1], strides = [1]} : vector<16xi32> to vector<1xi32>
    %squeeze3A_237 = vector.extract %slice3A_236[0] : i32 from vector<1xi32>
    %mul3A_238 = arith.constant 7 : i32
    %mul3A_239 = arith.muli %squeeze3A_237, %mul3A_238 : i32
    %add3A_240 = arith.addi %add3A_191, %mul3A_239 : i32
    %slice3A_241 = vector.extract_strided_slice %all_reduce_population_count3A_235 {offsets = [0], sizes = [1], strides = [1]} : vector<16xi32> to vector<1xi32>
    %squeeze3A_242 = vector.extract %slice3A_241[0] : i32 from vector<1xi32>
    %mul3A_243 = arith.constant 7 : i32
    %mul3A_244 = arith.muli %squeeze3A_242, %mul3A_243 : i32
    %add3A_245 = arith.addi %add3A_196, %mul3A_244 : i32
    %add3A_246 = arith.constant 1 : i32
    %add3A_247 = vector.broadcast %add3A_246 : i32 to vector<16xi32>
    %add3A_248 = arith.addi %iota3A, %add3A_247 : vector<16xi32>
    %mul3A_249 = arith.constant 1 : i32
    %mul3A_250 = vector.broadcast %mul3A_249 : i32 to vector<16xi32>
    %mul3A_251 = arith.muli %add3A_248, %mul3A_250 : vector<16xi32>
    %sub3A_252 = arith.constant 1 : i32
    %sub3A_253 = vector.broadcast %sub3A_252 : i32 to vector<16xi32>
    %sub3A_254 = arith.subi %mul3A_251, %sub3A_253 : vector<16xi32>
    %broadcast_in_dim3A_255 = vector.broadcast %add3A_240 : i32 to vector<16xi32>
    %add3A_256 = arith.addi %broadcast_in_dim3A_255, %sub3A_254 : vector<16xi32>
    %broadcast_in_dim3A_257 = vector.broadcast %add3A_245 : i32 to vector<16xi32>
    %add3A_258 = arith.addi %broadcast_in_dim3A_257, %sub3A_254 : vector<16xi32>
    %min3A_259 = arith.constant 6399999 : i32
    %min3A_260 = vector.broadcast %min3A_259 : i32 to vector<16xi32>
    %min3A_261 = arith.minsi %add3A_256, %min3A_260 : vector<16xi32>
    %swap3A_262 = arith.constant 0 : index
    %swap3A_263 = tpu.vector_load %arg12[%swap3A_262] {strides = array<i32>} : memref<32xi32, #tpu.memory_space<vmem>>, vector<16xi32>,
    tpu.vector_store %arg12[%swap3A_262], %min3A_261 {strides = array<i32>} : memref<32xi32, #tpu.memory_space<vmem>>, vector<16xi32>,
    %min3A_264 = arith.constant 6399999 : i32
    %min3A_265 = vector.broadcast %min3A_264 : i32 to vector<16xi32>
    %min3A_266 = arith.minsi %add3A_258, %min3A_265 : vector<16xi32>
    %swap3A_267 = arith.constant 16 : index
    %swap3A_268 = tpu.vector_load %arg12[%swap3A_267] {strides = array<i32>} : memref<32xi32, #tpu.memory_space<vmem>>, vector<16xi32>,
    tpu.vector_store %arg12[%swap3A_267], %min3A_266 {strides = array<i32>} : memref<32xi32, #tpu.memory_space<vmem>>, vector<16xi32>,
    %dma_start3A_269 = arith.constant 0 : i32
    %dma_start3A_270 = tpu.memref_slice %arg3[%dma_start3A_269] : memref<6400000xi32, #tpu.memory_space<hbm>> -> memref<6400000xi32, #tpu.memory_space<hbm>>
    tpu.enqueue_indirect_dma source(%dma_start3A_270 : memref<6400000xi32, #tpu.memory_space<hbm>>) target(%arg13 : memref<32xi32, #tpu.memory_space<vmem>>) offsets(%arg12 : memref<32xi32, #tpu.memory_space<vmem>>) semaphore(%arg16 : memref<!tpu.dma_semaphore, #tpu.memory_space<semaphore_mem>>)
    %dma_wait3A_271 = arith.constant 0 : i32
    %dma_wait3A_272 = tpu.memref_slice %arg3[%dma_wait3A_271] : memref<6400000xi32, #tpu.memory_space<hbm>> -> memref<6400000xi32, #tpu.memory_space<hbm>>
    tpu.wait_indirect_dma semaphore(%arg16 : memref<!tpu.dma_semaphore, #tpu.memory_space<semaphore_mem>>) src(%dma_wait3A_272 : memref<6400000xi32, #tpu.memory_space<hbm>>) dst(%arg13 : memref<32xi32, #tpu.memory_space<vmem>>)
    %get3A_273 = arith.constant 0 : index
    %get3A_274 = tpu.vector_load %arg13[%get3A_273] {strides = array<i32>} : memref<32xi32, #tpu.memory_space<vmem>>, vector<16xi32>,
    %get3A_275 = arith.constant 16 : index
    %get3A_276 = tpu.vector_load %arg13[%get3A_275] {strides = array<i32>} : memref<32xi32, #tpu.memory_space<vmem>>, vector<16xi32>,
    %lt3A_277 = arith.cmpi slt, %add3A_256, %broadcast_in_dim3A_7 : vector<16xi32>
    %lt3A_278 = arith.cmpi slt, %get3A_274, %broadcast_in_dim3A : vector<16xi32>
    %and3A_279 = arith.andi %lt3A_277, %lt3A_278 : vector<16xi1>
    %all_reduce_population_count3A_280 = tpu.all_reduce %and3A_279 {dim = 0 : i64, kind = #tpu.reduction_kind<sum>} : vector<16xi1> -> vector<16xi32>
    %lt3A_281 = arith.cmpi slt, %add3A_258, %broadcast_in_dim3A_7 : vector<16xi32>
    %lt3A_282 = arith.cmpi slt, %get3A_276, %broadcast_in_dim3A_5 : vector<16xi32>
    %and3A_283 = arith.andi %lt3A_281, %lt3A_282 : vector<16xi1>
    %all_reduce_population_count3A_284 = tpu.all_reduce %and3A_283 {dim = 0 : i64, kind = #tpu.reduction_kind<sum>} : vector<16xi1> -> vector<16xi32>
    %slice3A_285 = vector.extract_strided_slice %all_reduce_population_count3A_280 {offsets = [0], sizes = [1], strides = [1]} : vector<16xi32> to vector<1xi32>
    %squeeze3A_286 = vector.extract %slice3A_285[0] : i32 from vector<1xi32>
    %mul3A_287 = arith.constant 1 : i32
    %mul3A_288 = arith.muli %squeeze3A_286, %mul3A_287 : i32
    %add3A_289 = arith.addi %add3A_240, %mul3A_288 : i32
    %slice3A_290 = vector.extract_strided_slice %all_reduce_population_count3A_284 {offsets = [0], sizes = [1], strides = [1]} : vector<16xi32> to vector<1xi32>
    %squeeze3A_291 = vector.extract %slice3A_290[0] : i32 from vector<1xi32>
    %mul3A_292 = arith.constant 1 : i32
    %mul3A_293 = arith.muli %squeeze3A_291, %mul3A_292 : i32
    %add3A_294 = arith.addi %add3A_245, %mul3A_293 : i32
    %jit3A = arith.constant 8 : i32
    %div3A = arith.divsi %add3A_289, %jit3A : i32
    %sign3A = arith.constant 0 : i32
    %sign3A_295 = arith.cmpi sgt, %add3A_289, %sign3A : i32
    %sign3A_296 = arith.extui %sign3A_295 : i1 to i32
    %sign3A_297 = arith.constant 0 : i32
    %sign3A_298 = arith.cmpi slt, %add3A_289, %sign3A_297 : i32
    %sign3A_299 = arith.extui %sign3A_298 : i1 to i32
    %sign3A_300 = arith.subi %sign3A_296, %sign3A_299 : i32
    %sign3A_301 = arith.constant 0 : i32
    %sign3A_302 = arith.cmpi sgt, %jit3A, %sign3A_301 : i32
    %sign3A_303 = arith.extui %sign3A_302 : i1 to i32
    %sign3A_304 = arith.constant 0 : i32
    %sign3A_305 = arith.cmpi slt, %jit3A, %sign3A_304 : i32
    %sign3A_306 = arith.extui %sign3A_305 : i1 to i32
    %sign3A_307 = arith.subi %sign3A_303, %sign3A_306 : i32
    %ne3A = arith.cmpi ne, %sign3A_300, %sign3A_307 : i32
    %rem3A = arith.remsi %add3A_289, %jit3A : i32
    %ne3A_308 = arith.constant 0 : i32
    %ne3A_309 = arith.cmpi ne, %rem3A, %ne3A_308 : i32
    %and3A_310 = arith.andi %ne3A, %ne3A_309 : i1
    %sub3A_311 = arith.constant 1 : i32
    %sub3A_312 = arith.subi %div3A, %sub3A_311 : i32
    %select_n3A = arith.select %and3A_310, %sub3A_312, %div3A : i32
    %mul3A_313 = arith.constant 8 : i32
    %mul3A_314 = arith.muli %select_n3A, %mul3A_313 : i32
    %sub3A_315 = arith.subi %add3A_294, %mul3A_314 : i32
    %add3A_316 = arith.constant 8192 : i32
    %add3A_317 = arith.addi %sub3A_315, %add3A_316 : i32
    %sub3A_318 = arith.constant 1 : i32
    %sub3A_319 = arith.subi %add3A_317, %sub3A_318 : i32
    %jit3A_320 = arith.constant 8192 : i32
    %div3A_321 = arith.divsi %sub3A_319, %jit3A_320 : i32
    %sign3A_322 = arith.constant 0 : i32
    %sign3A_323 = arith.cmpi sgt, %sub3A_319, %sign3A_322 : i32
    %sign3A_324 = arith.extui %sign3A_323 : i1 to i32
    %sign3A_325 = arith.constant 0 : i32
    %sign3A_326 = arith.cmpi slt, %sub3A_319, %sign3A_325 : i32
    %sign3A_327 = arith.extui %sign3A_326 : i1 to i32
    %sign3A_328 = arith.subi %sign3A_324, %sign3A_327 : i32
    %sign3A_329 = arith.constant 0 : i32
    %sign3A_330 = arith.cmpi sgt, %jit3A_320, %sign3A_329 : i32
    %sign3A_331 = arith.extui %sign3A_330 : i1 to i32
    %sign3A_332 = arith.constant 0 : i32
    %sign3A_333 = arith.cmpi slt, %jit3A_320, %sign3A_332 : i32
    %sign3A_334 = arith.extui %sign3A_333 : i1 to i32
    %sign3A_335 = arith.subi %sign3A_331, %sign3A_334 : i32
    %ne3A_336 = arith.cmpi ne, %sign3A_328, %sign3A_335 : i32
    %rem3A_337 = arith.remsi %sub3A_319, %jit3A_320 : i32
    %ne3A_338 = arith.constant 0 : i32
    %ne3A_339 = arith.cmpi ne, %rem3A_337, %ne3A_338 : i32
    %and3A_340 = arith.andi %ne3A_336, %ne3A_339 : i1
    %sub3A_341 = arith.constant 1 : i32
    %sub3A_342 = arith.subi %div3A_321, %sub3A_341 : i32
    %select_n3A_343 = arith.select %and3A_340, %sub3A_342, %div3A_321 : i32
    %max3A = arith.constant 0 : i32
    %max3A_344 = arith.maxsi %select_n3A_343, %max3A : i32
    %add3A_345 = arith.constant 1 : i32
    %add3A_346 = vector.broadcast %add3A_345 : i32 to vector<16xi32>
    %add3A_347 = arith.addi %iota3A, %add3A_346 : vector<16xi32>
    %min3A_348 = arith.constant 15 : i32
    %min3A_349 = vector.broadcast %min3A_348 : i32 to vector<16xi32>
    %min3A_350 = arith.minsi %add3A_347, %min3A_349 : vector<16xi32>
    %broadcast_in_dim3A_351 = arith.constant 15 : i32
    %broadcast_in_dim3A_352 = vector.broadcast %broadcast_in_dim3A_351 : i32 to vector<16xi32>
    %sub3A_353 = arith.constant 1 : i32
    %sub3A_354 = vector.broadcast %sub3A_353 : i32 to vector<16xi32>
    %sub3A_355 = arith.subi %iota3A, %sub3A_354 : vector<16xi32>
    %max3A_356 = arith.constant 0 : i32
    %max3A_357 = vector.broadcast %max3A_356 : i32 to vector<16xi32>
    %max3A_358 = arith.maxsi %sub3A_355, %max3A_357 : vector<16xi32>
    %sub3A_359 = arith.constant 2 : i32
    %sub3A_360 = vector.broadcast %sub3A_359 : i32 to vector<16xi32>
    %sub3A_361 = arith.subi %iota3A, %sub3A_360 : vector<16xi32>
    %max3A_362 = arith.constant 0 : i32
    %max3A_363 = vector.broadcast %max3A_362 : i32 to vector<16xi32>
    %max3A_364 = arith.maxsi %sub3A_361, %max3A_363 : vector<16xi32>
    %sub3A_365 = arith.constant 4 : i32
    %sub3A_366 = vector.broadcast %sub3A_365 : i32 to vector<16xi32>
    %sub3A_367 = arith.subi %iota3A, %sub3A_366 : vector<16xi32>
    %max3A_368 = arith.constant 0 : i32
    %max3A_369 = vector.broadcast %max3A_368 : i32 to vector<16xi32>
    %max3A_370 = arith.maxsi %sub3A_367, %max3A_369 : vector<16xi32>
    %sub3A_371 = arith.constant 8 : i32
    %sub3A_372 = vector.broadcast %sub3A_371 : i32 to vector<16xi32>
    %sub3A_373 = arith.subi %iota3A, %sub3A_372 : vector<16xi32>
    %max3A_374 = arith.constant 0 : i32
    %max3A_375 = vector.broadcast %max3A_374 : i32 to vector<16xi32>
    %max3A_376 = arith.maxsi %sub3A_373, %max3A_375 : vector<16xi32>
    %eq3A = arith.constant 15 : i32
    %eq3A_377 = vector.broadcast %eq3A : i32 to vector<16xi32>
    %eq3A_378 = arith.cmpi eq, %iota3A, %eq3A_377 : vector<16xi32>
    %ne3A_379 = arith.constant 15 : i32
    %ne3A_380 = vector.broadcast %ne3A_379 : i32 to vector<16xi32>
    %ne3A_381 = arith.cmpi ne, %iota3A, %ne3A_380 : vector<16xi32>
    %broadcast_in_dim3A_382 = arith.constant 0.000000e+00 : f32
    %broadcast_in_dim3A_383 = vector.broadcast %broadcast_in_dim3A_382 : f32 to vector<16xf32>
    %neg3A = arith.constant 0 : i32
    %neg3A_384 = arith.subi %neg3A, %mul3A_2 : i32
    %broadcast_in_dim3A_385 = vector.broadcast %neg3A_384 : i32 to vector<16xi32>
    %broadcast_in_dim3A_386 = arith.constant 0xFF800000 : f32
    %broadcast_in_dim3A_387 = vector.broadcast %broadcast_in_dim3A_386 : f32 to vector<16xf32>
    %broadcast_in_dim3A_388 = arith.constant 3200 : i32
    %broadcast_in_dim3A_389 = vector.broadcast %broadcast_in_dim3A_388 : i32 to vector<16xi32>
    %broadcast_in_dim3A_390 = arith.constant -1 : i32
    %broadcast_in_dim3A_391 = vector.broadcast %broadcast_in_dim3A_390 : i32 to vector<16xi32>
    %swap3A_392 = arith.constant 0 : index
    %swap3A_393 = tpu.vector_load %arg7[%swap3A_392] {strides = array<i32>} : memref<16448xi32, #tpu.memory_space<vmem>>, vector<16xi32>,
    tpu.vector_store %arg7[%swap3A_392], %broadcast_in_dim3A_391 {strides = array<i32>} : memref<16448xi32, #tpu.memory_space<vmem>>, vector<16xi32>,
    %swap3A_394 = arith.constant 8224 : index
    %swap3A_395 = tpu.vector_load %arg7[%swap3A_394] {strides = array<i32>} : memref<16448xi32, #tpu.memory_space<vmem>>, vector<16xi32>,
    tpu.vector_store %arg7[%swap3A_394], %broadcast_in_dim3A_391 {strides = array<i32>} : memref<16448xi32, #tpu.memory_space<vmem>>, vector<16xi32>,
    %scan3A = arith.constant 0 : i32
    %scan3A_396 = arith.constant 0 : i32
    %scan3A_397 = arith.constant 201 : i32
    %scan3A_398 = arith.addi %scan3A_396, %scan3A_397 : i32
    %scan3A_399 = arith.constant 1 : i32
    scf.for %scan3A_438 = %scan3A_396 to %scan3A_398 step %scan3A_399  : i32 {
      %mul3A_439 = arith.constant 16 : i32
      %mul3A_440 = arith.muli %scan3A_438, %mul3A_439 : i32
      %swap3A_441 = arith.index_cast %mul3A_440 : i32 to index
      %swap3A_442 = tpu.vector_load %arg9[%swap3A_441] {strides = array<i32>} : memref<3216xf32, #tpu.memory_space<vmem>>, vector<16xf32>,
      tpu.vector_store %arg9[%swap3A_441], %broadcast_in_dim3A_387 {strides = array<i32>} : memref<3216xf32, #tpu.memory_space<vmem>>, vector<16xf32>,
      %mul3A_443 = arith.constant 16 : i32
      %mul3A_444 = arith.muli %scan3A_438, %mul3A_443 : i32
      %swap3A_445 = arith.index_cast %mul3A_444 : i32 to index
      %swap3A_446 = tpu.vector_load %arg10[%swap3A_445] {strides = array<i32>} : memref<3216xf32, #tpu.memory_space<vmem>>, vector<16xf32>,
      tpu.vector_store %arg10[%swap3A_445], %broadcast_in_dim3A_383 {strides = array<i32>} : memref<3216xf32, #tpu.memory_space<vmem>>, vector<16xf32>,
    }
    %scan3A_400 = arith.constant 201 : i32
    %gt3A = arith.constant 0 : i32
    %gt3A_401 = arith.cmpi sgt, %max3A_344, %gt3A : i32
    %convert_element_type3A = arith.extui %gt3A_401 : i1 to i32
    %cond3A = arith.constant 0 : i32
    %cond3A_402 = arith.cmpi ne, %convert_element_type3A, %cond3A : i32
    scf.if %cond3A_402 {
      %rem3A_438 = arith.constant 0 : i32
      %rem3A_439 = arith.constant 2 : i32
      %rem3A_440 = arith.remsi %rem3A_438, %rem3A_439 : i32
      %add3A_441 = arith.constant 0 : i32
      %add3A_442 = arith.addi %mul3A_314, %add3A_441 : i32
      %min3A_443 = arith.constant 6391808 : i32
      %min3A_444 = arith.minsi %add3A_442, %min3A_443 : i32
      %multiple_of3A = tpu.assume_multiple %min3A_444, 8 : i32
      %mul3A_445 = arith.constant 8224 : i32
      %mul3A_446 = arith.muli %rem3A_440, %mul3A_445 : i32
      %add3A_447 = arith.constant 16 : i32
      %add3A_448 = arith.addi %mul3A_446, %add3A_447 : i32
      %multiple_of3A_449 = tpu.assume_multiple %add3A_448, 8 : i32
      %mul3A_450 = arith.constant 8192 : i32
      %mul3A_451 = arith.muli %rem3A_440, %mul3A_450 : i32
      %multiple_of3A_452 = tpu.assume_multiple %mul3A_451, 8 : i32
      %dma_start3A_453 = tpu.memref_slice %arg7[%multiple_of3A_449] : memref<16448xi32, #tpu.memory_space<vmem>> -> memref<8192xi32, #tpu.memory_space<vmem>>
      %dma_start3A_454 = tpu.memref_slice %arg3[%multiple_of3A] : memref<6400000xi32, #tpu.memory_space<hbm>> -> memref<8192xi32, #tpu.memory_space<hbm>>
      %dma_start3A_455 = tpu.memref_slice %arg14[%rem3A_440] : memref<2x!tpu.dma_semaphore, #tpu.memory_space<semaphore_mem>> -> memref<1x!tpu.dma_semaphore, #tpu.memory_space<semaphore_mem>>
      %dma_start3A_456 = tpu.memref_squeeze %dma_start3A_455 : memref<1x!tpu.dma_semaphore, #tpu.memory_space<semaphore_mem>> -> memref<!tpu.dma_semaphore, #tpu.memory_space<semaphore_mem>>
      %dma_start3A_457 = tpu.memref_slice %arg7[%multiple_of3A_449] : memref<16448xi32, #tpu.memory_space<vmem>> -> memref<8192xi32, #tpu.memory_space<vmem>>
      %dma_start3A_458 = tpu.memref_slice %arg3[%multiple_of3A] : memref<6400000xi32, #tpu.memory_space<hbm>> -> memref<8192xi32, #tpu.memory_space<hbm>>
      tpu.enqueue_dma source(%dma_start3A_458 : memref<8192xi32, #tpu.memory_space<hbm>>) target(%dma_start3A_457 : memref<8192xi32, #tpu.memory_space<vmem>>) target_semaphore(%dma_start3A_456 : memref<!tpu.dma_semaphore, #tpu.memory_space<semaphore_mem>>)
      %dma_start3A_459 = tpu.memref_slice %arg8[%multiple_of3A_452] : memref<16384xf32, #tpu.memory_space<vmem>> -> memref<8192xf32, #tpu.memory_space<vmem>>
      %dma_start3A_460 = tpu.memref_slice %arg2[%multiple_of3A] : memref<6400000xf32, #tpu.memory_space<hbm>> -> memref<8192xf32, #tpu.memory_space<hbm>>
      %dma_start3A_461 = tpu.memref_slice %arg15[%rem3A_440] : memref<2x!tpu.dma_semaphore, #tpu.memory_space<semaphore_mem>> -> memref<1x!tpu.dma_semaphore, #tpu.memory_space<semaphore_mem>>
      %dma_start3A_462 = tpu.memref_squeeze %dma_start3A_461 : memref<1x!tpu.dma_semaphore, #tpu.memory_space<semaphore_mem>> -> memref<!tpu.dma_semaphore, #tpu.memory_space<semaphore_mem>>
      %dma_start3A_463 = tpu.memref_slice %arg8[%multiple_of3A_452] : memref<16384xf32, #tpu.memory_space<vmem>> -> memref<8192xf32, #tpu.memory_space<vmem>>
      %dma_start3A_464 = tpu.memref_slice %arg2[%multiple_of3A] : memref<6400000xf32, #tpu.memory_space<hbm>> -> memref<8192xf32, #tpu.memory_space<hbm>>
      tpu.enqueue_dma source(%dma_start3A_464 : memref<8192xf32, #tpu.memory_space<hbm>>) target(%dma_start3A_463 : memref<8192xf32, #tpu.memory_space<vmem>>) target_semaphore(%dma_start3A_462 : memref<!tpu.dma_semaphore, #tpu.memory_space<semaphore_mem>>)
    } else {
    }
    %while3A = arith.constant 0 : i32
    %while3A_403 = arith.constant 0 : i32
    %while3A_404 = arith.subi %max3A_344, %while3A_403 : i32
    %while3A_405 = arith.addi %while3A_403, %while3A_404 : i32
    %while3A_406 = arith.constant 1 : i32
    %while3A_407 = arith.divsi %while3A_404, %while3A_406 : i32
    %while3A_408 = arith.muli %while3A_407, %while3A_406 : i32
    %while3A_409 = arith.addi %while3A_403, %while3A_408 : i32
    %while3A_410 = arith.constant 1 : i32
    scf.for %while3A_438 = %while3A_403 to %while3A_409 step %while3A_410  : i32 {
      %rem3A_439 = arith.constant 2 : i32
      %rem3A_440 = arith.remsi %while3A_438, %rem3A_439 : i32
      %rem3A_441 = arith.constant 2 : i32
      %rem3A_442 = arith.remsi %while3A_438, %rem3A_441 : i32
      %mul3A_443 = arith.constant 8192 : i32
      %mul3A_444 = arith.muli %while3A_438, %mul3A_443 : i32
      %add3A_445 = arith.addi %mul3A_314, %mul3A_444 : i32
      %min3A_446 = arith.constant 6391808 : i32
      %min3A_447 = arith.minsi %add3A_445, %min3A_446 : i32
      %multiple_of3A = tpu.assume_multiple %min3A_447, 8 : i32
      %mul3A_448 = arith.constant 8224 : i32
      %mul3A_449 = arith.muli %rem3A_442, %mul3A_448 : i32
      %add3A_450 = arith.constant 16 : i32
      %add3A_451 = arith.addi %mul3A_449, %add3A_450 : i32
      %multiple_of3A_452 = tpu.assume_multiple %add3A_451, 8 : i32
      %mul3A_453 = arith.constant 8192 : i32
      %mul3A_454 = arith.muli %rem3A_442, %mul3A_453 : i32
      %multiple_of3A_455 = tpu.assume_multiple %mul3A_454, 8 : i32
      %dma_wait3A_456 = tpu.memref_slice %arg7[%multiple_of3A_452] : memref<16448xi32, #tpu.memory_space<vmem>> -> memref<8192xi32, #tpu.memory_space<vmem>>
      %dma_wait3A_457 = tpu.memref_slice %arg3[%multiple_of3A] : memref<6400000xi32, #tpu.memory_space<hbm>> -> memref<8192xi32, #tpu.memory_space<hbm>>
      %dma_wait3A_458 = tpu.memref_slice %arg14[%rem3A_442] : memref<2x!tpu.dma_semaphore, #tpu.memory_space<semaphore_mem>> -> memref<1x!tpu.dma_semaphore, #tpu.memory_space<semaphore_mem>>
      %dma_wait3A_459 = tpu.memref_squeeze %dma_wait3A_458 : memref<1x!tpu.dma_semaphore, #tpu.memory_space<semaphore_mem>> -> memref<!tpu.dma_semaphore, #tpu.memory_space<semaphore_mem>>
      %dma_wait3A_460 = tpu.memref_slice %arg7[%multiple_of3A_452] : memref<16448xi32, #tpu.memory_space<vmem>> -> memref<8192xi32, #tpu.memory_space<vmem>>
      %dma_wait3A_461 = tpu.memref_slice %arg3[%multiple_of3A] : memref<6400000xi32, #tpu.memory_space<hbm>> -> memref<8192xi32, #tpu.memory_space<hbm>>
      tpu.wait_dma2 semaphore(%dma_wait3A_459 : memref<!tpu.dma_semaphore, #tpu.memory_space<semaphore_mem>>) src(%dma_wait3A_461 : memref<8192xi32, #tpu.memory_space<hbm>>) dst(%dma_wait3A_460 : memref<8192xi32, #tpu.memory_space<vmem>>)
      %dma_wait3A_462 = tpu.memref_slice %arg8[%multiple_of3A_455] : memref<16384xf32, #tpu.memory_space<vmem>> -> memref<8192xf32, #tpu.memory_space<vmem>>
      %dma_wait3A_463 = tpu.memref_slice %arg2[%multiple_of3A] : memref<6400000xf32, #tpu.memory_space<hbm>> -> memref<8192xf32, #tpu.memory_space<hbm>>
      %dma_wait3A_464 = tpu.memref_slice %arg15[%rem3A_442] : memref<2x!tpu.dma_semaphore, #tpu.memory_space<semaphore_mem>> -> memref<1x!tpu.dma_semaphore, #tpu.memory_space<semaphore_mem>>
      %dma_wait3A_465 = tpu.memref_squeeze %dma_wait3A_464 : memref<1x!tpu.dma_semaphore, #tpu.memory_space<semaphore_mem>> -> memref<!tpu.dma_semaphore, #tpu.memory_space<semaphore_mem>>
      %dma_wait3A_466 = tpu.memref_slice %arg8[%multiple_of3A_455] : memref<16384xf32, #tpu.memory_space<vmem>> -> memref<8192xf32, #tpu.memory_space<vmem>>
      %dma_wait3A_467 = tpu.memref_slice %arg2[%multiple_of3A] : memref<6400000xf32, #tpu.memory_space<hbm>> -> memref<8192xf32, #tpu.memory_space<hbm>>
      tpu.wait_dma2 semaphore(%dma_wait3A_465 : memref<!tpu.dma_semaphore, #tpu.memory_space<semaphore_mem>>) src(%dma_wait3A_467 : memref<8192xf32, #tpu.memory_space<hbm>>) dst(%dma_wait3A_466 : memref<8192xf32, #tpu.memory_space<vmem>>)
      %add3A_468 = arith.constant 1 : i32
      %add3A_469 = arith.addi %while3A_438, %add3A_468 : i32
      %lt3A_470 = arith.cmpi slt, %add3A_469, %max3A_344 : i32
      %convert_element_type3A_471 = arith.extui %lt3A_470 : i1 to i32
      %cond3A_472 = arith.constant 0 : i32
      %cond3A_473 = arith.cmpi ne, %convert_element_type3A_471, %cond3A_472 : i32
      scf.if %cond3A_473 {
        %add3A_495 = arith.constant 1 : i32
        %add3A_496 = arith.addi %while3A_438, %add3A_495 : i32
        %rem3A_497 = arith.constant 2 : i32
        %rem3A_498 = arith.remsi %add3A_496, %rem3A_497 : i32
        %mul3A_499 = arith.constant 8192 : i32
        %mul3A_500 = arith.muli %add3A_496, %mul3A_499 : i32
        %add3A_501 = arith.addi %mul3A_314, %mul3A_500 : i32
        %min3A_502 = arith.constant 6391808 : i32
        %min3A_503 = arith.minsi %add3A_501, %min3A_502 : i32
        %multiple_of3A_504 = tpu.assume_multiple %min3A_503, 8 : i32
        %mul3A_505 = arith.constant 8224 : i32
        %mul3A_506 = arith.muli %rem3A_498, %mul3A_505 : i32
        %add3A_507 = arith.constant 16 : i32
        %add3A_508 = arith.addi %mul3A_506, %add3A_507 : i32
        %multiple_of3A_509 = tpu.assume_multiple %add3A_508, 8 : i32
        %mul3A_510 = arith.constant 8192 : i32
        %mul3A_511 = arith.muli %rem3A_498, %mul3A_510 : i32
        %multiple_of3A_512 = tpu.assume_multiple %mul3A_511, 8 : i32
        %dma_start3A_513 = tpu.memref_slice %arg7[%multiple_of3A_509] : memref<16448xi32, #tpu.memory_space<vmem>> -> memref<8192xi32, #tpu.memory_space<vmem>>
        %dma_start3A_514 = tpu.memref_slice %arg3[%multiple_of3A_504] : memref<6400000xi32, #tpu.memory_space<hbm>> -> memref<8192xi32, #tpu.memory_space<hbm>>
        %dma_start3A_515 = tpu.memref_slice %arg14[%rem3A_498] : memref<2x!tpu.dma_semaphore, #tpu.memory_space<semaphore_mem>> -> memref<1x!tpu.dma_semaphore, #tpu.memory_space<semaphore_mem>>
        %dma_start3A_516 = tpu.memref_squeeze %dma_start3A_515 : memref<1x!tpu.dma_semaphore, #tpu.memory_space<semaphore_mem>> -> memref<!tpu.dma_semaphore, #tpu.memory_space<semaphore_mem>>
        %dma_start3A_517 = tpu.memref_slice %arg7[%multiple_of3A_509] : memref<16448xi32, #tpu.memory_space<vmem>> -> memref<8192xi32, #tpu.memory_space<vmem>>
        %dma_start3A_518 = tpu.memref_slice %arg3[%multiple_of3A_504] : memref<6400000xi32, #tpu.memory_space<hbm>> -> memref<8192xi32, #tpu.memory_space<hbm>>
        tpu.enqueue_dma source(%dma_start3A_518 : memref<8192xi32, #tpu.memory_space<hbm>>) target(%dma_start3A_517 : memref<8192xi32, #tpu.memory_space<vmem>>) target_semaphore(%dma_start3A_516 : memref<!tpu.dma_semaphore, #tpu.memory_space<semaphore_mem>>)
        %dma_start3A_519 = tpu.memref_slice %arg8[%multiple_of3A_512] : memref<16384xf32, #tpu.memory_space<vmem>> -> memref<8192xf32, #tpu.memory_space<vmem>>
        %dma_start3A_520 = tpu.memref_slice %arg2[%multiple_of3A_504] : memref<6400000xf32, #tpu.memory_space<hbm>> -> memref<8192xf32, #tpu.memory_space<hbm>>
        %dma_start3A_521 = tpu.memref_slice %arg15[%rem3A_498] : memref<2x!tpu.dma_semaphore, #tpu.memory_space<semaphore_mem>> -> memref<1x!tpu.dma_semaphore, #tpu.memory_space<semaphore_mem>>
        %dma_start3A_522 = tpu.memref_squeeze %dma_start3A_521 : memref<1x!tpu.dma_semaphore, #tpu.memory_space<semaphore_mem>> -> memref<!tpu.dma_semaphore, #tpu.memory_space<semaphore_mem>>
        %dma_start3A_523 = tpu.memref_slice %arg8[%multiple_of3A_512] : memref<16384xf32, #tpu.memory_space<vmem>> -> memref<8192xf32, #tpu.memory_space<vmem>>
        %dma_start3A_524 = tpu.memref_slice %arg2[%multiple_of3A_504] : memref<6400000xf32, #tpu.memory_space<hbm>> -> memref<8192xf32, #tpu.memory_space<hbm>>
        tpu.enqueue_dma source(%dma_start3A_524 : memref<8192xf32, #tpu.memory_space<hbm>>) target(%dma_start3A_523 : memref<8192xf32, #tpu.memory_space<vmem>>) target_semaphore(%dma_start3A_522 : memref<!tpu.dma_semaphore, #tpu.memory_space<semaphore_mem>>)
      } else {
      }
      %mul3A_474 = arith.constant 8192 : i32
      %mul3A_475 = arith.muli %while3A_438, %mul3A_474 : i32
      %add3A_476 = arith.addi %mul3A_314, %mul3A_475 : i32
      %mul3A_477 = arith.constant 8224 : i32
      %mul3A_478 = arith.muli %rem3A_440, %mul3A_477 : i32
      %add3A_479 = arith.constant 16 : i32
      %add3A_480 = arith.addi %mul3A_478, %add3A_479 : i32
      %mul3A_481 = arith.constant 8192 : i32
      %mul3A_482 = arith.muli %rem3A_440, %mul3A_481 : i32
      %le3A = arith.cmpi sle, %add3A_289, %add3A_476 : i32
      %add3A_483 = arith.constant 8192 : i32
      %add3A_484 = arith.addi %add3A_476, %add3A_483 : i32
      %le3A_485 = arith.cmpi sle, %add3A_484, %add3A_294 : i32
      %and3A_486 = arith.andi %le3A, %le3A_485 : i1
      %le3A_487 = arith.constant 6391808 : i32
      %le3A_488 = arith.cmpi sle, %add3A_476, %le3A_487 : i32
      %and3A_489 = arith.andi %and3A_486, %le3A_488 : i1
      %convert_element_type3A_490 = arith.extui %and3A_489 : i1 to i32
      %cond3A_491 = arith.constant 0 : i32
      %cond3A_492 = arith.constant 0 : i32
      %cond3A_493 = arith.cmpi ne, %convert_element_type3A_490, %cond3A_492 : i32
      %cond3A_494 = scf.if %cond3A_493 -> (i32) {
        %scan3A_495 = arith.constant 0 : i32
        %scan3A_496 = arith.constant 0 : i32
        %scan3A_497 = arith.constant 64 : i32
        %scan3A_498 = arith.addi %scan3A_496, %scan3A_497 : i32
        %scan3A_499 = arith.constant 1 : i32
        scf.for %scan3A_502 = %scan3A_496 to %scan3A_498 step %scan3A_499  : i32 {
          %mul3A_503 = arith.constant 128 : i32
          %mul3A_504 = arith.muli %scan3A_502, %mul3A_503 : i32
          %add3A_505 = arith.addi %add3A_480, %mul3A_504 : i32
          %add3A_506 = arith.constant 0 : i32
          %add3A_507 = arith.addi %add3A_505, %add3A_506 : i32
          %mul3A_508 = arith.constant 128 : i32
          %mul3A_509 = arith.muli %scan3A_502, %mul3A_508 : i32
          %add3A_510 = arith.addi %add3A_480, %mul3A_509 : i32
          %add3A_511 = arith.constant 16 : i32
          %add3A_512 = arith.addi %add3A_510, %add3A_511 : i32
          %mul3A_513 = arith.constant 128 : i32
          %mul3A_514 = arith.muli %scan3A_502, %mul3A_513 : i32
          %add3A_515 = arith.addi %add3A_480, %mul3A_514 : i32
          %add3A_516 = arith.constant 32 : i32
          %add3A_517 = arith.addi %add3A_515, %add3A_516 : i32
          %mul3A_518 = arith.constant 128 : i32
          %mul3A_519 = arith.muli %scan3A_502, %mul3A_518 : i32
          %add3A_520 = arith.addi %add3A_480, %mul3A_519 : i32
          %add3A_521 = arith.constant 48 : i32
          %add3A_522 = arith.addi %add3A_520, %add3A_521 : i32
          %mul3A_523 = arith.constant 128 : i32
          %mul3A_524 = arith.muli %scan3A_502, %mul3A_523 : i32
          %add3A_525 = arith.addi %add3A_480, %mul3A_524 : i32
          %add3A_526 = arith.constant 64 : i32
          %add3A_527 = arith.addi %add3A_525, %add3A_526 : i32
          %mul3A_528 = arith.constant 128 : i32
          %mul3A_529 = arith.muli %scan3A_502, %mul3A_528 : i32
          %add3A_530 = arith.addi %add3A_480, %mul3A_529 : i32
          %add3A_531 = arith.constant 80 : i32
          %add3A_532 = arith.addi %add3A_530, %add3A_531 : i32
          %mul3A_533 = arith.constant 128 : i32
          %mul3A_534 = arith.muli %scan3A_502, %mul3A_533 : i32
          %add3A_535 = arith.addi %add3A_480, %mul3A_534 : i32
          %add3A_536 = arith.constant 96 : i32
          %add3A_537 = arith.addi %add3A_535, %add3A_536 : i32
          %mul3A_538 = arith.constant 128 : i32
          %mul3A_539 = arith.muli %scan3A_502, %mul3A_538 : i32
          %add3A_540 = arith.addi %add3A_480, %mul3A_539 : i32
          %add3A_541 = arith.constant 112 : i32
          %add3A_542 = arith.addi %add3A_540, %add3A_541 : i32
          %mul3A_543 = arith.constant 128 : i32
          %mul3A_544 = arith.muli %scan3A_502, %mul3A_543 : i32
          %add3A_545 = arith.addi %mul3A_482, %mul3A_544 : i32
          %add3A_546 = arith.constant 0 : i32
          %add3A_547 = arith.addi %add3A_545, %add3A_546 : i32
          %mul3A_548 = arith.constant 128 : i32
          %mul3A_549 = arith.muli %scan3A_502, %mul3A_548 : i32
          %add3A_550 = arith.addi %mul3A_482, %mul3A_549 : i32
          %add3A_551 = arith.constant 16 : i32
          %add3A_552 = arith.addi %add3A_550, %add3A_551 : i32
          %mul3A_553 = arith.constant 128 : i32
          %mul3A_554 = arith.muli %scan3A_502, %mul3A_553 : i32
          %add3A_555 = arith.addi %mul3A_482, %mul3A_554 : i32
          %add3A_556 = arith.constant 32 : i32
          %add3A_557 = arith.addi %add3A_555, %add3A_556 : i32
          %mul3A_558 = arith.constant 128 : i32
          %mul3A_559 = arith.muli %scan3A_502, %mul3A_558 : i32
          %add3A_560 = arith.addi %mul3A_482, %mul3A_559 : i32
          %add3A_561 = arith.constant 48 : i32
          %add3A_562 = arith.addi %add3A_560, %add3A_561 : i32
          %mul3A_563 = arith.constant 128 : i32
          %mul3A_564 = arith.muli %scan3A_502, %mul3A_563 : i32
          %add3A_565 = arith.addi %mul3A_482, %mul3A_564 : i32
          %add3A_566 = arith.constant 64 : i32
          %add3A_567 = arith.addi %add3A_565, %add3A_566 : i32
          %mul3A_568 = arith.constant 128 : i32
          %mul3A_569 = arith.muli %scan3A_502, %mul3A_568 : i32
          %add3A_570 = arith.addi %mul3A_482, %mul3A_569 : i32
          %add3A_571 = arith.constant 80 : i32
          %add3A_572 = arith.addi %add3A_570, %add3A_571 : i32
          %mul3A_573 = arith.constant 128 : i32
          %mul3A_574 = arith.muli %scan3A_502, %mul3A_573 : i32
          %add3A_575 = arith.addi %mul3A_482, %mul3A_574 : i32
          %add3A_576 = arith.constant 96 : i32
          %add3A_577 = arith.addi %add3A_575, %add3A_576 : i32
          %mul3A_578 = arith.constant 128 : i32
          %mul3A_579 = arith.muli %scan3A_502, %mul3A_578 : i32
          %add3A_580 = arith.addi %mul3A_482, %mul3A_579 : i32
          %add3A_581 = arith.constant 112 : i32
          %add3A_582 = arith.addi %add3A_580, %add3A_581 : i32
          %get3A_583 = arith.index_cast %add3A_507 : i32 to index
          %get3A_584 = tpu.vector_load %arg7[%get3A_583] {strides = array<i32>} : memref<16448xi32, #tpu.memory_space<vmem>>, vector<16xi32>,
          %get3A_585 = arith.index_cast %add3A_512 : i32 to index
          %get3A_586 = tpu.vector_load %arg7[%get3A_585] {strides = array<i32>} : memref<16448xi32, #tpu.memory_space<vmem>>, vector<16xi32>,
          %get3A_587 = arith.index_cast %add3A_517 : i32 to index
          %get3A_588 = tpu.vector_load %arg7[%get3A_587] {strides = array<i32>} : memref<16448xi32, #tpu.memory_space<vmem>>, vector<16xi32>,
          %get3A_589 = arith.index_cast %add3A_522 : i32 to index
          %get3A_590 = tpu.vector_load %arg7[%get3A_589] {strides = array<i32>} : memref<16448xi32, #tpu.memory_space<vmem>>, vector<16xi32>,
          %get3A_591 = arith.index_cast %add3A_527 : i32 to index
          %get3A_592 = tpu.vector_load %arg7[%get3A_591] {strides = array<i32>} : memref<16448xi32, #tpu.memory_space<vmem>>, vector<16xi32>,
          %get3A_593 = arith.index_cast %add3A_532 : i32 to index
          %get3A_594 = tpu.vector_load %arg7[%get3A_593] {strides = array<i32>} : memref<16448xi32, #tpu.memory_space<vmem>>, vector<16xi32>,
          %get3A_595 = arith.index_cast %add3A_537 : i32 to index
          %get3A_596 = tpu.vector_load %arg7[%get3A_595] {strides = array<i32>} : memref<16448xi32, #tpu.memory_space<vmem>>, vector<16xi32>,
          %get3A_597 = arith.index_cast %add3A_542 : i32 to index
          %get3A_598 = tpu.vector_load %arg7[%get3A_597] {strides = array<i32>} : memref<16448xi32, #tpu.memory_space<vmem>>, vector<16xi32>,
          %get3A_599 = arith.index_cast %add3A_547 : i32 to index
          %get3A_600 = tpu.vector_load %arg8[%get3A_599] {strides = array<i32>} : memref<16384xf32, #tpu.memory_space<vmem>>, vector<16xf32>,
          %get3A_601 = arith.index_cast %add3A_552 : i32 to index
          %get3A_602 = tpu.vector_load %arg8[%get3A_601] {strides = array<i32>} : memref<16384xf32, #tpu.memory_space<vmem>>, vector<16xf32>,
          %get3A_603 = arith.index_cast %add3A_557 : i32 to index
          %get3A_604 = tpu.vector_load %arg8[%get3A_603] {strides = array<i32>} : memref<16384xf32, #tpu.memory_space<vmem>>, vector<16xf32>,
          %get3A_605 = arith.index_cast %add3A_562 : i32 to index
          %get3A_606 = tpu.vector_load %arg8[%get3A_605] {strides = array<i32>} : memref<16384xf32, #tpu.memory_space<vmem>>, vector<16xf32>,
          %get3A_607 = arith.index_cast %add3A_567 : i32 to index
          %get3A_608 = tpu.vector_load %arg8[%get3A_607] {strides = array<i32>} : memref<16384xf32, #tpu.memory_space<vmem>>, vector<16xf32>,
          %get3A_609 = arith.index_cast %add3A_572 : i32 to index
          %get3A_610 = tpu.vector_load %arg8[%get3A_609] {strides = array<i32>} : memref<16384xf32, #tpu.memory_space<vmem>>, vector<16xf32>,
          %get3A_611 = arith.index_cast %add3A_577 : i32 to index
          %get3A_612 = tpu.vector_load %arg8[%get3A_611] {strides = array<i32>} : memref<16384xf32, #tpu.memory_space<vmem>>, vector<16xf32>,
          %get3A_613 = arith.index_cast %add3A_582 : i32 to index
          %get3A_614 = tpu.vector_load %arg8[%get3A_613] {strides = array<i32>} : memref<16384xf32, #tpu.memory_space<vmem>>, vector<16xf32>,
          %add3A_615 = arith.addi %get3A_584, %broadcast_in_dim3A_385 : vector<16xi32>
          %add3A_616 = arith.addi %get3A_586, %broadcast_in_dim3A_385 : vector<16xi32>
          %add3A_617 = arith.addi %get3A_588, %broadcast_in_dim3A_385 : vector<16xi32>
          %add3A_618 = arith.addi %get3A_590, %broadcast_in_dim3A_385 : vector<16xi32>
          %add3A_619 = arith.addi %get3A_592, %broadcast_in_dim3A_385 : vector<16xi32>
          %add3A_620 = arith.addi %get3A_594, %broadcast_in_dim3A_385 : vector<16xi32>
          %add3A_621 = arith.addi %get3A_596, %broadcast_in_dim3A_385 : vector<16xi32>
          %add3A_622 = arith.addi %get3A_598, %broadcast_in_dim3A_385 : vector<16xi32>
          %lt3A_623 = arith.constant 0 : i32
          %lt3A_624 = vector.broadcast %lt3A_623 : i32 to vector<16xi32>
          %lt3A_625 = arith.cmpi slt, %min3A_350, %lt3A_624 : vector<16xi32>
          %add3A_626 = arith.constant 16 : i32
          %add3A_627 = vector.broadcast %add3A_626 : i32 to vector<16xi32>
          %add3A_628 = arith.addi %min3A_350, %add3A_627 : vector<16xi32>
          %select_n3A_629 = arith.select %lt3A_625, %add3A_628, %min3A_350 : vector<16xi1>, vector<16xi32>
          %reshape3A = vector.shape_cast %select_n3A_629 : vector<16xi32> to vector<16x1xi32>
          %gather3A = vector.shape_cast %reshape3A : vector<16x1xi32> to vector<16xi32>
          %gather3A_630 = tpu.dynamic_gather %add3A_615[%gather3A] in [0] : vector<16xi32>, vector<16xi32> -> vector<16xi32>
          %lt3A_631 = arith.constant 0 : i32
          %lt3A_632 = vector.broadcast %lt3A_631 : i32 to vector<16xi32>
          %lt3A_633 = arith.cmpi slt, %min3A_350, %lt3A_632 : vector<16xi32>
          %add3A_634 = arith.constant 16 : i32
          %add3A_635 = vector.broadcast %add3A_634 : i32 to vector<16xi32>
          %add3A_636 = arith.addi %min3A_350, %add3A_635 : vector<16xi32>
          %select_n3A_637 = arith.select %lt3A_633, %add3A_636, %min3A_350 : vector<16xi1>, vector<16xi32>
          %reshape3A_638 = vector.shape_cast %select_n3A_637 : vector<16xi32> to vector<16x1xi32>
          %gather3A_639 = vector.shape_cast %reshape3A_638 : vector<16x1xi32> to vector<16xi32>
          %gather3A_640 = tpu.dynamic_gather %add3A_616[%gather3A_639] in [0] : vector<16xi32>, vector<16xi32> -> vector<16xi32>
          %lt3A_641 = arith.constant 0 : i32
          %lt3A_642 = vector.broadcast %lt3A_641 : i32 to vector<16xi32>
          %lt3A_643 = arith.cmpi slt, %min3A_350, %lt3A_642 : vector<16xi32>
          %add3A_644 = arith.constant 16 : i32
          %add3A_645 = vector.broadcast %add3A_644 : i32 to vector<16xi32>
          %add3A_646 = arith.addi %min3A_350, %add3A_645 : vector<16xi32>
          %select_n3A_647 = arith.select %lt3A_643, %add3A_646, %min3A_350 : vector<16xi1>, vector<16xi32>
          %reshape3A_648 = vector.shape_cast %select_n3A_647 : vector<16xi32> to vector<16x1xi32>
          %gather3A_649 = vector.shape_cast %reshape3A_648 : vector<16x1xi32> to vector<16xi32>
          %gather3A_650 = tpu.dynamic_gather %add3A_617[%gather3A_649] in [0] : vector<16xi32>, vector<16xi32> -> vector<16xi32>
          %lt3A_651 = arith.constant 0 : i32
          %lt3A_652 = vector.broadcast %lt3A_651 : i32 to vector<16xi32>
          %lt3A_653 = arith.cmpi slt, %min3A_350, %lt3A_652 : vector<16xi32>
          %add3A_654 = arith.constant 16 : i32
          %add3A_655 = vector.broadcast %add3A_654 : i32 to vector<16xi32>
          %add3A_656 = arith.addi %min3A_350, %add3A_655 : vector<16xi32>
          %select_n3A_657 = arith.select %lt3A_653, %add3A_656, %min3A_350 : vector<16xi1>, vector<16xi32>
          %reshape3A_658 = vector.shape_cast %select_n3A_657 : vector<16xi32> to vector<16x1xi32>
          %gather3A_659 = vector.shape_cast %reshape3A_658 : vector<16x1xi32> to vector<16xi32>
          %gather3A_660 = tpu.dynamic_gather %add3A_618[%gather3A_659] in [0] : vector<16xi32>, vector<16xi32> -> vector<16xi32>
          %lt3A_661 = arith.constant 0 : i32
          %lt3A_662 = vector.broadcast %lt3A_661 : i32 to vector<16xi32>
          %lt3A_663 = arith.cmpi slt, %min3A_350, %lt3A_662 : vector<16xi32>
          %add3A_664 = arith.constant 16 : i32
          %add3A_665 = vector.broadcast %add3A_664 : i32 to vector<16xi32>
          %add3A_666 = arith.addi %min3A_350, %add3A_665 : vector<16xi32>
          %select_n3A_667 = arith.select %lt3A_663, %add3A_666, %min3A_350 : vector<16xi1>, vector<16xi32>
          %reshape3A_668 = vector.shape_cast %select_n3A_667 : vector<16xi32> to vector<16x1xi32>
          %gather3A_669 = vector.shape_cast %reshape3A_668 : vector<16x1xi32> to vector<16xi32>
          %gather3A_670 = tpu.dynamic_gather %add3A_619[%gather3A_669] in [0] : vector<16xi32>, vector<16xi32> -> vector<16xi32>
          %lt3A_671 = arith.constant 0 : i32
          %lt3A_672 = vector.broadcast %lt3A_671 : i32 to vector<16xi32>
          %lt3A_673 = arith.cmpi slt, %min3A_350, %lt3A_672 : vector<16xi32>
          %add3A_674 = arith.constant 16 : i32
          %add3A_675 = vector.broadcast %add3A_674 : i32 to vector<16xi32>
          %add3A_676 = arith.addi %min3A_350, %add3A_675 : vector<16xi32>
          %select_n3A_677 = arith.select %lt3A_673, %add3A_676, %min3A_350 : vector<16xi1>, vector<16xi32>
          %reshape3A_678 = vector.shape_cast %select_n3A_677 : vector<16xi32> to vector<16x1xi32>
          %gather3A_679 = vector.shape_cast %reshape3A_678 : vector<16x1xi32> to vector<16xi32>
          %gather3A_680 = tpu.dynamic_gather %add3A_620[%gather3A_679] in [0] : vector<16xi32>, vector<16xi32> -> vector<16xi32>
          %lt3A_681 = arith.constant 0 : i32
          %lt3A_682 = vector.broadcast %lt3A_681 : i32 to vector<16xi32>
          %lt3A_683 = arith.cmpi slt, %min3A_350, %lt3A_682 : vector<16xi32>
          %add3A_684 = arith.constant 16 : i32
          %add3A_685 = vector.broadcast %add3A_684 : i32 to vector<16xi32>
          %add3A_686 = arith.addi %min3A_350, %add3A_685 : vector<16xi32>
          %select_n3A_687 = arith.select %lt3A_683, %add3A_686, %min3A_350 : vector<16xi1>, vector<16xi32>
          %reshape3A_688 = vector.shape_cast %select_n3A_687 : vector<16xi32> to vector<16x1xi32>
          %gather3A_689 = vector.shape_cast %reshape3A_688 : vector<16x1xi32> to vector<16xi32>
          %gather3A_690 = tpu.dynamic_gather %add3A_621[%gather3A_689] in [0] : vector<16xi32>, vector<16xi32> -> vector<16xi32>
          %lt3A_691 = arith.constant 0 : i32
          %lt3A_692 = vector.broadcast %lt3A_691 : i32 to vector<16xi32>
          %lt3A_693 = arith.cmpi slt, %min3A_350, %lt3A_692 : vector<16xi32>
          %add3A_694 = arith.constant 16 : i32
          %add3A_695 = vector.broadcast %add3A_694 : i32 to vector<16xi32>
          %add3A_696 = arith.addi %min3A_350, %add3A_695 : vector<16xi32>
          %select_n3A_697 = arith.select %lt3A_693, %add3A_696, %min3A_350 : vector<16xi1>, vector<16xi32>
          %reshape3A_698 = vector.shape_cast %select_n3A_697 : vector<16xi32> to vector<16x1xi32>
          %gather3A_699 = vector.shape_cast %reshape3A_698 : vector<16x1xi32> to vector<16xi32>
          %gather3A_700 = tpu.dynamic_gather %add3A_622[%gather3A_699] in [0] : vector<16xi32>, vector<16xi32> -> vector<16xi32>
          %ne3A_701 = arith.cmpi ne, %add3A_615, %gather3A_630 : vector<16xi32>
          %ne3A_702 = arith.cmpi ne, %add3A_616, %gather3A_640 : vector<16xi32>
          %ne3A_703 = arith.cmpi ne, %add3A_617, %gather3A_650 : vector<16xi32>
          %ne3A_704 = arith.cmpi ne, %add3A_618, %gather3A_660 : vector<16xi32>
          %ne3A_705 = arith.cmpi ne, %add3A_619, %gather3A_670 : vector<16xi32>
          %ne3A_706 = arith.cmpi ne, %add3A_620, %gather3A_680 : vector<16xi32>
          %ne3A_707 = arith.cmpi ne, %add3A_621, %gather3A_690 : vector<16xi32>
          %ne3A_708 = arith.cmpi ne, %add3A_622, %gather3A_700 : vector<16xi32>
          %or3A = arith.ori %ne3A_701, %eq3A_378 : vector<16xi1>
          %or3A_709 = arith.ori %ne3A_702, %eq3A_378 : vector<16xi1>
          %or3A_710 = arith.ori %ne3A_703, %eq3A_378 : vector<16xi1>
          %or3A_711 = arith.ori %ne3A_704, %eq3A_378 : vector<16xi1>
          %or3A_712 = arith.ori %ne3A_705, %eq3A_378 : vector<16xi1>
          %or3A_713 = arith.ori %ne3A_706, %eq3A_378 : vector<16xi1>
          %or3A_714 = arith.ori %ne3A_707, %eq3A_378 : vector<16xi1>
          %or3A_715 = arith.ori %ne3A_708, %eq3A_378 : vector<16xi1>
          %sub3A_716 = arith.constant 1 : i32
          %sub3A_717 = arith.subi %add3A_507, %sub3A_716 : i32
          %get3A_718 = arith.index_cast %sub3A_717 : i32 to index
          %get3A_719 = tpu.vector_load %arg7[%get3A_718] {strides = array<i32>} : memref<16448xi32, #tpu.memory_space<vmem>>, vector<16xi32>,
          %eq3A_720 = arith.cmpi eq, %get3A_584, %get3A_719 : vector<16xi32>
          %lt3A_721 = arith.constant 0 : i32
          %lt3A_722 = vector.broadcast %lt3A_721 : i32 to vector<16xi32>
          %lt3A_723 = arith.cmpi slt, %max3A_358, %lt3A_722 : vector<16xi32>
          %add3A_724 = arith.constant 16 : i32
          %add3A_725 = vector.broadcast %add3A_724 : i32 to vector<16xi32>
          %add3A_726 = arith.addi %max3A_358, %add3A_725 : vector<16xi32>
          %select_n3A_727 = arith.select %lt3A_723, %add3A_726, %max3A_358 : vector<16xi1>, vector<16xi32>
          %reshape3A_728 = vector.shape_cast %select_n3A_727 : vector<16xi32> to vector<16x1xi32>
          %gather3A_729 = vector.shape_cast %reshape3A_728 : vector<16x1xi32> to vector<16xi32>
          %gather3A_730 = tpu.dynamic_gather %get3A_600[%gather3A_729] in [0] : vector<16xf32>, vector<16xi32> -> vector<16xf32>
          %max3A_731 = arith.maximumf %get3A_600, %gather3A_730 : vector<16xf32>
          %select_n3A_732 = arith.select %eq3A_720, %max3A_731, %get3A_600 : vector<16xi1>, vector<16xf32>
          %sub3A_733 = arith.constant 1 : i32
          %sub3A_734 = arith.subi %add3A_512, %sub3A_733 : i32
          %get3A_735 = arith.index_cast %sub3A_734 : i32 to index
          %get3A_736 = tpu.vector_load %arg7[%get3A_735] {strides = array<i32>} : memref<16448xi32, #tpu.memory_space<vmem>>, vector<16xi32>,
          %eq3A_737 = arith.cmpi eq, %get3A_586, %get3A_736 : vector<16xi32>
          %lt3A_738 = arith.constant 0 : i32
          %lt3A_739 = vector.broadcast %lt3A_738 : i32 to vector<16xi32>
          %lt3A_740 = arith.cmpi slt, %max3A_358, %lt3A_739 : vector<16xi32>
          %add3A_741 = arith.constant 16 : i32
          %add3A_742 = vector.broadcast %add3A_741 : i32 to vector<16xi32>
          %add3A_743 = arith.addi %max3A_358, %add3A_742 : vector<16xi32>
          %select_n3A_744 = arith.select %lt3A_740, %add3A_743, %max3A_358 : vector<16xi1>, vector<16xi32>
          %reshape3A_745 = vector.shape_cast %select_n3A_744 : vector<16xi32> to vector<16x1xi32>
          %gather3A_746 = vector.shape_cast %reshape3A_745 : vector<16x1xi32> to vector<16xi32>
          %gather3A_747 = tpu.dynamic_gather %get3A_602[%gather3A_746] in [0] : vector<16xf32>, vector<16xi32> -> vector<16xf32>
          %max3A_748 = arith.maximumf %get3A_602, %gather3A_747 : vector<16xf32>
          %select_n3A_749 = arith.select %eq3A_737, %max3A_748, %get3A_602 : vector<16xi1>, vector<16xf32>
          %sub3A_750 = arith.constant 1 : i32
          %sub3A_751 = arith.subi %add3A_517, %sub3A_750 : i32
          %get3A_752 = arith.index_cast %sub3A_751 : i32 to index
          %get3A_753 = tpu.vector_load %arg7[%get3A_752] {strides = array<i32>} : memref<16448xi32, #tpu.memory_space<vmem>>, vector<16xi32>,
          %eq3A_754 = arith.cmpi eq, %get3A_588, %get3A_753 : vector<16xi32>
          %lt3A_755 = arith.constant 0 : i32
          %lt3A_756 = vector.broadcast %lt3A_755 : i32 to vector<16xi32>
          %lt3A_757 = arith.cmpi slt, %max3A_358, %lt3A_756 : vector<16xi32>
          %add3A_758 = arith.constant 16 : i32
          %add3A_759 = vector.broadcast %add3A_758 : i32 to vector<16xi32>
          %add3A_760 = arith.addi %max3A_358, %add3A_759 : vector<16xi32>
          %select_n3A_761 = arith.select %lt3A_757, %add3A_760, %max3A_358 : vector<16xi1>, vector<16xi32>
          %reshape3A_762 = vector.shape_cast %select_n3A_761 : vector<16xi32> to vector<16x1xi32>
          %gather3A_763 = vector.shape_cast %reshape3A_762 : vector<16x1xi32> to vector<16xi32>
          %gather3A_764 = tpu.dynamic_gather %get3A_604[%gather3A_763] in [0] : vector<16xf32>, vector<16xi32> -> vector<16xf32>
          %max3A_765 = arith.maximumf %get3A_604, %gather3A_764 : vector<16xf32>
          %select_n3A_766 = arith.select %eq3A_754, %max3A_765, %get3A_604 : vector<16xi1>, vector<16xf32>
          %sub3A_767 = arith.constant 1 : i32
          %sub3A_768 = arith.subi %add3A_522, %sub3A_767 : i32
          %get3A_769 = arith.index_cast %sub3A_768 : i32 to index
          %get3A_770 = tpu.vector_load %arg7[%get3A_769] {strides = array<i32>} : memref<16448xi32, #tpu.memory_space<vmem>>, vector<16xi32>,
          %eq3A_771 = arith.cmpi eq, %get3A_590, %get3A_770 : vector<16xi32>
          %lt3A_772 = arith.constant 0 : i32
          %lt3A_773 = vector.broadcast %lt3A_772 : i32 to vector<16xi32>
          %lt3A_774 = arith.cmpi slt, %max3A_358, %lt3A_773 : vector<16xi32>
          %add3A_775 = arith.constant 16 : i32
          %add3A_776 = vector.broadcast %add3A_775 : i32 to vector<16xi32>
          %add3A_777 = arith.addi %max3A_358, %add3A_776 : vector<16xi32>
          %select_n3A_778 = arith.select %lt3A_774, %add3A_777, %max3A_358 : vector<16xi1>, vector<16xi32>
          %reshape3A_779 = vector.shape_cast %select_n3A_778 : vector<16xi32> to vector<16x1xi32>
          %gather3A_780 = vector.shape_cast %reshape3A_779 : vector<16x1xi32> to vector<16xi32>
          %gather3A_781 = tpu.dynamic_gather %get3A_606[%gather3A_780] in [0] : vector<16xf32>, vector<16xi32> -> vector<16xf32>
          %max3A_782 = arith.maximumf %get3A_606, %gather3A_781 : vector<16xf32>
          %select_n3A_783 = arith.select %eq3A_771, %max3A_782, %get3A_606 : vector<16xi1>, vector<16xf32>
          %sub3A_784 = arith.constant 1 : i32
          %sub3A_785 = arith.subi %add3A_527, %sub3A_784 : i32
          %get3A_786 = arith.index_cast %sub3A_785 : i32 to index
          %get3A_787 = tpu.vector_load %arg7[%get3A_786] {strides = array<i32>} : memref<16448xi32, #tpu.memory_space<vmem>>, vector<16xi32>,
          %eq3A_788 = arith.cmpi eq, %get3A_592, %get3A_787 : vector<16xi32>
          %lt3A_789 = arith.constant 0 : i32
          %lt3A_790 = vector.broadcast %lt3A_789 : i32 to vector<16xi32>
          %lt3A_791 = arith.cmpi slt, %max3A_358, %lt3A_790 : vector<16xi32>
          %add3A_792 = arith.constant 16 : i32
          %add3A_793 = vector.broadcast %add3A_792 : i32 to vector<16xi32>
          %add3A_794 = arith.addi %max3A_358, %add3A_793 : vector<16xi32>
          %select_n3A_795 = arith.select %lt3A_791, %add3A_794, %max3A_358 : vector<16xi1>, vector<16xi32>
          %reshape3A_796 = vector.shape_cast %select_n3A_795 : vector<16xi32> to vector<16x1xi32>
          %gather3A_797 = vector.shape_cast %reshape3A_796 : vector<16x1xi32> to vector<16xi32>
          %gather3A_798 = tpu.dynamic_gather %get3A_608[%gather3A_797] in [0] : vector<16xf32>, vector<16xi32> -> vector<16xf32>
          %max3A_799 = arith.maximumf %get3A_608, %gather3A_798 : vector<16xf32>
          %select_n3A_800 = arith.select %eq3A_788, %max3A_799, %get3A_608 : vector<16xi1>, vector<16xf32>
          %sub3A_801 = arith.constant 1 : i32
          %sub3A_802 = arith.subi %add3A_532, %sub3A_801 : i32
          %get3A_803 = arith.index_cast %sub3A_802 : i32 to index
          %get3A_804 = tpu.vector_load %arg7[%get3A_803] {strides = array<i32>} : memref<16448xi32, #tpu.memory_space<vmem>>, vector<16xi32>,
          %eq3A_805 = arith.cmpi eq, %get3A_594, %get3A_804 : vector<16xi32>
          %lt3A_806 = arith.constant 0 : i32
          %lt3A_807 = vector.broadcast %lt3A_806 : i32 to vector<16xi32>
          %lt3A_808 = arith.cmpi slt, %max3A_358, %lt3A_807 : vector<16xi32>
          %add3A_809 = arith.constant 16 : i32
          %add3A_810 = vector.broadcast %add3A_809 : i32 to vector<16xi32>
          %add3A_811 = arith.addi %max3A_358, %add3A_810 : vector<16xi32>
          %select_n3A_812 = arith.select %lt3A_808, %add3A_811, %max3A_358 : vector<16xi1>, vector<16xi32>
          %reshape3A_813 = vector.shape_cast %select_n3A_812 : vector<16xi32> to vector<16x1xi32>
          %gather3A_814 = vector.shape_cast %reshape3A_813 : vector<16x1xi32> to vector<16xi32>
          %gather3A_815 = tpu.dynamic_gather %get3A_610[%gather3A_814] in [0] : vector<16xf32>, vector<16xi32> -> vector<16xf32>
          %max3A_816 = arith.maximumf %get3A_610, %gather3A_815 : vector<16xf32>
          %select_n3A_817 = arith.select %eq3A_805, %max3A_816, %get3A_610 : vector<16xi1>, vector<16xf32>
          %sub3A_818 = arith.constant 1 : i32
          %sub3A_819 = arith.subi %add3A_537, %sub3A_818 : i32
          %get3A_820 = arith.index_cast %sub3A_819 : i32 to index
          %get3A_821 = tpu.vector_load %arg7[%get3A_820] {strides = array<i32>} : memref<16448xi32, #tpu.memory_space<vmem>>, vector<16xi32>,
          %eq3A_822 = arith.cmpi eq, %get3A_596, %get3A_821 : vector<16xi32>
          %lt3A_823 = arith.constant 0 : i32
          %lt3A_824 = vector.broadcast %lt3A_823 : i32 to vector<16xi32>
          %lt3A_825 = arith.cmpi slt, %max3A_358, %lt3A_824 : vector<16xi32>
          %add3A_826 = arith.constant 16 : i32
          %add3A_827 = vector.broadcast %add3A_826 : i32 to vector<16xi32>
          %add3A_828 = arith.addi %max3A_358, %add3A_827 : vector<16xi32>
          %select_n3A_829 = arith.select %lt3A_825, %add3A_828, %max3A_358 : vector<16xi1>, vector<16xi32>
          %reshape3A_830 = vector.shape_cast %select_n3A_829 : vector<16xi32> to vector<16x1xi32>
          %gather3A_831 = vector.shape_cast %reshape3A_830 : vector<16x1xi32> to vector<16xi32>
          %gather3A_832 = tpu.dynamic_gather %get3A_612[%gather3A_831] in [0] : vector<16xf32>, vector<16xi32> -> vector<16xf32>
          %max3A_833 = arith.maximumf %get3A_612, %gather3A_832 : vector<16xf32>
          %select_n3A_834 = arith.select %eq3A_822, %max3A_833, %get3A_612 : vector<16xi1>, vector<16xf32>
          %sub3A_835 = arith.constant 1 : i32
          %sub3A_836 = arith.subi %add3A_542, %sub3A_835 : i32
          %get3A_837 = arith.index_cast %sub3A_836 : i32 to index
          %get3A_838 = tpu.vector_load %arg7[%get3A_837] {strides = array<i32>} : memref<16448xi32, #tpu.memory_space<vmem>>, vector<16xi32>,
          %eq3A_839 = arith.cmpi eq, %get3A_598, %get3A_838 : vector<16xi32>
          %lt3A_840 = arith.constant 0 : i32
          %lt3A_841 = vector.broadcast %lt3A_840 : i32 to vector<16xi32>
          %lt3A_842 = arith.cmpi slt, %max3A_358, %lt3A_841 : vector<16xi32>
          %add3A_843 = arith.constant 16 : i32
          %add3A_844 = vector.broadcast %add3A_843 : i32 to vector<16xi32>
          %add3A_845 = arith.addi %max3A_358, %add3A_844 : vector<16xi32>
          %select_n3A_846 = arith.select %lt3A_842, %add3A_845, %max3A_358 : vector<16xi1>, vector<16xi32>
          %reshape3A_847 = vector.shape_cast %select_n3A_846 : vector<16xi32> to vector<16x1xi32>
          %gather3A_848 = vector.shape_cast %reshape3A_847 : vector<16x1xi32> to vector<16xi32>
          %gather3A_849 = tpu.dynamic_gather %get3A_614[%gather3A_848] in [0] : vector<16xf32>, vector<16xi32> -> vector<16xf32>
          %max3A_850 = arith.maximumf %get3A_614, %gather3A_849 : vector<16xf32>
          %select_n3A_851 = arith.select %eq3A_839, %max3A_850, %get3A_614 : vector<16xi1>, vector<16xf32>
          %sub3A_852 = arith.constant 2 : i32
          %sub3A_853 = arith.subi %add3A_507, %sub3A_852 : i32
          %get3A_854 = arith.index_cast %sub3A_853 : i32 to index
          %get3A_855 = tpu.vector_load %arg7[%get3A_854] {strides = array<i32>} : memref<16448xi32, #tpu.memory_space<vmem>>, vector<16xi32>,
          %eq3A_856 = arith.cmpi eq, %get3A_584, %get3A_855 : vector<16xi32>
          %lt3A_857 = arith.constant 0 : i32
          %lt3A_858 = vector.broadcast %lt3A_857 : i32 to vector<16xi32>
          %lt3A_859 = arith.cmpi slt, %max3A_364, %lt3A_858 : vector<16xi32>
          %add3A_860 = arith.constant 16 : i32
          %add3A_861 = vector.broadcast %add3A_860 : i32 to vector<16xi32>
          %add3A_862 = arith.addi %max3A_364, %add3A_861 : vector<16xi32>
          %select_n3A_863 = arith.select %lt3A_859, %add3A_862, %max3A_364 : vector<16xi1>, vector<16xi32>
          %reshape3A_864 = vector.shape_cast %select_n3A_863 : vector<16xi32> to vector<16x1xi32>
          %gather3A_865 = vector.shape_cast %reshape3A_864 : vector<16x1xi32> to vector<16xi32>
          %gather3A_866 = tpu.dynamic_gather %select_n3A_732[%gather3A_865] in [0] : vector<16xf32>, vector<16xi32> -> vector<16xf32>
          %max3A_867 = arith.maximumf %select_n3A_732, %gather3A_866 : vector<16xf32>
          %select_n3A_868 = arith.select %eq3A_856, %max3A_867, %select_n3A_732 : vector<16xi1>, vector<16xf32>
          %sub3A_869 = arith.constant 2 : i32
          %sub3A_870 = arith.subi %add3A_512, %sub3A_869 : i32
          %get3A_871 = arith.index_cast %sub3A_870 : i32 to index
          %get3A_872 = tpu.vector_load %arg7[%get3A_871] {strides = array<i32>} : memref<16448xi32, #tpu.memory_space<vmem>>, vector<16xi32>,
          %eq3A_873 = arith.cmpi eq, %get3A_586, %get3A_872 : vector<16xi32>
          %lt3A_874 = arith.constant 0 : i32
          %lt3A_875 = vector.broadcast %lt3A_874 : i32 to vector<16xi32>
          %lt3A_876 = arith.cmpi slt, %max3A_364, %lt3A_875 : vector<16xi32>
          %add3A_877 = arith.constant 16 : i32
          %add3A_878 = vector.broadcast %add3A_877 : i32 to vector<16xi32>
          %add3A_879 = arith.addi %max3A_364, %add3A_878 : vector<16xi32>
          %select_n3A_880 = arith.select %lt3A_876, %add3A_879, %max3A_364 : vector<16xi1>, vector<16xi32>
          %reshape3A_881 = vector.shape_cast %select_n3A_880 : vector<16xi32> to vector<16x1xi32>
          %gather3A_882 = vector.shape_cast %reshape3A_881 : vector<16x1xi32> to vector<16xi32>
          %gather3A_883 = tpu.dynamic_gather %select_n3A_749[%gather3A_882] in [0] : vector<16xf32>, vector<16xi32> -> vector<16xf32>
          %max3A_884 = arith.maximumf %select_n3A_749, %gather3A_883 : vector<16xf32>
          %select_n3A_885 = arith.select %eq3A_873, %max3A_884, %select_n3A_749 : vector<16xi1>, vector<16xf32>
          %sub3A_886 = arith.constant 2 : i32
          %sub3A_887 = arith.subi %add3A_517, %sub3A_886 : i32
          %get3A_888 = arith.index_cast %sub3A_887 : i32 to index
          %get3A_889 = tpu.vector_load %arg7[%get3A_888] {strides = array<i32>} : memref<16448xi32, #tpu.memory_space<vmem>>, vector<16xi32>,
          %eq3A_890 = arith.cmpi eq, %get3A_588, %get3A_889 : vector<16xi32>
          %lt3A_891 = arith.constant 0 : i32
          %lt3A_892 = vector.broadcast %lt3A_891 : i32 to vector<16xi32>
          %lt3A_893 = arith.cmpi slt, %max3A_364, %lt3A_892 : vector<16xi32>
          %add3A_894 = arith.constant 16 : i32
          %add3A_895 = vector.broadcast %add3A_894 : i32 to vector<16xi32>
          %add3A_896 = arith.addi %max3A_364, %add3A_895 : vector<16xi32>
          %select_n3A_897 = arith.select %lt3A_893, %add3A_896, %max3A_364 : vector<16xi1>, vector<16xi32>
          %reshape3A_898 = vector.shape_cast %select_n3A_897 : vector<16xi32> to vector<16x1xi32>
          %gather3A_899 = vector.shape_cast %reshape3A_898 : vector<16x1xi32> to vector<16xi32>
          %gather3A_900 = tpu.dynamic_gather %select_n3A_766[%gather3A_899] in [0] : vector<16xf32>, vector<16xi32> -> vector<16xf32>
          %max3A_901 = arith.maximumf %select_n3A_766, %gather3A_900 : vector<16xf32>
          %select_n3A_902 = arith.select %eq3A_890, %max3A_901, %select_n3A_766 : vector<16xi1>, vector<16xf32>
          %sub3A_903 = arith.constant 2 : i32
          %sub3A_904 = arith.subi %add3A_522, %sub3A_903 : i32
          %get3A_905 = arith.index_cast %sub3A_904 : i32 to index
          %get3A_906 = tpu.vector_load %arg7[%get3A_905] {strides = array<i32>} : memref<16448xi32, #tpu.memory_space<vmem>>, vector<16xi32>,
          %eq3A_907 = arith.cmpi eq, %get3A_590, %get3A_906 : vector<16xi32>
          %lt3A_908 = arith.constant 0 : i32
          %lt3A_909 = vector.broadcast %lt3A_908 : i32 to vector<16xi32>
          %lt3A_910 = arith.cmpi slt, %max3A_364, %lt3A_909 : vector<16xi32>
          %add3A_911 = arith.constant 16 : i32
          %add3A_912 = vector.broadcast %add3A_911 : i32 to vector<16xi32>
          %add3A_913 = arith.addi %max3A_364, %add3A_912 : vector<16xi32>
          %select_n3A_914 = arith.select %lt3A_910, %add3A_913, %max3A_364 : vector<16xi1>, vector<16xi32>
          %reshape3A_915 = vector.shape_cast %select_n3A_914 : vector<16xi32> to vector<16x1xi32>
          %gather3A_916 = vector.shape_cast %reshape3A_915 : vector<16x1xi32> to vector<16xi32>
          %gather3A_917 = tpu.dynamic_gather %select_n3A_783[%gather3A_916] in [0] : vector<16xf32>, vector<16xi32> -> vector<16xf32>
          %max3A_918 = arith.maximumf %select_n3A_783, %gather3A_917 : vector<16xf32>
          %select_n3A_919 = arith.select %eq3A_907, %max3A_918, %select_n3A_783 : vector<16xi1>, vector<16xf32>
          %sub3A_920 = arith.constant 2 : i32
          %sub3A_921 = arith.subi %add3A_527, %sub3A_920 : i32
          %get3A_922 = arith.index_cast %sub3A_921 : i32 to index
          %get3A_923 = tpu.vector_load %arg7[%get3A_922] {strides = array<i32>} : memref<16448xi32, #tpu.memory_space<vmem>>, vector<16xi32>,
          %eq3A_924 = arith.cmpi eq, %get3A_592, %get3A_923 : vector<16xi32>
          %lt3A_925 = arith.constant 0 : i32
          %lt3A_926 = vector.broadcast %lt3A_925 : i32 to vector<16xi32>
          %lt3A_927 = arith.cmpi slt, %max3A_364, %lt3A_926 : vector<16xi32>
          %add3A_928 = arith.constant 16 : i32
          %add3A_929 = vector.broadcast %add3A_928 : i32 to vector<16xi32>
          %add3A_930 = arith.addi %max3A_364, %add3A_929 : vector<16xi32>
          %select_n3A_931 = arith.select %lt3A_927, %add3A_930, %max3A_364 : vector<16xi1>, vector<16xi32>
          %reshape3A_932 = vector.shape_cast %select_n3A_931 : vector<16xi32> to vector<16x1xi32>
          %gather3A_933 = vector.shape_cast %reshape3A_932 : vector<16x1xi32> to vector<16xi32>
          %gather3A_934 = tpu.dynamic_gather %select_n3A_800[%gather3A_933] in [0] : vector<16xf32>, vector<16xi32> -> vector<16xf32>
          %max3A_935 = arith.maximumf %select_n3A_800, %gather3A_934 : vector<16xf32>
          %select_n3A_936 = arith.select %eq3A_924, %max3A_935, %select_n3A_800 : vector<16xi1>, vector<16xf32>
          %sub3A_937 = arith.constant 2 : i32
          %sub3A_938 = arith.subi %add3A_532, %sub3A_937 : i32
          %get3A_939 = arith.index_cast %sub3A_938 : i32 to index
          %get3A_940 = tpu.vector_load %arg7[%get3A_939] {strides = array<i32>} : memref<16448xi32, #tpu.memory_space<vmem>>, vector<16xi32>,
          %eq3A_941 = arith.cmpi eq, %get3A_594, %get3A_940 : vector<16xi32>
          %lt3A_942 = arith.constant 0 : i32
          %lt3A_943 = vector.broadcast %lt3A_942 : i32 to vector<16xi32>
          %lt3A_944 = arith.cmpi slt, %max3A_364, %lt3A_943 : vector<16xi32>
          %add3A_945 = arith.constant 16 : i32
          %add3A_946 = vector.broadcast %add3A_945 : i32 to vector<16xi32>
          %add3A_947 = arith.addi %max3A_364, %add3A_946 : vector<16xi32>
          %select_n3A_948 = arith.select %lt3A_944, %add3A_947, %max3A_364 : vector<16xi1>, vector<16xi32>
          %reshape3A_949 = vector.shape_cast %select_n3A_948 : vector<16xi32> to vector<16x1xi32>
          %gather3A_950 = vector.shape_cast %reshape3A_949 : vector<16x1xi32> to vector<16xi32>
          %gather3A_951 = tpu.dynamic_gather %select_n3A_817[%gather3A_950] in [0] : vector<16xf32>, vector<16xi32> -> vector<16xf32>
          %max3A_952 = arith.maximumf %select_n3A_817, %gather3A_951 : vector<16xf32>
          %select_n3A_953 = arith.select %eq3A_941, %max3A_952, %select_n3A_817 : vector<16xi1>, vector<16xf32>
          %sub3A_954 = arith.constant 2 : i32
          %sub3A_955 = arith.subi %add3A_537, %sub3A_954 : i32
          %get3A_956 = arith.index_cast %sub3A_955 : i32 to index
          %get3A_957 = tpu.vector_load %arg7[%get3A_956] {strides = array<i32>} : memref<16448xi32, #tpu.memory_space<vmem>>, vector<16xi32>,
          %eq3A_958 = arith.cmpi eq, %get3A_596, %get3A_957 : vector<16xi32>
          %lt3A_959 = arith.constant 0 : i32
          %lt3A_960 = vector.broadcast %lt3A_959 : i32 to vector<16xi32>
          %lt3A_961 = arith.cmpi slt, %max3A_364, %lt3A_960 : vector<16xi32>
          %add3A_962 = arith.constant 16 : i32
          %add3A_963 = vector.broadcast %add3A_962 : i32 to vector<16xi32>
          %add3A_964 = arith.addi %max3A_364, %add3A_963 : vector<16xi32>
          %select_n3A_965 = arith.select %lt3A_961, %add3A_964, %max3A_364 : vector<16xi1>, vector<16xi32>
          %reshape3A_966 = vector.shape_cast %select_n3A_965 : vector<16xi32> to vector<16x1xi32>
          %gather3A_967 = vector.shape_cast %reshape3A_966 : vector<16x1xi32> to vector<16xi32>
          %gather3A_968 = tpu.dynamic_gather %select_n3A_834[%gather3A_967] in [0] : vector<16xf32>, vector<16xi32> -> vector<16xf32>
          %max3A_969 = arith.maximumf %select_n3A_834, %gather3A_968 : vector<16xf32>
          %select_n3A_970 = arith.select %eq3A_958, %max3A_969, %select_n3A_834 : vector<16xi1>, vector<16xf32>
          %sub3A_971 = arith.constant 2 : i32
          %sub3A_972 = arith.subi %add3A_542, %sub3A_971 : i32
          %get3A_973 = arith.index_cast %sub3A_972 : i32 to index
          %get3A_974 = tpu.vector_load %arg7[%get3A_973] {strides = array<i32>} : memref<16448xi32, #tpu.memory_space<vmem>>, vector<16xi32>,
          %eq3A_975 = arith.cmpi eq, %get3A_598, %get3A_974 : vector<16xi32>
          %lt3A_976 = arith.constant 0 : i32
          %lt3A_977 = vector.broadcast %lt3A_976 : i32 to vector<16xi32>
          %lt3A_978 = arith.cmpi slt, %max3A_364, %lt3A_977 : vector<16xi32>
          %add3A_979 = arith.constant 16 : i32
          %add3A_980 = vector.broadcast %add3A_979 : i32 to vector<16xi32>
          %add3A_981 = arith.addi %max3A_364, %add3A_980 : vector<16xi32>
          %select_n3A_982 = arith.select %lt3A_978, %add3A_981, %max3A_364 : vector<16xi1>, vector<16xi32>
          %reshape3A_983 = vector.shape_cast %select_n3A_982 : vector<16xi32> to vector<16x1xi32>
          %gather3A_984 = vector.shape_cast %reshape3A_983 : vector<16x1xi32> to vector<16xi32>
          %gather3A_985 = tpu.dynamic_gather %select_n3A_851[%gather3A_984] in [0] : vector<16xf32>, vector<16xi32> -> vector<16xf32>
          %max3A_986 = arith.maximumf %select_n3A_851, %gather3A_985 : vector<16xf32>
          %select_n3A_987 = arith.select %eq3A_975, %max3A_986, %select_n3A_851 : vector<16xi1>, vector<16xf32>
          %sub3A_988 = arith.constant 4 : i32
          %sub3A_989 = arith.subi %add3A_507, %sub3A_988 : i32
          %get3A_990 = arith.index_cast %sub3A_989 : i32 to index
          %get3A_991 = tpu.vector_load %arg7[%get3A_990] {strides = array<i32>} : memref<16448xi32, #tpu.memory_space<vmem>>, vector<16xi32>,
          %eq3A_992 = arith.cmpi eq, %get3A_584, %get3A_991 : vector<16xi32>
          %lt3A_993 = arith.constant 0 : i32
          %lt3A_994 = vector.broadcast %lt3A_993 : i32 to vector<16xi32>
          %lt3A_995 = arith.cmpi slt, %max3A_370, %lt3A_994 : vector<16xi32>
          %add3A_996 = arith.constant 16 : i32
          %add3A_997 = vector.broadcast %add3A_996 : i32 to vector<16xi32>
          %add3A_998 = arith.addi %max3A_370, %add3A_997 : vector<16xi32>
          %select_n3A_999 = arith.select %lt3A_995, %add3A_998, %max3A_370 : vector<16xi1>, vector<16xi32>
          %reshape3A_1000 = vector.shape_cast %select_n3A_999 : vector<16xi32> to vector<16x1xi32>
          %gather3A_1001 = vector.shape_cast %reshape3A_1000 : vector<16x1xi32> to vector<16xi32>
          %gather3A_1002 = tpu.dynamic_gather %select_n3A_868[%gather3A_1001] in [0] : vector<16xf32>, vector<16xi32> -> vector<16xf32>
          %max3A_1003 = arith.maximumf %select_n3A_868, %gather3A_1002 : vector<16xf32>
          %select_n3A_1004 = arith.select %eq3A_992, %max3A_1003, %select_n3A_868 : vector<16xi1>, vector<16xf32>
          %sub3A_1005 = arith.constant 4 : i32
          %sub3A_1006 = arith.subi %add3A_512, %sub3A_1005 : i32
          %get3A_1007 = arith.index_cast %sub3A_1006 : i32 to index
          %get3A_1008 = tpu.vector_load %arg7[%get3A_1007] {strides = array<i32>} : memref<16448xi32, #tpu.memory_space<vmem>>, vector<16xi32>,
          %eq3A_1009 = arith.cmpi eq, %get3A_586, %get3A_1008 : vector<16xi32>
          %lt3A_1010 = arith.constant 0 : i32
          %lt3A_1011 = vector.broadcast %lt3A_1010 : i32 to vector<16xi32>
          %lt3A_1012 = arith.cmpi slt, %max3A_370, %lt3A_1011 : vector<16xi32>
          %add3A_1013 = arith.constant 16 : i32
          %add3A_1014 = vector.broadcast %add3A_1013 : i32 to vector<16xi32>
          %add3A_1015 = arith.addi %max3A_370, %add3A_1014 : vector<16xi32>
          %select_n3A_1016 = arith.select %lt3A_1012, %add3A_1015, %max3A_370 : vector<16xi1>, vector<16xi32>
          %reshape3A_1017 = vector.shape_cast %select_n3A_1016 : vector<16xi32> to vector<16x1xi32>
          %gather3A_1018 = vector.shape_cast %reshape3A_1017 : vector<16x1xi32> to vector<16xi32>
          %gather3A_1019 = tpu.dynamic_gather %select_n3A_885[%gather3A_1018] in [0] : vector<16xf32>, vector<16xi32> -> vector<16xf32>
          %max3A_1020 = arith.maximumf %select_n3A_885, %gather3A_1019 : vector<16xf32>
          %select_n3A_1021 = arith.select %eq3A_1009, %max3A_1020, %select_n3A_885 : vector<16xi1>, vector<16xf32>
          %sub3A_1022 = arith.constant 4 : i32
          %sub3A_1023 = arith.subi %add3A_517, %sub3A_1022 : i32
          %get3A_1024 = arith.index_cast %sub3A_1023 : i32 to index
          %get3A_1025 = tpu.vector_load %arg7[%get3A_1024] {strides = array<i32>} : memref<16448xi32, #tpu.memory_space<vmem>>, vector<16xi32>,
          %eq3A_1026 = arith.cmpi eq, %get3A_588, %get3A_1025 : vector<16xi32>
          %lt3A_1027 = arith.constant 0 : i32
          %lt3A_1028 = vector.broadcast %lt3A_1027 : i32 to vector<16xi32>
          %lt3A_1029 = arith.cmpi slt, %max3A_370, %lt3A_1028 : vector<16xi32>
          %add3A_1030 = arith.constant 16 : i32
          %add3A_1031 = vector.broadcast %add3A_1030 : i32 to vector<16xi32>
          %add3A_1032 = arith.addi %max3A_370, %add3A_1031 : vector<16xi32>
          %select_n3A_1033 = arith.select %lt3A_1029, %add3A_1032, %max3A_370 : vector<16xi1>, vector<16xi32>
          %reshape3A_1034 = vector.shape_cast %select_n3A_1033 : vector<16xi32> to vector<16x1xi32>
          %gather3A_1035 = vector.shape_cast %reshape3A_1034 : vector<16x1xi32> to vector<16xi32>
          %gather3A_1036 = tpu.dynamic_gather %select_n3A_902[%gather3A_1035] in [0] : vector<16xf32>, vector<16xi32> -> vector<16xf32>
          %max3A_1037 = arith.maximumf %select_n3A_902, %gather3A_1036 : vector<16xf32>
          %select_n3A_1038 = arith.select %eq3A_1026, %max3A_1037, %select_n3A_902 : vector<16xi1>, vector<16xf32>
          %sub3A_1039 = arith.constant 4 : i32
          %sub3A_1040 = arith.subi %add3A_522, %sub3A_1039 : i32
          %get3A_1041 = arith.index_cast %sub3A_1040 : i32 to index
          %get3A_1042 = tpu.vector_load %arg7[%get3A_1041] {strides = array<i32>} : memref<16448xi32, #tpu.memory_space<vmem>>, vector<16xi32>,
          %eq3A_1043 = arith.cmpi eq, %get3A_590, %get3A_1042 : vector<16xi32>
          %lt3A_1044 = arith.constant 0 : i32
          %lt3A_1045 = vector.broadcast %lt3A_1044 : i32 to vector<16xi32>
          %lt3A_1046 = arith.cmpi slt, %max3A_370, %lt3A_1045 : vector<16xi32>
          %add3A_1047 = arith.constant 16 : i32
          %add3A_1048 = vector.broadcast %add3A_1047 : i32 to vector<16xi32>
          %add3A_1049 = arith.addi %max3A_370, %add3A_1048 : vector<16xi32>
          %select_n3A_1050 = arith.select %lt3A_1046, %add3A_1049, %max3A_370 : vector<16xi1>, vector<16xi32>
          %reshape3A_1051 = vector.shape_cast %select_n3A_1050 : vector<16xi32> to vector<16x1xi32>
          %gather3A_1052 = vector.shape_cast %reshape3A_1051 : vector<16x1xi32> to vector<16xi32>
          %gather3A_1053 = tpu.dynamic_gather %select_n3A_919[%gather3A_1052] in [0] : vector<16xf32>, vector<16xi32> -> vector<16xf32>
          %max3A_1054 = arith.maximumf %select_n3A_919, %gather3A_1053 : vector<16xf32>
          %select_n3A_1055 = arith.select %eq3A_1043, %max3A_1054, %select_n3A_919 : vector<16xi1>, vector<16xf32>
          %sub3A_1056 = arith.constant 4 : i32
          %sub3A_1057 = arith.subi %add3A_527, %sub3A_1056 : i32
          %get3A_1058 = arith.index_cast %sub3A_1057 : i32 to index
          %get3A_1059 = tpu.vector_load %arg7[%get3A_1058] {strides = array<i32>} : memref<16448xi32, #tpu.memory_space<vmem>>, vector<16xi32>,
          %eq3A_1060 = arith.cmpi eq, %get3A_592, %get3A_1059 : vector<16xi32>
          %lt3A_1061 = arith.constant 0 : i32
          %lt3A_1062 = vector.broadcast %lt3A_1061 : i32 to vector<16xi32>
          %lt3A_1063 = arith.cmpi slt, %max3A_370, %lt3A_1062 : vector<16xi32>
          %add3A_1064 = arith.constant 16 : i32
          %add3A_1065 = vector.broadcast %add3A_1064 : i32 to vector<16xi32>
          %add3A_1066 = arith.addi %max3A_370, %add3A_1065 : vector<16xi32>
          %select_n3A_1067 = arith.select %lt3A_1063, %add3A_1066, %max3A_370 : vector<16xi1>, vector<16xi32>
          %reshape3A_1068 = vector.shape_cast %select_n3A_1067 : vector<16xi32> to vector<16x1xi32>
          %gather3A_1069 = vector.shape_cast %reshape3A_1068 : vector<16x1xi32> to vector<16xi32>
          %gather3A_1070 = tpu.dynamic_gather %select_n3A_936[%gather3A_1069] in [0] : vector<16xf32>, vector<16xi32> -> vector<16xf32>
          %max3A_1071 = arith.maximumf %select_n3A_936, %gather3A_1070 : vector<16xf32>
          %select_n3A_1072 = arith.select %eq3A_1060, %max3A_1071, %select_n3A_936 : vector<16xi1>, vector<16xf32>
          %sub3A_1073 = arith.constant 4 : i32
          %sub3A_1074 = arith.subi %add3A_532, %sub3A_1073 : i32
          %get3A_1075 = arith.index_cast %sub3A_1074 : i32 to index
          %get3A_1076 = tpu.vector_load %arg7[%get3A_1075] {strides = array<i32>} : memref<16448xi32, #tpu.memory_space<vmem>>, vector<16xi32>,
          %eq3A_1077 = arith.cmpi eq, %get3A_594, %get3A_1076 : vector<16xi32>
          %lt3A_1078 = arith.constant 0 : i32
          %lt3A_1079 = vector.broadcast %lt3A_1078 : i32 to vector<16xi32>
          %lt3A_1080 = arith.cmpi slt, %max3A_370, %lt3A_1079 : vector<16xi32>
          %add3A_1081 = arith.constant 16 : i32
          %add3A_1082 = vector.broadcast %add3A_1081 : i32 to vector<16xi32>
          %add3A_1083 = arith.addi %max3A_370, %add3A_1082 : vector<16xi32>
          %select_n3A_1084 = arith.select %lt3A_1080, %add3A_1083, %max3A_370 : vector<16xi1>, vector<16xi32>
          %reshape3A_1085 = vector.shape_cast %select_n3A_1084 : vector<16xi32> to vector<16x1xi32>
          %gather3A_1086 = vector.shape_cast %reshape3A_1085 : vector<16x1xi32> to vector<16xi32>
          %gather3A_1087 = tpu.dynamic_gather %select_n3A_953[%gather3A_1086] in [0] : vector<16xf32>, vector<16xi32> -> vector<16xf32>
          %max3A_1088 = arith.maximumf %select_n3A_953, %gather3A_1087 : vector<16xf32>
          %select_n3A_1089 = arith.select %eq3A_1077, %max3A_1088, %select_n3A_953 : vector<16xi1>, vector<16xf32>
          %sub3A_1090 = arith.constant 4 : i32
          %sub3A_1091 = arith.subi %add3A_537, %sub3A_1090 : i32
          %get3A_1092 = arith.index_cast %sub3A_1091 : i32 to index
          %get3A_1093 = tpu.vector_load %arg7[%get3A_1092] {strides = array<i32>} : memref<16448xi32, #tpu.memory_space<vmem>>, vector<16xi32>,
          %eq3A_1094 = arith.cmpi eq, %get3A_596, %get3A_1093 : vector<16xi32>
          %lt3A_1095 = arith.constant 0 : i32
          %lt3A_1096 = vector.broadcast %lt3A_1095 : i32 to vector<16xi32>
          %lt3A_1097 = arith.cmpi slt, %max3A_370, %lt3A_1096 : vector<16xi32>
          %add3A_1098 = arith.constant 16 : i32
          %add3A_1099 = vector.broadcast %add3A_1098 : i32 to vector<16xi32>
          %add3A_1100 = arith.addi %max3A_370, %add3A_1099 : vector<16xi32>
          %select_n3A_1101 = arith.select %lt3A_1097, %add3A_1100, %max3A_370 : vector<16xi1>, vector<16xi32>
          %reshape3A_1102 = vector.shape_cast %select_n3A_1101 : vector<16xi32> to vector<16x1xi32>
          %gather3A_1103 = vector.shape_cast %reshape3A_1102 : vector<16x1xi32> to vector<16xi32>
          %gather3A_1104 = tpu.dynamic_gather %select_n3A_970[%gather3A_1103] in [0] : vector<16xf32>, vector<16xi32> -> vector<16xf32>
          %max3A_1105 = arith.maximumf %select_n3A_970, %gather3A_1104 : vector<16xf32>
          %select_n3A_1106 = arith.select %eq3A_1094, %max3A_1105, %select_n3A_970 : vector<16xi1>, vector<16xf32>
          %sub3A_1107 = arith.constant 4 : i32
          %sub3A_1108 = arith.subi %add3A_542, %sub3A_1107 : i32
          %get3A_1109 = arith.index_cast %sub3A_1108 : i32 to index
          %get3A_1110 = tpu.vector_load %arg7[%get3A_1109] {strides = array<i32>} : memref<16448xi32, #tpu.memory_space<vmem>>, vector<16xi32>,
          %eq3A_1111 = arith.cmpi eq, %get3A_598, %get3A_1110 : vector<16xi32>
          %lt3A_1112 = arith.constant 0 : i32
          %lt3A_1113 = vector.broadcast %lt3A_1112 : i32 to vector<16xi32>
          %lt3A_1114 = arith.cmpi slt, %max3A_370, %lt3A_1113 : vector<16xi32>
          %add3A_1115 = arith.constant 16 : i32
          %add3A_1116 = vector.broadcast %add3A_1115 : i32 to vector<16xi32>
          %add3A_1117 = arith.addi %max3A_370, %add3A_1116 : vector<16xi32>
          %select_n3A_1118 = arith.select %lt3A_1114, %add3A_1117, %max3A_370 : vector<16xi1>, vector<16xi32>
          %reshape3A_1119 = vector.shape_cast %select_n3A_1118 : vector<16xi32> to vector<16x1xi32>
          %gather3A_1120 = vector.shape_cast %reshape3A_1119 : vector<16x1xi32> to vector<16xi32>
          %gather3A_1121 = tpu.dynamic_gather %select_n3A_987[%gather3A_1120] in [0] : vector<16xf32>, vector<16xi32> -> vector<16xf32>
          %max3A_1122 = arith.maximumf %select_n3A_987, %gather3A_1121 : vector<16xf32>
          %select_n3A_1123 = arith.select %eq3A_1111, %max3A_1122, %select_n3A_987 : vector<16xi1>, vector<16xf32>
          %sub3A_1124 = arith.constant 8 : i32
          %sub3A_1125 = arith.subi %add3A_507, %sub3A_1124 : i32
          %get3A_1126 = arith.index_cast %sub3A_1125 : i32 to index
          %get3A_1127 = tpu.vector_load %arg7[%get3A_1126] {strides = array<i32>} : memref<16448xi32, #tpu.memory_space<vmem>>, vector<16xi32>,
          %eq3A_1128 = arith.cmpi eq, %get3A_584, %get3A_1127 : vector<16xi32>
          %lt3A_1129 = arith.constant 0 : i32
          %lt3A_1130 = vector.broadcast %lt3A_1129 : i32 to vector<16xi32>
          %lt3A_1131 = arith.cmpi slt, %max3A_376, %lt3A_1130 : vector<16xi32>
          %add3A_1132 = arith.constant 16 : i32
          %add3A_1133 = vector.broadcast %add3A_1132 : i32 to vector<16xi32>
          %add3A_1134 = arith.addi %max3A_376, %add3A_1133 : vector<16xi32>
          %select_n3A_1135 = arith.select %lt3A_1131, %add3A_1134, %max3A_376 : vector<16xi1>, vector<16xi32>
          %reshape3A_1136 = vector.shape_cast %select_n3A_1135 : vector<16xi32> to vector<16x1xi32>
          %gather3A_1137 = vector.shape_cast %reshape3A_1136 : vector<16x1xi32> to vector<16xi32>
          %gather3A_1138 = tpu.dynamic_gather %select_n3A_1004[%gather3A_1137] in [0] : vector<16xf32>, vector<16xi32> -> vector<16xf32>
          %max3A_1139 = arith.maximumf %select_n3A_1004, %gather3A_1138 : vector<16xf32>
          %select_n3A_1140 = arith.select %eq3A_1128, %max3A_1139, %select_n3A_1004 : vector<16xi1>, vector<16xf32>
          %sub3A_1141 = arith.constant 8 : i32
          %sub3A_1142 = arith.subi %add3A_512, %sub3A_1141 : i32
          %get3A_1143 = arith.index_cast %sub3A_1142 : i32 to index
          %get3A_1144 = tpu.vector_load %arg7[%get3A_1143] {strides = array<i32>} : memref<16448xi32, #tpu.memory_space<vmem>>, vector<16xi32>,
          %eq3A_1145 = arith.cmpi eq, %get3A_586, %get3A_1144 : vector<16xi32>
          %lt3A_1146 = arith.constant 0 : i32
          %lt3A_1147 = vector.broadcast %lt3A_1146 : i32 to vector<16xi32>
          %lt3A_1148 = arith.cmpi slt, %max3A_376, %lt3A_1147 : vector<16xi32>
          %add3A_1149 = arith.constant 16 : i32
          %add3A_1150 = vector.broadcast %add3A_1149 : i32 to vector<16xi32>
          %add3A_1151 = arith.addi %max3A_376, %add3A_1150 : vector<16xi32>
          %select_n3A_1152 = arith.select %lt3A_1148, %add3A_1151, %max3A_376 : vector<16xi1>, vector<16xi32>
          %reshape3A_1153 = vector.shape_cast %select_n3A_1152 : vector<16xi32> to vector<16x1xi32>
          %gather3A_1154 = vector.shape_cast %reshape3A_1153 : vector<16x1xi32> to vector<16xi32>
          %gather3A_1155 = tpu.dynamic_gather %select_n3A_1021[%gather3A_1154] in [0] : vector<16xf32>, vector<16xi32> -> vector<16xf32>
          %max3A_1156 = arith.maximumf %select_n3A_1021, %gather3A_1155 : vector<16xf32>
          %select_n3A_1157 = arith.select %eq3A_1145, %max3A_1156, %select_n3A_1021 : vector<16xi1>, vector<16xf32>
          %sub3A_1158 = arith.constant 8 : i32
          %sub3A_1159 = arith.subi %add3A_517, %sub3A_1158 : i32
          %get3A_1160 = arith.index_cast %sub3A_1159 : i32 to index
          %get3A_1161 = tpu.vector_load %arg7[%get3A_1160] {strides = array<i32>} : memref<16448xi32, #tpu.memory_space<vmem>>, vector<16xi32>,
          %eq3A_1162 = arith.cmpi eq, %get3A_588, %get3A_1161 : vector<16xi32>
          %lt3A_1163 = arith.constant 0 : i32
          %lt3A_1164 = vector.broadcast %lt3A_1163 : i32 to vector<16xi32>
          %lt3A_1165 = arith.cmpi slt, %max3A_376, %lt3A_1164 : vector<16xi32>
          %add3A_1166 = arith.constant 16 : i32
          %add3A_1167 = vector.broadcast %add3A_1166 : i32 to vector<16xi32>
          %add3A_1168 = arith.addi %max3A_376, %add3A_1167 : vector<16xi32>
          %select_n3A_1169 = arith.select %lt3A_1165, %add3A_1168, %max3A_376 : vector<16xi1>, vector<16xi32>
          %reshape3A_1170 = vector.shape_cast %select_n3A_1169 : vector<16xi32> to vector<16x1xi32>
          %gather3A_1171 = vector.shape_cast %reshape3A_1170 : vector<16x1xi32> to vector<16xi32>
          %gather3A_1172 = tpu.dynamic_gather %select_n3A_1038[%gather3A_1171] in [0] : vector<16xf32>, vector<16xi32> -> vector<16xf32>
          %max3A_1173 = arith.maximumf %select_n3A_1038, %gather3A_1172 : vector<16xf32>
          %select_n3A_1174 = arith.select %eq3A_1162, %max3A_1173, %select_n3A_1038 : vector<16xi1>, vector<16xf32>
          %sub3A_1175 = arith.constant 8 : i32
          %sub3A_1176 = arith.subi %add3A_522, %sub3A_1175 : i32
          %get3A_1177 = arith.index_cast %sub3A_1176 : i32 to index
          %get3A_1178 = tpu.vector_load %arg7[%get3A_1177] {strides = array<i32>} : memref<16448xi32, #tpu.memory_space<vmem>>, vector<16xi32>,
          %eq3A_1179 = arith.cmpi eq, %get3A_590, %get3A_1178 : vector<16xi32>
          %lt3A_1180 = arith.constant 0 : i32
          %lt3A_1181 = vector.broadcast %lt3A_1180 : i32 to vector<16xi32>
          %lt3A_1182 = arith.cmpi slt, %max3A_376, %lt3A_1181 : vector<16xi32>
          %add3A_1183 = arith.constant 16 : i32
          %add3A_1184 = vector.broadcast %add3A_1183 : i32 to vector<16xi32>
          %add3A_1185 = arith.addi %max3A_376, %add3A_1184 : vector<16xi32>
          %select_n3A_1186 = arith.select %lt3A_1182, %add3A_1185, %max3A_376 : vector<16xi1>, vector<16xi32>
          %reshape3A_1187 = vector.shape_cast %select_n3A_1186 : vector<16xi32> to vector<16x1xi32>
          %gather3A_1188 = vector.shape_cast %reshape3A_1187 : vector<16x1xi32> to vector<16xi32>
          %gather3A_1189 = tpu.dynamic_gather %select_n3A_1055[%gather3A_1188] in [0] : vector<16xf32>, vector<16xi32> -> vector<16xf32>
          %max3A_1190 = arith.maximumf %select_n3A_1055, %gather3A_1189 : vector<16xf32>
          %select_n3A_1191 = arith.select %eq3A_1179, %max3A_1190, %select_n3A_1055 : vector<16xi1>, vector<16xf32>
          %sub3A_1192 = arith.constant 8 : i32
          %sub3A_1193 = arith.subi %add3A_527, %sub3A_1192 : i32
          %get3A_1194 = arith.index_cast %sub3A_1193 : i32 to index
          %get3A_1195 = tpu.vector_load %arg7[%get3A_1194] {strides = array<i32>} : memref<16448xi32, #tpu.memory_space<vmem>>, vector<16xi32>,
          %eq3A_1196 = arith.cmpi eq, %get3A_592, %get3A_1195 : vector<16xi32>
          %lt3A_1197 = arith.constant 0 : i32
          %lt3A_1198 = vector.broadcast %lt3A_1197 : i32 to vector<16xi32>
          %lt3A_1199 = arith.cmpi slt, %max3A_376, %lt3A_1198 : vector<16xi32>
          %add3A_1200 = arith.constant 16 : i32
          %add3A_1201 = vector.broadcast %add3A_1200 : i32 to vector<16xi32>
          %add3A_1202 = arith.addi %max3A_376, %add3A_1201 : vector<16xi32>
          %select_n3A_1203 = arith.select %lt3A_1199, %add3A_1202, %max3A_376 : vector<16xi1>, vector<16xi32>
          %reshape3A_1204 = vector.shape_cast %select_n3A_1203 : vector<16xi32> to vector<16x1xi32>
          %gather3A_1205 = vector.shape_cast %reshape3A_1204 : vector<16x1xi32> to vector<16xi32>
          %gather3A_1206 = tpu.dynamic_gather %select_n3A_1072[%gather3A_1205] in [0] : vector<16xf32>, vector<16xi32> -> vector<16xf32>
          %max3A_1207 = arith.maximumf %select_n3A_1072, %gather3A_1206 : vector<16xf32>
          %select_n3A_1208 = arith.select %eq3A_1196, %max3A_1207, %select_n3A_1072 : vector<16xi1>, vector<16xf32>
          %sub3A_1209 = arith.constant 8 : i32
          %sub3A_1210 = arith.subi %add3A_532, %sub3A_1209 : i32
          %get3A_1211 = arith.index_cast %sub3A_1210 : i32 to index
          %get3A_1212 = tpu.vector_load %arg7[%get3A_1211] {strides = array<i32>} : memref<16448xi32, #tpu.memory_space<vmem>>, vector<16xi32>,
          %eq3A_1213 = arith.cmpi eq, %get3A_594, %get3A_1212 : vector<16xi32>
          %lt3A_1214 = arith.constant 0 : i32
          %lt3A_1215 = vector.broadcast %lt3A_1214 : i32 to vector<16xi32>
          %lt3A_1216 = arith.cmpi slt, %max3A_376, %lt3A_1215 : vector<16xi32>
          %add3A_1217 = arith.constant 16 : i32
          %add3A_1218 = vector.broadcast %add3A_1217 : i32 to vector<16xi32>
          %add3A_1219 = arith.addi %max3A_376, %add3A_1218 : vector<16xi32>
          %select_n3A_1220 = arith.select %lt3A_1216, %add3A_1219, %max3A_376 : vector<16xi1>, vector<16xi32>
          %reshape3A_1221 = vector.shape_cast %select_n3A_1220 : vector<16xi32> to vector<16x1xi32>
          %gather3A_1222 = vector.shape_cast %reshape3A_1221 : vector<16x1xi32> to vector<16xi32>
          %gather3A_1223 = tpu.dynamic_gather %select_n3A_1089[%gather3A_1222] in [0] : vector<16xf32>, vector<16xi32> -> vector<16xf32>
          %max3A_1224 = arith.maximumf %select_n3A_1089, %gather3A_1223 : vector<16xf32>
          %select_n3A_1225 = arith.select %eq3A_1213, %max3A_1224, %select_n3A_1089 : vector<16xi1>, vector<16xf32>
          %sub3A_1226 = arith.constant 8 : i32
          %sub3A_1227 = arith.subi %add3A_537, %sub3A_1226 : i32
          %get3A_1228 = arith.index_cast %sub3A_1227 : i32 to index
          %get3A_1229 = tpu.vector_load %arg7[%get3A_1228] {strides = array<i32>} : memref<16448xi32, #tpu.memory_space<vmem>>, vector<16xi32>,
          %eq3A_1230 = arith.cmpi eq, %get3A_596, %get3A_1229 : vector<16xi32>
          %lt3A_1231 = arith.constant 0 : i32
          %lt3A_1232 = vector.broadcast %lt3A_1231 : i32 to vector<16xi32>
          %lt3A_1233 = arith.cmpi slt, %max3A_376, %lt3A_1232 : vector<16xi32>
          %add3A_1234 = arith.constant 16 : i32
          %add3A_1235 = vector.broadcast %add3A_1234 : i32 to vector<16xi32>
          %add3A_1236 = arith.addi %max3A_376, %add3A_1235 : vector<16xi32>
          %select_n3A_1237 = arith.select %lt3A_1233, %add3A_1236, %max3A_376 : vector<16xi1>, vector<16xi32>
          %reshape3A_1238 = vector.shape_cast %select_n3A_1237 : vector<16xi32> to vector<16x1xi32>
          %gather3A_1239 = vector.shape_cast %reshape3A_1238 : vector<16x1xi32> to vector<16xi32>
          %gather3A_1240 = tpu.dynamic_gather %select_n3A_1106[%gather3A_1239] in [0] : vector<16xf32>, vector<16xi32> -> vector<16xf32>
          %max3A_1241 = arith.maximumf %select_n3A_1106, %gather3A_1240 : vector<16xf32>
          %select_n3A_1242 = arith.select %eq3A_1230, %max3A_1241, %select_n3A_1106 : vector<16xi1>, vector<16xf32>
          %sub3A_1243 = arith.constant 8 : i32
          %sub3A_1244 = arith.subi %add3A_542, %sub3A_1243 : i32
          %get3A_1245 = arith.index_cast %sub3A_1244 : i32 to index
          %get3A_1246 = tpu.vector_load %arg7[%get3A_1245] {strides = array<i32>} : memref<16448xi32, #tpu.memory_space<vmem>>, vector<16xi32>,
          %eq3A_1247 = arith.cmpi eq, %get3A_598, %get3A_1246 : vector<16xi32>
          %lt3A_1248 = arith.constant 0 : i32
          %lt3A_1249 = vector.broadcast %lt3A_1248 : i32 to vector<16xi32>
          %lt3A_1250 = arith.cmpi slt, %max3A_376, %lt3A_1249 : vector<16xi32>
          %add3A_1251 = arith.constant 16 : i32
          %add3A_1252 = vector.broadcast %add3A_1251 : i32 to vector<16xi32>
          %add3A_1253 = arith.addi %max3A_376, %add3A_1252 : vector<16xi32>
          %select_n3A_1254 = arith.select %lt3A_1250, %add3A_1253, %max3A_376 : vector<16xi1>, vector<16xi32>
          %reshape3A_1255 = vector.shape_cast %select_n3A_1254 : vector<16xi32> to vector<16x1xi32>
          %gather3A_1256 = vector.shape_cast %reshape3A_1255 : vector<16x1xi32> to vector<16xi32>
          %gather3A_1257 = tpu.dynamic_gather %select_n3A_1123[%gather3A_1256] in [0] : vector<16xf32>, vector<16xi32> -> vector<16xf32>
          %max3A_1258 = arith.maximumf %select_n3A_1123, %gather3A_1257 : vector<16xf32>
          %select_n3A_1259 = arith.select %eq3A_1247, %max3A_1258, %select_n3A_1123 : vector<16xi1>, vector<16xf32>
          %lt3A_1260 = arith.constant 0 : i32
          %lt3A_1261 = vector.broadcast %lt3A_1260 : i32 to vector<16xi32>
          %lt3A_1262 = arith.cmpi slt, %broadcast_in_dim3A_352, %lt3A_1261 : vector<16xi32>
          %add3A_1263 = arith.constant 16 : i32
          %add3A_1264 = vector.broadcast %add3A_1263 : i32 to vector<16xi32>
          %add3A_1265 = arith.addi %broadcast_in_dim3A_352, %add3A_1264 : vector<16xi32>
          %select_n3A_1266 = arith.select %lt3A_1262, %add3A_1265, %broadcast_in_dim3A_352 : vector<16xi1>, vector<16xi32>
          %reshape3A_1267 = vector.shape_cast %select_n3A_1266 : vector<16xi32> to vector<16x1xi32>
          %gather3A_1268 = vector.shape_cast %reshape3A_1267 : vector<16x1xi32> to vector<16xi32>
          %gather3A_1269 = tpu.dynamic_gather %select_n3A_1140[%gather3A_1268] in [0] : vector<16xf32>, vector<16xi32> -> vector<16xf32>
          %lt3A_1270 = arith.constant 0 : i32
          %lt3A_1271 = vector.broadcast %lt3A_1270 : i32 to vector<16xi32>
          %lt3A_1272 = arith.cmpi slt, %broadcast_in_dim3A_352, %lt3A_1271 : vector<16xi32>
          %add3A_1273 = arith.constant 16 : i32
          %add3A_1274 = vector.broadcast %add3A_1273 : i32 to vector<16xi32>
          %add3A_1275 = arith.addi %broadcast_in_dim3A_352, %add3A_1274 : vector<16xi32>
          %select_n3A_1276 = arith.select %lt3A_1272, %add3A_1275, %broadcast_in_dim3A_352 : vector<16xi1>, vector<16xi32>
          %reshape3A_1277 = vector.shape_cast %select_n3A_1276 : vector<16xi32> to vector<16x1xi32>
          %gather3A_1278 = vector.shape_cast %reshape3A_1277 : vector<16x1xi32> to vector<16xi32>
          %gather3A_1279 = tpu.dynamic_gather %get3A_584[%gather3A_1278] in [0] : vector<16xi32>, vector<16xi32> -> vector<16xi32>
          %eq3A_1280 = arith.cmpi eq, %get3A_586, %gather3A_1279 : vector<16xi32>
          %max3A_1281 = arith.maximumf %select_n3A_1157, %gather3A_1269 : vector<16xf32>
          %select_n3A_1282 = arith.select %eq3A_1280, %max3A_1281, %select_n3A_1157 : vector<16xi1>, vector<16xf32>
          %lt3A_1283 = arith.constant 0 : i32
          %lt3A_1284 = vector.broadcast %lt3A_1283 : i32 to vector<16xi32>
          %lt3A_1285 = arith.cmpi slt, %broadcast_in_dim3A_352, %lt3A_1284 : vector<16xi32>
          %add3A_1286 = arith.constant 16 : i32
          %add3A_1287 = vector.broadcast %add3A_1286 : i32 to vector<16xi32>
          %add3A_1288 = arith.addi %broadcast_in_dim3A_352, %add3A_1287 : vector<16xi32>
          %select_n3A_1289 = arith.select %lt3A_1285, %add3A_1288, %broadcast_in_dim3A_352 : vector<16xi1>, vector<16xi32>
          %reshape3A_1290 = vector.shape_cast %select_n3A_1289 : vector<16xi32> to vector<16x1xi32>
          %gather3A_1291 = vector.shape_cast %reshape3A_1290 : vector<16x1xi32> to vector<16xi32>
          %gather3A_1292 = tpu.dynamic_gather %select_n3A_1282[%gather3A_1291] in [0] : vector<16xf32>, vector<16xi32> -> vector<16xf32>
          %lt3A_1293 = arith.constant 0 : i32
          %lt3A_1294 = vector.broadcast %lt3A_1293 : i32 to vector<16xi32>
          %lt3A_1295 = arith.cmpi slt, %broadcast_in_dim3A_352, %lt3A_1294 : vector<16xi32>
          %add3A_1296 = arith.constant 16 : i32
          %add3A_1297 = vector.broadcast %add3A_1296 : i32 to vector<16xi32>
          %add3A_1298 = arith.addi %broadcast_in_dim3A_352, %add3A_1297 : vector<16xi32>
          %select_n3A_1299 = arith.select %lt3A_1295, %add3A_1298, %broadcast_in_dim3A_352 : vector<16xi1>, vector<16xi32>
          %reshape3A_1300 = vector.shape_cast %select_n3A_1299 : vector<16xi32> to vector<16x1xi32>
          %gather3A_1301 = vector.shape_cast %reshape3A_1300 : vector<16x1xi32> to vector<16xi32>
          %gather3A_1302 = tpu.dynamic_gather %get3A_586[%gather3A_1301] in [0] : vector<16xi32>, vector<16xi32> -> vector<16xi32>
          %eq3A_1303 = arith.cmpi eq, %get3A_588, %gather3A_1302 : vector<16xi32>
          %max3A_1304 = arith.maximumf %select_n3A_1174, %gather3A_1292 : vector<16xf32>
          %select_n3A_1305 = arith.select %eq3A_1303, %max3A_1304, %select_n3A_1174 : vector<16xi1>, vector<16xf32>
          %lt3A_1306 = arith.constant 0 : i32
          %lt3A_1307 = vector.broadcast %lt3A_1306 : i32 to vector<16xi32>
          %lt3A_1308 = arith.cmpi slt, %broadcast_in_dim3A_352, %lt3A_1307 : vector<16xi32>
          %add3A_1309 = arith.constant 16 : i32
          %add3A_1310 = vector.broadcast %add3A_1309 : i32 to vector<16xi32>
          %add3A_1311 = arith.addi %broadcast_in_dim3A_352, %add3A_1310 : vector<16xi32>
          %select_n3A_1312 = arith.select %lt3A_1308, %add3A_1311, %broadcast_in_dim3A_352 : vector<16xi1>, vector<16xi32>
          %reshape3A_1313 = vector.shape_cast %select_n3A_1312 : vector<16xi32> to vector<16x1xi32>
          %gather3A_1314 = vector.shape_cast %reshape3A_1313 : vector<16x1xi32> to vector<16xi32>
          %gather3A_1315 = tpu.dynamic_gather %select_n3A_1305[%gather3A_1314] in [0] : vector<16xf32>, vector<16xi32> -> vector<16xf32>
          %lt3A_1316 = arith.constant 0 : i32
          %lt3A_1317 = vector.broadcast %lt3A_1316 : i32 to vector<16xi32>
          %lt3A_1318 = arith.cmpi slt, %broadcast_in_dim3A_352, %lt3A_1317 : vector<16xi32>
          %add3A_1319 = arith.constant 16 : i32
          %add3A_1320 = vector.broadcast %add3A_1319 : i32 to vector<16xi32>
          %add3A_1321 = arith.addi %broadcast_in_dim3A_352, %add3A_1320 : vector<16xi32>
          %select_n3A_1322 = arith.select %lt3A_1318, %add3A_1321, %broadcast_in_dim3A_352 : vector<16xi1>, vector<16xi32>
          %reshape3A_1323 = vector.shape_cast %select_n3A_1322 : vector<16xi32> to vector<16x1xi32>
          %gather3A_1324 = vector.shape_cast %reshape3A_1323 : vector<16x1xi32> to vector<16xi32>
          %gather3A_1325 = tpu.dynamic_gather %get3A_588[%gather3A_1324] in [0] : vector<16xi32>, vector<16xi32> -> vector<16xi32>
          %eq3A_1326 = arith.cmpi eq, %get3A_590, %gather3A_1325 : vector<16xi32>
          %max3A_1327 = arith.maximumf %select_n3A_1191, %gather3A_1315 : vector<16xf32>
          %select_n3A_1328 = arith.select %eq3A_1326, %max3A_1327, %select_n3A_1191 : vector<16xi1>, vector<16xf32>
          %lt3A_1329 = arith.constant 0 : i32
          %lt3A_1330 = vector.broadcast %lt3A_1329 : i32 to vector<16xi32>
          %lt3A_1331 = arith.cmpi slt, %broadcast_in_dim3A_352, %lt3A_1330 : vector<16xi32>
          %add3A_1332 = arith.constant 16 : i32
          %add3A_1333 = vector.broadcast %add3A_1332 : i32 to vector<16xi32>
          %add3A_1334 = arith.addi %broadcast_in_dim3A_352, %add3A_1333 : vector<16xi32>
          %select_n3A_1335 = arith.select %lt3A_1331, %add3A_1334, %broadcast_in_dim3A_352 : vector<16xi1>, vector<16xi32>
          %reshape3A_1336 = vector.shape_cast %select_n3A_1335 : vector<16xi32> to vector<16x1xi32>
          %gather3A_1337 = vector.shape_cast %reshape3A_1336 : vector<16x1xi32> to vector<16xi32>
          %gather3A_1338 = tpu.dynamic_gather %select_n3A_1328[%gather3A_1337] in [0] : vector<16xf32>, vector<16xi32> -> vector<16xf32>
          %lt3A_1339 = arith.constant 0 : i32
          %lt3A_1340 = vector.broadcast %lt3A_1339 : i32 to vector<16xi32>
          %lt3A_1341 = arith.cmpi slt, %broadcast_in_dim3A_352, %lt3A_1340 : vector<16xi32>
          %add3A_1342 = arith.constant 16 : i32
          %add3A_1343 = vector.broadcast %add3A_1342 : i32 to vector<16xi32>
          %add3A_1344 = arith.addi %broadcast_in_dim3A_352, %add3A_1343 : vector<16xi32>
          %select_n3A_1345 = arith.select %lt3A_1341, %add3A_1344, %broadcast_in_dim3A_352 : vector<16xi1>, vector<16xi32>
          %reshape3A_1346 = vector.shape_cast %select_n3A_1345 : vector<16xi32> to vector<16x1xi32>
          %gather3A_1347 = vector.shape_cast %reshape3A_1346 : vector<16x1xi32> to vector<16xi32>
          %gather3A_1348 = tpu.dynamic_gather %get3A_590[%gather3A_1347] in [0] : vector<16xi32>, vector<16xi32> -> vector<16xi32>
          %eq3A_1349 = arith.cmpi eq, %get3A_592, %gather3A_1348 : vector<16xi32>
          %max3A_1350 = arith.maximumf %select_n3A_1208, %gather3A_1338 : vector<16xf32>
          %select_n3A_1351 = arith.select %eq3A_1349, %max3A_1350, %select_n3A_1208 : vector<16xi1>, vector<16xf32>
          %lt3A_1352 = arith.constant 0 : i32
          %lt3A_1353 = vector.broadcast %lt3A_1352 : i32 to vector<16xi32>
          %lt3A_1354 = arith.cmpi slt, %broadcast_in_dim3A_352, %lt3A_1353 : vector<16xi32>
          %add3A_1355 = arith.constant 16 : i32
          %add3A_1356 = vector.broadcast %add3A_1355 : i32 to vector<16xi32>
          %add3A_1357 = arith.addi %broadcast_in_dim3A_352, %add3A_1356 : vector<16xi32>
          %select_n3A_1358 = arith.select %lt3A_1354, %add3A_1357, %broadcast_in_dim3A_352 : vector<16xi1>, vector<16xi32>
          %reshape3A_1359 = vector.shape_cast %select_n3A_1358 : vector<16xi32> to vector<16x1xi32>
          %gather3A_1360 = vector.shape_cast %reshape3A_1359 : vector<16x1xi32> to vector<16xi32>
          %gather3A_1361 = tpu.dynamic_gather %select_n3A_1351[%gather3A_1360] in [0] : vector<16xf32>, vector<16xi32> -> vector<16xf32>
          %lt3A_1362 = arith.constant 0 : i32
          %lt3A_1363 = vector.broadcast %lt3A_1362 : i32 to vector<16xi32>
          %lt3A_1364 = arith.cmpi slt, %broadcast_in_dim3A_352, %lt3A_1363 : vector<16xi32>
          %add3A_1365 = arith.constant 16 : i32
          %add3A_1366 = vector.broadcast %add3A_1365 : i32 to vector<16xi32>
          %add3A_1367 = arith.addi %broadcast_in_dim3A_352, %add3A_1366 : vector<16xi32>
          %select_n3A_1368 = arith.select %lt3A_1364, %add3A_1367, %broadcast_in_dim3A_352 : vector<16xi1>, vector<16xi32>
          %reshape3A_1369 = vector.shape_cast %select_n3A_1368 : vector<16xi32> to vector<16x1xi32>
          %gather3A_1370 = vector.shape_cast %reshape3A_1369 : vector<16x1xi32> to vector<16xi32>
          %gather3A_1371 = tpu.dynamic_gather %get3A_592[%gather3A_1370] in [0] : vector<16xi32>, vector<16xi32> -> vector<16xi32>
          %eq3A_1372 = arith.cmpi eq, %get3A_594, %gather3A_1371 : vector<16xi32>
          %max3A_1373 = arith.maximumf %select_n3A_1225, %gather3A_1361 : vector<16xf32>
          %select_n3A_1374 = arith.select %eq3A_1372, %max3A_1373, %select_n3A_1225 : vector<16xi1>, vector<16xf32>
          %lt3A_1375 = arith.constant 0 : i32
          %lt3A_1376 = vector.broadcast %lt3A_1375 : i32 to vector<16xi32>
          %lt3A_1377 = arith.cmpi slt, %broadcast_in_dim3A_352, %lt3A_1376 : vector<16xi32>
          %add3A_1378 = arith.constant 16 : i32
          %add3A_1379 = vector.broadcast %add3A_1378 : i32 to vector<16xi32>
          %add3A_1380 = arith.addi %broadcast_in_dim3A_352, %add3A_1379 : vector<16xi32>
          %select_n3A_1381 = arith.select %lt3A_1377, %add3A_1380, %broadcast_in_dim3A_352 : vector<16xi1>, vector<16xi32>
          %reshape3A_1382 = vector.shape_cast %select_n3A_1381 : vector<16xi32> to vector<16x1xi32>
          %gather3A_1383 = vector.shape_cast %reshape3A_1382 : vector<16x1xi32> to vector<16xi32>
          %gather3A_1384 = tpu.dynamic_gather %select_n3A_1374[%gather3A_1383] in [0] : vector<16xf32>, vector<16xi32> -> vector<16xf32>
          %lt3A_1385 = arith.constant 0 : i32
          %lt3A_1386 = vector.broadcast %lt3A_1385 : i32 to vector<16xi32>
          %lt3A_1387 = arith.cmpi slt, %broadcast_in_dim3A_352, %lt3A_1386 : vector<16xi32>
          %add3A_1388 = arith.constant 16 : i32
          %add3A_1389 = vector.broadcast %add3A_1388 : i32 to vector<16xi32>
          %add3A_1390 = arith.addi %broadcast_in_dim3A_352, %add3A_1389 : vector<16xi32>
          %select_n3A_1391 = arith.select %lt3A_1387, %add3A_1390, %broadcast_in_dim3A_352 : vector<16xi1>, vector<16xi32>
          %reshape3A_1392 = vector.shape_cast %select_n3A_1391 : vector<16xi32> to vector<16x1xi32>
          %gather3A_1393 = vector.shape_cast %reshape3A_1392 : vector<16x1xi32> to vector<16xi32>
          %gather3A_1394 = tpu.dynamic_gather %get3A_594[%gather3A_1393] in [0] : vector<16xi32>, vector<16xi32> -> vector<16xi32>
          %eq3A_1395 = arith.cmpi eq, %get3A_596, %gather3A_1394 : vector<16xi32>
          %max3A_1396 = arith.maximumf %select_n3A_1242, %gather3A_1384 : vector<16xf32>
          %select_n3A_1397 = arith.select %eq3A_1395, %max3A_1396, %select_n3A_1242 : vector<16xi1>, vector<16xf32>
          %lt3A_1398 = arith.constant 0 : i32
          %lt3A_1399 = vector.broadcast %lt3A_1398 : i32 to vector<16xi32>
          %lt3A_1400 = arith.cmpi slt, %broadcast_in_dim3A_352, %lt3A_1399 : vector<16xi32>
          %add3A_1401 = arith.constant 16 : i32
          %add3A_1402 = vector.broadcast %add3A_1401 : i32 to vector<16xi32>
          %add3A_1403 = arith.addi %broadcast_in_dim3A_352, %add3A_1402 : vector<16xi32>
          %select_n3A_1404 = arith.select %lt3A_1400, %add3A_1403, %broadcast_in_dim3A_352 : vector<16xi1>, vector<16xi32>
          %reshape3A_1405 = vector.shape_cast %select_n3A_1404 : vector<16xi32> to vector<16x1xi32>
          %gather3A_1406 = vector.shape_cast %reshape3A_1405 : vector<16x1xi32> to vector<16xi32>
          %gather3A_1407 = tpu.dynamic_gather %select_n3A_1397[%gather3A_1406] in [0] : vector<16xf32>, vector<16xi32> -> vector<16xf32>
          %lt3A_1408 = arith.constant 0 : i32
          %lt3A_1409 = vector.broadcast %lt3A_1408 : i32 to vector<16xi32>
          %lt3A_1410 = arith.cmpi slt, %broadcast_in_dim3A_352, %lt3A_1409 : vector<16xi32>
          %add3A_1411 = arith.constant 16 : i32
          %add3A_1412 = vector.broadcast %add3A_1411 : i32 to vector<16xi32>
          %add3A_1413 = arith.addi %broadcast_in_dim3A_352, %add3A_1412 : vector<16xi32>
          %select_n3A_1414 = arith.select %lt3A_1410, %add3A_1413, %broadcast_in_dim3A_352 : vector<16xi1>, vector<16xi32>
          %reshape3A_1415 = vector.shape_cast %select_n3A_1414 : vector<16xi32> to vector<16x1xi32>
          %gather3A_1416 = vector.shape_cast %reshape3A_1415 : vector<16x1xi32> to vector<16xi32>
          %gather3A_1417 = tpu.dynamic_gather %get3A_596[%gather3A_1416] in [0] : vector<16xi32>, vector<16xi32> -> vector<16xi32>
          %eq3A_1418 = arith.cmpi eq, %get3A_598, %gather3A_1417 : vector<16xi32>
          %max3A_1419 = arith.maximumf %select_n3A_1259, %gather3A_1407 : vector<16xf32>
          %select_n3A_1420 = arith.select %eq3A_1418, %max3A_1419, %select_n3A_1259 : vector<16xi1>, vector<16xf32>
          %broadcast_in_dim3A_1421 = arith.constant true
          %broadcast_in_dim3A_1422 = vector.broadcast %broadcast_in_dim3A_1421 : i1 to vector<16xi1>
          %masked_cumsum3A = tpu.scan <sum>, %get3A_600 masked %broadcast_in_dim3A_1422 : vector<16xf32>, vector<16xi1> -> vector<16xf32>
          %broadcast_in_dim3A_1423 = arith.constant true
          %broadcast_in_dim3A_1424 = vector.broadcast %broadcast_in_dim3A_1423 : i1 to vector<16xi1>
          %masked_cumsum3A_1425 = tpu.scan <sum>, %get3A_602 masked %broadcast_in_dim3A_1424 : vector<16xf32>, vector<16xi1> -> vector<16xf32>
          %broadcast_in_dim3A_1426 = arith.constant true
          %broadcast_in_dim3A_1427 = vector.broadcast %broadcast_in_dim3A_1426 : i1 to vector<16xi1>
          %masked_cumsum3A_1428 = tpu.scan <sum>, %get3A_604 masked %broadcast_in_dim3A_1427 : vector<16xf32>, vector<16xi1> -> vector<16xf32>
          %broadcast_in_dim3A_1429 = arith.constant true
          %broadcast_in_dim3A_1430 = vector.broadcast %broadcast_in_dim3A_1429 : i1 to vector<16xi1>
          %masked_cumsum3A_1431 = tpu.scan <sum>, %get3A_606 masked %broadcast_in_dim3A_1430 : vector<16xf32>, vector<16xi1> -> vector<16xf32>
          %broadcast_in_dim3A_1432 = arith.constant true
          %broadcast_in_dim3A_1433 = vector.broadcast %broadcast_in_dim3A_1432 : i1 to vector<16xi1>
          %masked_cumsum3A_1434 = tpu.scan <sum>, %get3A_608 masked %broadcast_in_dim3A_1433 : vector<16xf32>, vector<16xi1> -> vector<16xf32>
          %broadcast_in_dim3A_1435 = arith.constant true
          %broadcast_in_dim3A_1436 = vector.broadcast %broadcast_in_dim3A_1435 : i1 to vector<16xi1>
          %masked_cumsum3A_1437 = tpu.scan <sum>, %get3A_610 masked %broadcast_in_dim3A_1436 : vector<16xf32>, vector<16xi1> -> vector<16xf32>
          %broadcast_in_dim3A_1438 = arith.constant true
          %broadcast_in_dim3A_1439 = vector.broadcast %broadcast_in_dim3A_1438 : i1 to vector<16xi1>
          %masked_cumsum3A_1440 = tpu.scan <sum>, %get3A_612 masked %broadcast_in_dim3A_1439 : vector<16xf32>, vector<16xi1> -> vector<16xf32>
          %broadcast_in_dim3A_1441 = arith.constant true
          %broadcast_in_dim3A_1442 = vector.broadcast %broadcast_in_dim3A_1441 : i1 to vector<16xi1>
          %masked_cumsum3A_1443 = tpu.scan <sum>, %get3A_614 masked %broadcast_in_dim3A_1442 : vector<16xf32>, vector<16xi1> -> vector<16xf32>
          %gather3A_1444 = tpu.vector_load_idx %arg9[%add3A_615] : memref<3216xf32, #tpu.memory_space<vmem>>[vector<16xi32>], vector<16xf32>,
          %gather3A_1445 = tpu.vector_load_idx %arg9[%add3A_616] : memref<3216xf32, #tpu.memory_space<vmem>>[vector<16xi32>], vector<16xf32>,
          %gather3A_1446 = tpu.vector_load_idx %arg9[%add3A_617] : memref<3216xf32, #tpu.memory_space<vmem>>[vector<16xi32>], vector<16xf32>,
          %gather3A_1447 = tpu.vector_load_idx %arg9[%add3A_618] : memref<3216xf32, #tpu.memory_space<vmem>>[vector<16xi32>], vector<16xf32>,
          %gather3A_1448 = tpu.vector_load_idx %arg9[%add3A_619] : memref<3216xf32, #tpu.memory_space<vmem>>[vector<16xi32>], vector<16xf32>,
          %gather3A_1449 = tpu.vector_load_idx %arg9[%add3A_620] : memref<3216xf32, #tpu.memory_space<vmem>>[vector<16xi32>], vector<16xf32>,
          %gather3A_1450 = tpu.vector_load_idx %arg9[%add3A_621] : memref<3216xf32, #tpu.memory_space<vmem>>[vector<16xi32>], vector<16xf32>,
          %gather3A_1451 = tpu.vector_load_idx %arg9[%add3A_622] : memref<3216xf32, #tpu.memory_space<vmem>>[vector<16xi32>], vector<16xf32>,
          %max3A_1452 = arith.maximumf %gather3A_1444, %select_n3A_1140 : vector<16xf32>
          %max3A_1453 = arith.maximumf %gather3A_1445, %select_n3A_1282 : vector<16xf32>
          %max3A_1454 = arith.maximumf %gather3A_1446, %select_n3A_1305 : vector<16xf32>
          %max3A_1455 = arith.maximumf %gather3A_1447, %select_n3A_1328 : vector<16xf32>
          %max3A_1456 = arith.maximumf %gather3A_1448, %select_n3A_1351 : vector<16xf32>
          %max3A_1457 = arith.maximumf %gather3A_1449, %select_n3A_1374 : vector<16xf32>
          %max3A_1458 = arith.maximumf %gather3A_1450, %select_n3A_1397 : vector<16xf32>
          %max3A_1459 = arith.maximumf %gather3A_1451, %select_n3A_1420 : vector<16xf32>
          tpu.vector_store_idx %arg9[%add3A_615], %max3A_1452 masked %or3A : memref<3216xf32, #tpu.memory_space<vmem>>[vector<16xi32>], vector<16xf32>, vector<16xi1>
          tpu.vector_store_idx %arg9[%add3A_616], %max3A_1453 masked %or3A_709 : memref<3216xf32, #tpu.memory_space<vmem>>[vector<16xi32>], vector<16xf32>, vector<16xi1>
          tpu.vector_store_idx %arg9[%add3A_617], %max3A_1454 masked %or3A_710 : memref<3216xf32, #tpu.memory_space<vmem>>[vector<16xi32>], vector<16xf32>, vector<16xi1>
          tpu.vector_store_idx %arg9[%add3A_618], %max3A_1455 masked %or3A_711 : memref<3216xf32, #tpu.memory_space<vmem>>[vector<16xi32>], vector<16xf32>, vector<16xi1>
          tpu.vector_store_idx %arg9[%add3A_619], %max3A_1456 masked %or3A_712 : memref<3216xf32, #tpu.memory_space<vmem>>[vector<16xi32>], vector<16xf32>, vector<16xi1>
          tpu.vector_store_idx %arg9[%add3A_620], %max3A_1457 masked %or3A_713 : memref<3216xf32, #tpu.memory_space<vmem>>[vector<16xi32>], vector<16xf32>, vector<16xi1>
          tpu.vector_store_idx %arg9[%add3A_621], %max3A_1458 masked %or3A_714 : memref<3216xf32, #tpu.memory_space<vmem>>[vector<16xi32>], vector<16xf32>, vector<16xi1>
          tpu.vector_store_idx %arg9[%add3A_622], %max3A_1459 masked %or3A_715 : memref<3216xf32, #tpu.memory_space<vmem>>[vector<16xi32>], vector<16xf32>, vector<16xi1>
          tpu.vector_store_idx %arg10[%add3A_615], %masked_cumsum3A masked %or3A {add = true} : memref<3216xf32, #tpu.memory_space<vmem>>[vector<16xi32>], vector<16xf32>, vector<16xi1>
          %neg3A_1460 = arith.constant 0.000000e+00 : f32
          %neg3A_1461 = vector.broadcast %neg3A_1460 : f32 to vector<16xf32>
          %neg3A_1462 = arith.subf %neg3A_1461, %masked_cumsum3A : vector<16xf32>
          tpu.vector_store_idx %arg10[%gather3A_630], %neg3A_1462 masked %ne3A_701 {add = true} : memref<3216xf32, #tpu.memory_space<vmem>>[vector<16xi32>], vector<16xf32>, vector<16xi1>
          tpu.vector_store_idx %arg10[%add3A_616], %masked_cumsum3A_1425 masked %or3A_709 {add = true} : memref<3216xf32, #tpu.memory_space<vmem>>[vector<16xi32>], vector<16xf32>, vector<16xi1>
          %neg3A_1463 = arith.constant 0.000000e+00 : f32
          %neg3A_1464 = vector.broadcast %neg3A_1463 : f32 to vector<16xf32>
          %neg3A_1465 = arith.subf %neg3A_1464, %masked_cumsum3A_1425 : vector<16xf32>
          tpu.vector_store_idx %arg10[%gather3A_640], %neg3A_1465 masked %ne3A_702 {add = true} : memref<3216xf32, #tpu.memory_space<vmem>>[vector<16xi32>], vector<16xf32>, vector<16xi1>
          tpu.vector_store_idx %arg10[%add3A_617], %masked_cumsum3A_1428 masked %or3A_710 {add = true} : memref<3216xf32, #tpu.memory_space<vmem>>[vector<16xi32>], vector<16xf32>, vector<16xi1>
          %neg3A_1466 = arith.constant 0.000000e+00 : f32
          %neg3A_1467 = vector.broadcast %neg3A_1466 : f32 to vector<16xf32>
          %neg3A_1468 = arith.subf %neg3A_1467, %masked_cumsum3A_1428 : vector<16xf32>
          tpu.vector_store_idx %arg10[%gather3A_650], %neg3A_1468 masked %ne3A_703 {add = true} : memref<3216xf32, #tpu.memory_space<vmem>>[vector<16xi32>], vector<16xf32>, vector<16xi1>
          tpu.vector_store_idx %arg10[%add3A_618], %masked_cumsum3A_1431 masked %or3A_711 {add = true} : memref<3216xf32, #tpu.memory_space<vmem>>[vector<16xi32>], vector<16xf32>, vector<16xi1>
          %neg3A_1469 = arith.constant 0.000000e+00 : f32
          %neg3A_1470 = vector.broadcast %neg3A_1469 : f32 to vector<16xf32>
          %neg3A_1471 = arith.subf %neg3A_1470, %masked_cumsum3A_1431 : vector<16xf32>
          tpu.vector_store_idx %arg10[%gather3A_660], %neg3A_1471 masked %ne3A_704 {add = true} : memref<3216xf32, #tpu.memory_space<vmem>>[vector<16xi32>], vector<16xf32>, vector<16xi1>
          tpu.vector_store_idx %arg10[%add3A_619], %masked_cumsum3A_1434 masked %or3A_712 {add = true} : memref<3216xf32, #tpu.memory_space<vmem>>[vector<16xi32>], vector<16xf32>, vector<16xi1>
          %neg3A_1472 = arith.constant 0.000000e+00 : f32
          %neg3A_1473 = vector.broadcast %neg3A_1472 : f32 to vector<16xf32>
          %neg3A_1474 = arith.subf %neg3A_1473, %masked_cumsum3A_1434 : vector<16xf32>
          tpu.vector_store_idx %arg10[%gather3A_670], %neg3A_1474 masked %ne3A_705 {add = true} : memref<3216xf32, #tpu.memory_space<vmem>>[vector<16xi32>], vector<16xf32>, vector<16xi1>
          tpu.vector_store_idx %arg10[%add3A_620], %masked_cumsum3A_1437 masked %or3A_713 {add = true} : memref<3216xf32, #tpu.memory_space<vmem>>[vector<16xi32>], vector<16xf32>, vector<16xi1>
          %neg3A_1475 = arith.constant 0.000000e+00 : f32
          %neg3A_1476 = vector.broadcast %neg3A_1475 : f32 to vector<16xf32>
          %neg3A_1477 = arith.subf %neg3A_1476, %masked_cumsum3A_1437 : vector<16xf32>
          tpu.vector_store_idx %arg10[%gather3A_680], %neg3A_1477 masked %ne3A_706 {add = true} : memref<3216xf32, #tpu.memory_space<vmem>>[vector<16xi32>], vector<16xf32>, vector<16xi1>
          tpu.vector_store_idx %arg10[%add3A_621], %masked_cumsum3A_1440 masked %or3A_714 {add = true} : memref<3216xf32, #tpu.memory_space<vmem>>[vector<16xi32>], vector<16xf32>, vector<16xi1>
          %neg3A_1478 = arith.constant 0.000000e+00 : f32
          %neg3A_1479 = vector.broadcast %neg3A_1478 : f32 to vector<16xf32>
          %neg3A_1480 = arith.subf %neg3A_1479, %masked_cumsum3A_1440 : vector<16xf32>
          tpu.vector_store_idx %arg10[%gather3A_690], %neg3A_1480 masked %ne3A_707 {add = true} : memref<3216xf32, #tpu.memory_space<vmem>>[vector<16xi32>], vector<16xf32>, vector<16xi1>
          tpu.vector_store_idx %arg10[%add3A_622], %masked_cumsum3A_1443 masked %or3A_715 {add = true} : memref<3216xf32, #tpu.memory_space<vmem>>[vector<16xi32>], vector<16xf32>, vector<16xi1>
          %neg3A_1481 = arith.constant 0.000000e+00 : f32
          %neg3A_1482 = vector.broadcast %neg3A_1481 : f32 to vector<16xf32>
          %neg3A_1483 = arith.subf %neg3A_1482, %masked_cumsum3A_1443 : vector<16xf32>
          tpu.vector_store_idx %arg10[%gather3A_700], %neg3A_1483 masked %ne3A_708 {add = true} : memref<3216xf32, #tpu.memory_space<vmem>>[vector<16xi32>], vector<16xf32>, vector<16xi1>
        }
        %scan3A_500 = arith.constant 64 : i32
        %cond3A_501 = arith.constant 0 : i32
        scf.yield %cond3A_501 : i32
      } else {
        %min3A_495 = arith.constant 6391808 : i32
        %min3A_496 = arith.minsi %add3A_476, %min3A_495 : i32
        %max3A_497 = arith.maxsi %add3A_289, %add3A_476 : i32
        %broadcast_in_dim3A_498 = vector.broadcast %max3A_497 : i32 to vector<16xi32>
        %broadcast_in_dim3A_499 = vector.broadcast %add3A_294 : i32 to vector<16xi32>
        %broadcast_in_dim3A_500 = vector.broadcast %min3A_496 : i32 to vector<16xi32>
        %add3A_501 = arith.addi %broadcast_in_dim3A_500, %iota3A : vector<16xi32>
        %scan3A_502 = arith.constant 0 : i32
        %scan3A_503 = arith.constant 0 : i32
        %scan3A_504 = arith.constant 512 : i32
        %scan3A_505 = arith.addi %scan3A_503, %scan3A_504 : i32
        %scan3A_506 = arith.constant 1 : i32
        scf.for %scan3A_509 = %scan3A_503 to %scan3A_505 step %scan3A_506  : i32 {
          %mul3A_510 = arith.constant 16 : i32
          %mul3A_511 = arith.muli %scan3A_509, %mul3A_510 : i32
          %broadcast_in_dim3A_512 = vector.broadcast %mul3A_511 : i32 to vector<16xi32>
          %add3A_513 = arith.addi %add3A_501, %broadcast_in_dim3A_512 : vector<16xi32>
          %ge3A = arith.cmpi sge, %add3A_513, %broadcast_in_dim3A_498 : vector<16xi32>
          %lt3A_514 = arith.cmpi slt, %add3A_513, %broadcast_in_dim3A_499 : vector<16xi32>
          %and3A_515 = arith.andi %ge3A, %lt3A_514 : vector<16xi1>
          %mul3A_516 = arith.constant 16 : i32
          %mul3A_517 = arith.muli %scan3A_509, %mul3A_516 : i32
          %add3A_518 = arith.addi %add3A_480, %mul3A_517 : i32
          %get3A_519 = arith.index_cast %add3A_518 : i32 to index
          %get3A_520 = tpu.vector_load %arg7[%get3A_519] {strides = array<i32>} : memref<16448xi32, #tpu.memory_space<vmem>>, vector<16xi32>,
          %mul3A_521 = arith.constant 16 : i32
          %mul3A_522 = arith.muli %scan3A_509, %mul3A_521 : i32
          %add3A_523 = arith.addi %mul3A_482, %mul3A_522 : i32
          %get3A_524 = arith.index_cast %add3A_523 : i32 to index
          %get3A_525 = tpu.vector_load %arg8[%get3A_524] {strides = array<i32>} : memref<16384xf32, #tpu.memory_space<vmem>>, vector<16xf32>,
          %sub3A_526 = vector.broadcast %mul3A_2 : i32 to vector<16xi32>
          %sub3A_527 = arith.subi %get3A_520, %sub3A_526 : vector<16xi32>
          %select_n3A_528 = arith.select %and3A_515, %sub3A_527, %broadcast_in_dim3A_389 : vector<16xi1>, vector<16xi32>
          %select_n3A_529 = arith.select %and3A_515, %get3A_525, %broadcast_in_dim3A_383 : vector<16xi1>, vector<16xf32>
          %select_n3A_530 = arith.select %and3A_515, %get3A_525, %broadcast_in_dim3A_387 : vector<16xi1>, vector<16xf32>
          %lt3A_531 = arith.constant 0 : i32
          %lt3A_532 = vector.broadcast %lt3A_531 : i32 to vector<16xi32>
          %lt3A_533 = arith.cmpi slt, %min3A_350, %lt3A_532 : vector<16xi32>
          %add3A_534 = arith.constant 16 : i32
          %add3A_535 = vector.broadcast %add3A_534 : i32 to vector<16xi32>
          %add3A_536 = arith.addi %min3A_350, %add3A_535 : vector<16xi32>
          %select_n3A_537 = arith.select %lt3A_533, %add3A_536, %min3A_350 : vector<16xi1>, vector<16xi32>
          %reshape3A = vector.shape_cast %select_n3A_537 : vector<16xi32> to vector<16x1xi32>
          %gather3A = vector.shape_cast %reshape3A : vector<16x1xi32> to vector<16xi32>
          %gather3A_538 = tpu.dynamic_gather %select_n3A_528[%gather3A] in [0] : vector<16xi32>, vector<16xi32> -> vector<16xi32>
          %ne3A_539 = arith.cmpi ne, %select_n3A_528, %gather3A_538 : vector<16xi32>
          %or3A = arith.ori %ne3A_539, %eq3A_378 : vector<16xi1>
          %lt3A_540 = arith.constant 0 : i32
          %lt3A_541 = vector.broadcast %lt3A_540 : i32 to vector<16xi32>
          %lt3A_542 = arith.cmpi slt, %max3A_358, %lt3A_541 : vector<16xi32>
          %add3A_543 = arith.constant 16 : i32
          %add3A_544 = vector.broadcast %add3A_543 : i32 to vector<16xi32>
          %add3A_545 = arith.addi %max3A_358, %add3A_544 : vector<16xi32>
          %select_n3A_546 = arith.select %lt3A_542, %add3A_545, %max3A_358 : vector<16xi1>, vector<16xi32>
          %reshape3A_547 = vector.shape_cast %select_n3A_546 : vector<16xi32> to vector<16x1xi32>
          %gather3A_548 = vector.shape_cast %reshape3A_547 : vector<16x1xi32> to vector<16xi32>
          %gather3A_549 = tpu.dynamic_gather %select_n3A_528[%gather3A_548] in [0] : vector<16xi32>, vector<16xi32> -> vector<16xi32>
          %eq3A_550 = arith.cmpi eq, %select_n3A_528, %gather3A_549 : vector<16xi32>
          %lt3A_551 = arith.constant 0 : i32
          %lt3A_552 = vector.broadcast %lt3A_551 : i32 to vector<16xi32>
          %lt3A_553 = arith.cmpi slt, %max3A_358, %lt3A_552 : vector<16xi32>
          %add3A_554 = arith.constant 16 : i32
          %add3A_555 = vector.broadcast %add3A_554 : i32 to vector<16xi32>
          %add3A_556 = arith.addi %max3A_358, %add3A_555 : vector<16xi32>
          %select_n3A_557 = arith.select %lt3A_553, %add3A_556, %max3A_358 : vector<16xi1>, vector<16xi32>
          %reshape3A_558 = vector.shape_cast %select_n3A_557 : vector<16xi32> to vector<16x1xi32>
          %gather3A_559 = vector.shape_cast %reshape3A_558 : vector<16x1xi32> to vector<16xi32>
          %gather3A_560 = tpu.dynamic_gather %select_n3A_530[%gather3A_559] in [0] : vector<16xf32>, vector<16xi32> -> vector<16xf32>
          %max3A_561 = arith.maximumf %select_n3A_530, %gather3A_560 : vector<16xf32>
          %select_n3A_562 = arith.select %eq3A_550, %max3A_561, %select_n3A_530 : vector<16xi1>, vector<16xf32>
          %lt3A_563 = arith.constant 0 : i32
          %lt3A_564 = vector.broadcast %lt3A_563 : i32 to vector<16xi32>
          %lt3A_565 = arith.cmpi slt, %max3A_364, %lt3A_564 : vector<16xi32>
          %add3A_566 = arith.constant 16 : i32
          %add3A_567 = vector.broadcast %add3A_566 : i32 to vector<16xi32>
          %add3A_568 = arith.addi %max3A_364, %add3A_567 : vector<16xi32>
          %select_n3A_569 = arith.select %lt3A_565, %add3A_568, %max3A_364 : vector<16xi1>, vector<16xi32>
          %reshape3A_570 = vector.shape_cast %select_n3A_569 : vector<16xi32> to vector<16x1xi32>
          %gather3A_571 = vector.shape_cast %reshape3A_570 : vector<16x1xi32> to vector<16xi32>
          %gather3A_572 = tpu.dynamic_gather %select_n3A_528[%gather3A_571] in [0] : vector<16xi32>, vector<16xi32> -> vector<16xi32>
          %eq3A_573 = arith.cmpi eq, %select_n3A_528, %gather3A_572 : vector<16xi32>
          %lt3A_574 = arith.constant 0 : i32
          %lt3A_575 = vector.broadcast %lt3A_574 : i32 to vector<16xi32>
          %lt3A_576 = arith.cmpi slt, %max3A_364, %lt3A_575 : vector<16xi32>
          %add3A_577 = arith.constant 16 : i32
          %add3A_578 = vector.broadcast %add3A_577 : i32 to vector<16xi32>
          %add3A_579 = arith.addi %max3A_364, %add3A_578 : vector<16xi32>
          %select_n3A_580 = arith.select %lt3A_576, %add3A_579, %max3A_364 : vector<16xi1>, vector<16xi32>
          %reshape3A_581 = vector.shape_cast %select_n3A_580 : vector<16xi32> to vector<16x1xi32>
          %gather3A_582 = vector.shape_cast %reshape3A_581 : vector<16x1xi32> to vector<16xi32>
          %gather3A_583 = tpu.dynamic_gather %select_n3A_562[%gather3A_582] in [0] : vector<16xf32>, vector<16xi32> -> vector<16xf32>
          %max3A_584 = arith.maximumf %select_n3A_562, %gather3A_583 : vector<16xf32>
          %select_n3A_585 = arith.select %eq3A_573, %max3A_584, %select_n3A_562 : vector<16xi1>, vector<16xf32>
          %lt3A_586 = arith.constant 0 : i32
          %lt3A_587 = vector.broadcast %lt3A_586 : i32 to vector<16xi32>
          %lt3A_588 = arith.cmpi slt, %max3A_370, %lt3A_587 : vector<16xi32>
          %add3A_589 = arith.constant 16 : i32
          %add3A_590 = vector.broadcast %add3A_589 : i32 to vector<16xi32>
          %add3A_591 = arith.addi %max3A_370, %add3A_590 : vector<16xi32>
          %select_n3A_592 = arith.select %lt3A_588, %add3A_591, %max3A_370 : vector<16xi1>, vector<16xi32>
          %reshape3A_593 = vector.shape_cast %select_n3A_592 : vector<16xi32> to vector<16x1xi32>
          %gather3A_594 = vector.shape_cast %reshape3A_593 : vector<16x1xi32> to vector<16xi32>
          %gather3A_595 = tpu.dynamic_gather %select_n3A_528[%gather3A_594] in [0] : vector<16xi32>, vector<16xi32> -> vector<16xi32>
          %eq3A_596 = arith.cmpi eq, %select_n3A_528, %gather3A_595 : vector<16xi32>
          %lt3A_597 = arith.constant 0 : i32
          %lt3A_598 = vector.broadcast %lt3A_597 : i32 to vector<16xi32>
          %lt3A_599 = arith.cmpi slt, %max3A_370, %lt3A_598 : vector<16xi32>
          %add3A_600 = arith.constant 16 : i32
          %add3A_601 = vector.broadcast %add3A_600 : i32 to vector<16xi32>
          %add3A_602 = arith.addi %max3A_370, %add3A_601 : vector<16xi32>
          %select_n3A_603 = arith.select %lt3A_599, %add3A_602, %max3A_370 : vector<16xi1>, vector<16xi32>
          %reshape3A_604 = vector.shape_cast %select_n3A_603 : vector<16xi32> to vector<16x1xi32>
          %gather3A_605 = vector.shape_cast %reshape3A_604 : vector<16x1xi32> to vector<16xi32>
          %gather3A_606 = tpu.dynamic_gather %select_n3A_585[%gather3A_605] in [0] : vector<16xf32>, vector<16xi32> -> vector<16xf32>
          %max3A_607 = arith.maximumf %select_n3A_585, %gather3A_606 : vector<16xf32>
          %select_n3A_608 = arith.select %eq3A_596, %max3A_607, %select_n3A_585 : vector<16xi1>, vector<16xf32>
          %lt3A_609 = arith.constant 0 : i32
          %lt3A_610 = vector.broadcast %lt3A_609 : i32 to vector<16xi32>
          %lt3A_611 = arith.cmpi slt, %max3A_376, %lt3A_610 : vector<16xi32>
          %add3A_612 = arith.constant 16 : i32
          %add3A_613 = vector.broadcast %add3A_612 : i32 to vector<16xi32>
          %add3A_614 = arith.addi %max3A_376, %add3A_613 : vector<16xi32>
          %select_n3A_615 = arith.select %lt3A_611, %add3A_614, %max3A_376 : vector<16xi1>, vector<16xi32>
          %reshape3A_616 = vector.shape_cast %select_n3A_615 : vector<16xi32> to vector<16x1xi32>
          %gather3A_617 = vector.shape_cast %reshape3A_616 : vector<16x1xi32> to vector<16xi32>
          %gather3A_618 = tpu.dynamic_gather %select_n3A_528[%gather3A_617] in [0] : vector<16xi32>, vector<16xi32> -> vector<16xi32>
          %eq3A_619 = arith.cmpi eq, %select_n3A_528, %gather3A_618 : vector<16xi32>
          %lt3A_620 = arith.constant 0 : i32
          %lt3A_621 = vector.broadcast %lt3A_620 : i32 to vector<16xi32>
          %lt3A_622 = arith.cmpi slt, %max3A_376, %lt3A_621 : vector<16xi32>
          %add3A_623 = arith.constant 16 : i32
          %add3A_624 = vector.broadcast %add3A_623 : i32 to vector<16xi32>
          %add3A_625 = arith.addi %max3A_376, %add3A_624 : vector<16xi32>
          %select_n3A_626 = arith.select %lt3A_622, %add3A_625, %max3A_376 : vector<16xi1>, vector<16xi32>
          %reshape3A_627 = vector.shape_cast %select_n3A_626 : vector<16xi32> to vector<16x1xi32>
          %gather3A_628 = vector.shape_cast %reshape3A_627 : vector<16x1xi32> to vector<16xi32>
          %gather3A_629 = tpu.dynamic_gather %select_n3A_608[%gather3A_628] in [0] : vector<16xf32>, vector<16xi32> -> vector<16xf32>
          %max3A_630 = arith.maximumf %select_n3A_608, %gather3A_629 : vector<16xf32>
          %select_n3A_631 = arith.select %eq3A_619, %max3A_630, %select_n3A_608 : vector<16xi1>, vector<16xf32>
          %broadcast_in_dim3A_632 = arith.constant true
          %broadcast_in_dim3A_633 = vector.broadcast %broadcast_in_dim3A_632 : i1 to vector<16xi1>
          %masked_cumsum3A = tpu.scan <sum>, %select_n3A_529 masked %broadcast_in_dim3A_633 : vector<16xf32>, vector<16xi1> -> vector<16xf32>
          %gather3A_634 = tpu.vector_load_idx %arg9[%select_n3A_528] : memref<3216xf32, #tpu.memory_space<vmem>>[vector<16xi32>], vector<16xf32>,
          %max3A_635 = arith.maximumf %gather3A_634, %select_n3A_631 : vector<16xf32>
          tpu.vector_store_idx %arg9[%select_n3A_528], %max3A_635 masked %or3A : memref<3216xf32, #tpu.memory_space<vmem>>[vector<16xi32>], vector<16xf32>, vector<16xi1>
          tpu.vector_store_idx %arg10[%select_n3A_528], %masked_cumsum3A masked %or3A {add = true} : memref<3216xf32, #tpu.memory_space<vmem>>[vector<16xi32>], vector<16xf32>, vector<16xi1>
          %neg3A_636 = arith.constant 0.000000e+00 : f32
          %neg3A_637 = vector.broadcast %neg3A_636 : f32 to vector<16xf32>
          %neg3A_638 = arith.subf %neg3A_637, %masked_cumsum3A : vector<16xf32>
          tpu.vector_store_idx %arg10[%gather3A_538], %neg3A_638 masked %ne3A_539 {add = true} : memref<3216xf32, #tpu.memory_space<vmem>>[vector<16xi32>], vector<16xf32>, vector<16xi1>
        }
        %scan3A_507 = arith.constant 512 : i32
        %cond3A_508 = arith.constant 0 : i32
        scf.yield %cond3A_508 : i32
      }
    }
    %while3A_411 = arith.constant 1 : i32
    scf.for %while3A_438 = %while3A_409 to %while3A_405 step %while3A_411  : i32 {
      %rem3A_439 = arith.constant 2 : i32
      %rem3A_440 = arith.remsi %while3A_438, %rem3A_439 : i32
      %rem3A_441 = arith.constant 2 : i32
      %rem3A_442 = arith.remsi %while3A_438, %rem3A_441 : i32
      %mul3A_443 = arith.constant 8192 : i32
      %mul3A_444 = arith.muli %while3A_438, %mul3A_443 : i32
      %add3A_445 = arith.addi %mul3A_314, %mul3A_444 : i32
      %min3A_446 = arith.constant 6391808 : i32
      %min3A_447 = arith.minsi %add3A_445, %min3A_446 : i32
      %multiple_of3A = tpu.assume_multiple %min3A_447, 8 : i32
      %mul3A_448 = arith.constant 8224 : i32
      %mul3A_449 = arith.muli %rem3A_442, %mul3A_448 : i32
      %add3A_450 = arith.constant 16 : i32
      %add3A_451 = arith.addi %mul3A_449, %add3A_450 : i32
      %multiple_of3A_452 = tpu.assume_multiple %add3A_451, 8 : i32
      %mul3A_453 = arith.constant 8192 : i32
      %mul3A_454 = arith.muli %rem3A_442, %mul3A_453 : i32
      %multiple_of3A_455 = tpu.assume_multiple %mul3A_454, 8 : i32
      %dma_wait3A_456 = tpu.memref_slice %arg7[%multiple_of3A_452] : memref<16448xi32, #tpu.memory_space<vmem>> -> memref<8192xi32, #tpu.memory_space<vmem>>
      %dma_wait3A_457 = tpu.memref_slice %arg3[%multiple_of3A] : memref<6400000xi32, #tpu.memory_space<hbm>> -> memref<8192xi32, #tpu.memory_space<hbm>>
      %dma_wait3A_458 = tpu.memref_slice %arg14[%rem3A_442] : memref<2x!tpu.dma_semaphore, #tpu.memory_space<semaphore_mem>> -> memref<1x!tpu.dma_semaphore, #tpu.memory_space<semaphore_mem>>
      %dma_wait3A_459 = tpu.memref_squeeze %dma_wait3A_458 : memref<1x!tpu.dma_semaphore, #tpu.memory_space<semaphore_mem>> -> memref<!tpu.dma_semaphore, #tpu.memory_space<semaphore_mem>>
      %dma_wait3A_460 = tpu.memref_slice %arg7[%multiple_of3A_452] : memref<16448xi32, #tpu.memory_space<vmem>> -> memref<8192xi32, #tpu.memory_space<vmem>>
      %dma_wait3A_461 = tpu.memref_slice %arg3[%multiple_of3A] : memref<6400000xi32, #tpu.memory_space<hbm>> -> memref<8192xi32, #tpu.memory_space<hbm>>
      tpu.wait_dma2 semaphore(%dma_wait3A_459 : memref<!tpu.dma_semaphore, #tpu.memory_space<semaphore_mem>>) src(%dma_wait3A_461 : memref<8192xi32, #tpu.memory_space<hbm>>) dst(%dma_wait3A_460 : memref<8192xi32, #tpu.memory_space<vmem>>)
      %dma_wait3A_462 = tpu.memref_slice %arg8[%multiple_of3A_455] : memref<16384xf32, #tpu.memory_space<vmem>> -> memref<8192xf32, #tpu.memory_space<vmem>>
      %dma_wait3A_463 = tpu.memref_slice %arg2[%multiple_of3A] : memref<6400000xf32, #tpu.memory_space<hbm>> -> memref<8192xf32, #tpu.memory_space<hbm>>
      %dma_wait3A_464 = tpu.memref_slice %arg15[%rem3A_442] : memref<2x!tpu.dma_semaphore, #tpu.memory_space<semaphore_mem>> -> memref<1x!tpu.dma_semaphore, #tpu.memory_space<semaphore_mem>>
      %dma_wait3A_465 = tpu.memref_squeeze %dma_wait3A_464 : memref<1x!tpu.dma_semaphore, #tpu.memory_space<semaphore_mem>> -> memref<!tpu.dma_semaphore, #tpu.memory_space<semaphore_mem>>
      %dma_wait3A_466 = tpu.memref_slice %arg8[%multiple_of3A_455] : memref<16384xf32, #tpu.memory_space<vmem>> -> memref<8192xf32, #tpu.memory_space<vmem>>
      %dma_wait3A_467 = tpu.memref_slice %arg2[%multiple_of3A] : memref<6400000xf32, #tpu.memory_space<hbm>> -> memref<8192xf32, #tpu.memory_space<hbm>>
      tpu.wait_dma2 semaphore(%dma_wait3A_465 : memref<!tpu.dma_semaphore, #tpu.memory_space<semaphore_mem>>) src(%dma_wait3A_467 : memref<8192xf32, #tpu.memory_space<hbm>>) dst(%dma_wait3A_466 : memref<8192xf32, #tpu.memory_space<vmem>>)
      %add3A_468 = arith.constant 1 : i32
      %add3A_469 = arith.addi %while3A_438, %add3A_468 : i32
      %lt3A_470 = arith.cmpi slt, %add3A_469, %max3A_344 : i32
      %convert_element_type3A_471 = arith.extui %lt3A_470 : i1 to i32
      %cond3A_472 = arith.constant 0 : i32
      %cond3A_473 = arith.cmpi ne, %convert_element_type3A_471, %cond3A_472 : i32
      scf.if %cond3A_473 {
        %add3A_495 = arith.constant 1 : i32
        %add3A_496 = arith.addi %while3A_438, %add3A_495 : i32
        %rem3A_497 = arith.constant 2 : i32
        %rem3A_498 = arith.remsi %add3A_496, %rem3A_497 : i32
        %mul3A_499 = arith.constant 8192 : i32
        %mul3A_500 = arith.muli %add3A_496, %mul3A_499 : i32
        %add3A_501 = arith.addi %mul3A_314, %mul3A_500 : i32
        %min3A_502 = arith.constant 6391808 : i32
        %min3A_503 = arith.minsi %add3A_501, %min3A_502 : i32
        %multiple_of3A_504 = tpu.assume_multiple %min3A_503, 8 : i32
        %mul3A_505 = arith.constant 8224 : i32
        %mul3A_506 = arith.muli %rem3A_498, %mul3A_505 : i32
        %add3A_507 = arith.constant 16 : i32
        %add3A_508 = arith.addi %mul3A_506, %add3A_507 : i32
        %multiple_of3A_509 = tpu.assume_multiple %add3A_508, 8 : i32
        %mul3A_510 = arith.constant 8192 : i32
        %mul3A_511 = arith.muli %rem3A_498, %mul3A_510 : i32
        %multiple_of3A_512 = tpu.assume_multiple %mul3A_511, 8 : i32
        %dma_start3A_513 = tpu.memref_slice %arg7[%multiple_of3A_509] : memref<16448xi32, #tpu.memory_space<vmem>> -> memref<8192xi32, #tpu.memory_space<vmem>>
        %dma_start3A_514 = tpu.memref_slice %arg3[%multiple_of3A_504] : memref<6400000xi32, #tpu.memory_space<hbm>> -> memref<8192xi32, #tpu.memory_space<hbm>>
        %dma_start3A_515 = tpu.memref_slice %arg14[%rem3A_498] : memref<2x!tpu.dma_semaphore, #tpu.memory_space<semaphore_mem>> -> memref<1x!tpu.dma_semaphore, #tpu.memory_space<semaphore_mem>>
        %dma_start3A_516 = tpu.memref_squeeze %dma_start3A_515 : memref<1x!tpu.dma_semaphore, #tpu.memory_space<semaphore_mem>> -> memref<!tpu.dma_semaphore, #tpu.memory_space<semaphore_mem>>
        %dma_start3A_517 = tpu.memref_slice %arg7[%multiple_of3A_509] : memref<16448xi32, #tpu.memory_space<vmem>> -> memref<8192xi32, #tpu.memory_space<vmem>>
        %dma_start3A_518 = tpu.memref_slice %arg3[%multiple_of3A_504] : memref<6400000xi32, #tpu.memory_space<hbm>> -> memref<8192xi32, #tpu.memory_space<hbm>>
        tpu.enqueue_dma source(%dma_start3A_518 : memref<8192xi32, #tpu.memory_space<hbm>>) target(%dma_start3A_517 : memref<8192xi32, #tpu.memory_space<vmem>>) target_semaphore(%dma_start3A_516 : memref<!tpu.dma_semaphore, #tpu.memory_space<semaphore_mem>>)
        %dma_start3A_519 = tpu.memref_slice %arg8[%multiple_of3A_512] : memref<16384xf32, #tpu.memory_space<vmem>> -> memref<8192xf32, #tpu.memory_space<vmem>>
        %dma_start3A_520 = tpu.memref_slice %arg2[%multiple_of3A_504] : memref<6400000xf32, #tpu.memory_space<hbm>> -> memref<8192xf32, #tpu.memory_space<hbm>>
        %dma_start3A_521 = tpu.memref_slice %arg15[%rem3A_498] : memref<2x!tpu.dma_semaphore, #tpu.memory_space<semaphore_mem>> -> memref<1x!tpu.dma_semaphore, #tpu.memory_space<semaphore_mem>>
        %dma_start3A_522 = tpu.memref_squeeze %dma_start3A_521 : memref<1x!tpu.dma_semaphore, #tpu.memory_space<semaphore_mem>> -> memref<!tpu.dma_semaphore, #tpu.memory_space<semaphore_mem>>
        %dma_start3A_523 = tpu.memref_slice %arg8[%multiple_of3A_512] : memref<16384xf32, #tpu.memory_space<vmem>> -> memref<8192xf32, #tpu.memory_space<vmem>>
        %dma_start3A_524 = tpu.memref_slice %arg2[%multiple_of3A_504] : memref<6400000xf32, #tpu.memory_space<hbm>> -> memref<8192xf32, #tpu.memory_space<hbm>>
        tpu.enqueue_dma source(%dma_start3A_524 : memref<8192xf32, #tpu.memory_space<hbm>>) target(%dma_start3A_523 : memref<8192xf32, #tpu.memory_space<vmem>>) target_semaphore(%dma_start3A_522 : memref<!tpu.dma_semaphore, #tpu.memory_space<semaphore_mem>>)
      } else {
      }
      %mul3A_474 = arith.constant 8192 : i32
      %mul3A_475 = arith.muli %while3A_438, %mul3A_474 : i32
      %add3A_476 = arith.addi %mul3A_314, %mul3A_475 : i32
      %mul3A_477 = arith.constant 8224 : i32
      %mul3A_478 = arith.muli %rem3A_440, %mul3A_477 : i32
      %add3A_479 = arith.constant 16 : i32
      %add3A_480 = arith.addi %mul3A_478, %add3A_479 : i32
      %mul3A_481 = arith.constant 8192 : i32
      %mul3A_482 = arith.muli %rem3A_440, %mul3A_481 : i32
      %le3A = arith.cmpi sle, %add3A_289, %add3A_476 : i32
      %add3A_483 = arith.constant 8192 : i32
      %add3A_484 = arith.addi %add3A_476, %add3A_483 : i32
      %le3A_485 = arith.cmpi sle, %add3A_484, %add3A_294 : i32
      %and3A_486 = arith.andi %le3A, %le3A_485 : i1
      %le3A_487 = arith.constant 6391808 : i32
      %le3A_488 = arith.cmpi sle, %add3A_476, %le3A_487 : i32
      %and3A_489 = arith.andi %and3A_486, %le3A_488 : i1
      %convert_element_type3A_490 = arith.extui %and3A_489 : i1 to i32
      %cond3A_491 = arith.constant 0 : i32
      %cond3A_492 = arith.constant 0 : i32
      %cond3A_493 = arith.cmpi ne, %convert_element_type3A_490, %cond3A_492 : i32
      %cond3A_494 = scf.if %cond3A_493 -> (i32) {
        %scan3A_495 = arith.constant 0 : i32
        %scan3A_496 = arith.constant 0 : i32
        %scan3A_497 = arith.constant 64 : i32
        %scan3A_498 = arith.addi %scan3A_496, %scan3A_497 : i32
        %scan3A_499 = arith.constant 1 : i32
        scf.for %scan3A_502 = %scan3A_496 to %scan3A_498 step %scan3A_499  : i32 {
          %mul3A_503 = arith.constant 128 : i32
          %mul3A_504 = arith.muli %scan3A_502, %mul3A_503 : i32
          %add3A_505 = arith.addi %add3A_480, %mul3A_504 : i32
          %add3A_506 = arith.constant 0 : i32
          %add3A_507 = arith.addi %add3A_505, %add3A_506 : i32
          %mul3A_508 = arith.constant 128 : i32
          %mul3A_509 = arith.muli %scan3A_502, %mul3A_508 : i32
          %add3A_510 = arith.addi %add3A_480, %mul3A_509 : i32
          %add3A_511 = arith.constant 16 : i32
          %add3A_512 = arith.addi %add3A_510, %add3A_511 : i32
          %mul3A_513 = arith.constant 128 : i32
          %mul3A_514 = arith.muli %scan3A_502, %mul3A_513 : i32
          %add3A_515 = arith.addi %add3A_480, %mul3A_514 : i32
          %add3A_516 = arith.constant 32 : i32
          %add3A_517 = arith.addi %add3A_515, %add3A_516 : i32
          %mul3A_518 = arith.constant 128 : i32
          %mul3A_519 = arith.muli %scan3A_502, %mul3A_518 : i32
          %add3A_520 = arith.addi %add3A_480, %mul3A_519 : i32
          %add3A_521 = arith.constant 48 : i32
          %add3A_522 = arith.addi %add3A_520, %add3A_521 : i32
          %mul3A_523 = arith.constant 128 : i32
          %mul3A_524 = arith.muli %scan3A_502, %mul3A_523 : i32
          %add3A_525 = arith.addi %add3A_480, %mul3A_524 : i32
          %add3A_526 = arith.constant 64 : i32
          %add3A_527 = arith.addi %add3A_525, %add3A_526 : i32
          %mul3A_528 = arith.constant 128 : i32
          %mul3A_529 = arith.muli %scan3A_502, %mul3A_528 : i32
          %add3A_530 = arith.addi %add3A_480, %mul3A_529 : i32
          %add3A_531 = arith.constant 80 : i32
          %add3A_532 = arith.addi %add3A_530, %add3A_531 : i32
          %mul3A_533 = arith.constant 128 : i32
          %mul3A_534 = arith.muli %scan3A_502, %mul3A_533 : i32
          %add3A_535 = arith.addi %add3A_480, %mul3A_534 : i32
          %add3A_536 = arith.constant 96 : i32
          %add3A_537 = arith.addi %add3A_535, %add3A_536 : i32
          %mul3A_538 = arith.constant 128 : i32
          %mul3A_539 = arith.muli %scan3A_502, %mul3A_538 : i32
          %add3A_540 = arith.addi %add3A_480, %mul3A_539 : i32
          %add3A_541 = arith.constant 112 : i32
          %add3A_542 = arith.addi %add3A_540, %add3A_541 : i32
          %mul3A_543 = arith.constant 128 : i32
          %mul3A_544 = arith.muli %scan3A_502, %mul3A_543 : i32
          %add3A_545 = arith.addi %mul3A_482, %mul3A_544 : i32
          %add3A_546 = arith.constant 0 : i32
          %add3A_547 = arith.addi %add3A_545, %add3A_546 : i32
          %mul3A_548 = arith.constant 128 : i32
          %mul3A_549 = arith.muli %scan3A_502, %mul3A_548 : i32
          %add3A_550 = arith.addi %mul3A_482, %mul3A_549 : i32
          %add3A_551 = arith.constant 16 : i32
          %add3A_552 = arith.addi %add3A_550, %add3A_551 : i32
          %mul3A_553 = arith.constant 128 : i32
          %mul3A_554 = arith.muli %scan3A_502, %mul3A_553 : i32
          %add3A_555 = arith.addi %mul3A_482, %mul3A_554 : i32
          %add3A_556 = arith.constant 32 : i32
          %add3A_557 = arith.addi %add3A_555, %add3A_556 : i32
          %mul3A_558 = arith.constant 128 : i32
          %mul3A_559 = arith.muli %scan3A_502, %mul3A_558 : i32
          %add3A_560 = arith.addi %mul3A_482, %mul3A_559 : i32
          %add3A_561 = arith.constant 48 : i32
          %add3A_562 = arith.addi %add3A_560, %add3A_561 : i32
          %mul3A_563 = arith.constant 128 : i32
          %mul3A_564 = arith.muli %scan3A_502, %mul3A_563 : i32
          %add3A_565 = arith.addi %mul3A_482, %mul3A_564 : i32
          %add3A_566 = arith.constant 64 : i32
          %add3A_567 = arith.addi %add3A_565, %add3A_566 : i32
          %mul3A_568 = arith.constant 128 : i32
          %mul3A_569 = arith.muli %scan3A_502, %mul3A_568 : i32
          %add3A_570 = arith.addi %mul3A_482, %mul3A_569 : i32
          %add3A_571 = arith.constant 80 : i32
          %add3A_572 = arith.addi %add3A_570, %add3A_571 : i32
          %mul3A_573 = arith.constant 128 : i32
          %mul3A_574 = arith.muli %scan3A_502, %mul3A_573 : i32
          %add3A_575 = arith.addi %mul3A_482, %mul3A_574 : i32
          %add3A_576 = arith.constant 96 : i32
          %add3A_577 = arith.addi %add3A_575, %add3A_576 : i32
          %mul3A_578 = arith.constant 128 : i32
          %mul3A_579 = arith.muli %scan3A_502, %mul3A_578 : i32
          %add3A_580 = arith.addi %mul3A_482, %mul3A_579 : i32
          %add3A_581 = arith.constant 112 : i32
          %add3A_582 = arith.addi %add3A_580, %add3A_581 : i32
          %get3A_583 = arith.index_cast %add3A_507 : i32 to index
          %get3A_584 = tpu.vector_load %arg7[%get3A_583] {strides = array<i32>} : memref<16448xi32, #tpu.memory_space<vmem>>, vector<16xi32>,
          %get3A_585 = arith.index_cast %add3A_512 : i32 to index
          %get3A_586 = tpu.vector_load %arg7[%get3A_585] {strides = array<i32>} : memref<16448xi32, #tpu.memory_space<vmem>>, vector<16xi32>,
          %get3A_587 = arith.index_cast %add3A_517 : i32 to index
          %get3A_588 = tpu.vector_load %arg7[%get3A_587] {strides = array<i32>} : memref<16448xi32, #tpu.memory_space<vmem>>, vector<16xi32>,
          %get3A_589 = arith.index_cast %add3A_522 : i32 to index
          %get3A_590 = tpu.vector_load %arg7[%get3A_589] {strides = array<i32>} : memref<16448xi32, #tpu.memory_space<vmem>>, vector<16xi32>,
          %get3A_591 = arith.index_cast %add3A_527 : i32 to index
          %get3A_592 = tpu.vector_load %arg7[%get3A_591] {strides = array<i32>} : memref<16448xi32, #tpu.memory_space<vmem>>, vector<16xi32>,
          %get3A_593 = arith.index_cast %add3A_532 : i32 to index
          %get3A_594 = tpu.vector_load %arg7[%get3A_593] {strides = array<i32>} : memref<16448xi32, #tpu.memory_space<vmem>>, vector<16xi32>,
          %get3A_595 = arith.index_cast %add3A_537 : i32 to index
          %get3A_596 = tpu.vector_load %arg7[%get3A_595] {strides = array<i32>} : memref<16448xi32, #tpu.memory_space<vmem>>, vector<16xi32>,
          %get3A_597 = arith.index_cast %add3A_542 : i32 to index
          %get3A_598 = tpu.vector_load %arg7[%get3A_597] {strides = array<i32>} : memref<16448xi32, #tpu.memory_space<vmem>>, vector<16xi32>,
          %get3A_599 = arith.index_cast %add3A_547 : i32 to index
          %get3A_600 = tpu.vector_load %arg8[%get3A_599] {strides = array<i32>} : memref<16384xf32, #tpu.memory_space<vmem>>, vector<16xf32>,
          %get3A_601 = arith.index_cast %add3A_552 : i32 to index
          %get3A_602 = tpu.vector_load %arg8[%get3A_601] {strides = array<i32>} : memref<16384xf32, #tpu.memory_space<vmem>>, vector<16xf32>,
          %get3A_603 = arith.index_cast %add3A_557 : i32 to index
          %get3A_604 = tpu.vector_load %arg8[%get3A_603] {strides = array<i32>} : memref<16384xf32, #tpu.memory_space<vmem>>, vector<16xf32>,
          %get3A_605 = arith.index_cast %add3A_562 : i32 to index
          %get3A_606 = tpu.vector_load %arg8[%get3A_605] {strides = array<i32>} : memref<16384xf32, #tpu.memory_space<vmem>>, vector<16xf32>,
          %get3A_607 = arith.index_cast %add3A_567 : i32 to index
          %get3A_608 = tpu.vector_load %arg8[%get3A_607] {strides = array<i32>} : memref<16384xf32, #tpu.memory_space<vmem>>, vector<16xf32>,
          %get3A_609 = arith.index_cast %add3A_572 : i32 to index
          %get3A_610 = tpu.vector_load %arg8[%get3A_609] {strides = array<i32>} : memref<16384xf32, #tpu.memory_space<vmem>>, vector<16xf32>,
          %get3A_611 = arith.index_cast %add3A_577 : i32 to index
          %get3A_612 = tpu.vector_load %arg8[%get3A_611] {strides = array<i32>} : memref<16384xf32, #tpu.memory_space<vmem>>, vector<16xf32>,
          %get3A_613 = arith.index_cast %add3A_582 : i32 to index
          %get3A_614 = tpu.vector_load %arg8[%get3A_613] {strides = array<i32>} : memref<16384xf32, #tpu.memory_space<vmem>>, vector<16xf32>,
          %add3A_615 = arith.addi %get3A_584, %broadcast_in_dim3A_385 : vector<16xi32>
          %add3A_616 = arith.addi %get3A_586, %broadcast_in_dim3A_385 : vector<16xi32>
          %add3A_617 = arith.addi %get3A_588, %broadcast_in_dim3A_385 : vector<16xi32>
          %add3A_618 = arith.addi %get3A_590, %broadcast_in_dim3A_385 : vector<16xi32>
          %add3A_619 = arith.addi %get3A_592, %broadcast_in_dim3A_385 : vector<16xi32>
          %add3A_620 = arith.addi %get3A_594, %broadcast_in_dim3A_385 : vector<16xi32>
          %add3A_621 = arith.addi %get3A_596, %broadcast_in_dim3A_385 : vector<16xi32>
          %add3A_622 = arith.addi %get3A_598, %broadcast_in_dim3A_385 : vector<16xi32>
          %lt3A_623 = arith.constant 0 : i32
          %lt3A_624 = vector.broadcast %lt3A_623 : i32 to vector<16xi32>
          %lt3A_625 = arith.cmpi slt, %min3A_350, %lt3A_624 : vector<16xi32>
          %add3A_626 = arith.constant 16 : i32
          %add3A_627 = vector.broadcast %add3A_626 : i32 to vector<16xi32>
          %add3A_628 = arith.addi %min3A_350, %add3A_627 : vector<16xi32>
          %select_n3A_629 = arith.select %lt3A_625, %add3A_628, %min3A_350 : vector<16xi1>, vector<16xi32>
          %reshape3A = vector.shape_cast %select_n3A_629 : vector<16xi32> to vector<16x1xi32>
          %gather3A = vector.shape_cast %reshape3A : vector<16x1xi32> to vector<16xi32>
          %gather3A_630 = tpu.dynamic_gather %add3A_615[%gather3A] in [0] : vector<16xi32>, vector<16xi32> -> vector<16xi32>
          %lt3A_631 = arith.constant 0 : i32
          %lt3A_632 = vector.broadcast %lt3A_631 : i32 to vector<16xi32>
          %lt3A_633 = arith.cmpi slt, %min3A_350, %lt3A_632 : vector<16xi32>
          %add3A_634 = arith.constant 16 : i32
          %add3A_635 = vector.broadcast %add3A_634 : i32 to vector<16xi32>
          %add3A_636 = arith.addi %min3A_350, %add3A_635 : vector<16xi32>
          %select_n3A_637 = arith.select %lt3A_633, %add3A_636, %min3A_350 : vector<16xi1>, vector<16xi32>
          %reshape3A_638 = vector.shape_cast %select_n3A_637 : vector<16xi32> to vector<16x1xi32>
          %gather3A_639 = vector.shape_cast %reshape3A_638 : vector<16x1xi32> to vector<16xi32>
          %gather3A_640 = tpu.dynamic_gather %add3A_616[%gather3A_639] in [0] : vector<16xi32>, vector<16xi32> -> vector<16xi32>
          %lt3A_641 = arith.constant 0 : i32
          %lt3A_642 = vector.broadcast %lt3A_641 : i32 to vector<16xi32>
          %lt3A_643 = arith.cmpi slt, %min3A_350, %lt3A_642 : vector<16xi32>
          %add3A_644 = arith.constant 16 : i32
          %add3A_645 = vector.broadcast %add3A_644 : i32 to vector<16xi32>
          %add3A_646 = arith.addi %min3A_350, %add3A_645 : vector<16xi32>
          %select_n3A_647 = arith.select %lt3A_643, %add3A_646, %min3A_350 : vector<16xi1>, vector<16xi32>
          %reshape3A_648 = vector.shape_cast %select_n3A_647 : vector<16xi32> to vector<16x1xi32>
          %gather3A_649 = vector.shape_cast %reshape3A_648 : vector<16x1xi32> to vector<16xi32>
          %gather3A_650 = tpu.dynamic_gather %add3A_617[%gather3A_649] in [0] : vector<16xi32>, vector<16xi32> -> vector<16xi32>
          %lt3A_651 = arith.constant 0 : i32
          %lt3A_652 = vector.broadcast %lt3A_651 : i32 to vector<16xi32>
          %lt3A_653 = arith.cmpi slt, %min3A_350, %lt3A_652 : vector<16xi32>
          %add3A_654 = arith.constant 16 : i32
          %add3A_655 = vector.broadcast %add3A_654 : i32 to vector<16xi32>
          %add3A_656 = arith.addi %min3A_350, %add3A_655 : vector<16xi32>
          %select_n3A_657 = arith.select %lt3A_653, %add3A_656, %min3A_350 : vector<16xi1>, vector<16xi32>
          %reshape3A_658 = vector.shape_cast %select_n3A_657 : vector<16xi32> to vector<16x1xi32>
          %gather3A_659 = vector.shape_cast %reshape3A_658 : vector<16x1xi32> to vector<16xi32>
          %gather3A_660 = tpu.dynamic_gather %add3A_618[%gather3A_659] in [0] : vector<16xi32>, vector<16xi32> -> vector<16xi32>
          %lt3A_661 = arith.constant 0 : i32
          %lt3A_662 = vector.broadcast %lt3A_661 : i32 to vector<16xi32>
          %lt3A_663 = arith.cmpi slt, %min3A_350, %lt3A_662 : vector<16xi32>
          %add3A_664 = arith.constant 16 : i32
          %add3A_665 = vector.broadcast %add3A_664 : i32 to vector<16xi32>
          %add3A_666 = arith.addi %min3A_350, %add3A_665 : vector<16xi32>
          %select_n3A_667 = arith.select %lt3A_663, %add3A_666, %min3A_350 : vector<16xi1>, vector<16xi32>
          %reshape3A_668 = vector.shape_cast %select_n3A_667 : vector<16xi32> to vector<16x1xi32>
          %gather3A_669 = vector.shape_cast %reshape3A_668 : vector<16x1xi32> to vector<16xi32>
          %gather3A_670 = tpu.dynamic_gather %add3A_619[%gather3A_669] in [0] : vector<16xi32>, vector<16xi32> -> vector<16xi32>
          %lt3A_671 = arith.constant 0 : i32
          %lt3A_672 = vector.broadcast %lt3A_671 : i32 to vector<16xi32>
          %lt3A_673 = arith.cmpi slt, %min3A_350, %lt3A_672 : vector<16xi32>
          %add3A_674 = arith.constant 16 : i32
          %add3A_675 = vector.broadcast %add3A_674 : i32 to vector<16xi32>
          %add3A_676 = arith.addi %min3A_350, %add3A_675 : vector<16xi32>
          %select_n3A_677 = arith.select %lt3A_673, %add3A_676, %min3A_350 : vector<16xi1>, vector<16xi32>
          %reshape3A_678 = vector.shape_cast %select_n3A_677 : vector<16xi32> to vector<16x1xi32>
          %gather3A_679 = vector.shape_cast %reshape3A_678 : vector<16x1xi32> to vector<16xi32>
          %gather3A_680 = tpu.dynamic_gather %add3A_620[%gather3A_679] in [0] : vector<16xi32>, vector<16xi32> -> vector<16xi32>
          %lt3A_681 = arith.constant 0 : i32
          %lt3A_682 = vector.broadcast %lt3A_681 : i32 to vector<16xi32>
          %lt3A_683 = arith.cmpi slt, %min3A_350, %lt3A_682 : vector<16xi32>
          %add3A_684 = arith.constant 16 : i32
          %add3A_685 = vector.broadcast %add3A_684 : i32 to vector<16xi32>
          %add3A_686 = arith.addi %min3A_350, %add3A_685 : vector<16xi32>
          %select_n3A_687 = arith.select %lt3A_683, %add3A_686, %min3A_350 : vector<16xi1>, vector<16xi32>
          %reshape3A_688 = vector.shape_cast %select_n3A_687 : vector<16xi32> to vector<16x1xi32>
          %gather3A_689 = vector.shape_cast %reshape3A_688 : vector<16x1xi32> to vector<16xi32>
          %gather3A_690 = tpu.dynamic_gather %add3A_621[%gather3A_689] in [0] : vector<16xi32>, vector<16xi32> -> vector<16xi32>
          %lt3A_691 = arith.constant 0 : i32
          %lt3A_692 = vector.broadcast %lt3A_691 : i32 to vector<16xi32>
          %lt3A_693 = arith.cmpi slt, %min3A_350, %lt3A_692 : vector<16xi32>
          %add3A_694 = arith.constant 16 : i32
          %add3A_695 = vector.broadcast %add3A_694 : i32 to vector<16xi32>
          %add3A_696 = arith.addi %min3A_350, %add3A_695 : vector<16xi32>
          %select_n3A_697 = arith.select %lt3A_693, %add3A_696, %min3A_350 : vector<16xi1>, vector<16xi32>
          %reshape3A_698 = vector.shape_cast %select_n3A_697 : vector<16xi32> to vector<16x1xi32>
          %gather3A_699 = vector.shape_cast %reshape3A_698 : vector<16x1xi32> to vector<16xi32>
          %gather3A_700 = tpu.dynamic_gather %add3A_622[%gather3A_699] in [0] : vector<16xi32>, vector<16xi32> -> vector<16xi32>
          %ne3A_701 = arith.cmpi ne, %add3A_615, %gather3A_630 : vector<16xi32>
          %ne3A_702 = arith.cmpi ne, %add3A_616, %gather3A_640 : vector<16xi32>
          %ne3A_703 = arith.cmpi ne, %add3A_617, %gather3A_650 : vector<16xi32>
          %ne3A_704 = arith.cmpi ne, %add3A_618, %gather3A_660 : vector<16xi32>
          %ne3A_705 = arith.cmpi ne, %add3A_619, %gather3A_670 : vector<16xi32>
          %ne3A_706 = arith.cmpi ne, %add3A_620, %gather3A_680 : vector<16xi32>
          %ne3A_707 = arith.cmpi ne, %add3A_621, %gather3A_690 : vector<16xi32>
          %ne3A_708 = arith.cmpi ne, %add3A_622, %gather3A_700 : vector<16xi32>
          %or3A = arith.ori %ne3A_701, %eq3A_378 : vector<16xi1>
          %or3A_709 = arith.ori %ne3A_702, %eq3A_378 : vector<16xi1>
          %or3A_710 = arith.ori %ne3A_703, %eq3A_378 : vector<16xi1>
          %or3A_711 = arith.ori %ne3A_704, %eq3A_378 : vector<16xi1>
          %or3A_712 = arith.ori %ne3A_705, %eq3A_378 : vector<16xi1>
          %or3A_713 = arith.ori %ne3A_706, %eq3A_378 : vector<16xi1>
          %or3A_714 = arith.ori %ne3A_707, %eq3A_378 : vector<16xi1>
          %or3A_715 = arith.ori %ne3A_708, %eq3A_378 : vector<16xi1>
          %sub3A_716 = arith.constant 1 : i32
          %sub3A_717 = arith.subi %add3A_507, %sub3A_716 : i32
          %get3A_718 = arith.index_cast %sub3A_717 : i32 to index
          %get3A_719 = tpu.vector_load %arg7[%get3A_718] {strides = array<i32>} : memref<16448xi32, #tpu.memory_space<vmem>>, vector<16xi32>,
          %eq3A_720 = arith.cmpi eq, %get3A_584, %get3A_719 : vector<16xi32>
          %lt3A_721 = arith.constant 0 : i32
          %lt3A_722 = vector.broadcast %lt3A_721 : i32 to vector<16xi32>
          %lt3A_723 = arith.cmpi slt, %max3A_358, %lt3A_722 : vector<16xi32>
          %add3A_724 = arith.constant 16 : i32
          %add3A_725 = vector.broadcast %add3A_724 : i32 to vector<16xi32>
          %add3A_726 = arith.addi %max3A_358, %add3A_725 : vector<16xi32>
          %select_n3A_727 = arith.select %lt3A_723, %add3A_726, %max3A_358 : vector<16xi1>, vector<16xi32>
          %reshape3A_728 = vector.shape_cast %select_n3A_727 : vector<16xi32> to vector<16x1xi32>
          %gather3A_729 = vector.shape_cast %reshape3A_728 : vector<16x1xi32> to vector<16xi32>
          %gather3A_730 = tpu.dynamic_gather %get3A_600[%gather3A_729] in [0] : vector<16xf32>, vector<16xi32> -> vector<16xf32>
          %max3A_731 = arith.maximumf %get3A_600, %gather3A_730 : vector<16xf32>
          %select_n3A_732 = arith.select %eq3A_720, %max3A_731, %get3A_600 : vector<16xi1>, vector<16xf32>
          %sub3A_733 = arith.constant 1 : i32
          %sub3A_734 = arith.subi %add3A_512, %sub3A_733 : i32
          %get3A_735 = arith.index_cast %sub3A_734 : i32 to index
          %get3A_736 = tpu.vector_load %arg7[%get3A_735] {strides = array<i32>} : memref<16448xi32, #tpu.memory_space<vmem>>, vector<16xi32>,
          %eq3A_737 = arith.cmpi eq, %get3A_586, %get3A_736 : vector<16xi32>
          %lt3A_738 = arith.constant 0 : i32
          %lt3A_739 = vector.broadcast %lt3A_738 : i32 to vector<16xi32>
          %lt3A_740 = arith.cmpi slt, %max3A_358, %lt3A_739 : vector<16xi32>
          %add3A_741 = arith.constant 16 : i32
          %add3A_742 = vector.broadcast %add3A_741 : i32 to vector<16xi32>
          %add3A_743 = arith.addi %max3A_358, %add3A_742 : vector<16xi32>
          %select_n3A_744 = arith.select %lt3A_740, %add3A_743, %max3A_358 : vector<16xi1>, vector<16xi32>
          %reshape3A_745 = vector.shape_cast %select_n3A_744 : vector<16xi32> to vector<16x1xi32>
          %gather3A_746 = vector.shape_cast %reshape3A_745 : vector<16x1xi32> to vector<16xi32>
          %gather3A_747 = tpu.dynamic_gather %get3A_602[%gather3A_746] in [0] : vector<16xf32>, vector<16xi32> -> vector<16xf32>
          %max3A_748 = arith.maximumf %get3A_602, %gather3A_747 : vector<16xf32>
          %select_n3A_749 = arith.select %eq3A_737, %max3A_748, %get3A_602 : vector<16xi1>, vector<16xf32>
          %sub3A_750 = arith.constant 1 : i32
          %sub3A_751 = arith.subi %add3A_517, %sub3A_750 : i32
          %get3A_752 = arith.index_cast %sub3A_751 : i32 to index
          %get3A_753 = tpu.vector_load %arg7[%get3A_752] {strides = array<i32>} : memref<16448xi32, #tpu.memory_space<vmem>>, vector<16xi32>,
          %eq3A_754 = arith.cmpi eq, %get3A_588, %get3A_753 : vector<16xi32>
          %lt3A_755 = arith.constant 0 : i32
          %lt3A_756 = vector.broadcast %lt3A_755 : i32 to vector<16xi32>
          %lt3A_757 = arith.cmpi slt, %max3A_358, %lt3A_756 : vector<16xi32>
          %add3A_758 = arith.constant 16 : i32
          %add3A_759 = vector.broadcast %add3A_758 : i32 to vector<16xi32>
          %add3A_760 = arith.addi %max3A_358, %add3A_759 : vector<16xi32>
          %select_n3A_761 = arith.select %lt3A_757, %add3A_760, %max3A_358 : vector<16xi1>, vector<16xi32>
          %reshape3A_762 = vector.shape_cast %select_n3A_761 : vector<16xi32> to vector<16x1xi32>
          %gather3A_763 = vector.shape_cast %reshape3A_762 : vector<16x1xi32> to vector<16xi32>
          %gather3A_764 = tpu.dynamic_gather %get3A_604[%gather3A_763] in [0] : vector<16xf32>, vector<16xi32> -> vector<16xf32>
          %max3A_765 = arith.maximumf %get3A_604, %gather3A_764 : vector<16xf32>
          %select_n3A_766 = arith.select %eq3A_754, %max3A_765, %get3A_604 : vector<16xi1>, vector<16xf32>
          %sub3A_767 = arith.constant 1 : i32
          %sub3A_768 = arith.subi %add3A_522, %sub3A_767 : i32
          %get3A_769 = arith.index_cast %sub3A_768 : i32 to index
          %get3A_770 = tpu.vector_load %arg7[%get3A_769] {strides = array<i32>} : memref<16448xi32, #tpu.memory_space<vmem>>, vector<16xi32>,
          %eq3A_771 = arith.cmpi eq, %get3A_590, %get3A_770 : vector<16xi32>
          %lt3A_772 = arith.constant 0 : i32
          %lt3A_773 = vector.broadcast %lt3A_772 : i32 to vector<16xi32>
          %lt3A_774 = arith.cmpi slt, %max3A_358, %lt3A_773 : vector<16xi32>
          %add3A_775 = arith.constant 16 : i32
          %add3A_776 = vector.broadcast %add3A_775 : i32 to vector<16xi32>
          %add3A_777 = arith.addi %max3A_358, %add3A_776 : vector<16xi32>
          %select_n3A_778 = arith.select %lt3A_774, %add3A_777, %max3A_358 : vector<16xi1>, vector<16xi32>
          %reshape3A_779 = vector.shape_cast %select_n3A_778 : vector<16xi32> to vector<16x1xi32>
          %gather3A_780 = vector.shape_cast %reshape3A_779 : vector<16x1xi32> to vector<16xi32>
          %gather3A_781 = tpu.dynamic_gather %get3A_606[%gather3A_780] in [0] : vector<16xf32>, vector<16xi32> -> vector<16xf32>
          %max3A_782 = arith.maximumf %get3A_606, %gather3A_781 : vector<16xf32>
          %select_n3A_783 = arith.select %eq3A_771, %max3A_782, %get3A_606 : vector<16xi1>, vector<16xf32>
          %sub3A_784 = arith.constant 1 : i32
          %sub3A_785 = arith.subi %add3A_527, %sub3A_784 : i32
          %get3A_786 = arith.index_cast %sub3A_785 : i32 to index
          %get3A_787 = tpu.vector_load %arg7[%get3A_786] {strides = array<i32>} : memref<16448xi32, #tpu.memory_space<vmem>>, vector<16xi32>,
          %eq3A_788 = arith.cmpi eq, %get3A_592, %get3A_787 : vector<16xi32>
          %lt3A_789 = arith.constant 0 : i32
          %lt3A_790 = vector.broadcast %lt3A_789 : i32 to vector<16xi32>
          %lt3A_791 = arith.cmpi slt, %max3A_358, %lt3A_790 : vector<16xi32>
          %add3A_792 = arith.constant 16 : i32
          %add3A_793 = vector.broadcast %add3A_792 : i32 to vector<16xi32>
          %add3A_794 = arith.addi %max3A_358, %add3A_793 : vector<16xi32>
          %select_n3A_795 = arith.select %lt3A_791, %add3A_794, %max3A_358 : vector<16xi1>, vector<16xi32>
          %reshape3A_796 = vector.shape_cast %select_n3A_795 : vector<16xi32> to vector<16x1xi32>
          %gather3A_797 = vector.shape_cast %reshape3A_796 : vector<16x1xi32> to vector<16xi32>
          %gather3A_798 = tpu.dynamic_gather %get3A_608[%gather3A_797] in [0] : vector<16xf32>, vector<16xi32> -> vector<16xf32>
          %max3A_799 = arith.maximumf %get3A_608, %gather3A_798 : vector<16xf32>
          %select_n3A_800 = arith.select %eq3A_788, %max3A_799, %get3A_608 : vector<16xi1>, vector<16xf32>
          %sub3A_801 = arith.constant 1 : i32
          %sub3A_802 = arith.subi %add3A_532, %sub3A_801 : i32
          %get3A_803 = arith.index_cast %sub3A_802 : i32 to index
          %get3A_804 = tpu.vector_load %arg7[%get3A_803] {strides = array<i32>} : memref<16448xi32, #tpu.memory_space<vmem>>, vector<16xi32>,
          %eq3A_805 = arith.cmpi eq, %get3A_594, %get3A_804 : vector<16xi32>
          %lt3A_806 = arith.constant 0 : i32
          %lt3A_807 = vector.broadcast %lt3A_806 : i32 to vector<16xi32>
          %lt3A_808 = arith.cmpi slt, %max3A_358, %lt3A_807 : vector<16xi32>
          %add3A_809 = arith.constant 16 : i32
          %add3A_810 = vector.broadcast %add3A_809 : i32 to vector<16xi32>
          %add3A_811 = arith.addi %max3A_358, %add3A_810 : vector<16xi32>
          %select_n3A_812 = arith.select %lt3A_808, %add3A_811, %max3A_358 : vector<16xi1>, vector<16xi32>
          %reshape3A_813 = vector.shape_cast %select_n3A_812 : vector<16xi32> to vector<16x1xi32>
          %gather3A_814 = vector.shape_cast %reshape3A_813 : vector<16x1xi32> to vector<16xi32>
          %gather3A_815 = tpu.dynamic_gather %get3A_610[%gather3A_814] in [0] : vector<16xf32>, vector<16xi32> -> vector<16xf32>
          %max3A_816 = arith.maximumf %get3A_610, %gather3A_815 : vector<16xf32>
          %select_n3A_817 = arith.select %eq3A_805, %max3A_816, %get3A_610 : vector<16xi1>, vector<16xf32>
          %sub3A_818 = arith.constant 1 : i32
          %sub3A_819 = arith.subi %add3A_537, %sub3A_818 : i32
          %get3A_820 = arith.index_cast %sub3A_819 : i32 to index
          %get3A_821 = tpu.vector_load %arg7[%get3A_820] {strides = array<i32>} : memref<16448xi32, #tpu.memory_space<vmem>>, vector<16xi32>,
          %eq3A_822 = arith.cmpi eq, %get3A_596, %get3A_821 : vector<16xi32>
          %lt3A_823 = arith.constant 0 : i32
          %lt3A_824 = vector.broadcast %lt3A_823 : i32 to vector<16xi32>
          %lt3A_825 = arith.cmpi slt, %max3A_358, %lt3A_824 : vector<16xi32>
          %add3A_826 = arith.constant 16 : i32
          %add3A_827 = vector.broadcast %add3A_826 : i32 to vector<16xi32>
          %add3A_828 = arith.addi %max3A_358, %add3A_827 : vector<16xi32>
          %select_n3A_829 = arith.select %lt3A_825, %add3A_828, %max3A_358 : vector<16xi1>, vector<16xi32>
          %reshape3A_830 = vector.shape_cast %select_n3A_829 : vector<16xi32> to vector<16x1xi32>
          %gather3A_831 = vector.shape_cast %reshape3A_830 : vector<16x1xi32> to vector<16xi32>
          %gather3A_832 = tpu.dynamic_gather %get3A_612[%gather3A_831] in [0] : vector<16xf32>, vector<16xi32> -> vector<16xf32>
          %max3A_833 = arith.maximumf %get3A_612, %gather3A_832 : vector<16xf32>
          %select_n3A_834 = arith.select %eq3A_822, %max3A_833, %get3A_612 : vector<16xi1>, vector<16xf32>
          %sub3A_835 = arith.constant 1 : i32
          %sub3A_836 = arith.subi %add3A_542, %sub3A_835 : i32
          %get3A_837 = arith.index_cast %sub3A_836 : i32 to index
          %get3A_838 = tpu.vector_load %arg7[%get3A_837] {strides = array<i32>} : memref<16448xi32, #tpu.memory_space<vmem>>, vector<16xi32>,
          %eq3A_839 = arith.cmpi eq, %get3A_598, %get3A_838 : vector<16xi32>
          %lt3A_840 = arith.constant 0 : i32
          %lt3A_841 = vector.broadcast %lt3A_840 : i32 to vector<16xi32>
          %lt3A_842 = arith.cmpi slt, %max3A_358, %lt3A_841 : vector<16xi32>
          %add3A_843 = arith.constant 16 : i32
          %add3A_844 = vector.broadcast %add3A_843 : i32 to vector<16xi32>
          %add3A_845 = arith.addi %max3A_358, %add3A_844 : vector<16xi32>
          %select_n3A_846 = arith.select %lt3A_842, %add3A_845, %max3A_358 : vector<16xi1>, vector<16xi32>
          %reshape3A_847 = vector.shape_cast %select_n3A_846 : vector<16xi32> to vector<16x1xi32>
          %gather3A_848 = vector.shape_cast %reshape3A_847 : vector<16x1xi32> to vector<16xi32>
          %gather3A_849 = tpu.dynamic_gather %get3A_614[%gather3A_848] in [0] : vector<16xf32>, vector<16xi32> -> vector<16xf32>
          %max3A_850 = arith.maximumf %get3A_614, %gather3A_849 : vector<16xf32>
          %select_n3A_851 = arith.select %eq3A_839, %max3A_850, %get3A_614 : vector<16xi1>, vector<16xf32>
          %sub3A_852 = arith.constant 2 : i32
          %sub3A_853 = arith.subi %add3A_507, %sub3A_852 : i32
          %get3A_854 = arith.index_cast %sub3A_853 : i32 to index
          %get3A_855 = tpu.vector_load %arg7[%get3A_854] {strides = array<i32>} : memref<16448xi32, #tpu.memory_space<vmem>>, vector<16xi32>,
          %eq3A_856 = arith.cmpi eq, %get3A_584, %get3A_855 : vector<16xi32>
          %lt3A_857 = arith.constant 0 : i32
          %lt3A_858 = vector.broadcast %lt3A_857 : i32 to vector<16xi32>
          %lt3A_859 = arith.cmpi slt, %max3A_364, %lt3A_858 : vector<16xi32>
          %add3A_860 = arith.constant 16 : i32
          %add3A_861 = vector.broadcast %add3A_860 : i32 to vector<16xi32>
          %add3A_862 = arith.addi %max3A_364, %add3A_861 : vector<16xi32>
          %select_n3A_863 = arith.select %lt3A_859, %add3A_862, %max3A_364 : vector<16xi1>, vector<16xi32>
          %reshape3A_864 = vector.shape_cast %select_n3A_863 : vector<16xi32> to vector<16x1xi32>
          %gather3A_865 = vector.shape_cast %reshape3A_864 : vector<16x1xi32> to vector<16xi32>
          %gather3A_866 = tpu.dynamic_gather %select_n3A_732[%gather3A_865] in [0] : vector<16xf32>, vector<16xi32> -> vector<16xf32>
          %max3A_867 = arith.maximumf %select_n3A_732, %gather3A_866 : vector<16xf32>
          %select_n3A_868 = arith.select %eq3A_856, %max3A_867, %select_n3A_732 : vector<16xi1>, vector<16xf32>
          %sub3A_869 = arith.constant 2 : i32
          %sub3A_870 = arith.subi %add3A_512, %sub3A_869 : i32
          %get3A_871 = arith.index_cast %sub3A_870 : i32 to index
          %get3A_872 = tpu.vector_load %arg7[%get3A_871] {strides = array<i32>} : memref<16448xi32, #tpu.memory_space<vmem>>, vector<16xi32>,
          %eq3A_873 = arith.cmpi eq, %get3A_586, %get3A_872 : vector<16xi32>
          %lt3A_874 = arith.constant 0 : i32
          %lt3A_875 = vector.broadcast %lt3A_874 : i32 to vector<16xi32>
          %lt3A_876 = arith.cmpi slt, %max3A_364, %lt3A_875 : vector<16xi32>
          %add3A_877 = arith.constant 16 : i32
          %add3A_878 = vector.broadcast %add3A_877 : i32 to vector<16xi32>
          %add3A_879 = arith.addi %max3A_364, %add3A_878 : vector<16xi32>
          %select_n3A_880 = arith.select %lt3A_876, %add3A_879, %max3A_364 : vector<16xi1>, vector<16xi32>
          %reshape3A_881 = vector.shape_cast %select_n3A_880 : vector<16xi32> to vector<16x1xi32>
          %gather3A_882 = vector.shape_cast %reshape3A_881 : vector<16x1xi32> to vector<16xi32>
          %gather3A_883 = tpu.dynamic_gather %select_n3A_749[%gather3A_882] in [0] : vector<16xf32>, vector<16xi32> -> vector<16xf32>
          %max3A_884 = arith.maximumf %select_n3A_749, %gather3A_883 : vector<16xf32>
          %select_n3A_885 = arith.select %eq3A_873, %max3A_884, %select_n3A_749 : vector<16xi1>, vector<16xf32>
          %sub3A_886 = arith.constant 2 : i32
          %sub3A_887 = arith.subi %add3A_517, %sub3A_886 : i32
          %get3A_888 = arith.index_cast %sub3A_887 : i32 to index
          %get3A_889 = tpu.vector_load %arg7[%get3A_888] {strides = array<i32>} : memref<16448xi32, #tpu.memory_space<vmem>>, vector<16xi32>,
          %eq3A_890 = arith.cmpi eq, %get3A_588, %get3A_889 : vector<16xi32>
          %lt3A_891 = arith.constant 0 : i32
          %lt3A_892 = vector.broadcast %lt3A_891 : i32 to vector<16xi32>
          %lt3A_893 = arith.cmpi slt, %max3A_364, %lt3A_892 : vector<16xi32>
          %add3A_894 = arith.constant 16 : i32
          %add3A_895 = vector.broadcast %add3A_894 : i32 to vector<16xi32>
          %add3A_896 = arith.addi %max3A_364, %add3A_895 : vector<16xi32>
          %select_n3A_897 = arith.select %lt3A_893, %add3A_896, %max3A_364 : vector<16xi1>, vector<16xi32>
          %reshape3A_898 = vector.shape_cast %select_n3A_897 : vector<16xi32> to vector<16x1xi32>
          %gather3A_899 = vector.shape_cast %reshape3A_898 : vector<16x1xi32> to vector<16xi32>
          %gather3A_900 = tpu.dynamic_gather %select_n3A_766[%gather3A_899] in [0] : vector<16xf32>, vector<16xi32> -> vector<16xf32>
          %max3A_901 = arith.maximumf %select_n3A_766, %gather3A_900 : vector<16xf32>
          %select_n3A_902 = arith.select %eq3A_890, %max3A_901, %select_n3A_766 : vector<16xi1>, vector<16xf32>
          %sub3A_903 = arith.constant 2 : i32
          %sub3A_904 = arith.subi %add3A_522, %sub3A_903 : i32
          %get3A_905 = arith.index_cast %sub3A_904 : i32 to index
          %get3A_906 = tpu.vector_load %arg7[%get3A_905] {strides = array<i32>} : memref<16448xi32, #tpu.memory_space<vmem>>, vector<16xi32>,
          %eq3A_907 = arith.cmpi eq, %get3A_590, %get3A_906 : vector<16xi32>
          %lt3A_908 = arith.constant 0 : i32
          %lt3A_909 = vector.broadcast %lt3A_908 : i32 to vector<16xi32>
          %lt3A_910 = arith.cmpi slt, %max3A_364, %lt3A_909 : vector<16xi32>
          %add3A_911 = arith.constant 16 : i32
          %add3A_912 = vector.broadcast %add3A_911 : i32 to vector<16xi32>
          %add3A_913 = arith.addi %max3A_364, %add3A_912 : vector<16xi32>
          %select_n3A_914 = arith.select %lt3A_910, %add3A_913, %max3A_364 : vector<16xi1>, vector<16xi32>
          %reshape3A_915 = vector.shape_cast %select_n3A_914 : vector<16xi32> to vector<16x1xi32>
          %gather3A_916 = vector.shape_cast %reshape3A_915 : vector<16x1xi32> to vector<16xi32>
          %gather3A_917 = tpu.dynamic_gather %select_n3A_783[%gather3A_916] in [0] : vector<16xf32>, vector<16xi32> -> vector<16xf32>
          %max3A_918 = arith.maximumf %select_n3A_783, %gather3A_917 : vector<16xf32>
          %select_n3A_919 = arith.select %eq3A_907, %max3A_918, %select_n3A_783 : vector<16xi1>, vector<16xf32>
          %sub3A_920 = arith.constant 2 : i32
          %sub3A_921 = arith.subi %add3A_527, %sub3A_920 : i32
          %get3A_922 = arith.index_cast %sub3A_921 : i32 to index
          %get3A_923 = tpu.vector_load %arg7[%get3A_922] {strides = array<i32>} : memref<16448xi32, #tpu.memory_space<vmem>>, vector<16xi32>,
          %eq3A_924 = arith.cmpi eq, %get3A_592, %get3A_923 : vector<16xi32>
          %lt3A_925 = arith.constant 0 : i32
          %lt3A_926 = vector.broadcast %lt3A_925 : i32 to vector<16xi32>
          %lt3A_927 = arith.cmpi slt, %max3A_364, %lt3A_926 : vector<16xi32>
          %add3A_928 = arith.constant 16 : i32
          %add3A_929 = vector.broadcast %add3A_928 : i32 to vector<16xi32>
          %add3A_930 = arith.addi %max3A_364, %add3A_929 : vector<16xi32>
          %select_n3A_931 = arith.select %lt3A_927, %add3A_930, %max3A_364 : vector<16xi1>, vector<16xi32>
          %reshape3A_932 = vector.shape_cast %select_n3A_931 : vector<16xi32> to vector<16x1xi32>
          %gather3A_933 = vector.shape_cast %reshape3A_932 : vector<16x1xi32> to vector<16xi32>
          %gather3A_934 = tpu.dynamic_gather %select_n3A_800[%gather3A_933] in [0] : vector<16xf32>, vector<16xi32> -> vector<16xf32>
          %max3A_935 = arith.maximumf %select_n3A_800, %gather3A_934 : vector<16xf32>
          %select_n3A_936 = arith.select %eq3A_924, %max3A_935, %select_n3A_800 : vector<16xi1>, vector<16xf32>
          %sub3A_937 = arith.constant 2 : i32
          %sub3A_938 = arith.subi %add3A_532, %sub3A_937 : i32
          %get3A_939 = arith.index_cast %sub3A_938 : i32 to index
          %get3A_940 = tpu.vector_load %arg7[%get3A_939] {strides = array<i32>} : memref<16448xi32, #tpu.memory_space<vmem>>, vector<16xi32>,
          %eq3A_941 = arith.cmpi eq, %get3A_594, %get3A_940 : vector<16xi32>
          %lt3A_942 = arith.constant 0 : i32
          %lt3A_943 = vector.broadcast %lt3A_942 : i32 to vector<16xi32>
          %lt3A_944 = arith.cmpi slt, %max3A_364, %lt3A_943 : vector<16xi32>
          %add3A_945 = arith.constant 16 : i32
          %add3A_946 = vector.broadcast %add3A_945 : i32 to vector<16xi32>
          %add3A_947 = arith.addi %max3A_364, %add3A_946 : vector<16xi32>
          %select_n3A_948 = arith.select %lt3A_944, %add3A_947, %max3A_364 : vector<16xi1>, vector<16xi32>
          %reshape3A_949 = vector.shape_cast %select_n3A_948 : vector<16xi32> to vector<16x1xi32>
          %gather3A_950 = vector.shape_cast %reshape3A_949 : vector<16x1xi32> to vector<16xi32>
          %gather3A_951 = tpu.dynamic_gather %select_n3A_817[%gather3A_950] in [0] : vector<16xf32>, vector<16xi32> -> vector<16xf32>
          %max3A_952 = arith.maximumf %select_n3A_817, %gather3A_951 : vector<16xf32>
          %select_n3A_953 = arith.select %eq3A_941, %max3A_952, %select_n3A_817 : vector<16xi1>, vector<16xf32>
          %sub3A_954 = arith.constant 2 : i32
          %sub3A_955 = arith.subi %add3A_537, %sub3A_954 : i32
          %get3A_956 = arith.index_cast %sub3A_955 : i32 to index
          %get3A_957 = tpu.vector_load %arg7[%get3A_956] {strides = array<i32>} : memref<16448xi32, #tpu.memory_space<vmem>>, vector<16xi32>,
          %eq3A_958 = arith.cmpi eq, %get3A_596, %get3A_957 : vector<16xi32>
          %lt3A_959 = arith.constant 0 : i32
          %lt3A_960 = vector.broadcast %lt3A_959 : i32 to vector<16xi32>
          %lt3A_961 = arith.cmpi slt, %max3A_364, %lt3A_960 : vector<16xi32>
          %add3A_962 = arith.constant 16 : i32
          %add3A_963 = vector.broadcast %add3A_962 : i32 to vector<16xi32>
          %add3A_964 = arith.addi %max3A_364, %add3A_963 : vector<16xi32>
          %select_n3A_965 = arith.select %lt3A_961, %add3A_964, %max3A_364 : vector<16xi1>, vector<16xi32>
          %reshape3A_966 = vector.shape_cast %select_n3A_965 : vector<16xi32> to vector<16x1xi32>
          %gather3A_967 = vector.shape_cast %reshape3A_966 : vector<16x1xi32> to vector<16xi32>
          %gather3A_968 = tpu.dynamic_gather %select_n3A_834[%gather3A_967] in [0] : vector<16xf32>, vector<16xi32> -> vector<16xf32>
          %max3A_969 = arith.maximumf %select_n3A_834, %gather3A_968 : vector<16xf32>
          %select_n3A_970 = arith.select %eq3A_958, %max3A_969, %select_n3A_834 : vector<16xi1>, vector<16xf32>
          %sub3A_971 = arith.constant 2 : i32
          %sub3A_972 = arith.subi %add3A_542, %sub3A_971 : i32
          %get3A_973 = arith.index_cast %sub3A_972 : i32 to index
          %get3A_974 = tpu.vector_load %arg7[%get3A_973] {strides = array<i32>} : memref<16448xi32, #tpu.memory_space<vmem>>, vector<16xi32>,
          %eq3A_975 = arith.cmpi eq, %get3A_598, %get3A_974 : vector<16xi32>
          %lt3A_976 = arith.constant 0 : i32
          %lt3A_977 = vector.broadcast %lt3A_976 : i32 to vector<16xi32>
          %lt3A_978 = arith.cmpi slt, %max3A_364, %lt3A_977 : vector<16xi32>
          %add3A_979 = arith.constant 16 : i32
          %add3A_980 = vector.broadcast %add3A_979 : i32 to vector<16xi32>
          %add3A_981 = arith.addi %max3A_364, %add3A_980 : vector<16xi32>
          %select_n3A_982 = arith.select %lt3A_978, %add3A_981, %max3A_364 : vector<16xi1>, vector<16xi32>
          %reshape3A_983 = vector.shape_cast %select_n3A_982 : vector<16xi32> to vector<16x1xi32>
          %gather3A_984 = vector.shape_cast %reshape3A_983 : vector<16x1xi32> to vector<16xi32>
          %gather3A_985 = tpu.dynamic_gather %select_n3A_851[%gather3A_984] in [0] : vector<16xf32>, vector<16xi32> -> vector<16xf32>
          %max3A_986 = arith.maximumf %select_n3A_851, %gather3A_985 : vector<16xf32>
          %select_n3A_987 = arith.select %eq3A_975, %max3A_986, %select_n3A_851 : vector<16xi1>, vector<16xf32>
          %sub3A_988 = arith.constant 4 : i32
          %sub3A_989 = arith.subi %add3A_507, %sub3A_988 : i32
          %get3A_990 = arith.index_cast %sub3A_989 : i32 to index
          %get3A_991 = tpu.vector_load %arg7[%get3A_990] {strides = array<i32>} : memref<16448xi32, #tpu.memory_space<vmem>>, vector<16xi32>,
          %eq3A_992 = arith.cmpi eq, %get3A_584, %get3A_991 : vector<16xi32>
          %lt3A_993 = arith.constant 0 : i32
          %lt3A_994 = vector.broadcast %lt3A_993 : i32 to vector<16xi32>
          %lt3A_995 = arith.cmpi slt, %max3A_370, %lt3A_994 : vector<16xi32>
          %add3A_996 = arith.constant 16 : i32
          %add3A_997 = vector.broadcast %add3A_996 : i32 to vector<16xi32>
          %add3A_998 = arith.addi %max3A_370, %add3A_997 : vector<16xi32>
          %select_n3A_999 = arith.select %lt3A_995, %add3A_998, %max3A_370 : vector<16xi1>, vector<16xi32>
          %reshape3A_1000 = vector.shape_cast %select_n3A_999 : vector<16xi32> to vector<16x1xi32>
          %gather3A_1001 = vector.shape_cast %reshape3A_1000 : vector<16x1xi32> to vector<16xi32>
          %gather3A_1002 = tpu.dynamic_gather %select_n3A_868[%gather3A_1001] in [0] : vector<16xf32>, vector<16xi32> -> vector<16xf32>
          %max3A_1003 = arith.maximumf %select_n3A_868, %gather3A_1002 : vector<16xf32>
          %select_n3A_1004 = arith.select %eq3A_992, %max3A_1003, %select_n3A_868 : vector<16xi1>, vector<16xf32>
          %sub3A_1005 = arith.constant 4 : i32
          %sub3A_1006 = arith.subi %add3A_512, %sub3A_1005 : i32
          %get3A_1007 = arith.index_cast %sub3A_1006 : i32 to index
          %get3A_1008 = tpu.vector_load %arg7[%get3A_1007] {strides = array<i32>} : memref<16448xi32, #tpu.memory_space<vmem>>, vector<16xi32>,
          %eq3A_1009 = arith.cmpi eq, %get3A_586, %get3A_1008 : vector<16xi32>
          %lt3A_1010 = arith.constant 0 : i32
          %lt3A_1011 = vector.broadcast %lt3A_1010 : i32 to vector<16xi32>
          %lt3A_1012 = arith.cmpi slt, %max3A_370, %lt3A_1011 : vector<16xi32>
          %add3A_1013 = arith.constant 16 : i32
          %add3A_1014 = vector.broadcast %add3A_1013 : i32 to vector<16xi32>
          %add3A_1015 = arith.addi %max3A_370, %add3A_1014 : vector<16xi32>
          %select_n3A_1016 = arith.select %lt3A_1012, %add3A_1015, %max3A_370 : vector<16xi1>, vector<16xi32>
          %reshape3A_1017 = vector.shape_cast %select_n3A_1016 : vector<16xi32> to vector<16x1xi32>
          %gather3A_1018 = vector.shape_cast %reshape3A_1017 : vector<16x1xi32> to vector<16xi32>
          %gather3A_1019 = tpu.dynamic_gather %select_n3A_885[%gather3A_1018] in [0] : vector<16xf32>, vector<16xi32> -> vector<16xf32>
          %max3A_1020 = arith.maximumf %select_n3A_885, %gather3A_1019 : vector<16xf32>
          %select_n3A_1021 = arith.select %eq3A_1009, %max3A_1020, %select_n3A_885 : vector<16xi1>, vector<16xf32>
          %sub3A_1022 = arith.constant 4 : i32
          %sub3A_1023 = arith.subi %add3A_517, %sub3A_1022 : i32
          %get3A_1024 = arith.index_cast %sub3A_1023 : i32 to index
          %get3A_1025 = tpu.vector_load %arg7[%get3A_1024] {strides = array<i32>} : memref<16448xi32, #tpu.memory_space<vmem>>, vector<16xi32>,
          %eq3A_1026 = arith.cmpi eq, %get3A_588, %get3A_1025 : vector<16xi32>
          %lt3A_1027 = arith.constant 0 : i32
          %lt3A_1028 = vector.broadcast %lt3A_1027 : i32 to vector<16xi32>
          %lt3A_1029 = arith.cmpi slt, %max3A_370, %lt3A_1028 : vector<16xi32>
          %add3A_1030 = arith.constant 16 : i32
          %add3A_1031 = vector.broadcast %add3A_1030 : i32 to vector<16xi32>
          %add3A_1032 = arith.addi %max3A_370, %add3A_1031 : vector<16xi32>
          %select_n3A_1033 = arith.select %lt3A_1029, %add3A_1032, %max3A_370 : vector<16xi1>, vector<16xi32>
          %reshape3A_1034 = vector.shape_cast %select_n3A_1033 : vector<16xi32> to vector<16x1xi32>
          %gather3A_1035 = vector.shape_cast %reshape3A_1034 : vector<16x1xi32> to vector<16xi32>
          %gather3A_1036 = tpu.dynamic_gather %select_n3A_902[%gather3A_1035] in [0] : vector<16xf32>, vector<16xi32> -> vector<16xf32>
          %max3A_1037 = arith.maximumf %select_n3A_902, %gather3A_1036 : vector<16xf32>
          %select_n3A_1038 = arith.select %eq3A_1026, %max3A_1037, %select_n3A_902 : vector<16xi1>, vector<16xf32>
          %sub3A_1039 = arith.constant 4 : i32
          %sub3A_1040 = arith.subi %add3A_522, %sub3A_1039 : i32
          %get3A_1041 = arith.index_cast %sub3A_1040 : i32 to index
          %get3A_1042 = tpu.vector_load %arg7[%get3A_1041] {strides = array<i32>} : memref<16448xi32, #tpu.memory_space<vmem>>, vector<16xi32>,
          %eq3A_1043 = arith.cmpi eq, %get3A_590, %get3A_1042 : vector<16xi32>
          %lt3A_1044 = arith.constant 0 : i32
          %lt3A_1045 = vector.broadcast %lt3A_1044 : i32 to vector<16xi32>
          %lt3A_1046 = arith.cmpi slt, %max3A_370, %lt3A_1045 : vector<16xi32>
          %add3A_1047 = arith.constant 16 : i32
          %add3A_1048 = vector.broadcast %add3A_1047 : i32 to vector<16xi32>
          %add3A_1049 = arith.addi %max3A_370, %add3A_1048 : vector<16xi32>
          %select_n3A_1050 = arith.select %lt3A_1046, %add3A_1049, %max3A_370 : vector<16xi1>, vector<16xi32>
          %reshape3A_1051 = vector.shape_cast %select_n3A_1050 : vector<16xi32> to vector<16x1xi32>
          %gather3A_1052 = vector.shape_cast %reshape3A_1051 : vector<16x1xi32> to vector<16xi32>
          %gather3A_1053 = tpu.dynamic_gather %select_n3A_919[%gather3A_1052] in [0] : vector<16xf32>, vector<16xi32> -> vector<16xf32>
          %max3A_1054 = arith.maximumf %select_n3A_919, %gather3A_1053 : vector<16xf32>
          %select_n3A_1055 = arith.select %eq3A_1043, %max3A_1054, %select_n3A_919 : vector<16xi1>, vector<16xf32>
          %sub3A_1056 = arith.constant 4 : i32
          %sub3A_1057 = arith.subi %add3A_527, %sub3A_1056 : i32
          %get3A_1058 = arith.index_cast %sub3A_1057 : i32 to index
          %get3A_1059 = tpu.vector_load %arg7[%get3A_1058] {strides = array<i32>} : memref<16448xi32, #tpu.memory_space<vmem>>, vector<16xi32>,
          %eq3A_1060 = arith.cmpi eq, %get3A_592, %get3A_1059 : vector<16xi32>
          %lt3A_1061 = arith.constant 0 : i32
          %lt3A_1062 = vector.broadcast %lt3A_1061 : i32 to vector<16xi32>
          %lt3A_1063 = arith.cmpi slt, %max3A_370, %lt3A_1062 : vector<16xi32>
          %add3A_1064 = arith.constant 16 : i32
          %add3A_1065 = vector.broadcast %add3A_1064 : i32 to vector<16xi32>
          %add3A_1066 = arith.addi %max3A_370, %add3A_1065 : vector<16xi32>
          %select_n3A_1067 = arith.select %lt3A_1063, %add3A_1066, %max3A_370 : vector<16xi1>, vector<16xi32>
          %reshape3A_1068 = vector.shape_cast %select_n3A_1067 : vector<16xi32> to vector<16x1xi32>
          %gather3A_1069 = vector.shape_cast %reshape3A_1068 : vector<16x1xi32> to vector<16xi32>
          %gather3A_1070 = tpu.dynamic_gather %select_n3A_936[%gather3A_1069] in [0] : vector<16xf32>, vector<16xi32> -> vector<16xf32>
          %max3A_1071 = arith.maximumf %select_n3A_936, %gather3A_1070 : vector<16xf32>
          %select_n3A_1072 = arith.select %eq3A_1060, %max3A_1071, %select_n3A_936 : vector<16xi1>, vector<16xf32>
          %sub3A_1073 = arith.constant 4 : i32
          %sub3A_1074 = arith.subi %add3A_532, %sub3A_1073 : i32
          %get3A_1075 = arith.index_cast %sub3A_1074 : i32 to index
          %get3A_1076 = tpu.vector_load %arg7[%get3A_1075] {strides = array<i32>} : memref<16448xi32, #tpu.memory_space<vmem>>, vector<16xi32>,
          %eq3A_1077 = arith.cmpi eq, %get3A_594, %get3A_1076 : vector<16xi32>
          %lt3A_1078 = arith.constant 0 : i32
          %lt3A_1079 = vector.broadcast %lt3A_1078 : i32 to vector<16xi32>
          %lt3A_1080 = arith.cmpi slt, %max3A_370, %lt3A_1079 : vector<16xi32>
          %add3A_1081 = arith.constant 16 : i32
          %add3A_1082 = vector.broadcast %add3A_1081 : i32 to vector<16xi32>
          %add3A_1083 = arith.addi %max3A_370, %add3A_1082 : vector<16xi32>
          %select_n3A_1084 = arith.select %lt3A_1080, %add3A_1083, %max3A_370 : vector<16xi1>, vector<16xi32>
          %reshape3A_1085 = vector.shape_cast %select_n3A_1084 : vector<16xi32> to vector<16x1xi32>
          %gather3A_1086 = vector.shape_cast %reshape3A_1085 : vector<16x1xi32> to vector<16xi32>
          %gather3A_1087 = tpu.dynamic_gather %select_n3A_953[%gather3A_1086] in [0] : vector<16xf32>, vector<16xi32> -> vector<16xf32>
          %max3A_1088 = arith.maximumf %select_n3A_953, %gather3A_1087 : vector<16xf32>
          %select_n3A_1089 = arith.select %eq3A_1077, %max3A_1088, %select_n3A_953 : vector<16xi1>, vector<16xf32>
          %sub3A_1090 = arith.constant 4 : i32
          %sub3A_1091 = arith.subi %add3A_537, %sub3A_1090 : i32
          %get3A_1092 = arith.index_cast %sub3A_1091 : i32 to index
          %get3A_1093 = tpu.vector_load %arg7[%get3A_1092] {strides = array<i32>} : memref<16448xi32, #tpu.memory_space<vmem>>, vector<16xi32>,
          %eq3A_1094 = arith.cmpi eq, %get3A_596, %get3A_1093 : vector<16xi32>
          %lt3A_1095 = arith.constant 0 : i32
          %lt3A_1096 = vector.broadcast %lt3A_1095 : i32 to vector<16xi32>
          %lt3A_1097 = arith.cmpi slt, %max3A_370, %lt3A_1096 : vector<16xi32>
          %add3A_1098 = arith.constant 16 : i32
          %add3A_1099 = vector.broadcast %add3A_1098 : i32 to vector<16xi32>
          %add3A_1100 = arith.addi %max3A_370, %add3A_1099 : vector<16xi32>
          %select_n3A_1101 = arith.select %lt3A_1097, %add3A_1100, %max3A_370 : vector<16xi1>, vector<16xi32>
          %reshape3A_1102 = vector.shape_cast %select_n3A_1101 : vector<16xi32> to vector<16x1xi32>
          %gather3A_1103 = vector.shape_cast %reshape3A_1102 : vector<16x1xi32> to vector<16xi32>
          %gather3A_1104 = tpu.dynamic_gather %select_n3A_970[%gather3A_1103] in [0] : vector<16xf32>, vector<16xi32> -> vector<16xf32>
          %max3A_1105 = arith.maximumf %select_n3A_970, %gather3A_1104 : vector<16xf32>
          %select_n3A_1106 = arith.select %eq3A_1094, %max3A_1105, %select_n3A_970 : vector<16xi1>, vector<16xf32>
          %sub3A_1107 = arith.constant 4 : i32
          %sub3A_1108 = arith.subi %add3A_542, %sub3A_1107 : i32
          %get3A_1109 = arith.index_cast %sub3A_1108 : i32 to index
          %get3A_1110 = tpu.vector_load %arg7[%get3A_1109] {strides = array<i32>} : memref<16448xi32, #tpu.memory_space<vmem>>, vector<16xi32>,
          %eq3A_1111 = arith.cmpi eq, %get3A_598, %get3A_1110 : vector<16xi32>
          %lt3A_1112 = arith.constant 0 : i32
          %lt3A_1113 = vector.broadcast %lt3A_1112 : i32 to vector<16xi32>
          %lt3A_1114 = arith.cmpi slt, %max3A_370, %lt3A_1113 : vector<16xi32>
          %add3A_1115 = arith.constant 16 : i32
          %add3A_1116 = vector.broadcast %add3A_1115 : i32 to vector<16xi32>
          %add3A_1117 = arith.addi %max3A_370, %add3A_1116 : vector<16xi32>
          %select_n3A_1118 = arith.select %lt3A_1114, %add3A_1117, %max3A_370 : vector<16xi1>, vector<16xi32>
          %reshape3A_1119 = vector.shape_cast %select_n3A_1118 : vector<16xi32> to vector<16x1xi32>
          %gather3A_1120 = vector.shape_cast %reshape3A_1119 : vector<16x1xi32> to vector<16xi32>
          %gather3A_1121 = tpu.dynamic_gather %select_n3A_987[%gather3A_1120] in [0] : vector<16xf32>, vector<16xi32> -> vector<16xf32>
          %max3A_1122 = arith.maximumf %select_n3A_987, %gather3A_1121 : vector<16xf32>
          %select_n3A_1123 = arith.select %eq3A_1111, %max3A_1122, %select_n3A_987 : vector<16xi1>, vector<16xf32>
          %sub3A_1124 = arith.constant 8 : i32
          %sub3A_1125 = arith.subi %add3A_507, %sub3A_1124 : i32
          %get3A_1126 = arith.index_cast %sub3A_1125 : i32 to index
          %get3A_1127 = tpu.vector_load %arg7[%get3A_1126] {strides = array<i32>} : memref<16448xi32, #tpu.memory_space<vmem>>, vector<16xi32>,
          %eq3A_1128 = arith.cmpi eq, %get3A_584, %get3A_1127 : vector<16xi32>
          %lt3A_1129 = arith.constant 0 : i32
          %lt3A_1130 = vector.broadcast %lt3A_1129 : i32 to vector<16xi32>
          %lt3A_1131 = arith.cmpi slt, %max3A_376, %lt3A_1130 : vector<16xi32>
          %add3A_1132 = arith.constant 16 : i32
          %add3A_1133 = vector.broadcast %add3A_1132 : i32 to vector<16xi32>
          %add3A_1134 = arith.addi %max3A_376, %add3A_1133 : vector<16xi32>
          %select_n3A_1135 = arith.select %lt3A_1131, %add3A_1134, %max3A_376 : vector<16xi1>, vector<16xi32>
          %reshape3A_1136 = vector.shape_cast %select_n3A_1135 : vector<16xi32> to vector<16x1xi32>
          %gather3A_1137 = vector.shape_cast %reshape3A_1136 : vector<16x1xi32> to vector<16xi32>
          %gather3A_1138 = tpu.dynamic_gather %select_n3A_1004[%gather3A_1137] in [0] : vector<16xf32>, vector<16xi32> -> vector<16xf32>
          %max3A_1139 = arith.maximumf %select_n3A_1004, %gather3A_1138 : vector<16xf32>
          %select_n3A_1140 = arith.select %eq3A_1128, %max3A_1139, %select_n3A_1004 : vector<16xi1>, vector<16xf32>
          %sub3A_1141 = arith.constant 8 : i32
          %sub3A_1142 = arith.subi %add3A_512, %sub3A_1141 : i32
          %get3A_1143 = arith.index_cast %sub3A_1142 : i32 to index
          %get3A_1144 = tpu.vector_load %arg7[%get3A_1143] {strides = array<i32>} : memref<16448xi32, #tpu.memory_space<vmem>>, vector<16xi32>,
          %eq3A_1145 = arith.cmpi eq, %get3A_586, %get3A_1144 : vector<16xi32>
          %lt3A_1146 = arith.constant 0 : i32
          %lt3A_1147 = vector.broadcast %lt3A_1146 : i32 to vector<16xi32>
          %lt3A_1148 = arith.cmpi slt, %max3A_376, %lt3A_1147 : vector<16xi32>
          %add3A_1149 = arith.constant 16 : i32
          %add3A_1150 = vector.broadcast %add3A_1149 : i32 to vector<16xi32>
          %add3A_1151 = arith.addi %max3A_376, %add3A_1150 : vector<16xi32>
          %select_n3A_1152 = arith.select %lt3A_1148, %add3A_1151, %max3A_376 : vector<16xi1>, vector<16xi32>
          %reshape3A_1153 = vector.shape_cast %select_n3A_1152 : vector<16xi32> to vector<16x1xi32>
          %gather3A_1154 = vector.shape_cast %reshape3A_1153 : vector<16x1xi32> to vector<16xi32>
          %gather3A_1155 = tpu.dynamic_gather %select_n3A_1021[%gather3A_1154] in [0] : vector<16xf32>, vector<16xi32> -> vector<16xf32>
          %max3A_1156 = arith.maximumf %select_n3A_1021, %gather3A_1155 : vector<16xf32>
          %select_n3A_1157 = arith.select %eq3A_1145, %max3A_1156, %select_n3A_1021 : vector<16xi1>, vector<16xf32>
          %sub3A_1158 = arith.constant 8 : i32
          %sub3A_1159 = arith.subi %add3A_517, %sub3A_1158 : i32
          %get3A_1160 = arith.index_cast %sub3A_1159 : i32 to index
          %get3A_1161 = tpu.vector_load %arg7[%get3A_1160] {strides = array<i32>} : memref<16448xi32, #tpu.memory_space<vmem>>, vector<16xi32>,
          %eq3A_1162 = arith.cmpi eq, %get3A_588, %get3A_1161 : vector<16xi32>
          %lt3A_1163 = arith.constant 0 : i32
          %lt3A_1164 = vector.broadcast %lt3A_1163 : i32 to vector<16xi32>
          %lt3A_1165 = arith.cmpi slt, %max3A_376, %lt3A_1164 : vector<16xi32>
          %add3A_1166 = arith.constant 16 : i32
          %add3A_1167 = vector.broadcast %add3A_1166 : i32 to vector<16xi32>
          %add3A_1168 = arith.addi %max3A_376, %add3A_1167 : vector<16xi32>
          %select_n3A_1169 = arith.select %lt3A_1165, %add3A_1168, %max3A_376 : vector<16xi1>, vector<16xi32>
          %reshape3A_1170 = vector.shape_cast %select_n3A_1169 : vector<16xi32> to vector<16x1xi32>
          %gather3A_1171 = vector.shape_cast %reshape3A_1170 : vector<16x1xi32> to vector<16xi32>
          %gather3A_1172 = tpu.dynamic_gather %select_n3A_1038[%gather3A_1171] in [0] : vector<16xf32>, vector<16xi32> -> vector<16xf32>
          %max3A_1173 = arith.maximumf %select_n3A_1038, %gather3A_1172 : vector<16xf32>
          %select_n3A_1174 = arith.select %eq3A_1162, %max3A_1173, %select_n3A_1038 : vector<16xi1>, vector<16xf32>
          %sub3A_1175 = arith.constant 8 : i32
          %sub3A_1176 = arith.subi %add3A_522, %sub3A_1175 : i32
          %get3A_1177 = arith.index_cast %sub3A_1176 : i32 to index
          %get3A_1178 = tpu.vector_load %arg7[%get3A_1177] {strides = array<i32>} : memref<16448xi32, #tpu.memory_space<vmem>>, vector<16xi32>,
          %eq3A_1179 = arith.cmpi eq, %get3A_590, %get3A_1178 : vector<16xi32>
          %lt3A_1180 = arith.constant 0 : i32
          %lt3A_1181 = vector.broadcast %lt3A_1180 : i32 to vector<16xi32>
          %lt3A_1182 = arith.cmpi slt, %max3A_376, %lt3A_1181 : vector<16xi32>
          %add3A_1183 = arith.constant 16 : i32
          %add3A_1184 = vector.broadcast %add3A_1183 : i32 to vector<16xi32>
          %add3A_1185 = arith.addi %max3A_376, %add3A_1184 : vector<16xi32>
          %select_n3A_1186 = arith.select %lt3A_1182, %add3A_1185, %max3A_376 : vector<16xi1>, vector<16xi32>
          %reshape3A_1187 = vector.shape_cast %select_n3A_1186 : vector<16xi32> to vector<16x1xi32>
          %gather3A_1188 = vector.shape_cast %reshape3A_1187 : vector<16x1xi32> to vector<16xi32>
          %gather3A_1189 = tpu.dynamic_gather %select_n3A_1055[%gather3A_1188] in [0] : vector<16xf32>, vector<16xi32> -> vector<16xf32>
          %max3A_1190 = arith.maximumf %select_n3A_1055, %gather3A_1189 : vector<16xf32>
          %select_n3A_1191 = arith.select %eq3A_1179, %max3A_1190, %select_n3A_1055 : vector<16xi1>, vector<16xf32>
          %sub3A_1192 = arith.constant 8 : i32
          %sub3A_1193 = arith.subi %add3A_527, %sub3A_1192 : i32
          %get3A_1194 = arith.index_cast %sub3A_1193 : i32 to index
          %get3A_1195 = tpu.vector_load %arg7[%get3A_1194] {strides = array<i32>} : memref<16448xi32, #tpu.memory_space<vmem>>, vector<16xi32>,
          %eq3A_1196 = arith.cmpi eq, %get3A_592, %get3A_1195 : vector<16xi32>
          %lt3A_1197 = arith.constant 0 : i32
          %lt3A_1198 = vector.broadcast %lt3A_1197 : i32 to vector<16xi32>
          %lt3A_1199 = arith.cmpi slt, %max3A_376, %lt3A_1198 : vector<16xi32>
          %add3A_1200 = arith.constant 16 : i32
          %add3A_1201 = vector.broadcast %add3A_1200 : i32 to vector<16xi32>
          %add3A_1202 = arith.addi %max3A_376, %add3A_1201 : vector<16xi32>
          %select_n3A_1203 = arith.select %lt3A_1199, %add3A_1202, %max3A_376 : vector<16xi1>, vector<16xi32>
          %reshape3A_1204 = vector.shape_cast %select_n3A_1203 : vector<16xi32> to vector<16x1xi32>
          %gather3A_1205 = vector.shape_cast %reshape3A_1204 : vector<16x1xi32> to vector<16xi32>
          %gather3A_1206 = tpu.dynamic_gather %select_n3A_1072[%gather3A_1205] in [0] : vector<16xf32>, vector<16xi32> -> vector<16xf32>
          %max3A_1207 = arith.maximumf %select_n3A_1072, %gather3A_1206 : vector<16xf32>
          %select_n3A_1208 = arith.select %eq3A_1196, %max3A_1207, %select_n3A_1072 : vector<16xi1>, vector<16xf32>
          %sub3A_1209 = arith.constant 8 : i32
          %sub3A_1210 = arith.subi %add3A_532, %sub3A_1209 : i32
          %get3A_1211 = arith.index_cast %sub3A_1210 : i32 to index
          %get3A_1212 = tpu.vector_load %arg7[%get3A_1211] {strides = array<i32>} : memref<16448xi32, #tpu.memory_space<vmem>>, vector<16xi32>,
          %eq3A_1213 = arith.cmpi eq, %get3A_594, %get3A_1212 : vector<16xi32>
          %lt3A_1214 = arith.constant 0 : i32
          %lt3A_1215 = vector.broadcast %lt3A_1214 : i32 to vector<16xi32>
          %lt3A_1216 = arith.cmpi slt, %max3A_376, %lt3A_1215 : vector<16xi32>
          %add3A_1217 = arith.constant 16 : i32
          %add3A_1218 = vector.broadcast %add3A_1217 : i32 to vector<16xi32>
          %add3A_1219 = arith.addi %max3A_376, %add3A_1218 : vector<16xi32>
          %select_n3A_1220 = arith.select %lt3A_1216, %add3A_1219, %max3A_376 : vector<16xi1>, vector<16xi32>
          %reshape3A_1221 = vector.shape_cast %select_n3A_1220 : vector<16xi32> to vector<16x1xi32>
          %gather3A_1222 = vector.shape_cast %reshape3A_1221 : vector<16x1xi32> to vector<16xi32>
          %gather3A_1223 = tpu.dynamic_gather %select_n3A_1089[%gather3A_1222] in [0] : vector<16xf32>, vector<16xi32> -> vector<16xf32>
          %max3A_1224 = arith.maximumf %select_n3A_1089, %gather3A_1223 : vector<16xf32>
          %select_n3A_1225 = arith.select %eq3A_1213, %max3A_1224, %select_n3A_1089 : vector<16xi1>, vector<16xf32>
          %sub3A_1226 = arith.constant 8 : i32
          %sub3A_1227 = arith.subi %add3A_537, %sub3A_1226 : i32
          %get3A_1228 = arith.index_cast %sub3A_1227 : i32 to index
          %get3A_1229 = tpu.vector_load %arg7[%get3A_1228] {strides = array<i32>} : memref<16448xi32, #tpu.memory_space<vmem>>, vector<16xi32>,
          %eq3A_1230 = arith.cmpi eq, %get3A_596, %get3A_1229 : vector<16xi32>
          %lt3A_1231 = arith.constant 0 : i32
          %lt3A_1232 = vector.broadcast %lt3A_1231 : i32 to vector<16xi32>
          %lt3A_1233 = arith.cmpi slt, %max3A_376, %lt3A_1232 : vector<16xi32>
          %add3A_1234 = arith.constant 16 : i32
          %add3A_1235 = vector.broadcast %add3A_1234 : i32 to vector<16xi32>
          %add3A_1236 = arith.addi %max3A_376, %add3A_1235 : vector<16xi32>
          %select_n3A_1237 = arith.select %lt3A_1233, %add3A_1236, %max3A_376 : vector<16xi1>, vector<16xi32>
          %reshape3A_1238 = vector.shape_cast %select_n3A_1237 : vector<16xi32> to vector<16x1xi32>
          %gather3A_1239 = vector.shape_cast %reshape3A_1238 : vector<16x1xi32> to vector<16xi32>
          %gather3A_1240 = tpu.dynamic_gather %select_n3A_1106[%gather3A_1239] in [0] : vector<16xf32>, vector<16xi32> -> vector<16xf32>
          %max3A_1241 = arith.maximumf %select_n3A_1106, %gather3A_1240 : vector<16xf32>
          %select_n3A_1242 = arith.select %eq3A_1230, %max3A_1241, %select_n3A_1106 : vector<16xi1>, vector<16xf32>
          %sub3A_1243 = arith.constant 8 : i32
          %sub3A_1244 = arith.subi %add3A_542, %sub3A_1243 : i32
          %get3A_1245 = arith.index_cast %sub3A_1244 : i32 to index
          %get3A_1246 = tpu.vector_load %arg7[%get3A_1245] {strides = array<i32>} : memref<16448xi32, #tpu.memory_space<vmem>>, vector<16xi32>,
          %eq3A_1247 = arith.cmpi eq, %get3A_598, %get3A_1246 : vector<16xi32>
          %lt3A_1248 = arith.constant 0 : i32
          %lt3A_1249 = vector.broadcast %lt3A_1248 : i32 to vector<16xi32>
          %lt3A_1250 = arith.cmpi slt, %max3A_376, %lt3A_1249 : vector<16xi32>
          %add3A_1251 = arith.constant 16 : i32
          %add3A_1252 = vector.broadcast %add3A_1251 : i32 to vector<16xi32>
          %add3A_1253 = arith.addi %max3A_376, %add3A_1252 : vector<16xi32>
          %select_n3A_1254 = arith.select %lt3A_1250, %add3A_1253, %max3A_376 : vector<16xi1>, vector<16xi32>
          %reshape3A_1255 = vector.shape_cast %select_n3A_1254 : vector<16xi32> to vector<16x1xi32>
          %gather3A_1256 = vector.shape_cast %reshape3A_1255 : vector<16x1xi32> to vector<16xi32>
          %gather3A_1257 = tpu.dynamic_gather %select_n3A_1123[%gather3A_1256] in [0] : vector<16xf32>, vector<16xi32> -> vector<16xf32>
          %max3A_1258 = arith.maximumf %select_n3A_1123, %gather3A_1257 : vector<16xf32>
          %select_n3A_1259 = arith.select %eq3A_1247, %max3A_1258, %select_n3A_1123 : vector<16xi1>, vector<16xf32>
          %lt3A_1260 = arith.constant 0 : i32
          %lt3A_1261 = vector.broadcast %lt3A_1260 : i32 to vector<16xi32>
          %lt3A_1262 = arith.cmpi slt, %broadcast_in_dim3A_352, %lt3A_1261 : vector<16xi32>
          %add3A_1263 = arith.constant 16 : i32
          %add3A_1264 = vector.broadcast %add3A_1263 : i32 to vector<16xi32>
          %add3A_1265 = arith.addi %broadcast_in_dim3A_352, %add3A_1264 : vector<16xi32>
          %select_n3A_1266 = arith.select %lt3A_1262, %add3A_1265, %broadcast_in_dim3A_352 : vector<16xi1>, vector<16xi32>
          %reshape3A_1267 = vector.shape_cast %select_n3A_1266 : vector<16xi32> to vector<16x1xi32>
          %gather3A_1268 = vector.shape_cast %reshape3A_1267 : vector<16x1xi32> to vector<16xi32>
          %gather3A_1269 = tpu.dynamic_gather %select_n3A_1140[%gather3A_1268] in [0] : vector<16xf32>, vector<16xi32> -> vector<16xf32>
          %lt3A_1270 = arith.constant 0 : i32
          %lt3A_1271 = vector.broadcast %lt3A_1270 : i32 to vector<16xi32>
          %lt3A_1272 = arith.cmpi slt, %broadcast_in_dim3A_352, %lt3A_1271 : vector<16xi32>
          %add3A_1273 = arith.constant 16 : i32
          %add3A_1274 = vector.broadcast %add3A_1273 : i32 to vector<16xi32>
          %add3A_1275 = arith.addi %broadcast_in_dim3A_352, %add3A_1274 : vector<16xi32>
          %select_n3A_1276 = arith.select %lt3A_1272, %add3A_1275, %broadcast_in_dim3A_352 : vector<16xi1>, vector<16xi32>
          %reshape3A_1277 = vector.shape_cast %select_n3A_1276 : vector<16xi32> to vector<16x1xi32>
          %gather3A_1278 = vector.shape_cast %reshape3A_1277 : vector<16x1xi32> to vector<16xi32>
          %gather3A_1279 = tpu.dynamic_gather %get3A_584[%gather3A_1278] in [0] : vector<16xi32>, vector<16xi32> -> vector<16xi32>
          %eq3A_1280 = arith.cmpi eq, %get3A_586, %gather3A_1279 : vector<16xi32>
          %max3A_1281 = arith.maximumf %select_n3A_1157, %gather3A_1269 : vector<16xf32>
          %select_n3A_1282 = arith.select %eq3A_1280, %max3A_1281, %select_n3A_1157 : vector<16xi1>, vector<16xf32>
          %lt3A_1283 = arith.constant 0 : i32
          %lt3A_1284 = vector.broadcast %lt3A_1283 : i32 to vector<16xi32>
          %lt3A_1285 = arith.cmpi slt, %broadcast_in_dim3A_352, %lt3A_1284 : vector<16xi32>
          %add3A_1286 = arith.constant 16 : i32
          %add3A_1287 = vector.broadcast %add3A_1286 : i32 to vector<16xi32>
          %add3A_1288 = arith.addi %broadcast_in_dim3A_352, %add3A_1287 : vector<16xi32>
          %select_n3A_1289 = arith.select %lt3A_1285, %add3A_1288, %broadcast_in_dim3A_352 : vector<16xi1>, vector<16xi32>
          %reshape3A_1290 = vector.shape_cast %select_n3A_1289 : vector<16xi32> to vector<16x1xi32>
          %gather3A_1291 = vector.shape_cast %reshape3A_1290 : vector<16x1xi32> to vector<16xi32>
          %gather3A_1292 = tpu.dynamic_gather %select_n3A_1282[%gather3A_1291] in [0] : vector<16xf32>, vector<16xi32> -> vector<16xf32>
          %lt3A_1293 = arith.constant 0 : i32
          %lt3A_1294 = vector.broadcast %lt3A_1293 : i32 to vector<16xi32>
          %lt3A_1295 = arith.cmpi slt, %broadcast_in_dim3A_352, %lt3A_1294 : vector<16xi32>
          %add3A_1296 = arith.constant 16 : i32
          %add3A_1297 = vector.broadcast %add3A_1296 : i32 to vector<16xi32>
          %add3A_1298 = arith.addi %broadcast_in_dim3A_352, %add3A_1297 : vector<16xi32>
          %select_n3A_1299 = arith.select %lt3A_1295, %add3A_1298, %broadcast_in_dim3A_352 : vector<16xi1>, vector<16xi32>
          %reshape3A_1300 = vector.shape_cast %select_n3A_1299 : vector<16xi32> to vector<16x1xi32>
          %gather3A_1301 = vector.shape_cast %reshape3A_1300 : vector<16x1xi32> to vector<16xi32>
          %gather3A_1302 = tpu.dynamic_gather %get3A_586[%gather3A_1301] in [0] : vector<16xi32>, vector<16xi32> -> vector<16xi32>
          %eq3A_1303 = arith.cmpi eq, %get3A_588, %gather3A_1302 : vector<16xi32>
          %max3A_1304 = arith.maximumf %select_n3A_1174, %gather3A_1292 : vector<16xf32>
          %select_n3A_1305 = arith.select %eq3A_1303, %max3A_1304, %select_n3A_1174 : vector<16xi1>, vector<16xf32>
          %lt3A_1306 = arith.constant 0 : i32
          %lt3A_1307 = vector.broadcast %lt3A_1306 : i32 to vector<16xi32>
          %lt3A_1308 = arith.cmpi slt, %broadcast_in_dim3A_352, %lt3A_1307 : vector<16xi32>
          %add3A_1309 = arith.constant 16 : i32
          %add3A_1310 = vector.broadcast %add3A_1309 : i32 to vector<16xi32>
          %add3A_1311 = arith.addi %broadcast_in_dim3A_352, %add3A_1310 : vector<16xi32>
          %select_n3A_1312 = arith.select %lt3A_1308, %add3A_1311, %broadcast_in_dim3A_352 : vector<16xi1>, vector<16xi32>
          %reshape3A_1313 = vector.shape_cast %select_n3A_1312 : vector<16xi32> to vector<16x1xi32>
          %gather3A_1314 = vector.shape_cast %reshape3A_1313 : vector<16x1xi32> to vector<16xi32>
          %gather3A_1315 = tpu.dynamic_gather %select_n3A_1305[%gather3A_1314] in [0] : vector<16xf32>, vector<16xi32> -> vector<16xf32>
          %lt3A_1316 = arith.constant 0 : i32
          %lt3A_1317 = vector.broadcast %lt3A_1316 : i32 to vector<16xi32>
          %lt3A_1318 = arith.cmpi slt, %broadcast_in_dim3A_352, %lt3A_1317 : vector<16xi32>
          %add3A_1319 = arith.constant 16 : i32
          %add3A_1320 = vector.broadcast %add3A_1319 : i32 to vector<16xi32>
          %add3A_1321 = arith.addi %broadcast_in_dim3A_352, %add3A_1320 : vector<16xi32>
          %select_n3A_1322 = arith.select %lt3A_1318, %add3A_1321, %broadcast_in_dim3A_352 : vector<16xi1>, vector<16xi32>
          %reshape3A_1323 = vector.shape_cast %select_n3A_1322 : vector<16xi32> to vector<16x1xi32>
          %gather3A_1324 = vector.shape_cast %reshape3A_1323 : vector<16x1xi32> to vector<16xi32>
          %gather3A_1325 = tpu.dynamic_gather %get3A_588[%gather3A_1324] in [0] : vector<16xi32>, vector<16xi32> -> vector<16xi32>
          %eq3A_1326 = arith.cmpi eq, %get3A_590, %gather3A_1325 : vector<16xi32>
          %max3A_1327 = arith.maximumf %select_n3A_1191, %gather3A_1315 : vector<16xf32>
          %select_n3A_1328 = arith.select %eq3A_1326, %max3A_1327, %select_n3A_1191 : vector<16xi1>, vector<16xf32>
          %lt3A_1329 = arith.constant 0 : i32
          %lt3A_1330 = vector.broadcast %lt3A_1329 : i32 to vector<16xi32>
          %lt3A_1331 = arith.cmpi slt, %broadcast_in_dim3A_352, %lt3A_1330 : vector<16xi32>
          %add3A_1332 = arith.constant 16 : i32
          %add3A_1333 = vector.broadcast %add3A_1332 : i32 to vector<16xi32>
          %add3A_1334 = arith.addi %broadcast_in_dim3A_352, %add3A_1333 : vector<16xi32>
          %select_n3A_1335 = arith.select %lt3A_1331, %add3A_1334, %broadcast_in_dim3A_352 : vector<16xi1>, vector<16xi32>
          %reshape3A_1336 = vector.shape_cast %select_n3A_1335 : vector<16xi32> to vector<16x1xi32>
          %gather3A_1337 = vector.shape_cast %reshape3A_1336 : vector<16x1xi32> to vector<16xi32>
          %gather3A_1338 = tpu.dynamic_gather %select_n3A_1328[%gather3A_1337] in [0] : vector<16xf32>, vector<16xi32> -> vector<16xf32>
          %lt3A_1339 = arith.constant 0 : i32
          %lt3A_1340 = vector.broadcast %lt3A_1339 : i32 to vector<16xi32>
          %lt3A_1341 = arith.cmpi slt, %broadcast_in_dim3A_352, %lt3A_1340 : vector<16xi32>
          %add3A_1342 = arith.constant 16 : i32
          %add3A_1343 = vector.broadcast %add3A_1342 : i32 to vector<16xi32>
          %add3A_1344 = arith.addi %broadcast_in_dim3A_352, %add3A_1343 : vector<16xi32>
          %select_n3A_1345 = arith.select %lt3A_1341, %add3A_1344, %broadcast_in_dim3A_352 : vector<16xi1>, vector<16xi32>
          %reshape3A_1346 = vector.shape_cast %select_n3A_1345 : vector<16xi32> to vector<16x1xi32>
          %gather3A_1347 = vector.shape_cast %reshape3A_1346 : vector<16x1xi32> to vector<16xi32>
          %gather3A_1348 = tpu.dynamic_gather %get3A_590[%gather3A_1347] in [0] : vector<16xi32>, vector<16xi32> -> vector<16xi32>
          %eq3A_1349 = arith.cmpi eq, %get3A_592, %gather3A_1348 : vector<16xi32>
          %max3A_1350 = arith.maximumf %select_n3A_1208, %gather3A_1338 : vector<16xf32>
          %select_n3A_1351 = arith.select %eq3A_1349, %max3A_1350, %select_n3A_1208 : vector<16xi1>, vector<16xf32>
          %lt3A_1352 = arith.constant 0 : i32
          %lt3A_1353 = vector.broadcast %lt3A_1352 : i32 to vector<16xi32>
          %lt3A_1354 = arith.cmpi slt, %broadcast_in_dim3A_352, %lt3A_1353 : vector<16xi32>
          %add3A_1355 = arith.constant 16 : i32
          %add3A_1356 = vector.broadcast %add3A_1355 : i32 to vector<16xi32>
          %add3A_1357 = arith.addi %broadcast_in_dim3A_352, %add3A_1356 : vector<16xi32>
          %select_n3A_1358 = arith.select %lt3A_1354, %add3A_1357, %broadcast_in_dim3A_352 : vector<16xi1>, vector<16xi32>
          %reshape3A_1359 = vector.shape_cast %select_n3A_1358 : vector<16xi32> to vector<16x1xi32>
          %gather3A_1360 = vector.shape_cast %reshape3A_1359 : vector<16x1xi32> to vector<16xi32>
          %gather3A_1361 = tpu.dynamic_gather %select_n3A_1351[%gather3A_1360] in [0] : vector<16xf32>, vector<16xi32> -> vector<16xf32>
          %lt3A_1362 = arith.constant 0 : i32
          %lt3A_1363 = vector.broadcast %lt3A_1362 : i32 to vector<16xi32>
          %lt3A_1364 = arith.cmpi slt, %broadcast_in_dim3A_352, %lt3A_1363 : vector<16xi32>
          %add3A_1365 = arith.constant 16 : i32
          %add3A_1366 = vector.broadcast %add3A_1365 : i32 to vector<16xi32>
          %add3A_1367 = arith.addi %broadcast_in_dim3A_352, %add3A_1366 : vector<16xi32>
          %select_n3A_1368 = arith.select %lt3A_1364, %add3A_1367, %broadcast_in_dim3A_352 : vector<16xi1>, vector<16xi32>
          %reshape3A_1369 = vector.shape_cast %select_n3A_1368 : vector<16xi32> to vector<16x1xi32>
          %gather3A_1370 = vector.shape_cast %reshape3A_1369 : vector<16x1xi32> to vector<16xi32>
          %gather3A_1371 = tpu.dynamic_gather %get3A_592[%gather3A_1370] in [0] : vector<16xi32>, vector<16xi32> -> vector<16xi32>
          %eq3A_1372 = arith.cmpi eq, %get3A_594, %gather3A_1371 : vector<16xi32>
          %max3A_1373 = arith.maximumf %select_n3A_1225, %gather3A_1361 : vector<16xf32>
          %select_n3A_1374 = arith.select %eq3A_1372, %max3A_1373, %select_n3A_1225 : vector<16xi1>, vector<16xf32>
          %lt3A_1375 = arith.constant 0 : i32
          %lt3A_1376 = vector.broadcast %lt3A_1375 : i32 to vector<16xi32>
          %lt3A_1377 = arith.cmpi slt, %broadcast_in_dim3A_352, %lt3A_1376 : vector<16xi32>
          %add3A_1378 = arith.constant 16 : i32
          %add3A_1379 = vector.broadcast %add3A_1378 : i32 to vector<16xi32>
          %add3A_1380 = arith.addi %broadcast_in_dim3A_352, %add3A_1379 : vector<16xi32>
          %select_n3A_1381 = arith.select %lt3A_1377, %add3A_1380, %broadcast_in_dim3A_352 : vector<16xi1>, vector<16xi32>
          %reshape3A_1382 = vector.shape_cast %select_n3A_1381 : vector<16xi32> to vector<16x1xi32>
          %gather3A_1383 = vector.shape_cast %reshape3A_1382 : vector<16x1xi32> to vector<16xi32>
          %gather3A_1384 = tpu.dynamic_gather %select_n3A_1374[%gather3A_1383] in [0] : vector<16xf32>, vector<16xi32> -> vector<16xf32>
          %lt3A_1385 = arith.constant 0 : i32
          %lt3A_1386 = vector.broadcast %lt3A_1385 : i32 to vector<16xi32>
          %lt3A_1387 = arith.cmpi slt, %broadcast_in_dim3A_352, %lt3A_1386 : vector<16xi32>
          %add3A_1388 = arith.constant 16 : i32
          %add3A_1389 = vector.broadcast %add3A_1388 : i32 to vector<16xi32>
          %add3A_1390 = arith.addi %broadcast_in_dim3A_352, %add3A_1389 : vector<16xi32>
          %select_n3A_1391 = arith.select %lt3A_1387, %add3A_1390, %broadcast_in_dim3A_352 : vector<16xi1>, vector<16xi32>
          %reshape3A_1392 = vector.shape_cast %select_n3A_1391 : vector<16xi32> to vector<16x1xi32>
          %gather3A_1393 = vector.shape_cast %reshape3A_1392 : vector<16x1xi32> to vector<16xi32>
          %gather3A_1394 = tpu.dynamic_gather %get3A_594[%gather3A_1393] in [0] : vector<16xi32>, vector<16xi32> -> vector<16xi32>
          %eq3A_1395 = arith.cmpi eq, %get3A_596, %gather3A_1394 : vector<16xi32>
          %max3A_1396 = arith.maximumf %select_n3A_1242, %gather3A_1384 : vector<16xf32>
          %select_n3A_1397 = arith.select %eq3A_1395, %max3A_1396, %select_n3A_1242 : vector<16xi1>, vector<16xf32>
          %lt3A_1398 = arith.constant 0 : i32
          %lt3A_1399 = vector.broadcast %lt3A_1398 : i32 to vector<16xi32>
          %lt3A_1400 = arith.cmpi slt, %broadcast_in_dim3A_352, %lt3A_1399 : vector<16xi32>
          %add3A_1401 = arith.constant 16 : i32
          %add3A_1402 = vector.broadcast %add3A_1401 : i32 to vector<16xi32>
          %add3A_1403 = arith.addi %broadcast_in_dim3A_352, %add3A_1402 : vector<16xi32>
          %select_n3A_1404 = arith.select %lt3A_1400, %add3A_1403, %broadcast_in_dim3A_352 : vector<16xi1>, vector<16xi32>
          %reshape3A_1405 = vector.shape_cast %select_n3A_1404 : vector<16xi32> to vector<16x1xi32>
          %gather3A_1406 = vector.shape_cast %reshape3A_1405 : vector<16x1xi32> to vector<16xi32>
          %gather3A_1407 = tpu.dynamic_gather %select_n3A_1397[%gather3A_1406] in [0] : vector<16xf32>, vector<16xi32> -> vector<16xf32>
          %lt3A_1408 = arith.constant 0 : i32
          %lt3A_1409 = vector.broadcast %lt3A_1408 : i32 to vector<16xi32>
          %lt3A_1410 = arith.cmpi slt, %broadcast_in_dim3A_352, %lt3A_1409 : vector<16xi32>
          %add3A_1411 = arith.constant 16 : i32
          %add3A_1412 = vector.broadcast %add3A_1411 : i32 to vector<16xi32>
          %add3A_1413 = arith.addi %broadcast_in_dim3A_352, %add3A_1412 : vector<16xi32>
          %select_n3A_1414 = arith.select %lt3A_1410, %add3A_1413, %broadcast_in_dim3A_352 : vector<16xi1>, vector<16xi32>
          %reshape3A_1415 = vector.shape_cast %select_n3A_1414 : vector<16xi32> to vector<16x1xi32>
          %gather3A_1416 = vector.shape_cast %reshape3A_1415 : vector<16x1xi32> to vector<16xi32>
          %gather3A_1417 = tpu.dynamic_gather %get3A_596[%gather3A_1416] in [0] : vector<16xi32>, vector<16xi32> -> vector<16xi32>
          %eq3A_1418 = arith.cmpi eq, %get3A_598, %gather3A_1417 : vector<16xi32>
          %max3A_1419 = arith.maximumf %select_n3A_1259, %gather3A_1407 : vector<16xf32>
          %select_n3A_1420 = arith.select %eq3A_1418, %max3A_1419, %select_n3A_1259 : vector<16xi1>, vector<16xf32>
          %broadcast_in_dim3A_1421 = arith.constant true
          %broadcast_in_dim3A_1422 = vector.broadcast %broadcast_in_dim3A_1421 : i1 to vector<16xi1>
          %masked_cumsum3A = tpu.scan <sum>, %get3A_600 masked %broadcast_in_dim3A_1422 : vector<16xf32>, vector<16xi1> -> vector<16xf32>
          %broadcast_in_dim3A_1423 = arith.constant true
          %broadcast_in_dim3A_1424 = vector.broadcast %broadcast_in_dim3A_1423 : i1 to vector<16xi1>
          %masked_cumsum3A_1425 = tpu.scan <sum>, %get3A_602 masked %broadcast_in_dim3A_1424 : vector<16xf32>, vector<16xi1> -> vector<16xf32>
          %broadcast_in_dim3A_1426 = arith.constant true
          %broadcast_in_dim3A_1427 = vector.broadcast %broadcast_in_dim3A_1426 : i1 to vector<16xi1>
          %masked_cumsum3A_1428 = tpu.scan <sum>, %get3A_604 masked %broadcast_in_dim3A_1427 : vector<16xf32>, vector<16xi1> -> vector<16xf32>
          %broadcast_in_dim3A_1429 = arith.constant true
          %broadcast_in_dim3A_1430 = vector.broadcast %broadcast_in_dim3A_1429 : i1 to vector<16xi1>
          %masked_cumsum3A_1431 = tpu.scan <sum>, %get3A_606 masked %broadcast_in_dim3A_1430 : vector<16xf32>, vector<16xi1> -> vector<16xf32>
          %broadcast_in_dim3A_1432 = arith.constant true
          %broadcast_in_dim3A_1433 = vector.broadcast %broadcast_in_dim3A_1432 : i1 to vector<16xi1>
          %masked_cumsum3A_1434 = tpu.scan <sum>, %get3A_608 masked %broadcast_in_dim3A_1433 : vector<16xf32>, vector<16xi1> -> vector<16xf32>
          %broadcast_in_dim3A_1435 = arith.constant true
          %broadcast_in_dim3A_1436 = vector.broadcast %broadcast_in_dim3A_1435 : i1 to vector<16xi1>
          %masked_cumsum3A_1437 = tpu.scan <sum>, %get3A_610 masked %broadcast_in_dim3A_1436 : vector<16xf32>, vector<16xi1> -> vector<16xf32>
          %broadcast_in_dim3A_1438 = arith.constant true
          %broadcast_in_dim3A_1439 = vector.broadcast %broadcast_in_dim3A_1438 : i1 to vector<16xi1>
          %masked_cumsum3A_1440 = tpu.scan <sum>, %get3A_612 masked %broadcast_in_dim3A_1439 : vector<16xf32>, vector<16xi1> -> vector<16xf32>
          %broadcast_in_dim3A_1441 = arith.constant true
          %broadcast_in_dim3A_1442 = vector.broadcast %broadcast_in_dim3A_1441 : i1 to vector<16xi1>
          %masked_cumsum3A_1443 = tpu.scan <sum>, %get3A_614 masked %broadcast_in_dim3A_1442 : vector<16xf32>, vector<16xi1> -> vector<16xf32>
          %gather3A_1444 = tpu.vector_load_idx %arg9[%add3A_615] : memref<3216xf32, #tpu.memory_space<vmem>>[vector<16xi32>], vector<16xf32>,
          %gather3A_1445 = tpu.vector_load_idx %arg9[%add3A_616] : memref<3216xf32, #tpu.memory_space<vmem>>[vector<16xi32>], vector<16xf32>,
          %gather3A_1446 = tpu.vector_load_idx %arg9[%add3A_617] : memref<3216xf32, #tpu.memory_space<vmem>>[vector<16xi32>], vector<16xf32>,
          %gather3A_1447 = tpu.vector_load_idx %arg9[%add3A_618] : memref<3216xf32, #tpu.memory_space<vmem>>[vector<16xi32>], vector<16xf32>,
          %gather3A_1448 = tpu.vector_load_idx %arg9[%add3A_619] : memref<3216xf32, #tpu.memory_space<vmem>>[vector<16xi32>], vector<16xf32>,
          %gather3A_1449 = tpu.vector_load_idx %arg9[%add3A_620] : memref<3216xf32, #tpu.memory_space<vmem>>[vector<16xi32>], vector<16xf32>,
          %gather3A_1450 = tpu.vector_load_idx %arg9[%add3A_621] : memref<3216xf32, #tpu.memory_space<vmem>>[vector<16xi32>], vector<16xf32>,
          %gather3A_1451 = tpu.vector_load_idx %arg9[%add3A_622] : memref<3216xf32, #tpu.memory_space<vmem>>[vector<16xi32>], vector<16xf32>,
          %max3A_1452 = arith.maximumf %gather3A_1444, %select_n3A_1140 : vector<16xf32>
          %max3A_1453 = arith.maximumf %gather3A_1445, %select_n3A_1282 : vector<16xf32>
          %max3A_1454 = arith.maximumf %gather3A_1446, %select_n3A_1305 : vector<16xf32>
          %max3A_1455 = arith.maximumf %gather3A_1447, %select_n3A_1328 : vector<16xf32>
          %max3A_1456 = arith.maximumf %gather3A_1448, %select_n3A_1351 : vector<16xf32>
          %max3A_1457 = arith.maximumf %gather3A_1449, %select_n3A_1374 : vector<16xf32>
          %max3A_1458 = arith.maximumf %gather3A_1450, %select_n3A_1397 : vector<16xf32>
          %max3A_1459 = arith.maximumf %gather3A_1451, %select_n3A_1420 : vector<16xf32>
          tpu.vector_store_idx %arg9[%add3A_615], %max3A_1452 masked %or3A : memref<3216xf32, #tpu.memory_space<vmem>>[vector<16xi32>], vector<16xf32>, vector<16xi1>
          tpu.vector_store_idx %arg9[%add3A_616], %max3A_1453 masked %or3A_709 : memref<3216xf32, #tpu.memory_space<vmem>>[vector<16xi32>], vector<16xf32>, vector<16xi1>
          tpu.vector_store_idx %arg9[%add3A_617], %max3A_1454 masked %or3A_710 : memref<3216xf32, #tpu.memory_space<vmem>>[vector<16xi32>], vector<16xf32>, vector<16xi1>
          tpu.vector_store_idx %arg9[%add3A_618], %max3A_1455 masked %or3A_711 : memref<3216xf32, #tpu.memory_space<vmem>>[vector<16xi32>], vector<16xf32>, vector<16xi1>
          tpu.vector_store_idx %arg9[%add3A_619], %max3A_1456 masked %or3A_712 : memref<3216xf32, #tpu.memory_space<vmem>>[vector<16xi32>], vector<16xf32>, vector<16xi1>
          tpu.vector_store_idx %arg9[%add3A_620], %max3A_1457 masked %or3A_713 : memref<3216xf32, #tpu.memory_space<vmem>>[vector<16xi32>], vector<16xf32>, vector<16xi1>
          tpu.vector_store_idx %arg9[%add3A_621], %max3A_1458 masked %or3A_714 : memref<3216xf32, #tpu.memory_space<vmem>>[vector<16xi32>], vector<16xf32>, vector<16xi1>
          tpu.vector_store_idx %arg9[%add3A_622], %max3A_1459 masked %or3A_715 : memref<3216xf32, #tpu.memory_space<vmem>>[vector<16xi32>], vector<16xf32>, vector<16xi1>
          tpu.vector_store_idx %arg10[%add3A_615], %masked_cumsum3A masked %or3A {add = true} : memref<3216xf32, #tpu.memory_space<vmem>>[vector<16xi32>], vector<16xf32>, vector<16xi1>
          %neg3A_1460 = arith.constant 0.000000e+00 : f32
          %neg3A_1461 = vector.broadcast %neg3A_1460 : f32 to vector<16xf32>
          %neg3A_1462 = arith.subf %neg3A_1461, %masked_cumsum3A : vector<16xf32>
          tpu.vector_store_idx %arg10[%gather3A_630], %neg3A_1462 masked %ne3A_701 {add = true} : memref<3216xf32, #tpu.memory_space<vmem>>[vector<16xi32>], vector<16xf32>, vector<16xi1>
          tpu.vector_store_idx %arg10[%add3A_616], %masked_cumsum3A_1425 masked %or3A_709 {add = true} : memref<3216xf32, #tpu.memory_space<vmem>>[vector<16xi32>], vector<16xf32>, vector<16xi1>
          %neg3A_1463 = arith.constant 0.000000e+00 : f32
          %neg3A_1464 = vector.broadcast %neg3A_1463 : f32 to vector<16xf32>
          %neg3A_1465 = arith.subf %neg3A_1464, %masked_cumsum3A_1425 : vector<16xf32>
          tpu.vector_store_idx %arg10[%gather3A_640], %neg3A_1465 masked %ne3A_702 {add = true} : memref<3216xf32, #tpu.memory_space<vmem>>[vector<16xi32>], vector<16xf32>, vector<16xi1>
          tpu.vector_store_idx %arg10[%add3A_617], %masked_cumsum3A_1428 masked %or3A_710 {add = true} : memref<3216xf32, #tpu.memory_space<vmem>>[vector<16xi32>], vector<16xf32>, vector<16xi1>
          %neg3A_1466 = arith.constant 0.000000e+00 : f32
          %neg3A_1467 = vector.broadcast %neg3A_1466 : f32 to vector<16xf32>
          %neg3A_1468 = arith.subf %neg3A_1467, %masked_cumsum3A_1428 : vector<16xf32>
          tpu.vector_store_idx %arg10[%gather3A_650], %neg3A_1468 masked %ne3A_703 {add = true} : memref<3216xf32, #tpu.memory_space<vmem>>[vector<16xi32>], vector<16xf32>, vector<16xi1>
          tpu.vector_store_idx %arg10[%add3A_618], %masked_cumsum3A_1431 masked %or3A_711 {add = true} : memref<3216xf32, #tpu.memory_space<vmem>>[vector<16xi32>], vector<16xf32>, vector<16xi1>
          %neg3A_1469 = arith.constant 0.000000e+00 : f32
          %neg3A_1470 = vector.broadcast %neg3A_1469 : f32 to vector<16xf32>
          %neg3A_1471 = arith.subf %neg3A_1470, %masked_cumsum3A_1431 : vector<16xf32>
          tpu.vector_store_idx %arg10[%gather3A_660], %neg3A_1471 masked %ne3A_704 {add = true} : memref<3216xf32, #tpu.memory_space<vmem>>[vector<16xi32>], vector<16xf32>, vector<16xi1>
          tpu.vector_store_idx %arg10[%add3A_619], %masked_cumsum3A_1434 masked %or3A_712 {add = true} : memref<3216xf32, #tpu.memory_space<vmem>>[vector<16xi32>], vector<16xf32>, vector<16xi1>
          %neg3A_1472 = arith.constant 0.000000e+00 : f32
          %neg3A_1473 = vector.broadcast %neg3A_1472 : f32 to vector<16xf32>
          %neg3A_1474 = arith.subf %neg3A_1473, %masked_cumsum3A_1434 : vector<16xf32>
          tpu.vector_store_idx %arg10[%gather3A_670], %neg3A_1474 masked %ne3A_705 {add = true} : memref<3216xf32, #tpu.memory_space<vmem>>[vector<16xi32>], vector<16xf32>, vector<16xi1>
          tpu.vector_store_idx %arg10[%add3A_620], %masked_cumsum3A_1437 masked %or3A_713 {add = true} : memref<3216xf32, #tpu.memory_space<vmem>>[vector<16xi32>], vector<16xf32>, vector<16xi1>
          %neg3A_1475 = arith.constant 0.000000e+00 : f32
          %neg3A_1476 = vector.broadcast %neg3A_1475 : f32 to vector<16xf32>
          %neg3A_1477 = arith.subf %neg3A_1476, %masked_cumsum3A_1437 : vector<16xf32>
          tpu.vector_store_idx %arg10[%gather3A_680], %neg3A_1477 masked %ne3A_706 {add = true} : memref<3216xf32, #tpu.memory_space<vmem>>[vector<16xi32>], vector<16xf32>, vector<16xi1>
          tpu.vector_store_idx %arg10[%add3A_621], %masked_cumsum3A_1440 masked %or3A_714 {add = true} : memref<3216xf32, #tpu.memory_space<vmem>>[vector<16xi32>], vector<16xf32>, vector<16xi1>
          %neg3A_1478 = arith.constant 0.000000e+00 : f32
          %neg3A_1479 = vector.broadcast %neg3A_1478 : f32 to vector<16xf32>
          %neg3A_1480 = arith.subf %neg3A_1479, %masked_cumsum3A_1440 : vector<16xf32>
          tpu.vector_store_idx %arg10[%gather3A_690], %neg3A_1480 masked %ne3A_707 {add = true} : memref<3216xf32, #tpu.memory_space<vmem>>[vector<16xi32>], vector<16xf32>, vector<16xi1>
          tpu.vector_store_idx %arg10[%add3A_622], %masked_cumsum3A_1443 masked %or3A_715 {add = true} : memref<3216xf32, #tpu.memory_space<vmem>>[vector<16xi32>], vector<16xf32>, vector<16xi1>
          %neg3A_1481 = arith.constant 0.000000e+00 : f32
          %neg3A_1482 = vector.broadcast %neg3A_1481 : f32 to vector<16xf32>
          %neg3A_1483 = arith.subf %neg3A_1482, %masked_cumsum3A_1443 : vector<16xf32>
          tpu.vector_store_idx %arg10[%gather3A_700], %neg3A_1483 masked %ne3A_708 {add = true} : memref<3216xf32, #tpu.memory_space<vmem>>[vector<16xi32>], vector<16xf32>, vector<16xi1>
        }
        %scan3A_500 = arith.constant 64 : i32
        %cond3A_501 = arith.constant 0 : i32
        scf.yield %cond3A_501 : i32
      } else {
        %min3A_495 = arith.constant 6391808 : i32
        %min3A_496 = arith.minsi %add3A_476, %min3A_495 : i32
        %max3A_497 = arith.maxsi %add3A_289, %add3A_476 : i32
        %broadcast_in_dim3A_498 = vector.broadcast %max3A_497 : i32 to vector<16xi32>
        %broadcast_in_dim3A_499 = vector.broadcast %add3A_294 : i32 to vector<16xi32>
        %broadcast_in_dim3A_500 = vector.broadcast %min3A_496 : i32 to vector<16xi32>
        %add3A_501 = arith.addi %broadcast_in_dim3A_500, %iota3A : vector<16xi32>
        %scan3A_502 = arith.constant 0 : i32
        %scan3A_503 = arith.constant 0 : i32
        %scan3A_504 = arith.constant 512 : i32
        %scan3A_505 = arith.addi %scan3A_503, %scan3A_504 : i32
        %scan3A_506 = arith.constant 1 : i32
        scf.for %scan3A_509 = %scan3A_503 to %scan3A_505 step %scan3A_506  : i32 {
          %mul3A_510 = arith.constant 16 : i32
          %mul3A_511 = arith.muli %scan3A_509, %mul3A_510 : i32
          %broadcast_in_dim3A_512 = vector.broadcast %mul3A_511 : i32 to vector<16xi32>
          %add3A_513 = arith.addi %add3A_501, %broadcast_in_dim3A_512 : vector<16xi32>
          %ge3A = arith.cmpi sge, %add3A_513, %broadcast_in_dim3A_498 : vector<16xi32>
          %lt3A_514 = arith.cmpi slt, %add3A_513, %broadcast_in_dim3A_499 : vector<16xi32>
          %and3A_515 = arith.andi %ge3A, %lt3A_514 : vector<16xi1>
          %mul3A_516 = arith.constant 16 : i32
          %mul3A_517 = arith.muli %scan3A_509, %mul3A_516 : i32
          %add3A_518 = arith.addi %add3A_480, %mul3A_517 : i32
          %get3A_519 = arith.index_cast %add3A_518 : i32 to index
          %get3A_520 = tpu.vector_load %arg7[%get3A_519] {strides = array<i32>} : memref<16448xi32, #tpu.memory_space<vmem>>, vector<16xi32>,
          %mul3A_521 = arith.constant 16 : i32
          %mul3A_522 = arith.muli %scan3A_509, %mul3A_521 : i32
          %add3A_523 = arith.addi %mul3A_482, %mul3A_522 : i32
          %get3A_524 = arith.index_cast %add3A_523 : i32 to index
          %get3A_525 = tpu.vector_load %arg8[%get3A_524] {strides = array<i32>} : memref<16384xf32, #tpu.memory_space<vmem>>, vector<16xf32>,
          %sub3A_526 = vector.broadcast %mul3A_2 : i32 to vector<16xi32>
          %sub3A_527 = arith.subi %get3A_520, %sub3A_526 : vector<16xi32>
          %select_n3A_528 = arith.select %and3A_515, %sub3A_527, %broadcast_in_dim3A_389 : vector<16xi1>, vector<16xi32>
          %select_n3A_529 = arith.select %and3A_515, %get3A_525, %broadcast_in_dim3A_383 : vector<16xi1>, vector<16xf32>
          %select_n3A_530 = arith.select %and3A_515, %get3A_525, %broadcast_in_dim3A_387 : vector<16xi1>, vector<16xf32>
          %lt3A_531 = arith.constant 0 : i32
          %lt3A_532 = vector.broadcast %lt3A_531 : i32 to vector<16xi32>
          %lt3A_533 = arith.cmpi slt, %min3A_350, %lt3A_532 : vector<16xi32>
          %add3A_534 = arith.constant 16 : i32
          %add3A_535 = vector.broadcast %add3A_534 : i32 to vector<16xi32>
          %add3A_536 = arith.addi %min3A_350, %add3A_535 : vector<16xi32>
          %select_n3A_537 = arith.select %lt3A_533, %add3A_536, %min3A_350 : vector<16xi1>, vector<16xi32>
          %reshape3A = vector.shape_cast %select_n3A_537 : vector<16xi32> to vector<16x1xi32>
          %gather3A = vector.shape_cast %reshape3A : vector<16x1xi32> to vector<16xi32>
          %gather3A_538 = tpu.dynamic_gather %select_n3A_528[%gather3A] in [0] : vector<16xi32>, vector<16xi32> -> vector<16xi32>
          %ne3A_539 = arith.cmpi ne, %select_n3A_528, %gather3A_538 : vector<16xi32>
          %or3A = arith.ori %ne3A_539, %eq3A_378 : vector<16xi1>
          %lt3A_540 = arith.constant 0 : i32
          %lt3A_541 = vector.broadcast %lt3A_540 : i32 to vector<16xi32>
          %lt3A_542 = arith.cmpi slt, %max3A_358, %lt3A_541 : vector<16xi32>
          %add3A_543 = arith.constant 16 : i32
          %add3A_544 = vector.broadcast %add3A_543 : i32 to vector<16xi32>
          %add3A_545 = arith.addi %max3A_358, %add3A_544 : vector<16xi32>
          %select_n3A_546 = arith.select %lt3A_542, %add3A_545, %max3A_358 : vector<16xi1>, vector<16xi32>
          %reshape3A_547 = vector.shape_cast %select_n3A_546 : vector<16xi32> to vector<16x1xi32>
          %gather3A_548 = vector.shape_cast %reshape3A_547 : vector<16x1xi32> to vector<16xi32>
          %gather3A_549 = tpu.dynamic_gather %select_n3A_528[%gather3A_548] in [0] : vector<16xi32>, vector<16xi32> -> vector<16xi32>
          %eq3A_550 = arith.cmpi eq, %select_n3A_528, %gather3A_549 : vector<16xi32>
          %lt3A_551 = arith.constant 0 : i32
          %lt3A_552 = vector.broadcast %lt3A_551 : i32 to vector<16xi32>
          %lt3A_553 = arith.cmpi slt, %max3A_358, %lt3A_552 : vector<16xi32>
          %add3A_554 = arith.constant 16 : i32
          %add3A_555 = vector.broadcast %add3A_554 : i32 to vector<16xi32>
          %add3A_556 = arith.addi %max3A_358, %add3A_555 : vector<16xi32>
          %select_n3A_557 = arith.select %lt3A_553, %add3A_556, %max3A_358 : vector<16xi1>, vector<16xi32>
          %reshape3A_558 = vector.shape_cast %select_n3A_557 : vector<16xi32> to vector<16x1xi32>
          %gather3A_559 = vector.shape_cast %reshape3A_558 : vector<16x1xi32> to vector<16xi32>
          %gather3A_560 = tpu.dynamic_gather %select_n3A_530[%gather3A_559] in [0] : vector<16xf32>, vector<16xi32> -> vector<16xf32>
          %max3A_561 = arith.maximumf %select_n3A_530, %gather3A_560 : vector<16xf32>
          %select_n3A_562 = arith.select %eq3A_550, %max3A_561, %select_n3A_530 : vector<16xi1>, vector<16xf32>
          %lt3A_563 = arith.constant 0 : i32
          %lt3A_564 = vector.broadcast %lt3A_563 : i32 to vector<16xi32>
          %lt3A_565 = arith.cmpi slt, %max3A_364, %lt3A_564 : vector<16xi32>
          %add3A_566 = arith.constant 16 : i32
          %add3A_567 = vector.broadcast %add3A_566 : i32 to vector<16xi32>
          %add3A_568 = arith.addi %max3A_364, %add3A_567 : vector<16xi32>
          %select_n3A_569 = arith.select %lt3A_565, %add3A_568, %max3A_364 : vector<16xi1>, vector<16xi32>
          %reshape3A_570 = vector.shape_cast %select_n3A_569 : vector<16xi32> to vector<16x1xi32>
          %gather3A_571 = vector.shape_cast %reshape3A_570 : vector<16x1xi32> to vector<16xi32>
          %gather3A_572 = tpu.dynamic_gather %select_n3A_528[%gather3A_571] in [0] : vector<16xi32>, vector<16xi32> -> vector<16xi32>
          %eq3A_573 = arith.cmpi eq, %select_n3A_528, %gather3A_572 : vector<16xi32>
          %lt3A_574 = arith.constant 0 : i32
          %lt3A_575 = vector.broadcast %lt3A_574 : i32 to vector<16xi32>
          %lt3A_576 = arith.cmpi slt, %max3A_364, %lt3A_575 : vector<16xi32>
          %add3A_577 = arith.constant 16 : i32
          %add3A_578 = vector.broadcast %add3A_577 : i32 to vector<16xi32>
          %add3A_579 = arith.addi %max3A_364, %add3A_578 : vector<16xi32>
          %select_n3A_580 = arith.select %lt3A_576, %add3A_579, %max3A_364 : vector<16xi1>, vector<16xi32>
          %reshape3A_581 = vector.shape_cast %select_n3A_580 : vector<16xi32> to vector<16x1xi32>
          %gather3A_582 = vector.shape_cast %reshape3A_581 : vector<16x1xi32> to vector<16xi32>
          %gather3A_583 = tpu.dynamic_gather %select_n3A_562[%gather3A_582] in [0] : vector<16xf32>, vector<16xi32> -> vector<16xf32>
          %max3A_584 = arith.maximumf %select_n3A_562, %gather3A_583 : vector<16xf32>
          %select_n3A_585 = arith.select %eq3A_573, %max3A_584, %select_n3A_562 : vector<16xi1>, vector<16xf32>
          %lt3A_586 = arith.constant 0 : i32
          %lt3A_587 = vector.broadcast %lt3A_586 : i32 to vector<16xi32>
          %lt3A_588 = arith.cmpi slt, %max3A_370, %lt3A_587 : vector<16xi32>
          %add3A_589 = arith.constant 16 : i32
          %add3A_590 = vector.broadcast %add3A_589 : i32 to vector<16xi32>
          %add3A_591 = arith.addi %max3A_370, %add3A_590 : vector<16xi32>
          %select_n3A_592 = arith.select %lt3A_588, %add3A_591, %max3A_370 : vector<16xi1>, vector<16xi32>
          %reshape3A_593 = vector.shape_cast %select_n3A_592 : vector<16xi32> to vector<16x1xi32>
          %gather3A_594 = vector.shape_cast %reshape3A_593 : vector<16x1xi32> to vector<16xi32>
          %gather3A_595 = tpu.dynamic_gather %select_n3A_528[%gather3A_594] in [0] : vector<16xi32>, vector<16xi32> -> vector<16xi32>
          %eq3A_596 = arith.cmpi eq, %select_n3A_528, %gather3A_595 : vector<16xi32>
          %lt3A_597 = arith.constant 0 : i32
          %lt3A_598 = vector.broadcast %lt3A_597 : i32 to vector<16xi32>
          %lt3A_599 = arith.cmpi slt, %max3A_370, %lt3A_598 : vector<16xi32>
          %add3A_600 = arith.constant 16 : i32
          %add3A_601 = vector.broadcast %add3A_600 : i32 to vector<16xi32>
          %add3A_602 = arith.addi %max3A_370, %add3A_601 : vector<16xi32>
          %select_n3A_603 = arith.select %lt3A_599, %add3A_602, %max3A_370 : vector<16xi1>, vector<16xi32>
          %reshape3A_604 = vector.shape_cast %select_n3A_603 : vector<16xi32> to vector<16x1xi32>
          %gather3A_605 = vector.shape_cast %reshape3A_604 : vector<16x1xi32> to vector<16xi32>
          %gather3A_606 = tpu.dynamic_gather %select_n3A_585[%gather3A_605] in [0] : vector<16xf32>, vector<16xi32> -> vector<16xf32>
          %max3A_607 = arith.maximumf %select_n3A_585, %gather3A_606 : vector<16xf32>
          %select_n3A_608 = arith.select %eq3A_596, %max3A_607, %select_n3A_585 : vector<16xi1>, vector<16xf32>
          %lt3A_609 = arith.constant 0 : i32
          %lt3A_610 = vector.broadcast %lt3A_609 : i32 to vector<16xi32>
          %lt3A_611 = arith.cmpi slt, %max3A_376, %lt3A_610 : vector<16xi32>
          %add3A_612 = arith.constant 16 : i32
          %add3A_613 = vector.broadcast %add3A_612 : i32 to vector<16xi32>
          %add3A_614 = arith.addi %max3A_376, %add3A_613 : vector<16xi32>
          %select_n3A_615 = arith.select %lt3A_611, %add3A_614, %max3A_376 : vector<16xi1>, vector<16xi32>
          %reshape3A_616 = vector.shape_cast %select_n3A_615 : vector<16xi32> to vector<16x1xi32>
          %gather3A_617 = vector.shape_cast %reshape3A_616 : vector<16x1xi32> to vector<16xi32>
          %gather3A_618 = tpu.dynamic_gather %select_n3A_528[%gather3A_617] in [0] : vector<16xi32>, vector<16xi32> -> vector<16xi32>
          %eq3A_619 = arith.cmpi eq, %select_n3A_528, %gather3A_618 : vector<16xi32>
          %lt3A_620 = arith.constant 0 : i32
          %lt3A_621 = vector.broadcast %lt3A_620 : i32 to vector<16xi32>
          %lt3A_622 = arith.cmpi slt, %max3A_376, %lt3A_621 : vector<16xi32>
          %add3A_623 = arith.constant 16 : i32
          %add3A_624 = vector.broadcast %add3A_623 : i32 to vector<16xi32>
          %add3A_625 = arith.addi %max3A_376, %add3A_624 : vector<16xi32>
          %select_n3A_626 = arith.select %lt3A_622, %add3A_625, %max3A_376 : vector<16xi1>, vector<16xi32>
          %reshape3A_627 = vector.shape_cast %select_n3A_626 : vector<16xi32> to vector<16x1xi32>
          %gather3A_628 = vector.shape_cast %reshape3A_627 : vector<16x1xi32> to vector<16xi32>
          %gather3A_629 = tpu.dynamic_gather %select_n3A_608[%gather3A_628] in [0] : vector<16xf32>, vector<16xi32> -> vector<16xf32>
          %max3A_630 = arith.maximumf %select_n3A_608, %gather3A_629 : vector<16xf32>
          %select_n3A_631 = arith.select %eq3A_619, %max3A_630, %select_n3A_608 : vector<16xi1>, vector<16xf32>
          %broadcast_in_dim3A_632 = arith.constant true
          %broadcast_in_dim3A_633 = vector.broadcast %broadcast_in_dim3A_632 : i1 to vector<16xi1>
          %masked_cumsum3A = tpu.scan <sum>, %select_n3A_529 masked %broadcast_in_dim3A_633 : vector<16xf32>, vector<16xi1> -> vector<16xf32>
          %gather3A_634 = tpu.vector_load_idx %arg9[%select_n3A_528] : memref<3216xf32, #tpu.memory_space<vmem>>[vector<16xi32>], vector<16xf32>,
          %max3A_635 = arith.maximumf %gather3A_634, %select_n3A_631 : vector<16xf32>
          tpu.vector_store_idx %arg9[%select_n3A_528], %max3A_635 masked %or3A : memref<3216xf32, #tpu.memory_space<vmem>>[vector<16xi32>], vector<16xf32>, vector<16xi1>
          tpu.vector_store_idx %arg10[%select_n3A_528], %masked_cumsum3A masked %or3A {add = true} : memref<3216xf32, #tpu.memory_space<vmem>>[vector<16xi32>], vector<16xf32>, vector<16xi1>
          %neg3A_636 = arith.constant 0.000000e+00 : f32
          %neg3A_637 = vector.broadcast %neg3A_636 : f32 to vector<16xf32>
          %neg3A_638 = arith.subf %neg3A_637, %masked_cumsum3A : vector<16xf32>
          tpu.vector_store_idx %arg10[%gather3A_538], %neg3A_638 masked %ne3A_539 {add = true} : memref<3216xf32, #tpu.memory_space<vmem>>[vector<16xi32>], vector<16xf32>, vector<16xi1>
        }
        %scan3A_507 = arith.constant 512 : i32
        %cond3A_508 = arith.constant 0 : i32
        scf.yield %cond3A_508 : i32
      }
    }
    %lt3A_412 = arith.constant 31 : i32
    %lt3A_413 = arith.cmpi slt, %add3A, %lt3A_412 : i32
    %convert_element_type3A_414 = arith.extui %lt3A_413 : i1 to i32
    %cond3A_415 = arith.constant 0 : i32
    %cond3A_416 = arith.cmpi ne, %convert_element_type3A_414, %cond3A_415 : i32
    scf.if %cond3A_416 {
      "tpu.region"() ({
        %run_scoped3A = tpu.sem_alloc : memref<!tpu.dma_semaphore, #tpu.memory_space<semaphore_mem>>
        %dma_start3A_438 = tpu.memref_slice %arg4[%mul3A_2] : memref<100000xf32, #tpu.memory_space<hbm>> -> memref<3200xf32, #tpu.memory_space<hbm>>
        %dma_start3A_439 = tpu.memref_slice %arg4[%mul3A_2] : memref<100000xf32, #tpu.memory_space<hbm>> -> memref<3200xf32, #tpu.memory_space<hbm>>
        tpu.enqueue_dma source(%dma_start3A_439 : memref<3200xf32, #tpu.memory_space<hbm>>) target(%arg11 : memref<3200xf32, #tpu.memory_space<vmem>>) target_semaphore(%run_scoped3A : memref<!tpu.dma_semaphore, #tpu.memory_space<semaphore_mem>>)
        %dma_wait3A_440 = tpu.memref_slice %arg4[%mul3A_2] : memref<100000xf32, #tpu.memory_space<hbm>> -> memref<3200xf32, #tpu.memory_space<hbm>>
        %dma_wait3A_441 = tpu.memref_slice %arg4[%mul3A_2] : memref<100000xf32, #tpu.memory_space<hbm>> -> memref<3200xf32, #tpu.memory_space<hbm>>
        tpu.wait_dma2 semaphore(%run_scoped3A : memref<!tpu.dma_semaphore, #tpu.memory_space<semaphore_mem>>) src(%dma_wait3A_441 : memref<3200xf32, #tpu.memory_space<hbm>>) dst(%arg11 : memref<3200xf32, #tpu.memory_space<vmem>>)
        tpu.yield
      }) : () -> ()
    } else {
    }
    %eq3A_417 = arith.constant 31 : i32
    %eq3A_418 = arith.cmpi eq, %add3A, %eq3A_417 : i32
    %convert_element_type3A_419 = arith.extui %eq3A_418 : i1 to i32
    %cond3A_420 = arith.constant 0 : i32
    %cond3A_421 = arith.cmpi ne, %convert_element_type3A_419, %cond3A_420 : i32
    scf.if %cond3A_421 {
      "tpu.region"() ({
        %run_scoped3A = tpu.sem_alloc : memref<!tpu.dma_semaphore, #tpu.memory_space<semaphore_mem>>
        %dma_start3A_438 = arith.constant 0 : i32
        %dma_start3A_439 = tpu.memref_slice %arg11[%dma_start3A_438] : memref<3200xf32, #tpu.memory_space<vmem>> -> memref<800xf32, #tpu.memory_space<vmem>>
        %dma_start3A_440 = arith.constant 99200 : i32
        %dma_start3A_441 = tpu.memref_slice %arg4[%dma_start3A_440] : memref<100000xf32, #tpu.memory_space<hbm>> -> memref<800xf32, #tpu.memory_space<hbm>>
        %dma_start3A_442 = arith.constant 0 : i32
        %dma_start3A_443 = tpu.memref_slice %arg11[%dma_start3A_442] : memref<3200xf32, #tpu.memory_space<vmem>> -> memref<800xf32, #tpu.memory_space<vmem>>
        %dma_start3A_444 = arith.constant 99200 : i32
        %dma_start3A_445 = tpu.memref_slice %arg4[%dma_start3A_444] : memref<100000xf32, #tpu.memory_space<hbm>> -> memref<800xf32, #tpu.memory_space<hbm>>
        tpu.enqueue_dma source(%dma_start3A_445 : memref<800xf32, #tpu.memory_space<hbm>>) target(%dma_start3A_443 : memref<800xf32, #tpu.memory_space<vmem>>) target_semaphore(%run_scoped3A : memref<!tpu.dma_semaphore, #tpu.memory_space<semaphore_mem>>)
        %dma_wait3A_446 = arith.constant 0 : i32
        %dma_wait3A_447 = tpu.memref_slice %arg11[%dma_wait3A_446] : memref<3200xf32, #tpu.memory_space<vmem>> -> memref<800xf32, #tpu.memory_space<vmem>>
        %dma_wait3A_448 = arith.constant 99200 : i32
        %dma_wait3A_449 = tpu.memref_slice %arg4[%dma_wait3A_448] : memref<100000xf32, #tpu.memory_space<hbm>> -> memref<800xf32, #tpu.memory_space<hbm>>
        %dma_wait3A_450 = arith.constant 0 : i32
        %dma_wait3A_451 = tpu.memref_slice %arg11[%dma_wait3A_450] : memref<3200xf32, #tpu.memory_space<vmem>> -> memref<800xf32, #tpu.memory_space<vmem>>
        %dma_wait3A_452 = arith.constant 99200 : i32
        %dma_wait3A_453 = tpu.memref_slice %arg4[%dma_wait3A_452] : memref<100000xf32, #tpu.memory_space<hbm>> -> memref<800xf32, #tpu.memory_space<hbm>>
        tpu.wait_dma2 semaphore(%run_scoped3A : memref<!tpu.dma_semaphore, #tpu.memory_space<semaphore_mem>>) src(%dma_wait3A_453 : memref<800xf32, #tpu.memory_space<hbm>>) dst(%dma_wait3A_451 : memref<800xf32, #tpu.memory_space<vmem>>)
        tpu.yield
      }) : () -> ()
    } else {
    }
    %scan3A_422 = arith.constant 0 : i32
    %scan3A_423 = arith.constant 0 : i32
    %scan3A_424 = arith.constant 200 : i32
    %scan3A_425 = arith.addi %scan3A_423, %scan3A_424 : i32
    %scan3A_426 = arith.constant 1 : i32
    scf.for %scan3A_438 = %scan3A_423 to %scan3A_425 step %scan3A_426  : i32 {
      %mul3A_439 = arith.constant 16 : i32
      %mul3A_440 = arith.muli %scan3A_438, %mul3A_439 : i32
      %get3A_441 = arith.index_cast %mul3A_440 : i32 to index
      %get3A_442 = tpu.vector_load %arg11[%get3A_441] {strides = array<i32>} : memref<3200xf32, #tpu.memory_space<vmem>>, vector<16xf32>,
      %get3A_443 = arith.index_cast %mul3A_440 : i32 to index
      %get3A_444 = tpu.vector_load %arg9[%get3A_443] {strides = array<i32>} : memref<3216xf32, #tpu.memory_space<vmem>>, vector<16xf32>,
      %max3A_445 = arith.maximumf %get3A_444, %get3A_442 : vector<16xf32>
      %swap3A_446 = arith.index_cast %mul3A_440 : i32 to index
      %swap3A_447 = tpu.vector_load %arg9[%swap3A_446] {strides = array<i32>} : memref<3216xf32, #tpu.memory_space<vmem>>, vector<16xf32>,
      tpu.vector_store %arg9[%swap3A_446], %max3A_445 {strides = array<i32>} : memref<3216xf32, #tpu.memory_space<vmem>>, vector<16xf32>,
      %get3A_448 = arith.index_cast %mul3A_440 : i32 to index
      %get3A_449 = tpu.vector_load %arg10[%get3A_448] {strides = array<i32>} : memref<3216xf32, #tpu.memory_space<vmem>>, vector<16xf32>,
      %add3A_450 = arith.addf %get3A_449, %get3A_442 : vector<16xf32>
      %swap3A_451 = arith.index_cast %mul3A_440 : i32 to index
      %swap3A_452 = tpu.vector_load %arg10[%swap3A_451] {strides = array<i32>} : memref<3216xf32, #tpu.memory_space<vmem>>, vector<16xf32>,
      tpu.vector_store %arg10[%swap3A_451], %add3A_450 {strides = array<i32>} : memref<3216xf32, #tpu.memory_space<vmem>>, vector<16xf32>,
    }
    %scan3A_427 = arith.constant 200 : i32
    %lt3A_428 = arith.constant 31 : i32
    %lt3A_429 = arith.cmpi slt, %add3A, %lt3A_428 : i32
    %convert_element_type3A_430 = arith.extui %lt3A_429 : i1 to i32
    %cond3A_431 = arith.constant 0 : i32
    %cond3A_432 = arith.cmpi ne, %convert_element_type3A_430, %cond3A_431 : i32
    scf.if %cond3A_432 {
      "tpu.region"() ({
        %run_scoped3A = tpu.sem_alloc : memref<!tpu.dma_semaphore, #tpu.memory_space<semaphore_mem>>
        %dma_start3A_438 = arith.constant 0 : i32
        %dma_start3A_439 = tpu.memref_slice %arg9[%dma_start3A_438] : memref<3216xf32, #tpu.memory_space<vmem>> -> memref<3200xf32, #tpu.memory_space<vmem>>
        %dma_start3A_440 = tpu.memref_slice %arg5[%mul3A_2] : memref<100000xf32, #tpu.memory_space<hbm>> -> memref<3200xf32, #tpu.memory_space<hbm>>
        %dma_start3A_441 = tpu.memref_slice %arg5[%mul3A_2] : memref<100000xf32, #tpu.memory_space<hbm>> -> memref<3200xf32, #tpu.memory_space<hbm>>
        %dma_start3A_442 = arith.constant 0 : i32
        %dma_start3A_443 = tpu.memref_slice %arg9[%dma_start3A_442] : memref<3216xf32, #tpu.memory_space<vmem>> -> memref<3200xf32, #tpu.memory_space<vmem>>
        tpu.enqueue_dma source(%dma_start3A_443 : memref<3200xf32, #tpu.memory_space<vmem>>) target(%dma_start3A_441 : memref<3200xf32, #tpu.memory_space<hbm>>) target_semaphore(%run_scoped3A : memref<!tpu.dma_semaphore, #tpu.memory_space<semaphore_mem>>)
        %dma_wait3A_444 = arith.constant 0 : i32
        %dma_wait3A_445 = tpu.memref_slice %arg9[%dma_wait3A_444] : memref<3216xf32, #tpu.memory_space<vmem>> -> memref<3200xf32, #tpu.memory_space<vmem>>
        %dma_wait3A_446 = tpu.memref_slice %arg5[%mul3A_2] : memref<100000xf32, #tpu.memory_space<hbm>> -> memref<3200xf32, #tpu.memory_space<hbm>>
        %dma_wait3A_447 = tpu.memref_slice %arg5[%mul3A_2] : memref<100000xf32, #tpu.memory_space<hbm>> -> memref<3200xf32, #tpu.memory_space<hbm>>
        %dma_wait3A_448 = arith.constant 0 : i32
        %dma_wait3A_449 = tpu.memref_slice %arg9[%dma_wait3A_448] : memref<3216xf32, #tpu.memory_space<vmem>> -> memref<3200xf32, #tpu.memory_space<vmem>>
        tpu.wait_dma2 semaphore(%run_scoped3A : memref<!tpu.dma_semaphore, #tpu.memory_space<semaphore_mem>>) src(%dma_wait3A_449 : memref<3200xf32, #tpu.memory_space<vmem>>) dst(%dma_wait3A_447 : memref<3200xf32, #tpu.memory_space<hbm>>)
        tpu.yield
      }) : () -> ()
      "tpu.region"() ({
        %run_scoped3A = tpu.sem_alloc : memref<!tpu.dma_semaphore, #tpu.memory_space<semaphore_mem>>
        %dma_start3A_438 = arith.constant 0 : i32
        %dma_start3A_439 = tpu.memref_slice %arg10[%dma_start3A_438] : memref<3216xf32, #tpu.memory_space<vmem>> -> memref<3200xf32, #tpu.memory_space<vmem>>
        %dma_start3A_440 = tpu.memref_slice %arg6[%mul3A_2] : memref<100000xf32, #tpu.memory_space<hbm>> -> memref<3200xf32, #tpu.memory_space<hbm>>
        %dma_start3A_441 = tpu.memref_slice %arg6[%mul3A_2] : memref<100000xf32, #tpu.memory_space<hbm>> -> memref<3200xf32, #tpu.memory_space<hbm>>
        %dma_start3A_442 = arith.constant 0 : i32
        %dma_start3A_443 = tpu.memref_slice %arg10[%dma_start3A_442] : memref<3216xf32, #tpu.memory_space<vmem>> -> memref<3200xf32, #tpu.memory_space<vmem>>
        tpu.enqueue_dma source(%dma_start3A_443 : memref<3200xf32, #tpu.memory_space<vmem>>) target(%dma_start3A_441 : memref<3200xf32, #tpu.memory_space<hbm>>) target_semaphore(%run_scoped3A : memref<!tpu.dma_semaphore, #tpu.memory_space<semaphore_mem>>)
        %dma_wait3A_444 = arith.constant 0 : i32
        %dma_wait3A_445 = tpu.memref_slice %arg10[%dma_wait3A_444] : memref<3216xf32, #tpu.memory_space<vmem>> -> memref<3200xf32, #tpu.memory_space<vmem>>
        %dma_wait3A_446 = tpu.memref_slice %arg6[%mul3A_2] : memref<100000xf32, #tpu.memory_space<hbm>> -> memref<3200xf32, #tpu.memory_space<hbm>>
        %dma_wait3A_447 = tpu.memref_slice %arg6[%mul3A_2] : memref<100000xf32, #tpu.memory_space<hbm>> -> memref<3200xf32, #tpu.memory_space<hbm>>
        %dma_wait3A_448 = arith.constant 0 : i32
        %dma_wait3A_449 = tpu.memref_slice %arg10[%dma_wait3A_448] : memref<3216xf32, #tpu.memory_space<vmem>> -> memref<3200xf32, #tpu.memory_space<vmem>>
        tpu.wait_dma2 semaphore(%run_scoped3A : memref<!tpu.dma_semaphore, #tpu.memory_space<semaphore_mem>>) src(%dma_wait3A_449 : memref<3200xf32, #tpu.memory_space<vmem>>) dst(%dma_wait3A_447 : memref<3200xf32, #tpu.memory_space<hbm>>)
        tpu.yield
      }) : () -> ()
    } else {
    }
    %eq3A_433 = arith.constant 31 : i32
    %eq3A_434 = arith.cmpi eq, %add3A, %eq3A_433 : i32
    %convert_element_type3A_435 = arith.extui %eq3A_434 : i1 to i32
    %cond3A_436 = arith.constant 0 : i32
    %cond3A_437 = arith.cmpi ne, %convert_element_type3A_435, %cond3A_436 : i32
    scf.if %cond3A_437 {
      "tpu.region"() ({
        %run_scoped3A = tpu.sem_alloc : memref<!tpu.dma_semaphore, #tpu.memory_space<semaphore_mem>>
        %dma_start3A_438 = arith.constant 0 : i32
        %dma_start3A_439 = tpu.memref_slice %arg9[%dma_start3A_438] : memref<3216xf32, #tpu.memory_space<vmem>> -> memref<800xf32, #tpu.memory_space<vmem>>
        %dma_start3A_440 = arith.constant 99200 : i32
        %dma_start3A_441 = tpu.memref_slice %arg5[%dma_start3A_440] : memref<100000xf32, #tpu.memory_space<hbm>> -> memref<800xf32, #tpu.memory_space<hbm>>
        %dma_start3A_442 = arith.constant 99200 : i32
        %dma_start3A_443 = tpu.memref_slice %arg5[%dma_start3A_442] : memref<100000xf32, #tpu.memory_space<hbm>> -> memref<800xf32, #tpu.memory_space<hbm>>
        %dma_start3A_444 = arith.constant 0 : i32
        %dma_start3A_445 = tpu.memref_slice %arg9[%dma_start3A_444] : memref<3216xf32, #tpu.memory_space<vmem>> -> memref<800xf32, #tpu.memory_space<vmem>>
        tpu.enqueue_dma source(%dma_start3A_445 : memref<800xf32, #tpu.memory_space<vmem>>) target(%dma_start3A_443 : memref<800xf32, #tpu.memory_space<hbm>>) target_semaphore(%run_scoped3A : memref<!tpu.dma_semaphore, #tpu.memory_space<semaphore_mem>>)
        %dma_wait3A_446 = arith.constant 0 : i32
        %dma_wait3A_447 = tpu.memref_slice %arg9[%dma_wait3A_446] : memref<3216xf32, #tpu.memory_space<vmem>> -> memref<800xf32, #tpu.memory_space<vmem>>
        %dma_wait3A_448 = arith.constant 99200 : i32
        %dma_wait3A_449 = tpu.memref_slice %arg5[%dma_wait3A_448] : memref<100000xf32, #tpu.memory_space<hbm>> -> memref<800xf32, #tpu.memory_space<hbm>>
        %dma_wait3A_450 = arith.constant 99200 : i32
        %dma_wait3A_451 = tpu.memref_slice %arg5[%dma_wait3A_450] : memref<100000xf32, #tpu.memory_space<hbm>> -> memref<800xf32, #tpu.memory_space<hbm>>
        %dma_wait3A_452 = arith.constant 0 : i32
        %dma_wait3A_453 = tpu.memref_slice %arg9[%dma_wait3A_452] : memref<3216xf32, #tpu.memory_space<vmem>> -> memref<800xf32, #tpu.memory_space<vmem>>
        tpu.wait_dma2 semaphore(%run_scoped3A : memref<!tpu.dma_semaphore, #tpu.memory_space<semaphore_mem>>) src(%dma_wait3A_453 : memref<800xf32, #tpu.memory_space<vmem>>) dst(%dma_wait3A_451 : memref<800xf32, #tpu.memory_space<hbm>>)
        tpu.yield
      }) : () -> ()
      "tpu.region"() ({
        %run_scoped3A = tpu.sem_alloc : memref<!tpu.dma_semaphore, #tpu.memory_space<semaphore_mem>>
        %dma_start3A_438 = arith.constant 0 : i32
        %dma_start3A_439 = tpu.memref_slice %arg10[%dma_start3A_438] : memref<3216xf32, #tpu.memory_space<vmem>> -> memref<800xf32, #tpu.memory_space<vmem>>
        %dma_start3A_440 = arith.constant 99200 : i32
        %dma_start3A_441 = tpu.memref_slice %arg6[%dma_start3A_440] : memref<100000xf32, #tpu.memory_space<hbm>> -> memref<800xf32, #tpu.memory_space<hbm>>
        %dma_start3A_442 = arith.constant 99200 : i32
        %dma_start3A_443 = tpu.memref_slice %arg6[%dma_start3A_442] : memref<100000xf32, #tpu.memory_space<hbm>> -> memref<800xf32, #tpu.memory_space<hbm>>
        %dma_start3A_444 = arith.constant 0 : i32
        %dma_start3A_445 = tpu.memref_slice %arg10[%dma_start3A_444] : memref<3216xf32, #tpu.memory_space<vmem>> -> memref<800xf32, #tpu.memory_space<vmem>>
        tpu.enqueue_dma source(%dma_start3A_445 : memref<800xf32, #tpu.memory_space<vmem>>) target(%dma_start3A_443 : memref<800xf32, #tpu.memory_space<hbm>>) target_semaphore(%run_scoped3A : memref<!tpu.dma_semaphore, #tpu.memory_space<semaphore_mem>>)
        %dma_wait3A_446 = arith.constant 0 : i32
        %dma_wait3A_447 = tpu.memref_slice %arg10[%dma_wait3A_446] : memref<3216xf32, #tpu.memory_space<vmem>> -> memref<800xf32, #tpu.memory_space<vmem>>
        %dma_wait3A_448 = arith.constant 99200 : i32
        %dma_wait3A_449 = tpu.memref_slice %arg6[%dma_wait3A_448] : memref<100000xf32, #tpu.memory_space<hbm>> -> memref<800xf32, #tpu.memory_space<hbm>>
        %dma_wait3A_450 = arith.constant 99200 : i32
        %dma_wait3A_451 = tpu.memref_slice %arg6[%dma_wait3A_450] : memref<100000xf32, #tpu.memory_space<hbm>> -> memref<800xf32, #tpu.memory_space<hbm>>
        %dma_wait3A_452 = arith.constant 0 : i32
        %dma_wait3A_453 = tpu.memref_slice %arg10[%dma_wait3A_452] : memref<3216xf32, #tpu.memory_space<vmem>> -> memref<800xf32, #tpu.memory_space<vmem>>
        tpu.wait_dma2 semaphore(%run_scoped3A : memref<!tpu.dma_semaphore, #tpu.memory_space<semaphore_mem>>) src(%dma_wait3A_453 : memref<800xf32, #tpu.memory_space<vmem>>) dst(%dma_wait3A_451 : memref<800xf32, #tpu.memory_space<hbm>>)
        tpu.yield
      }) : () -> ()
    } else {
    }
    return
  }
}

</mosaic_0001>

<sc_bundles>
// kernel: kernel.3.cloned.1.call-start
scs
__scs_entry_jumppad:
0x0: {  	(pc) =	sbr.rel $0x88, $3  }
0x1: {  	(tag) =	ssettag $0x0;
	lr =	simm.s32 $0x1  }
0x2: {  	[smem:$0x3F9E] =	sst lr;
	_ =	strace $0xD0000000  }
0x3: {  	_ = 	snop  }
0x4: {  	_ = 	snop  }
0x5: {  	_ = 	snop  }
0x6: {  	_ = 	snop  }
0x7: {  	_ = 	snop  }
__scs_overlays_trampoline_lowered:
0x8: {  	[smem:$0x3FAD] =	sst s0  }
0x9: {  	[smem:$0x3FAE] =	sst s1  }
0xa: {  	[smem:$0x3FAF] =	sst s2  }
0xb: {  	[smem:$0x3FB0] =	sst s3  }
0xc: {  	[smem:$0x3FB1] =	sst s4  }
0xd: {  	[smem:$0x3FB2] =	sst s5  }
0xe: {  	[smem:$0x3FB3] =	sst s6  }
0xf: {  	[smem:$0x3FB4] =	sst s7  }
0x10: {  	[smem:$0x3FB5] =	sst s8  }
0x11: {  	[smem:$0x3FB6] =	sst s9;
	s0 =	simm.s32 @!p0 $0x0  }
0x12: {  	s1 =	sld [smem:$0x3F9C];
	s0 =	simm.s32 @p0 $0x1  }
0x13: {  	[smem:$0x3FB7] =	sst s0;
	s0 =	simm.s32 @!p1 $0x0  }
0x14: {  	s2 =	sld [smem:$0x3F9B];
	s0 =	simm.s32 @p1 $0x1  }
0x15: {  	[smem:$0x3FB8] =	sst s0;
	s0 =	simm.s32 @!p2 $0x0  }
0x16: {  	s3 =	sld [smem:$0x3FDB];
	s0 =	simm.s32 @p2 $0x1  }
0x17: {  	s4 =	simm.s32 $0x1BF5;
	[smem:$0x3FBA] =	sst s0  }
0x18: {  	s0 =	sld [smem:$0x3F9D];
	_ =	swait.ge [sflag:s4], $0x0  }
0x19: {  	s7 =	sld [smem:$0x3F9E]  }
0x1a: {  	s8 =	sadd.s32 $0xFFFFE003, lr  }
0x1b: {  	s9 =	sadd.s32 $0xFFFFFEF7, lr;
	s5 =	simm.s32 $0xFFFFFFFF;
	p2 =	slt.u32 s8, $0xFFFFF086  }
0x1c: {  	p1 =	slt.u32 s9, $0xF7A;
	s5 =	simm.s32 @!p2 $0x0  }
0x1d: {  	s5 =	simm.s32 @p1 $0x1;
	p0 =	seq.s32 s7, s2  }
0x1e: {  	s7 =	smul.u32 @!p0 $0xF7A, s2;
	p2 =	seq.s32 @!p0 s5, $0x0  }
0x1f: {  	s9 =	smul.u32 $0xF7A, s1;
	s8 =	simm.s32 @!p0 $0x1BF5;
	p2 =	por !p2, p0  }
0x20: {  	[sflag:s8] =	ssyncset.s32 @!p0 $0xFFFFF086;
	s6 =	sadd.s32 @!p0 s3, s7;
	s7 =	simm.s32 @!p0 $0x108  }
0x21: {  	s3 =	sadd.s32 s3, s9;
	s6 =	sadd.s32 @!p0 $0x88, s6;
	s7 =	simm.s32 @p2 $0x1082  }
0x22: {  	[simem:s7], [sflag:s8] =	dma.local @!p0 [hbm:s6], $0xF7A  }
0x23: {  	s9 =	sor.u32 $0xD0000000, s2;
	s6 =	simm.s32 $0x108;
	_ =	swait.ge @!p0 [sflag:s8], $0x0  }
0x24: {  	s3 =	sadd.s32 $0x88, s3;
	s6 =	simm.s32 @!p1 $0x1082;
	[sflag:s4] =	ssyncset.s32 $0xFFFFF086  }
0x25: {  	[simem:s6], [sflag:s4] =	dma.local [hbm:s3], $0xF7A  }
0x26: {  	[smem:$0x3F9E] =	sst s1;
	(tag) =	ssettag s2;
	_ =	strace s9  }
0x27: {  	s1 =	sld [smem:$0x3FAE]  }
0x28: {  	s2 =	sld [smem:$0x3FAF]  }
0x29: {  	s4 =	sld [smem:$0x3FB1]  }
0x2a: {  	p0 =	seq.s32 s5, $0x0;
	s5 =	sld [smem:$0x3FB2]  }
0x2b: {  	s6 =	sld [smem:$0x3FB3]  }
0x2c: {  	s7 =	sld [smem:$0x3FB4]  }
0x2d: {  	s3 =	simm.s32 $0x108;
	s8 =	sld [smem:$0x3FB5]  }
0x2e: {  	s3 =	simm.s32 @!p0 $0x1082;
	s9 =	sld [smem:$0x3FB6]  }
0x2f: {  	lr =	sadd.s32 s0, s3;
	s0 =	sld [smem:$0x3FAD]  }
0x30: {  	s3 =	sld [smem:$0x3FB0]  }
0x31: {  	[smem:$0x3FB9] =	sst s10  }
0x32: {  	s10 =	sld [smem:$0x3FB7];
	_ =	sdelay $0x3  }
0x33: {  	p0 =	seq.s32 s10, $0x1;
	s10 =	sld [smem:$0x3FB9];
	_ =	sdelay $0x3  }
0x34: {  	[smem:$0x3FB9] =	sst s10  }
0x35: {  	s10 =	sld [smem:$0x3FB8];
	_ =	sdelay $0x3  }
0x36: {  	p1 =	seq.s32 s10, $0x1;
	s10 =	sld [smem:$0x3FB9];
	_ =	sdelay $0x3  }
0x37: {  	[smem:$0x3FB9] =	sst s10  }
0x38: {  	s10 =	sld [smem:$0x3FBA]  }
0x39: {  	_ = 	snop;
	(pc) =	sbr.ind lr, $3  }
0x3a: {  	_ = 	snop  }
0x3b: {  	_ = 	snop  }
0x3c: {  	p2 =	seq.s32 s10, $0x1;
	s10 =	sld [smem:$0x3FB9]  }
0x3d: {  	_ =	shalt  }
0x3e: {  	_ =	shalt  }
0x3f: {  	_ =	shalt  }
0x40: {  	_ =	shalt  }
0x41: {  	_ =	shalt  }
0x42: {  	_ =	shalt  }
0x43: {  	_ =	shalt  }
0x44: {  	_ =	shalt  }
0x45: {  	_ =	shalt  }
0x46: {  	_ =	shalt  }
0x47: {  	_ =	shalt  }
0x48: {  	_ =	shalt  }
0x49: {  	_ =	shalt  }
0x4a: {  	_ =	shalt  }
0x4b: {  	_ =	shalt  }
0x4c: {  	_ =	shalt  }
0x4d: {  	_ =	shalt  }
0x4e: {  	_ =	shalt  }
0x4f: {  	_ =	shalt  }
0x50: {  	_ =	shalt  }
0x51: {  	_ =	shalt  }
0x52: {  	_ =	shalt  }
0x53: {  	_ =	shalt  }
0x54: {  	_ =	shalt  }
0x55: {  	_ =	shalt  }
0x56: {  	_ =	shalt  }
0x57: {  	_ =	shalt  }
0x58: {  	_ =	shalt  }
0x59: {  	_ =	shalt  }
0x5a: {  	_ =	shalt  }
0x5b: {  	_ =	shalt  }
0x5c: {  	_ =	shalt  }
0x5d: {  	_ =	shalt  }
0x5e: {  	_ =	shalt  }
0x5f: {  	_ =	shalt  }
0x60: {  	_ =	shalt  }
0x61: {  	_ =	shalt  }
0x62: {  	_ =	shalt  }
0x63: {  	_ =	shalt  }
0x64: {  	_ =	shalt  }
0x65: {  	_ =	shalt  }
0x66: {  	_ =	shalt  }
0x67: {  	_ =	shalt  }
0x68: {  	_ =	shalt  }
0x69: {  	_ =	shalt  }
0x6a: {  	_ =	shalt  }
0x6b: {  	_ =	shalt  }
0x6c: {  	_ =	shalt  }
0x6d: {  	_ =	shalt  }
0x6e: {  	_ =	shalt  }
0x6f: {  	_ =	shalt  }
0x70: {  	_ =	shalt  }
0x71: {  	_ =	shalt  }
0x72: {  	_ =	shalt  }
0x73: {  	_ =	shalt  }
0x74: {  	_ =	shalt  }
0x75: {  	_ =	shalt  }
0x76: {  	_ =	shalt  }
0x77: {  	_ =	shalt  }
0x78: {  	_ =	shalt  }
0x79: {  	_ =	shalt  }
0x7a: {  	_ =	shalt  }
0x7b: {  	_ =	shalt  }
0x7c: {  	_ =	shalt  }
0x7d: {  	_ =	shalt  }
0x7e: {  	_ =	shalt  }
0x7f: {  	_ =	shalt  }
0x80: {  	_ =	shalt  }
0x81: {  	_ =	shalt  }
0x82: {  	_ =	shalt  }
0x83: {  	_ =	shalt  }
0x84: {  	_ =	shalt  }
0x85: {  	_ =	shalt  }
0x86: {  	_ =	shalt  }
0x87: {  	_ =	shalt  }
.Lfunc_end0:
.L_simem_size_0:
called_computation_lowered:
.L_overlay_start_0:
0x88: {  	s2 =	sld [smem:$0x3FD9]  }
0x89: {  	s3 =	sld [smem:$0x3FFE];
	_ =	sdelay $0x1  }
0x8a: {  	s1 =	srdreg.scid  }
0x8b: {  	s0 =	sand.u32 $0x1, s1  }
0x8c: {  	s15 =	sshll.u32 s0, $0xA;
	s2 =	sadd.s32 s3, s2  }
0x8d: {  	s2 =	sadd.s32 s2, s15  }
0x8e: {  	[smem:$0x3FC5] =	sst s2  }
0x8f: {  	_ = 	snop  }
0x90: {  	s2 =	sld [smem:$0x3FD0]  }
0x91: {  	s16 =	sld [smem:$0x3FC9]  }
0x92: {  	s4 =	sld [smem:$0x3FC8]  }
0x93: {  	s6 =	simm.s32 $0xA;
	s7 =	simm.s32 $0x10;
	s5 =	sld [smem:$0x3FC7]  }
0x94: {  	[smem:s7], [sflag:s6] =	dma.local [hbm:s2], $0x1  }
0x95: {  	_ =	swait.eq [sflag:s6], $0x1  }
0x96: {  	[sflag:s6] =	ssyncset.done $0x0  }
0x97: {  	s17 =	sld [smem:$0x10];
	[sflag:s6] =	ssyncadd.s32 $0xFFFFFFFF  }
0x98: {  	s18 =	sld [smem:$0x11];
	(tm) =	ssettm $0x1  }
0x99: {  	s19 =	sld [smem:$0x3FFB];
	_ =	sdelay $0x3  }
0x9a: {  	_ =	strace s19  }
0x9b: {  	s7 =	sld [smem:$0x3FFC];
	_ =	sdelay $0x3  }
0x9c: {  	_ =	strace s7  }
0x9d: {  	s7 =	sld [smem:$0x3FFD];
	_ =	sdelay $0x3  }
0x9e: {  	_ =	strace s7  }
0x9f: {  	_ =	strace $0x8FFFFFFF  }
0xa0: {  	s20 =	sld [smem:$0x3FDB];
	_ =	sdelay $0x1  }
0xa1: {  	s8 =	simm.s32 $_scs_section_size  }
0xa2: {  	s9 =	simm.s32 $_size__tile_overlayer_lowered;
	s10 =	simm.s32 $_tile_overlayer_lowered  }
0xa3: {  	s23 =	simm.s32 $0x1BFF;
	s22 =	sshll.u32 s10, $0x1;
	s7 =	sadd.s32 s8, s20  }
0xa4: {  	s11 =	simm.s32 $0x0;
	s21 =	sshll.u32 s9, $0x1;
	s9 =	sadd.s32 s22, s7  }
0xa5: {  	[timem:s11], [sflag:s23] =	dma.local [hbm:s9], s21  }
0xa6: {  	_ =	swait.ge [sflag:s23], s21  }
0xa7: {  	s8 =	ssub.s32 $0x0, s21;
	[sflag:s23] =	ssyncset.done $0x0  }
0xa8: {  	[sflag:s23] =	ssyncadd.s32 s8;
	_ =	sdelay $0x1  }
0xa9: {  	s24 =	simm.s32 $0x1B8B  }
0xaa: {  	_ =	swait.ge [sflag:s24], $0x1  }
0xab: {  	[sflag:s24] =	ssyncset.done $0x0  }
0xac: {  	s25 =	simm.s32 $0x1B8E;
	[sflag:s24] =	ssyncadd.s32 $0xFFFFFFFF  }
0xad: {  	s26 =	simm.s32 $execute0_lowered;
	[smem:$0x3FD2] =	sst s25  }
0xae: {  	s8 =	sshll.u32 s26, $0x1;
	_ =	strace $0x80000046;
	[dreg:$0x1] =	wrdreg $0xFFFFFFFF  }
0xaf: {  	s28 =	simm.s32 $_size_execute0_lowered;
	s7 =	sadd.s32 s7, s8;
	[dreg:$0x0] =	wrdreg $0x0  }
0xb0: {  	s8 =	sshll.u32 s28, $0x1;
	[dreg:$0x2] =	wrdreg s7  }
0xb1: {  	[dreg:$0x3] =	wrdreg s8  }
0xb2: {  	[dreg:$0x4] =	wrdreg $0xC0  }
0xb3: {  	_ =	task [dreg:s11], $0x5FFFF  }
0xb4: {  	[dreg:$0x1] =	wrdreg $0xFFFFFFFF  }
0xb5: {  	[dreg:$0x0] =	wrdreg $0x60  }
0xb6: {  	[dreg:$0x2] =	wrdreg s16  }
0xb7: {  	[dreg:$0x3] =	wrdreg s4  }
0xb8: {  	[dreg:$0x4] =	wrdreg s5  }
0xb9: {  	[dreg:$0x5] =	wrdreg s17  }
0xba: {  	[dreg:$0x6] =	wrdreg s18  }
0xbb: {  	[dreg:$0x7] =	wrdreg $0x9  }
0xbc: {  	_ =	task.clear_ibuf [dreg:s11], $0x8FFFF;
	_ =	strace $0x90000046  }
0xbd: {  	s29 =	simm.s32 $0x9;
	_ =	strace $0x80000048  }
0xbe: {  	_ =	swait.ge [sflag:s29], $0x1  }
0xbf: {  	[sflag:s29] =	ssyncadd.s32 $0xFFFFFFFF  }
0xc0: {  	_ =	strace $0x90000048  }
0xc1: {  	_ =	sfence  }
0xc2: {  	s30 =	sld [smem:$0x0];
	_ =	sdelay $0x2  }
0xc3: {  	s31 =	sshll.u32 s1, $0xD;
	s1 =	sshrl.u32 s1, $0x2  }
0xc4: {  	s3 =	sand.u32 $0x4000, s31;
	s1 =	sadd.s32 s1, s30  }
0xc5: {  	s0 =	sor.u32 s3, s0;
	s1 =	sshll.u32 s1, $0x11  }
0xc6: {  	s0 =	sor.u32 s1, s0  }
0xc7: {  	s0 =	sadd.s32 $0x8F2B, s0  }
0xc8: {  	[sflag:s0] =	ssyncadd.remote.s32 $0x1  }
0xc9: {  	_ =	sfence.sel $0xFFFF  }
0xca: {  	[dreg:$0x0] =	wrdreg $0xFFFFFFFF;
	(pc) =	sbr.abs _section_cstart, $3  }
0xcb: {  	[dreg:$0x1] =	wrdreg $0xFFFFFFFF  }
0xcc: {  	_ =	task.clear_ibuf [dreg:s11], $0x2FFFF;
	_ =	strace $0x9FFFFFFF  }
0xcd: {  	(tm) =	ssettm $0x7FFFFFFF  }
tec
execute0_lowered:
.L_overlay_start_1:
0x0: {  	(tag) =	ssettag $0x1  }
0x1: {  	v0 =	vlaneseq.u32;
	v9 =	vimm.s32 $0xFFEDCBA9  }
0x2: {  	v10 =	vimm.f32 $-Inf;
	v13 =	vimm.s32 $0x65432100;
	v14 =	vimm.s32 $0xEDCBA987  }
0x3: {  	v15 =	vimm.s32 $0xDCBA9876;
	v16 =	vimm.s32 $0xBA987654;
	v17 =	vimm.s32 $0xE40000  }
0x4: {  	v18 =	vimm.s32 $0x32100000;
	vm0 =	vcmask $0x3F30;
	vm8 =	vcmask $0x3F3C  }
0x5: {  	v4 =	vmul.u32 $0x61A80, v0;
	v5 =	vmul.u32 $0x61A8, v0;
	v6 =	vmul.u32 $0x61B, v0  }
0x6: {  	v7 =	vmul.u32 $0x62, v0;
	v8 =	vmul.u32 $0x7, v0;
	v11 =	vunpack.c.l.s4.s8 v9  }
0x7: {  	v9 =	vimm.s32 $0x87654321;
	v13 =	vunpack.c.l.s4.s8 v13;
	v14 =	vunpack.c.l.s4.s8 v14  }
0x8: {  	v15 =	vunpack.c.l.s4.s8 v15;
	v16 =	vunpack.c.l.s4.s8 v16;
	v12 =	vunpack.c.l.s4.s8 v9  }
0x9: {  	s0 =	srdreg.scid;
	s6 =	rddreg [dreg:$0x2];
	v17 =	vunpack.c.l.s2.s4 v17;
	v18 =	vunpack.c.l.s4.s8 v18;
	v4 =	vadd.s32 $0x61A7F, v4  }
0xa: {  	s2 =	stileid.u32;
	s9 =	rddreg [dreg:$0x3];
	v5 =	vadd.s32 $0x61A7, v5;
	v11 =	vunpack.c.0.s8.s32 v11;
	v12 =	vunpack.c.0.s8.s32 v12  }
0xb: {  	s10 =	rddreg [dreg:$0x4];
	s4 =	simm.s32 $0x0;
	s0 =	sand.u32 $0x1, s0;
	v6 =	vadd.s32 $0x61A, v6;
	v7 =	vadd.s32 $0x61, v7;
	v8 =	vadd.s32 $0x6, v8  }
0xc: {  	s12 =	simm.s32 $0x20;
	s13 =	simm.s32 $0xA700;
	s1 =	sshll.u32 s0, $0x4;
	v14 =	vunpack.c.0.s8.s32 v14;
	v11 =	vcombine.low v12, v11;
	v12 =	vimm.s32 $0x54321000  }
0xd: {  	s14 =	simm.s32 $0xA780;
	s15 =	simm.s32 $0x5;
	s16 =	sor.u32 s2, s1;
	v15 =	vunpack.c.0.s8.s32 v15;
	v16 =	vunpack.c.0.s8.s32 v16;
	v12 =	vunpack.c.l.s4.s8 v12  }
0xe: {  	s18 =	simm.s32 $0x8080;
	[smem:$0x7FF] =	sst s4;
	v13 =	vunpack.c.0.s8.s32 v13;
	v17 =	vunpack.c.l.s4.s8 v17;
	s3 =	smul.u32 $0xC80, s16;
	v14 =	vand.u32 $0xF, v14  }
0xf: {  	s19 =	simm.s32 $0x8D80;
	s0 =	ssub.s32 $0x2, s0;
	s1 =	rddreg [dreg:$0x0];
	v15 =	vand.u32 $0xF, v15;
	v16 =	vand.u32 $0xF, v16;
	v19 =	vunpack.c.0.s8.s32 v12  }
0x10: {  	s2 =	rddreg [dreg:$0x1];
	s5 =	sshrl.u32 s0, $0x1;
	_ =	strace $0x80000047;
	v17 =	vunpack.c.0.s8.s32 v17;
	v1 =	vmov s3;
	v12 =	vcombine.low v13, v14  }
0x11: {  	s0 =	ssub.s32 s0, s5;
	s30 =	sadd.s32 $0xC80, s3;
	s31 =	ssub.s32 $0x0, s3;
	v13 =	vcombine.low v19, v15;
	v15 =	vunpack.c.0.s8.s32 v18;
	v18 =	vimm.s32 $0x7060504  }
0x12: {  	p0 =	seq.s32 s16, $0x1F;
	s11 =	smax.u32 s0, $0x1;
	s3 =	sshrl.u32 s3, $0x3;
	v2 =	vmov s30;
	v3 =	vmov s31;
	v18 =	vunpack.c.0.s8.s32 v18  }
0x13: {  	s5 =	sadd.s32 s6, s3;
	s6 =	sadd.s32 $0x3070, s6;
	s7 =	sadd.s32 s9, s3;
	v17 =	vand.u32 $0x3, v17;
	v14 =	vimm.f32 $0.0e+00;
	v15 =	vcombine.low v15, v16  }
0x14: {  	s8 =	sadd.s32 s10, s3;
	s9 =	sadd.s32 $0x3070, s9;
	s10 =	sadd.s32 $0x3070, s10;
	v16 =	vand.u32 $0xF, v11;
	v17 =	vsel vm0, v18, v17;
	v18 =	vimm.s32 $0xF  }
.LBB2_1:
0x15: {  	[tilespmem:$0xA700] =	vst v4  }
0x16: {  	[tilespmem:$0xA710] =	vst v4  }
0x17: {  	[tilespmem:s14], [sflag:$0x5] =	stream.indirect.gather [hbm4b:s2+s12], $0x1, s13, s12, $0xb8;
	[tilespmem:$0xA800] =	vst v63  }
0x18: {  	_ =	swait.ge [sflag:s15], $0x20  }
0x19: {  	[sflag:s15] =	ssyncset.done $0x0  }
0x1a: {  	[sflag:s15] =	ssyncadd.s32 $0xFFFFFFE0  }
0x1b: {  	v19 =	vld [tilespmem:$0xA780]  }
0x1c: {  	v20 =	vld [tilespmem:$0xA790];
	_ =	sdelay $0x3  }
0x1d: {  	vm0 =	vlt.s32 v19, v1  }
0x1e: {  	vm13 =	vlt.s32 v20, v2;
	v19 =	vmpcnt.ones.xlane vm0  }
0x1f: {  	v20 =	vmpcnt.ones.xlane vm13  }
0x20: {  	(v2sf) =	vpush v19, $0x0  }
0x21: {  	(v2sf) =	vpush v20, $0x0;
	_ =	sdelay $0xd  }
0x22: {  	s0 =	spop (v2sf)  }
0x23: {  	s0 =	smul.u32 $0x61A80, s0;
	s3 =	spop (v2sf)  }
0x24: {  	s3 =	smul.u32 $0x61A80, s3  }
0x25: {  	v19 =	vadd.s32 s0, v5  }
0x26: {  	v20 =	vadd.s32 s3, v5;
	vm14 =	vlt.s32 v19, $0x61A7FF  }
0x27: {  	v21 =	vnsel vm14, $0x61A7FF, v19;
	vm15 =	vlt.s32 v20, $0x61A7FF  }
0x28: {  	[tilespmem:$0xA700] =	vst v21;
	v21 =	vnsel vm15, $0x61A7FF, v20  }
0x29: {  	[tilespmem:$0xA710] =	vst v21  }
0x2a: {  	[tilespmem:s14], [sflag:$0x5] =	stream.indirect.gather [hbm4b:s2+s12], $0x1, s13, s12, $0xb8;
	[tilespmem:$0xA800] =	vst v63  }
0x2b: {  	_ =	swait.ge [sflag:s15], $0x20  }
0x2c: {  	[sflag:s15] =	ssyncset.done $0x0  }
0x2d: {  	[sflag:s15] =	ssyncadd.s32 $0xFFFFFFE0  }
0x2e: {  	v21 =	vld [tilespmem:$0xA780]  }
0x2f: {  	v22 =	vld [tilespmem:$0xA790];
	_ =	sdelay $0x3  }
0x30: {  	vm4 =	vlt.s32 v19, $0x61A800;
	vm1 =	vlt.s32 v21, v1  }
0x31: {  	vm5 =	vlt.s32 v20, $0x61A800;
	vm2 =	vlt.s32 v22, v2;
	vm0 =	vmand vm4, vm1  }
0x32: {  	vm12 =	vmand vm5, vm2;
	v19 =	vmpcnt.ones.xlane vm0  }
0x33: {  	v20 =	vmpcnt.ones.xlane vm12  }
0x34: {  	(v2sf) =	vpush v19, $0x0  }
0x35: {  	(v2sf) =	vpush v20, $0x0;
	_ =	sdelay $0xd  }
0x36: {  	s20 =	spop (v2sf)  }
0x37: {  	s20 =	smul.u32 $0x61A8, s20;
	s21 =	spop (v2sf)  }
0x38: {  	s21 =	smul.u32 $0x61A8, s21  }
0x39: {  	s0 =	sadd.s32 s0, s20  }
0x3a: {  	s3 =	sadd.s32 s3, s21;
	v19 =	vadd.s32 s0, v6  }
0x3b: {  	v20 =	vadd.s32 s3, v6;
	vm13 =	vlt.s32 v19, $0x61A7FF  }
0x3c: {  	v21 =	vnsel vm13, $0x61A7FF, v19;
	vm14 =	vlt.s32 v20, $0x61A7FF  }
0x3d: {  	[tilespmem:$0xA700] =	vst v21;
	v21 =	vnsel vm14, $0x61A7FF, v20  }
0x3e: {  	[tilespmem:$0xA710] =	vst v21  }
0x3f: {  	[tilespmem:s14], [sflag:$0x5] =	stream.indirect.gather [hbm4b:s2+s12], $0x1, s13, s12, $0xb8;
	[tilespmem:$0xA800] =	vst v63  }
0x40: {  	_ =	swait.ge [sflag:s15], $0x20  }
0x41: {  	[sflag:s15] =	ssyncset.done $0x0  }
0x42: {  	[sflag:s15] =	ssyncadd.s32 $0xFFFFFFE0  }
0x43: {  	v21 =	vld [tilespmem:$0xA780]  }
0x44: {  	v22 =	vld [tilespmem:$0xA790];
	_ =	sdelay $0x3  }
0x45: {  	vm15 =	vlt.s32 v19, $0x61A800;
	vm4 =	vlt.s32 v21, v1  }
0x46: {  	vm5 =	vlt.s32 v20, $0x61A800;
	vm12 =	vlt.s32 v22, v2;
	vm0 =	vmand vm15, vm4  }
0x47: {  	vm13 =	vmand vm5, vm12;
	v19 =	vmpcnt.ones.xlane vm0  }
0x48: {  	v20 =	vmpcnt.ones.xlane vm13  }
0x49: {  	(v2sf) =	vpush v19, $0x0  }
0x4a: {  	(v2sf) =	vpush v20, $0x0;
	_ =	sdelay $0xd  }
0x4b: {  	s25 =	spop (v2sf)  }
0x4c: {  	s20 =	smul.u32 $0x61B, s25;
	s26 =	spop (v2sf)  }
0x4d: {  	s21 =	smul.u32 $0x61B, s26  }
0x4e: {  	s0 =	sadd.s32 s0, s20  }
0x4f: {  	s3 =	sadd.s32 s3, s21;
	v19 =	vadd.s32 s0, v7  }
0x50: {  	v20 =	vadd.s32 s3, v7;
	vm14 =	vlt.s32 v19, $0x61A7FF  }
0x51: {  	v21 =	vnsel vm14, $0x61A7FF, v19;
	vm15 =	vlt.s32 v20, $0x61A7FF  }
0x52: {  	[tilespmem:$0xA700] =	vst v21;
	v21 =	vnsel vm15, $0x61A7FF, v20  }
0x53: {  	[tilespmem:$0xA710] =	vst v21  }
0x54: {  	[tilespmem:s14], [sflag:$0x5] =	stream.indirect.gather [hbm4b:s2+s12], $0x1, s13, s12, $0xb8;
	[tilespmem:$0xA800] =	vst v63  }
0x55: {  	_ =	swait.ge [sflag:s15], $0x20  }
0x56: {  	[sflag:s15] =	ssyncset.done $0x0  }
0x57: {  	[sflag:s15] =	ssyncadd.s32 $0xFFFFFFE0  }
0x58: {  	v21 =	vld [tilespmem:$0xA780]  }
0x59: {  	v22 =	vld [tilespmem:$0xA790];
	_ =	sdelay $0x3  }
0x5a: {  	vm4 =	vlt.s32 v19, $0x61A800;
	vm5 =	vlt.s32 v21, v1  }
0x5b: {  	vm12 =	vlt.s32 v20, $0x61A800;
	vm13 =	vlt.s32 v22, v2;
	vm0 =	vmand vm4, vm5  }
0x5c: {  	vm14 =	vmand vm12, vm13;
	v19 =	vmpcnt.ones.xlane vm0  }
0x5d: {  	v20 =	vmpcnt.ones.xlane vm14  }
0x5e: {  	(v2sf) =	vpush v19, $0x0  }
0x5f: {  	(v2sf) =	vpush v20, $0x0;
	_ =	sdelay $0xd  }
0x60: {  	s28 =	spop (v2sf)  }
0x61: {  	s20 =	smul.u32 $0x62, s28;
	s29 =	spop (v2sf)  }
0x62: {  	s21 =	smul.u32 $0x62, s29  }
0x63: {  	s0 =	sadd.s32 s0, s20  }
0x64: {  	s3 =	sadd.s32 s3, s21;
	v19 =	vadd.s32 s0, v8  }
0x65: {  	v20 =	vadd.s32 s3, v8;
	vm15 =	vlt.s32 v19, $0x61A7FF  }
0x66: {  	v21 =	vnsel vm15, $0x61A7FF, v19;
	vm4 =	vlt.s32 v20, $0x61A7FF  }
0x67: {  	[tilespmem:$0xA700] =	vst v21;
	v21 =	vnsel vm4, $0x61A7FF, v20  }
0x68: {  	[tilespmem:$0xA710] =	vst v21  }
0x69: {  	[tilespmem:s14], [sflag:$0x5] =	stream.indirect.gather [hbm4b:s2+s12], $0x1, s13, s12, $0xb8;
	[tilespmem:$0xA800] =	vst v63  }
0x6a: {  	_ =	swait.ge [sflag:s15], $0x20  }
0x6b: {  	[sflag:s15] =	ssyncset.done $0x0  }
0x6c: {  	[sflag:s15] =	ssyncadd.s32 $0xFFFFFFE0  }
0x6d: {  	v21 =	vld [tilespmem:$0xA780]  }
0x6e: {  	v22 =	vld [tilespmem:$0xA790];
	_ =	sdelay $0x3  }
0x6f: {  	vm5 =	vlt.s32 v19, $0x61A800;
	vm12 =	vlt.s32 v21, v1  }
0x70: {  	vm13 =	vlt.s32 v20, $0x61A800;
	vm14 =	vlt.s32 v22, v2;
	vm0 =	vmand vm5, vm12  }
0x71: {  	vm15 =	vmand vm13, vm14;
	v19 =	vmpcnt.ones.xlane vm0  }
0x72: {  	v20 =	vmpcnt.ones.xlane vm15  }
0x73: {  	(v2sf) =	vpush v19, $0x0  }
0x74: {  	(v2sf) =	vpush v20, $0x0;
	_ =	sdelay $0xd  }
0x75: {  	s30 =	spop (v2sf)  }
0x76: {  	s20 =	smul.u32 $0x7, s30;
	s31 =	spop (v2sf)  }
0x77: {  	s21 =	smul.u32 $0x7, s31  }
0x78: {  	s20 =	sadd.s32 s0, s20  }
0x79: {  	s21 =	sadd.s32 s3, s21;
	v19 =	vadd.s32 s20, v0  }
0x7a: {  	v20 =	vadd.s32 s21, v0;
	vm4 =	vlt.s32 v19, $0x61A7FF  }
0x7b: {  	v21 =	vnsel vm4, $0x61A7FF, v19;
	vm5 =	vlt.s32 v20, $0x61A7FF  }
0x7c: {  	[tilespmem:$0xA700] =	vst v21;
	v21 =	vnsel vm5, $0x61A7FF, v20  }
0x7d: {  	[tilespmem:$0xA710] =	vst v21  }
0x7e: {  	[tilespmem:s14], [sflag:$0x5] =	stream.indirect.gather [hbm4b:s2+s12], $0x1, s13, s12, $0xb8;
	[tilespmem:$0xA800] =	vst v63  }
0x7f: {  	_ =	swait.ge [sflag:s15], $0x20  }
0x80: {  	[sflag:s15] =	ssyncset.done $0x0  }
0x81: {  	[sflag:s15] =	ssyncadd.s32 $0xFFFFFFE0  }
0x82: {  	v21 =	vld [tilespmem:$0xA780]  }
0x83: {  	v22 =	vld [tilespmem:$0xA790];
	_ =	sdelay $0x3  }
0x84: {  	v9 =	vimm.s32 $0xFFFFFFFF;
	vm12 =	vlt.s32 v19, $0x61A800  }
0x85: {  	vm14 =	vlt.s32 v20, $0x61A800;
	vm13 =	vlt.s32 v21, v1;
	vm3 =	vlt.s32 v22, v2  }
0x86: {  	[tilespmem:$0x0] =	vst v9;
	vm0 =	vmand vm12, vm13;
	vm15 =	vmand vm14, vm3  }
0x87: {  	s22 =	simm.s32 $0x40;
	s24 =	simm.s32 $0x0;
	[tilespmem:$0x2020] =	vst v9;
	v19 =	vmpcnt.ones.xlane vm0;
	v20 =	vmpcnt.ones.xlane vm15  }
.LBB2_2:
0x88: {  	p1 =	sne.s32 s22, $0x3200;
	[tilespmem:s24+$0x8080] =	vst v10;
	s0 =	smov.u32 s22;
	s22 =	sadd.s32 $0x40, s22  }
.Ltmp0:
0x89: {  	[tilespmem:s24+$0x8D80] =	vst v14;
	(pc) =	sbr.rel @p1 .LBB2_2-.Ltmp0, $2  }
0x8a: {  	_ =	sdelay $0x2  }
0x8b: {  	s24 =	sshra.s32 s0, $0x2  }
0x8c: {  	(v2sf) =	vpush v19, $0x0;
	_ =	sdelay $0x6  }
0x8d: {  	(v2sf) =	vpush v20, $0x0;
	_ =	sdelay $0x7  }
0x8e: {  	s0 =	spop (v2sf)  }
0x8f: {  	s20 =	sadd.s32 s20, s0  }
0x90: {  	s0 =	sand.u32 $0x7, s20  }
0x91: {  	s3 =	sshra.s32 s20, $0x1F;
	p1 =	slt.s32 s20, $0x1;
	p2 =	sne.s32 s0, $0x0  }
0x92: {  	s29 =	sshrl.u32 s3, $0x1D;
	p1 =	por !p1, !p2  }
0x93: {  	s3 =	simm.s32 $0x1;
	s0 =	sadd.s32 s29, s20;
	p1 =	por !p1, !p1  }
0x94: {  	s0 =	sshrl.u32 s0, $0x3;
	s3 =	simm.s32 @!p1 $0x0  }
0x95: {  	s22 =	spop (v2sf);
	s0 =	ssub.s32 s0, s3  }
0x96: {  	s21 =	sadd.s32 s21, s22;
	s22 =	sshll.u32 s0, $0x3  }
0x97: {  	s0 =	ssub.s32 s21, s22  }
0x98: {  	s0 =	sadd.s32 $0x1FFF, s0  }
0x99: {  	s30 =	sand.u32 $0x1FFF, s0  }
0x9a: {  	s31 =	sshra.s32 s0, $0x1F;
	p6 =	slt.s32 s0, $0x1;
	p5 =	sne.s32 s30, $0x0  }
0x9b: {  	s3 =	sshrl.u32 s31, $0x13;
	p1 =	por !p6, !p5  }
0x9c: {  	s0 =	sadd.s32 s3, s0;
	s3 =	simm.s32 $0x1;
	p1 =	por !p1, !p1  }
0x9d: {  	s0 =	sshra.s32 s0, $0xD;
	s3 =	simm.s32 @!p1 $0x0  }
0x9e: {  	s23 =	ssub.s32 s0, s3  }
0x9f: {  	p1 =	slt.s32 s23, $0x1  }
.Ltmp1:
0xa0: {  	_ = 	snop;
	(pc) =	sbr.rel @p1 .LBB2_12-.Ltmp1, $3  }
0xa1: {  	_ =	sdelay $0x1  }
0xa2: {  	[tilespmem:s24+$0x8080] =	vst v10  }
0xa3: {  	[tilespmem:s24+$0x8D80] =	vst v14  }
0xa4: {  	p1 =	slt.s32 s22, $0x618800;
	s0 =	smov.u32 s22  }
0xa5: {  	s0 =	simm.s32 @!p1 $0x618800  }
.Ltmp2:
0xa6: {  	s0 =	sshrl.u32 s0, $0x3;
	(pc) =	sbr.rel .LBB2_5-.Ltmp2, $4  }
0xa7: {  	s24 =	simm.s32 $0x0;
	s16 =	simm.s32 $0x10;
	s3 =	sadd.s32 s2, s0  }
0xa8: {  	[tilespmem:s16], [sflag:$0x1] =	stream.linear.gather [hbm4b:s3+s24], $0x2000, $0x38;
	[tilespmem:$0xA800] =	vst v63  }
0xa9: {  	s31 =	simm.s32 $0x4080;
	p1 =	por $0x0, $0x0;
	s0 =	sadd.s32 s1, s0  }
0xaa: {  	v19 =	vmov s21;
	[tilespmem:s31], [sflag:$0x3] =	stream.linear.gather [hbm4b:s0+s24], $0x2000, $0x38;
	[tilespmem:$0xA800] =	vst v63  }
.LBB2_11:
0xab: {  	p2 =	sne.s32 s24, s23  }
.Ltmp3:
0xac: {  	_ = 	snop;
	(pc) =	sbr.rel @!p2 .LBB2_12-.Ltmp3, $2  }
0xad: {  	_ =	sdelay $0x2  }
0xae: {  	p1 =	por !p1, !p1  }
.LBB2_5:
0xaf: {  	s25 =	sand.u32 $0x1, s24;
	s0 =	sshll.u32 s24, $0xD;
	s24 =	sadd.s32 $0x1, s24  }
0xb0: {  	s3 =	sadd.s32 $0x1, s25;
	p2 =	sle.s32 s23, s24  }
0xb1: {  	_ =	swait.ge [sflag:s3], $0x2000;
	s26 =	sshll.u32 @!p2 s24, $0xD  }
0xb2: {  	s28 =	sadd.s32 $0x3, s25;
	[sflag:s3] =	ssyncset.done $0x0;
	s26 =	sadd.s32 @!p2 s22, s26  }
0xb3: {  	[sflag:s3] =	ssyncadd.s32 $0xFFFFE000;
	s3 =	sand.u32 @!p2 $0x1, s24;
	p3 =	slt.s32 @!p2 s26, $0x618800  }
0xb4: {  	s29 =	smul.u32 @!p2 $0x8080, s3;
	_ =	swait.ge [sflag:s28], $0x2000;
	p3 =	por !p3, p2  }
0xb5: {  	s31 =	simm.s32 @!p2 $0x0;
	[sflag:s28] =	ssyncset.done $0x0;
	s26 =	simm.s32 @p3 $0x618800  }
0xb6: {  	s29 =	sshrl.u32 @!p2 s29, $0x2;
	[sflag:s28] =	ssyncadd.s32 $0xFFFFE000;
	s26 =	sshrl.u32 @!p2 s26, $0x3  }
0xb7: {  	s28 =	sor.u32 @!p2 $0x10, s29;
	s29 =	sadd.s32 @!p2 $0x1, s3;
	s30 =	sadd.s32 @!p2 s2, s26  }
0xb8: {  	[tilespmem:s28], [sflag:s29] =	stream.linear.gather @!p2 [hbm4b:s30+s31], $0x2000, $0x38;
	[tilespmem:$0xA800] =	vst v63  }
0xb9: {  	s28 =	sadd.s32 s22, s0;
	s0 =	sshll.u32 @!p2 s3, $0xD  }
0xba: {  	s26 =	sadd.s32 @!p2 s1, s26;
	s3 =	sadd.s32 @!p2 $0x3, s3;
	s0 =	sor.u32 @!p2 $0x4080, s0  }
0xbb: {  	[tilespmem:s0], [sflag:s3] =	stream.linear.gather @!p2 [hbm4b:s26+s31], $0x2000, $0x38;
	[tilespmem:$0xA800] =	vst v63  }
0xbc: {  	p2 =	sgt.s32 s28, $0x618800  }
0xbd: {  	p3 =	sgt.s32 @!p2 s20, s28  }
0xbe: {  	s26 =	sadd.s32 $0x2000, s28;
	p2 =	por p2, p3  }
0xbf: {  	p3 =	sgt.s32 @!p2 s26, s21  }
0xc0: {  	p2 =	por p2, p3  }
.Ltmp4:
0xc1: {  	s3 =	simm.s32 $0x1;
	(pc) =	sbr.rel @p2 .LBB2_8-.Ltmp4, $3  }
0xc2: {  	s3 =	simm.s32 @!p1 $0x0  }
0xc3: {  	s0 =	smul.u32 $0x8080, s3;
	_ =	sdelay $0x1  }
0xc4: {  	s26 =	sshrl.u32 s0, $0x2  }
0xc5: {  	s0 =	sand.u32 $0xFE00, s0;
	s25 =	sshll.u32 s3, $0x7  }
0xc6: {  	s0 =	sor.u32 s25, s0  }
0xc7: {  	s0 =	sshrl.u32 s0, $0x2  }
0xc8: {  	s0 =	sor.u32 $0x1F, s0  }
0xc9: {  	s31 =	sadd.s32 $0x80, s26;
	v20 =	vmov s0  }
0xca: {  	s30 =	sshll.u32 s3, $0xD;
	v21 =	vmov s31  }
0xcb: {  	s3 =	sor.u32 $0x40C0, s30  }
0xcc: {  	s25 =	simm.s32 $0x0;
	v22 =	vmov s3  }
.LBB2_7:
0xcd: {  	s26 =	sshra.s32 s25, $0x2  }
0xce: {  	v48 =	vld.idx.msk [tilespmem:v20+s26+$0xFFFFFFF1 ss:$0x1], $0xffff  }
0xcf: {  	v47 =	vld.idx.msk [tilespmem:v21+s26+$0xFFFFFFA0 ss:$0x1], $0xffff  }
0xd0: {  	v46 =	vld.idx.msk [tilespmem:v21+s26+$0xFFFFFFB0 ss:$0x1], $0xffff  }
0xd1: {  	v45 =	vld.idx.msk [tilespmem:v21+s26+$0xFFFFFFC0 ss:$0x1], $0xffff  }
0xd2: {  	v44 =	vld.idx.msk [tilespmem:v21+s26+$0xFFFFFFD0 ss:$0x1], $0xffff  }
0xd3: {  	v42 =	vld.idx.msk [tilespmem:v21+s26+$0xFFFFFFE0 ss:$0x1], $0xffff  }
0xd4: {  	v37 =	vld.idx.msk [tilespmem:v21+s26+$0xFFFFFFF0 ss:$0x1], $0xffff  }
0xd5: {  	v31 =	vld.idx.msk [tilespmem:v21+s26+$0x0 ss:$0x1], $0xffff  }
0xd6: {  	v43 =	vld.idx.msk [tilespmem:v22+s26+$0xFFFFFFC0 ss:$0x1], $0xffff  }
0xd7: {  	v41 =	vld.idx.msk [tilespmem:v22+s26+$0xFFFFFFD0 ss:$0x1], $0xffff  }
0xd8: {  	v40 =	vld.idx.msk [tilespmem:v22+s26+$0xFFFFFFE0 ss:$0x1], $0xffff  }
0xd9: {  	v38 =	vld.idx.msk [tilespmem:v22+s26+$0xFFFFFFF0 ss:$0x1], $0xffff  }
0xda: {  	v36 =	vld.idx.msk [tilespmem:v22+s26+$0x0 ss:$0x1], $0xffff  }
0xdb: {  	v39 =	vld.idx.msk [tilespmem:v21+s26+$0xFFFFFF8F ss:$0x1], $0xffff  }
0xdc: {  	v49 =	vld.idx.msk [tilespmem:v20+s26+$0x0 ss:$0x1], $0xffff  }
0xdd: {  	v50 =	vld.idx.msk [tilespmem:v21+s26+$0xFFFFFFAF ss:$0x1], $0xffff  }
0xde: {  	v34 =	vld.idx.msk [tilespmem:v22+s26+$0x20 ss:$0x1], $0xffff  }
0xdf: {  	v53 =	vld.idx.msk [tilespmem:v21+s26+$0xFFFFFFBF ss:$0x1], $0xffff  }
0xe0: {  	v54 =	vld.idx.msk [tilespmem:v21+s26+$0xFFFFFFCF ss:$0x1], $0xffff  }
0xe1: {  	v57 =	vld.idx.msk [tilespmem:v21+s26+$0xFFFFFFEF ss:$0x1], $0xffff;
	v30 =	vadd.s32 v3, v48;
	v29 =	vadd.s32 v3, v47;
	v28 =	vadd.s32 v3, v46  }
0xe2: {  	v58 =	vld.idx.msk [tilespmem:v21+s26+$0xFFFFFFFF ss:$0x1], $0xffff;
	v27 =	vadd.s32 v3, v45;
	v26 =	vadd.s32 v3, v44;
	v25 =	vadd.s32 v3, v42  }
0xe3: {  	v24 =	vadd.s32 v3, v37;
	v51 =	vperm.xlane v43, v12;
	v23 =	vadd.s32 v3, v31  }
0xe4: {  	v52 =	vperm.xlane v41, v12;
	vm0 =	veq.s32 v48, v39;
	v60 =	vperm.xlane v40, v12  }
0xe5: {  	v32 =	vld.idx.msk [tilespmem:v22+s26+$0x10 ss:$0x1], $0xffff;
	vm14 =	veq.s32 v47, v49;
	vm1 =	veq.s32 v46, v50;
	v63 =	vperm.xlane v38, v12  }
0xe6: {  	v56 =	vperm.xlane v36, v12;
	vm15 =	veq.s32 v45, v53;
	vm4 =	veq.s32 v44, v54  }
0xe7: {  	v53 =	vperm.xlane v34, v12;
	vm12 =	veq.s32 v37, v57;
	vm13 =	veq.s32 v31, v58  }
0xe8: {  	v39 =	vld.idx.msk [tilespmem:v22+s26+$0x30 ss:$0x1], $0xffff;
	v35 =	vperm.xlane v30, v16;
	v33 =	vperm.xlane v29, v16;
	v59 =	vmax.f32 v43, v51  }
0xe9: {  	v61 =	vmax.f32 v41, v52;
	v52 =	vld.idx.msk [tilespmem:v21+s26+$0xFFFFFFDF ss:$0x1], $0xffff;
	v62 =	vmax.f32 v40, v60;
	v51 =	vmax.f32 v38, v63  }
0xea: {  	v60 =	vperm.xlane v32, v12;
	v53 =	vmax.f32 v34, v53;
	v55 =	vsel vm0, v59, v43  }
0xeb: {  	v49 =	vsel vm14, v61, v41;
	v50 =	vsel vm1, v62, v40;
	v61 =	vmax.f32 v36, v56;
	v56 =	vld.idx.msk [tilespmem:v21+s26+$0xFFFFFF8E ss:$0x1], $0xffff  }
0xec: {  	v51 =	vsel vm15, v51, v38;
	v53 =	vsel vm12, v53, v34;
	vm3 =	vne.s32 v30, v35  }
0xed: {  	vm11 =	vne.s32 v29, v33;
	v62 =	vmax.f32 v32, v60;
	v60 =	vld.idx.msk [tilespmem:v20+s26+$0xFFFFFFFF ss:$0x1], $0xffff;
	v59 =	vperm.xlane v39, v12  }
0xee: {  	v54 =	vsel vm4, v61, v36;
	v57 =	vperm.xlane v55, v13;
	v61 =	vld.idx.msk [tilespmem:v21+s26+$0xFFFFFFAE ss:$0x1], $0xffff;
	vm5 =	veq.s32 v42, v52  }
0xef: {  	vm10 =	vmor vm3, vm8;
	v63 =	vmax.f32 v39, v59;
	v59 =	vld.idx.msk [tilespmem:v21+s26+$0xFFFFFFBE ss:$0x1], $0xffff;
	v52 =	vsel vm5, v62, v32  }
0xf0: {  	vm14 =	veq.s32 v48, v56;
	v62 =	vmax.f32 v55, v57;
	v57 =	vperm.xlane v49, v13  }
0xf1: {  	v58 =	vsel vm13, v63, v39;
	v56 =	vperm.xlane v50, v13;
	v55 =	vsel vm14, v62, v55;
	v62 =	vld.idx.msk [tilespmem:v21+s26+$0xFFFFFFCE ss:$0x1], $0xffff  }
0xf2: {  	v63 =	vld.idx.msk [tilespmem:v21+s26+$0xFFFFFFDE ss:$0x1], $0xffff;
	vm15 =	veq.s32 v47, v60;
	v60 =	vperm.xlane v51, v13;
	v57 =	vmax.f32 v49, v57  }
0xf3: {  	vm4 =	veq.s32 v46, v61;
	v56 =	vmax.f32 v50, v56;
	v49 =	vsel vm15, v57, v49;
	v57 =	vld.idx.msk [tilespmem:v21+s26+$0xFFFFFFEE ss:$0x1], $0xffff  }
0xf4: {  	vm5 =	veq.s32 v45, v59;
	v59 =	vmax.f32 v51, v60;
	v60 =	vperm.xlane v54, v13  }
0xf5: {  	v50 =	vsel vm4, v56, v50;
	v56 =	vperm.xlane v52, v13;
	v51 =	vsel vm5, v59, v51;
	v59 =	vld.idx.msk [tilespmem:v21+s26+$0xFFFFFFFE ss:$0x1], $0xffff  }
0xf6: {  	v61 =	vperm.xlane v53, v13;
	vm12 =	veq.s32 v44, v62;
	v60 =	vmax.f32 v54, v60;
	v62 =	vld.idx.msk [tilespmem:v21+s26+$0xFFFFFF8C ss:$0x1], $0xffff  }
0xf7: {  	vm13 =	veq.s32 v42, v63;
	v56 =	vmax.f32 v52, v56;
	v54 =	vsel vm12, v60, v54;
	v60 =	vld.idx.msk [tilespmem:v20+s26+$0xFFFFFFFD ss:$0x1], $0xffff  }
0xf8: {  	vm14 =	veq.s32 v37, v57;
	v57 =	vmax.f32 v53, v61;
	v61 =	vperm.xlane v58, v13  }
0xf9: {  	v52 =	vsel vm13, v56, v52;
	v56 =	vperm.xlane v55, v15;
	v53 =	vsel vm14, v57, v53;
	v57 =	vld.idx.msk [tilespmem:v21+s26+$0xFFFFFFAC ss:$0x1], $0xffff  }
0xfa: {  	v63 =	vld.idx.msk [tilespmem:v21+s26+$0xFFFFFFBC ss:$0x1], $0xffff;
	vm15 =	veq.s32 v31, v59;
	v59 =	vmax.f32 v58, v61;
	v61 =	vperm.xlane v49, v15  }
0xfb: {  	v56 =	vmax.f32 v55, v56;
	v58 =	vsel vm15, v59, v58;
	vm4 =	veq.s32 v48, v62;
	v59 =	vld.idx.msk [tilespmem:v21+s26+$0xFFFFFFCC ss:$0x1], $0xffff  }
0xfc: {  	v62 =	vld.idx.msk [tilespmem:v21+s26+$0xFFFFFFEC ss:$0x1], $0xffff;
	vm5 =	veq.s32 v47, v60;
	v60 =	vmax.f32 v49, v61;
	v61 =	vperm.xlane v50, v15  }
0xfd: {  	v55 =	vsel vm4, v56, v55;
	v56 =	vsel vm5, v60, v49;
	v49 =	vperm.xlane v51, v15;
	v60 =	vld.idx.msk [tilespmem:v21+s26+$0xFFFFFFDC ss:$0x1], $0xffff  }
0xfe: {  	vm12 =	veq.s32 v46, v57;
	v57 =	vmax.f32 v50, v61;
	v61 =	vperm.xlane v54, v15  }
0xff: {  	vm13 =	veq.s32 v45, v63;
	v57 =	vsel vm12, v57, v50;
	v49 =	vmax.f32 v51, v49  }
0x100: {  	vm14 =	veq.s32 v44, v59;
	v50 =	vmax.f32 v54, v61;
	v59 =	vperm.xlane v52, v15;
	v61 =	vld.idx.msk [tilespmem:v21+s26+$0xFFFFFFFC ss:$0x1], $0xffff  }
0x101: {  	v63 =	vsel vm13, v49, v51;
	v51 =	vld.idx.msk [tilespmem:v21+s26+$0xFFFFFF88 ss:$0x1], $0xffff;
	v49 =	vperm.xlane v28, v16;
	vm4 =	veq.s32 v37, v62  }
0x102: {  	v62 =	vld.idx.msk [tilespmem:v20+s26+$0xFFFFFFF9 ss:$0x1], $0xffff;
	v54 =	vsel vm14, v50, v54;
	v50 =	vperm.xlane v53, v15;
	vm15 =	veq.s32 v42, v60  }
0x103: {  	v59 =	vmax.f32 v52, v59;
	v60 =	vperm.xlane v58, v15;
	vm7 =	vne.s32 v28, v49  }
0x104: {  	v50 =	vmax.f32 v53, v50;
	v59 =	vsel vm15, v59, v52;
	v52 =	vperm.xlane v55, v17  }
0x105: {  	v9 =	vsel vm4, v50, v53;
	v50 =	vperm.xlane v27, v16;
	v53 =	vmax.f32 v58, v60;
	v60 =	vld.idx.msk [tilespmem:v21+s26+$0xFFFFFFA8 ss:$0x1], $0xffff  }
0x106: {  	vm5 =	veq.s32 v31, v61;
	vm12 =	veq.s32 v48, v51;
	v61 =	vperm.xlane v56, v17  }
0x107: {  	v52 =	vmax.f32 v55, v52;
	v51 =	vperm.xlane v26, v16;
	vm13 =	veq.s32 v47, v62  }
0x108: {  	v48 =	vperm.xlane v48, v18;
	v55 =	vsel vm12, v52, v55;
	v52 =	vmax.f32 v56, v61;
	v61 =	vld.idx.msk [tilespmem:v21+s26+$0xFFFFFFB8 ss:$0x1], $0xffff  }
0x109: {  	v62 =	vimm.s32 $0x0;
	v58 =	vsel vm5, v53, v58;
	v53 =	vperm.xlane v57, v17  }
0x10a: {  	v62 =	vsel vm3, $0xFFFFFFFF, v62;
	vm14 =	veq.s32 v46, v60;
	v60 =	vperm.xlane v55, v18  }
0x10b: {  	vm5 =	vne.s32 v27, v50;
	vm15 =	veq.s32 v47, v48;
	v56 =	vsel vm13, v52, v56  }
0x10c: {  	v48 =	vperm.xlane v23, v16;
	v47 =	vperm.xlane v47, v18;
	v60 =	vmax.f32 v56, v60  }
0x10d: {  	[tilespmem:$0x1FFE0] =	vst v62;
	v62 =	vimm.s32 $0x0;
	vm2 =	veq.s32 v45, v61;
	v61 =	vld.idx.msk [tilespmem:v21+s26+$0xFFFFFFC8 ss:$0x1], $0xffff;
	v56 =	vsel vm15, v60, v56  }
0x10e: {  	v53 =	vmax.f32 v57, v53;
	vm12 =	veq.s32 v46, v47;
	v47 =	vperm.xlane v56, v18  }
0x10f: {  	v62 =	vsel vm11, $0xFFFFFFFF, v62;
	v46 =	vperm.xlane v46, v18;
	v57 =	vsel vm14, v53, v57  }
0x110: {  	v52 =	vperm.xlane v25, v16;
	[tilespmem:$0x1FFF0] =	vst v62;
	v60 =	vperm.xlane v63, v17;
	v47 =	vmax.f32 v57, v47  }
0x111: {  	v62 =	vperm.xlane v54, v17;
	vm9 =	veq.s32 v45, v46;
	v46 =	vld.idx.msk [tilespmem:v21+s26+$0xFFFFFFE8 ss:$0x1], $0xffff;
	v47 =	vsel vm12, v47, v57  }
0x112: {  	v60 =	vmax.f32 v63, v60;
	v57 =	vld.idx.msk [tilespmem:v21+s26+$0xFFFFFFD8 ss:$0x1], $0xffff;
	vm13 =	veq.s32 v44, v61;
	v61 =	vperm.xlane v47, v18  }
0x113: {  	vm1 =	vne.s32 v26, v51;
	v53 =	vperm.xlane v24, v16;
	v60 =	vsel vm2, v60, v63  }
0x114: {  	vm4 =	vne.s32 v25, v52;
	v62 =	vmax.f32 v54, v62;
	v61 =	vmax.f32 v60, v61  }
0x115: {  	vm6 =	vne.s32 v24, v53;
	v45 =	vperm.xlane v45, v18;
	v60 =	vsel vm9, v61, v60  }
0x116: {  	vm15 =	veq.s32 v37, v46;
	v54 =	vsel vm13, v62, v54;
	v61 =	vperm.xlane v60, v18  }
0x117: {  	(xrf2) =	vadd.scan.msk.f32 $0xffff, v43;
	v62 =	vperm.xlane v59, v17;
	vm9 =	vmor vm11, vm8;
	vm14 =	veq.s32 v42, v57;
	v57 =	vld.idx.msk [tilespmem:v21+s26+$0xFFFFFFF8 ss:$0x1], $0xffff  }
0x118: {  	v43 =	vld.idx.msk [tilespmem:v26+s18+$0x0], $0xffff;
	vm11 =	veq.s32 v44, v45;
	v45 =	vperm.xlane v9, v17;
	v61 =	vmax.f32 v54, v61  }
0x119: {  	v62 =	vmax.f32 v59, v62;
	v44 =	vperm.xlane v44, v18;
	v46 =	vsel vm11, v61, v54;
	v54 =	vld.idx.msk [tilespmem:v30+s18+$0x0], $0xffff  }
0x11a: {  	v59 =	vsel vm14, v62, v59;
	v45 =	vmax.f32 v9, v45;
	v62 =	vld.idx.msk [tilespmem:v29+s18+$0x0], $0xffff;
	v61 =	vperm.xlane v46, v18  }
0x11b: {  	(xrf2) =	vadd.scan.msk.f32 $0xffff, v41;
	v41 =	vld.idx.msk [tilespmem:v24+s18+$0x0], $0xffff;
	vm12 =	vmor vm7, vm8;
	v9 =	vsel vm15, v45, v9;
	v45 =	vperm.xlane v58, v17  }
0x11c: {  	vm11 =	veq.s32 v42, v44;
	vm0 =	veq.s32 v31, v57;
	v57 =	vld.idx.msk [tilespmem:v28+s18+$0x0], $0xffff;
	v44 =	vmax.f32 v59, v61  }
0x11d: {  	v42 =	vperm.xlane v42, v18;
	v45 =	vmax.f32 v58, v45;
	v61 =	vld.idx.msk [tilespmem:v27+s18+$0x0], $0xffff;
	v44 =	vsel vm11, v44, v59  }
0x11e: {  	v45 =	vsel vm0, v45, v58;
	v58 =	vld.idx.msk [tilespmem:v23+s18+$0x0], $0xffff;
	v63 =	vperm.xlane v44, v18;
	v54 =	vmax.f32 v54, v55  }
0x11f: {  	vm3 =	vmmov vm1;
	vm13 =	vmor vm5, vm8;
	v56 =	vmax.f32 v62, v56;
	v59 =	vld.idx.msk [tilespmem:v25+s18+$0x0], $0xffff;
	[tilespmem:v30+s18+$0x0] =	vst.idx.msk vm10, v54  }
0x120: {  	vm15 =	vmor vm1, vm8;
	vm0 =	veq.s32 v37, v42;
	v63 =	vmax.f32 v9, v63;
	[tilespmem:v29+s18+$0x0] =	vst.idx.msk vm9, v56;
	v56 =	vld [tilespmem:$0x1FFE0]  }
0x121: {  	vm14 =	vmor vm4, vm8;
	v37 =	vperm.xlane v37, v18;
	v9 =	vsel vm0, v63, v9  }
0x122: {  	vm2 =	vne.s32 v23, v48;
	vm11 =	vmor vm6, vm8;
	v42 =	vperm.xlane v9, v18  }
0x123: {  	vm1 =	veq.s32 v31, v37;
	v47 =	vmax.f32 v57, v47;
	vm0 =	vmor vm2, vm8  }
0x124: {  	v62 =	vmax.f32 v61, v60;
	[tilespmem:v28+s18+$0x0] =	vst.idx.msk vm12, v47;
	v63 =	vmax.f32 v45, v42  }
0x125: {  	v46 =	vmax.f32 v43, v46;
	[tilespmem:v27+s18+$0x0] =	vst.idx.msk vm13, v62;
	v31 =	vsel vm1, v63, v45;
	vm1 =	vnez.u8 v56  }
0x126: {  	(xrf2) =	vadd.scan.msk.f32 $0xffff, v40;
	v47 =	vmax.f32 v59, v44;
	[tilespmem:v26+s18+$0x0] =	vst.idx.msk vm15, v46;
	v31 =	vmax.f32 v58, v31;
	v58 =	vld [tilespmem:$0x1FFF0]  }
0x127: {  	v9 =	vmax.f32 v41, v9;
	[tilespmem:v25+s18+$0x0] =	vst.idx.msk vm14, v47  }
0x128: {  	(xrf2) =	vadd.scan.msk.f32 $0xffff, v38;
	v54, _, _ =	vpop (xrf2);
	[tilespmem:v24+s18+$0x0] =	vst.idx.msk vm11, v9  }
0x129: {  	v9 =	vsub.f32 $0.0e+00, v54;
	[tilespmem:v23+s18+$0x0] =	vst.idx.msk vm0, v31  }
0x12a: {  	(xrf2) =	vadd.scan.msk.f32 $0xffff, v36;
	[tilespmem:v30+s19+$0x0] =	vst.idx.add.f32.msk vm10, v54  }
0x12b: {  	[tilespmem:v35+s19+$0x0] =	vst.idx.add.f32.msk vm1, v9;
	vm1 =	vnez.u8 v58  }
0x12c: {  	(xrf2) =	vadd.scan.msk.f32 $0xffff, v32;
	_ =	sdelay $0x1  }
0x12d: {  	v55, _, _ =	vpop (xrf2);
	(xrf2) =	vadd.scan.msk.f32 $0xffff, v34  }
0x12e: {  	v9 =	vsub.f32 $0.0e+00, v55  }
0x12f: {  	v57, _, _ =	vpop (xrf2);
	(xrf2) =	vadd.scan.msk.f32 $0xffff, v39;
	[tilespmem:v29+s19+$0x0] =	vst.idx.add.f32.msk vm9, v55  }
0x130: {  	[tilespmem:v33+s19+$0x0] =	vst.idx.add.f32.msk vm1, v9;
	v9 =	vsub.f32 $0.0e+00, v57  }
0x131: {  	v59, _, _ =	vpop (xrf2);
	[tilespmem:v28+s19+$0x0] =	vst.idx.add.f32.msk vm12, v57  }
0x132: {  	[tilespmem:v49+s19+$0x0] =	vst.idx.add.f32.msk vm7, v9;
	v9 =	vsub.f32 $0.0e+00, v59  }
0x133: {  	v60, _, _ =	vpop (xrf2);
	[tilespmem:v27+s19+$0x0] =	vst.idx.add.f32.msk vm13, v59  }
0x134: {  	[tilespmem:v50+s19+$0x0] =	vst.idx.add.f32.msk vm5, v9;
	v9 =	vsub.f32 $0.0e+00, v60  }
0x135: {  	v61, _, _ =	vpop (xrf2);
	[tilespmem:v26+s19+$0x0] =	vst.idx.add.f32.msk vm15, v60  }
0x136: {  	[tilespmem:v51+s19+$0x0] =	vst.idx.add.f32.msk vm3, v9;
	v9 =	vsub.f32 $0.0e+00, v61  }
0x137: {  	p2 =	seq.s32 s25, $0x7E00;
	v62, _, _ =	vpop (xrf2);
	[tilespmem:v25+s19+$0x0] =	vst.idx.add.f32.msk vm14, v61  }
.Ltmp5:
0x138: {  	[tilespmem:v52+s19+$0x0] =	vst.idx.add.f32.msk vm4, v9;
	v9 =	vsub.f32 $0.0e+00, v62;
	(pc) =	sbr.rel @!p2 .LBB2_7-.Ltmp5, $4  }
0x139: {  	v63, _, _ =	vpop (xrf2);
	[tilespmem:v24+s19+$0x0] =	vst.idx.add.f32.msk vm11, v62  }
0x13a: {  	[tilespmem:v53+s19+$0x0] =	vst.idx.add.f32.msk vm6, v9;
	v9 =	vsub.f32 $0.0e+00, v63  }
0x13b: {  	[tilespmem:v23+s19+$0x0] =	vst.idx.add.f32.msk vm0, v63  }
0x13c: {  	s25 =	sadd.s32 $0x200, s25;
	[tilespmem:v48+s19+$0x0] =	vst.idx.add.f32.msk vm2, v9  }
.Ltmp6:
0x13d: {  	_ = 	snop;
	(pc) =	sbr.rel .LBB2_11-.Ltmp6, $1  }
0x13e: {  	_ =	sdelay $0x3  }
.LBB2_8:
0x13f: {  	s0 =	sshll.u32 s25, $0xD;
	s3 =	simm.s32 $0x0  }
0x140: {  	s25 =	sadd.s32 $0x4080, s0;
	s16 =	sand.u32 $0x1F80, s3  }
0x141: {  	s30 =	sor.u32 $0x10, s26;
	s3 =	sand.u32 $0x70, s3;
	s0 =	sadd.s32 s16, s25  }
0x142: {  	p2 =	slt.s32 s28, $0x618800;
	s26 =	smov.u32 s28;
	v9 =	vld [tilespmem:s30+$0x0];
	s0 =	sadd.s32 s3, s0  }
0x143: {  	s26 =	simm.s32 @!p2 $0x618800;
	p2 =	sgt.s32 s20, s28;
	v21 =	vld [tilespmem:s0+$0x0]  }
0x144: {  	s28 =	smov.u32 @p2 s20;
	s17 =	sadd.s32 $0x0, s26  }
0x145: {  	v20 =	vmov s28;
	v22 =	vadd.s32 s17, v0  }
0x146: {  	vm0 =	vge.s32 v22, v20;
	vm1 =	vlt.s32 v22, v19  }
0x147: {  	vm0 =	vmand vm0, vm1;
	v9 =	vsub.s32 v9, v1  }
0x148: {  	v9 =	vnsel vm0, $0xC80, v9;
	v22 =	vnsel vm0, $0xFF800000, v21  }
0x149: {  	v23 =	vperm.xlane v9, v12;
	v24 =	vperm.xlane v22, v12;
	_ =	sdelay $0x1  }
0x14a: {  	vm1 =	veq.s32 v9, v23;
	v23 =	vmax.f32 v22, v24  }
0x14b: {  	v22 =	vsel vm1, v23, v22  }
0x14c: {  	v23 =	vperm.xlane v9, v13;
	v61 =	vperm.xlane v22, v13;
	_ =	sdelay $0x1  }
0x14d: {  	v21 =	vnsel vm0, $0x0, v21;
	vm0 =	veq.s32 v9, v23;
	v23 =	vmax.f32 v22, v61  }
0x14e: {  	v62 =	vperm.xlane v9, v15;
	(xrf2) =	vadd.scan.msk.f32 $0xffff, v21;
	v22 =	vsel vm0, v23, v22  }
0x14f: {  	v21 =	vperm.xlane v9, v11;
	v23 =	vperm.xlane v22, v15;
	_ =	sdelay $0x1  }
0x150: {  	vm1 =	veq.s32 v9, v62;
	vm0 =	vne.s32 v9, v21;
	v23 =	vmax.f32 v22, v23  }
0x151: {  	v63 =	vld.idx.msk [tilespmem:v9+s18+$0x0], $0xffff;
	vm2 =	vmor vm0, vm8;
	v22 =	vsel vm1, v23, v22  }
0x152: {  	v23 =	vperm.xlane v9, v17;
	v25 =	vperm.xlane v22, v17;
	_ =	sdelay $0x1  }
0x153: {  	vm1 =	veq.s32 v9, v23;
	v23 =	vmax.f32 v22, v25  }
0x154: {  	v22 =	vsel vm1, v23, v22  }
0x155: {  	v22 =	vmax.f32 v63, v22  }
0x156: {  	s31 =	simm.s32 $0x20;
	s28 =	simm.s32 $0x10;
	v23, _, _ =	vpop (xrf2);
	[tilespmem:v9+s18+$0x0] =	vst.idx.msk vm2, v22  }
0x157: {  	s30 =	sadd.s32 $0x10, s30;
	s29 =	sand.u32 $0x70, s28;
	s0 =	sand.u32 $0x1F80, s28;
	v22 =	vsub.f32 $0.0e+00, v23;
	[tilespmem:v9+s19+$0x0] =	vst.idx.add.f32.msk vm2, v23  }
.LBB2_9:
0x158: {  	s16 =	sand.u32 $0x70, s31  }
0x159: {  	s0 =	sadd.s32 s0, s25;
	[tilespmem:v21+s19+$0x0] =	vst.idx.add.f32.msk vm0, v22;
	s17 =	smov.u32 s31;
	s3 =	sadd.s32 $0x10, s31  }
0x15a: {  	p2 =	sne.s32 s31, $0x1FF0;
	v9 =	vld [tilespmem:s30+$0x0];
	s0 =	sadd.s32 s29, s0;
	s29 =	smov.u32 s16  }
0x15b: {  	v21 =	vld [tilespmem:s0+$0x0]  }
0x15c: {  	s0 =	sadd.s32 s26, s28;
	s28 =	smov.u32 s17  }
0x15d: {  	v22 =	vadd.s32 s0, v0  }
0x15e: {  	vm0 =	vge.s32 v22, v20;
	vm1 =	vlt.s32 v22, v19  }
0x15f: {  	vm0 =	vmand vm0, vm1;
	v9 =	vsub.s32 v9, v1  }
0x160: {  	v9 =	vnsel vm0, $0xC80, v9;
	v22 =	vnsel vm0, $0x0, v21;
	v21 =	vnsel vm0, $0xFF800000, v21  }
0x161: {  	v23 =	vperm.xlane v9, v12;
	v24 =	vperm.xlane v21, v12  }
0x162: {  	v25 =	vperm.xlane v9, v13;
	v26 =	vperm.xlane v9, v15  }
0x163: {  	vm0 =	veq.s32 v9, v23;
	v23 =	vmax.f32 v21, v24;
	v24 =	vperm.xlane v9, v17  }
0x164: {  	vm1 =	veq.s32 v9, v26;
	v21 =	vsel vm0, v23, v21;
	vm0 =	veq.s32 v9, v25  }
0x165: {  	v23 =	vperm.xlane v21, v13;
	vm2 =	veq.s32 v9, v24;
	_ =	sdelay $0x1  }
0x166: {  	v23 =	vmax.f32 v21, v23;
	(xrf2) =	vadd.scan.msk.f32 $0xffff, v22  }
0x167: {  	v22 =	vsel vm0, v23, v21  }
0x168: {  	v21 =	vperm.xlane v9, v11;
	v23 =	vperm.xlane v22, v15;
	_ =	sdelay $0x1  }
0x169: {  	vm0 =	vne.s32 v9, v21;
	v23 =	vmax.f32 v22, v23;
	v24 =	vld.idx.msk [tilespmem:v9+s18+$0x0], $0xffff  }
0x16a: {  	vm3 =	vmor vm0, vm8;
	v22 =	vsel vm1, v23, v22  }
0x16b: {  	v23 =	vperm.xlane v22, v17;
	_ =	sdelay $0x1  }
.Ltmp7:
0x16c: {  	v25 =	vmax.f32 v22, v23;
	(pc) =	sbr.rel @p2 .LBB2_9-.Ltmp7, $4  }
0x16d: {  	v22 =	vsel vm2, v25, v22  }
0x16e: {  	v22 =	vmax.f32 v24, v22;
	v23, _, _ =	vpop (xrf2)  }
0x16f: {  	[tilespmem:v9+s18+$0x0] =	vst.idx.msk vm3, v22;
	v22 =	vsub.f32 $0.0e+00, v23  }
0x170: {  	s30 =	sadd.s32 $0x10, s30;
	s31 =	smov.u32 s3;
	s0 =	sand.u32 $0x1F80, s28;
	[tilespmem:v9+s19+$0x0] =	vst.idx.add.f32.msk vm3, v23  }
0x171: {  	_ =	sdelay $0x4  }
0x172: {  	s0 =	sadd.s32 s0, s25;
	[tilespmem:v21+s19+$0x0] =	vst.idx.add.f32.msk vm0, v22  }
0x173: {  	v9 =	vld [tilespmem:s30+$0x0];
	s0 =	sadd.s32 s29, s0  }
0x174: {  	v21 =	vld [tilespmem:s0+$0x0]  }
0x175: {  	s31 =	sadd.s32 s26, s28  }
0x176: {  	v50 =	vadd.s32 s31, v0  }
0x177: {  	vm4 =	vge.s32 v50, v20;
	vm1 =	vlt.s32 v50, v19  }
0x178: {  	vm0 =	vmand vm4, vm1;
	v9 =	vsub.s32 v9, v1  }
0x179: {  	v9 =	vnsel vm0, $0xC80, v9;
	v20 =	vnsel vm0, $0xFF800000, v21  }
0x17a: {  	v51 =	vperm.xlane v9, v12;
	v23 =	vperm.xlane v20, v12;
	_ =	sdelay $0x1  }
0x17b: {  	vm5 =	veq.s32 v9, v51;
	v52 =	vmax.f32 v20, v23  }
0x17c: {  	v20 =	vsel vm5, v52, v20  }
0x17d: {  	v53 =	vperm.xlane v9, v13;
	v54 =	vperm.xlane v20, v13  }
0x17e: {  	v21 =	vnsel vm0, $0x0, v21  }
0x17f: {  	(xrf2) =	vadd.scan.msk.f32 $0xffff, v21;
	vm12 =	veq.s32 v9, v53;
	v55 =	vmax.f32 v20, v54  }
0x180: {  	v56 =	vperm.xlane v9, v15;
	v20 =	vsel vm12, v55, v20  }
0x181: {  	v57 =	vperm.xlane v9, v11;
	v58 =	vperm.xlane v20, v15;
	_ =	sdelay $0x1  }
0x182: {  	vm13 =	veq.s32 v9, v56;
	vm14 =	vne.s32 v9, v57;
	v59 =	vmax.f32 v20, v58  }
0x183: {  	vm2 =	vmor vm14, vm8;
	v60 =	vld.idx.msk [tilespmem:v9+s18+$0x0], $0xffff;
	v20 =	vsel vm13, v59, v20  }
0x184: {  	v61 =	vperm.xlane v9, v17;
	v24 =	vperm.xlane v20, v17;
	_ =	sdelay $0x1  }
0x185: {  	vm15 =	veq.s32 v9, v61;
	v62 =	vmax.f32 v20, v24  }
.Ltmp8:
0x186: {  	v20 =	vsel vm15, v62, v20;
	(pc) =	sbr.rel .LBB2_11-.Ltmp8, $4  }
0x187: {  	v63, _, _ =	vpop (xrf2);
	v20 =	vmax.f32 v60, v20  }
0x188: {  	[tilespmem:v9+s18+$0x0] =	vst.idx.msk vm2, v20;
	v20 =	vsub.f32 $0.0e+00, v63  }
0x189: {  	[tilespmem:v9+s19+$0x0] =	vst.idx.add.f32.msk vm2, v63  }
0x18a: {  	[tilespmem:v57+s19+$0x0] =	vst.idx.add.f32.msk vm14, v20  }
.LBB2_12:
0x18b: {  	s0 =	simm.s32 @p0 $0x0;
	s3 =	simm.s32 @p0 $0x9A80  }
0x18c: {  	[tilespmem:s3], [sflag:$0x6] =	stream.linear.gather @p0 [hbm4b:s6+s0], $0x320, $0x38;
	[tilespmem:$0xA800] =	vst v63  }
0x18d: {  	s0 =	simm.s32 @p0 $0x6  }
0x18e: {  	_ =	swait.ge @p0 [sflag:s0], $0x320  }
0x18f: {  	[sflag:s0] =	ssyncset.done @p0 $0x0  }
0x190: {  	s3 =	simm.s32 @!p0 $0x9A80;
	[sflag:s0] =	ssyncadd.s32 @p0 $0xFFFFFCE0;
	s0 =	simm.s32 @!p0 $0x0  }
0x191: {  	[tilespmem:s3], [sflag:$0x6] =	stream.linear.gather @!p0 [hbm4b:s5+s0], $0xC80, $0x38;
	[tilespmem:$0xA800] =	vst v63  }
0x192: {  	s0 =	simm.s32 @!p0 $0x6  }
0x193: {  	_ =	swait.ge @!p0 [sflag:s0], $0xC80  }
0x194: {  	[sflag:s0] =	ssyncset.done @!p0 $0x0  }
0x195: {  	s20 =	simm.s32 $0x0;
	[sflag:s0] =	ssyncadd.s32 @!p0 $0xFFFFF380  }
0x196: {  	v19 =	vld [tilespmem:s20+$0x9A80]  }
0x197: {  	s21 =	simm.s32 $0x40;
	v20 =	vld [tilespmem:s20+$0x8080]  }
.LBB2_13:
0x198: {  	p1 =	sne.s32 s21, $0x31C0;
	v9 =	vld [tilespmem:s20+$0x8D80];
	_ =	sdelay $0x2  }
.Ltmp9:
0x199: {  	(pc) =	sbr.rel @p1 .LBB2_13-.Ltmp9, $4  }
0x19a: {  	_ = 	snop  }
0x19b: {  	s0 =	sshra.s32 s21, $0x2;
	v20 =	vmax.f32 v20, v19;
	v9 =	vadd.f32 v9, v19  }
0x19c: {  	v19 =	vld [tilespmem:s0+$0x9A80];
	[tilespmem:s20+$0x8080] =	vst v20  }
0x19d: {  	s21 =	sadd.s32 $0x40, s21;
	v20 =	vld [tilespmem:s0+$0x8080];
	[tilespmem:s20+$0x8D80] =	vst v9;
	s20 =	smov.u32 s0  }
0x19e: {  	v9 =	vld [tilespmem:s20+$0x8D80];
	_ =	sdelay $0x4  }
0x19f: {  	v20 =	vmax.f32 v20, v19;
	v9 =	vadd.f32 v9, v19  }
0x1a0: {  	[tilespmem:s20+$0x8080] =	vst v20  }
0x1a1: {  	s0 =	simm.s32 @p0 $0x0;
	s3 =	simm.s32 @p0 $0x8080;
	[tilespmem:s20+$0x8D80] =	vst v9  }
0x1a2: {  	[hbm4b:s9+s0] =	stream.linear.scatter @p0 [tilespmem:s3], [sflag:$0x6], $0x320, $0x38;
	[tilespmem:$0xA800] =	vst v63  }
0x1a3: {  	s3 =	simm.s32 @p0 $0x6  }
0x1a4: {  	_ =	swait.ge @p0 [sflag:s3], $0x320  }
0x1a5: {  	[sflag:s3] =	ssyncset.done @p0 $0x0  }
0x1a6: {  	s16 =	simm.s32 @p0 $0x8D80;
	[sflag:s3] =	ssyncadd.s32 @p0 $0xFFFFFCE0  }
0x1a7: {  	[hbm4b:s10+s0] =	stream.linear.scatter @p0 [tilespmem:s16], [sflag:$0x6], $0x320, $0x38;
	[tilespmem:$0xA800] =	vst v63  }
0x1a8: {  	_ =	swait.ge @p0 [sflag:s3], $0x320  }
0x1a9: {  	[sflag:s3] =	ssyncset.done @p0 $0x0  }
0x1aa: {  	s0 =	simm.s32 @!p0 $0x0;
	[sflag:s3] =	ssyncadd.s32 @p0 $0xFFFFFCE0;
	s3 =	simm.s32 @!p0 $0x8080  }
0x1ab: {  	[hbm4b:s7+s0] =	stream.linear.scatter @!p0 [tilespmem:s3], [sflag:$0x6], $0xC80, $0x38;
	[tilespmem:$0xA800] =	vst v63  }
0x1ac: {  	s3 =	simm.s32 @!p0 $0x6  }
0x1ad: {  	s4 =	sadd.s32 $0x1, s4;
	_ =	swait.ge @!p0 [sflag:s3], $0xC80  }
0x1ae: {  	p1 =	sne.s32 s4, s11;
	[sflag:s3] =	ssyncset.done @!p0 $0x0  }
.Ltmp10:
0x1af: {  	s16 =	simm.s32 @!p0 $0x8D80;
	[sflag:s3] =	ssyncadd.s32 @!p0 $0xFFFFF380;
	(pc) =	sbr.rel @p1 .LBB2_1-.Ltmp10, $4  }
0x1b0: {  	[hbm4b:s8+s0] =	stream.linear.scatter @!p0 [tilespmem:s16], [sflag:$0x6], $0xC80, $0x38;
	[tilespmem:$0xA800] =	vst v63  }
0x1b1: {  	_ =	swait.ge @!p0 [sflag:s3], $0xC80  }
0x1b2: {  	[sflag:s3] =	ssyncset.done @!p0 $0x0  }
0x1b3: {  	[sflag:s3] =	ssyncadd.s32 @!p0 $0xFFFFF380  }
0x1b4: {  	_ =	sfence.sel $0x180000  }
0x1b5: {  	[bflag:$0x0] =	sbarrier.arrive $0xFFFF  }
0x1b6: {  	_ =	strace $0x90000047  }
0x1b7: {  	s0 =	stileid.u32;
	[bflag:$0x2] =	sbarrier.arrive $0xFFFF  }
0x1b8: {  	p0 =	sne.s32 s0, $0x0;
	s0 =	rddreg [dreg:$0x5]  }
0x1b9: {  	s0 =	sadd.s32 @!p0 $0x100000, s0  }
0x1ba: {  	[sflag:s0] =	ssyncadd.tile.s32 @!p0 $0x1;
	_ =	shalt  }
.Lfunc_end2:
_tile_overlayer_lowered:
.L_overlay_start_2:
0x1bb: {  	(tag) =	ssettag $0x2  }
0x1bc: {  	s0 =	rddreg [dreg:$0x0];
	s2 =	stileid.u32  }
0x1bd: {  	s1 =	rddreg [dreg:$0x1];
	p0 =	sne.s32 s2, $0x0  }
0x1be: {  	s3 =	rddreg [dreg:$0x2];
	[bflag:$0x3] =	sbarrier.arrive $0xFFFF;
	s2 =	simm.s32 @!p0 $0x1C06  }
0x1bf: {  	[timem:s3], [sflag:s2] =	dma.local @!p0 [hbm:s0], s1  }
0x1c0: {  	s0 =	simm.s32 @!p0 $0x6  }
0x1c1: {  	_ =	swait.ge @!p0 [sflag:s0], s1  }
0x1c2: {  	s1 =	ssub.s32 @!p0 $0x0, s1;
	[sflag:s0] =	ssyncset.done @!p0 $0x0  }
0x1c3: {  	[sflag:s0] =	ssyncadd.s32 @!p0 s1  }
0x1c4: {  	[bflag:$0x3] =	sbarrier.arrive $0xFFFF  }
0x1c5: {  	_ =	shalt  }

</sc_bundles>
